<compile_context>
chip_gen: v7x
topology: tpu7x:2x2x1
jax: 0.10.2.dev20260603
libtpu: 0.0.44.dev20260713+nightly
codegen_flags: <defaults>
</compile_context>

<pallas_src>
import jax
import jax.numpy as jnp
from jax import lax
from jax.experimental import pallas as pl
from jax.experimental.pallas import tpu as pltpu
from jax.experimental.pallas import tpu_sc as plsc

N = 10000
E = 320000
D = 128
H = 4
F = 32
HF = H * F
HC = HF // 2

NC = 2
NS = 16
EPT = E // NS
C = 160
NCHUNK = EPT // C
GPC = C // 16
RPT = 624
RPT_LAST = N - RPT * (NS - 1)

_HIGH = lax.Precision.HIGHEST


def _proj_body(feat_ref, wt_ref, ft_ref):
    x = feat_ref[...]
    ft_ref[...] = lax.dot(x, wt_ref[...], precision=_HIGH)


def _project(feat, wt, amat):
    bN = 2000
    grid = (N // bN,)
    ft = pl.pallas_call(
        _proj_body,
        grid=grid,
        in_specs=[
            pl.BlockSpec((bN, D), lambda i: (i, 0)),
            pl.BlockSpec((D, HF), lambda i: (0, 0)),
        ],
        out_specs=pl.BlockSpec((bN, HF), lambda i: (i, 0)),
        out_shape=jax.ShapeDtypeStruct((N, HF), jnp.float32),
    )(feat, wt)
    s = ft @ amat
    ft3 = jnp.stack([ft[:, :HC], ft[:, HC:]])
    el3 = jnp.stack([s[:, 0:2], s[:, 2:4]])
    er3 = jnp.stack([s[:, 4:6], s[:, 6:8]])
    return ft3, el3, er3


def _edge_body(ft_hbm, el_hbm, er_hbm, src_hbm, dst_hbm,
               acc_out, den_out,
               elT, erT, srcT, dstT, rows, exb, acc_sh, den_sh,
               gsem0, gsem1, ssem):
    cid = lax.axis_index("c")
    sid = lax.axis_index("s")
    tb = sid * EPT

    pltpu.sync_copy(el_hbm.at[pl.ds(cid * 2 * N, 2 * N)], elT)
    pltpu.sync_copy(er_hbm.at[pl.ds(cid * 2 * N, 2 * N)], erT)

    coff = cid * N
    iota16 = lax.iota(jnp.int32, 16)
    zero16 = jnp.zeros((16,), jnp.float32)

    def _zrow(r, _):
        for k in range(HC // 16):
            rows[0, r, pl.ds(k * 16, 16)] = zero16
        return 0

    lax.fori_loop(0, C, _zrow, 0)

    def _zex(r, _):
        exb[r, pl.ds(0, 16)] = zero16
        return 0

    lax.fori_loop(0, C, _zex, 0)

    rb = sid * RPT

    @pl.when(sid < NS - 1)
    def _zero_main():
        def _z(i, _):
            pltpu.sync_copy(rows.at[0, pl.ds(0, 48)],
                            acc_sh.at[pl.ds(rb + i * 48, 48)])
            pltpu.sync_copy(exb.at[pl.ds(0, 48)],
                            den_sh.at[pl.ds(rb + i * 48, 48)])
            return 0

        lax.fori_loop(0, RPT // 48, _z, 0)

    @pl.when(sid == NS - 1)
    def _zero_last():
        def _z(i, _):
            pltpu.sync_copy(rows.at[0, pl.ds(0, 80)],
                            acc_sh.at[pl.ds(rb + i * 80, 80)])
            pltpu.sync_copy(exb.at[pl.ds(0, 80)],
                            den_sh.at[pl.ds(rb + i * 80, 80)])
            return 0

        lax.fori_loop(0, RPT_LAST // 80, _z, 0)

    plsc.subcore_barrier()

    eoff = cid * 2 * N

    def _stage_idx(b, g):
        pltpu.sync_copy(src_hbm.at[pl.ds(tb + g * C, C)], srcT.at[b])
        pltpu.sync_copy(dst_hbm.at[pl.ds(tb + g * C, C)], dstT.at[b])
        for kk in range(GPC):
            v = srcT[b, pl.ds(kk * 16, 16)]
            srcT[b, pl.ds(kk * 16, 16)] = v + coff

    def _compute_and_scatter(b):
        def _group(j, _):
            o = j * 16
            src16 = srcT[b, pl.ds(o, 16)]
            dst16 = dstT[b, pl.ds(o, 16)]
            el2 = src16 * 2 - eoff
            er2 = dst16 * 2
            exh = []
            for hh in range(2):
                elv = plsc.load_gather(elT, [el2 + hh])
                erv = plsc.load_gather(erT, [er2 + hh])
                s = elv + erv
                s = jnp.where(s >= 0.0, s, 0.2 * s)
                ex = jnp.exp(s)
                exh.append(ex)
                plsc.store_scatter(exb, [o + iota16,
                                         jnp.full((16,), hh, jnp.int32)], ex)
            for e in range(16):
                r = o + e
                m0 = jnp.broadcast_to(exh[0][e], (16,))
                m1 = jnp.broadcast_to(exh[1][e], (16,))
                for k in range(4):
                    m = m0 if k < 2 else m1
                    v = rows[b, r, pl.ds(k * 16, 16)]
                    rows[b, r, pl.ds(k * 16, 16)] = v * m
            return 0

        lax.fori_loop(0, GPC, _group, 0)

        pltpu.async_copy(rows.at[b], acc_sh.at[dstT.at[b]], ssem, add=True)
        pltpu.sync_copy(exb, den_sh.at[dstT.at[b]], add=True)
        pltpu.make_async_copy(rows.at[b], acc_sh.at[dstT.at[b]], ssem).wait()

    _stage_idx(0, 0)
    pltpu.async_copy(ft_hbm.at[srcT.at[0]], rows.at[0], gsem0)

    def _pair(gg, _):
        for b in range(2):
            g = gg * 2 + b
            nb = 1 - b
            gsem_b = gsem0 if b == 0 else gsem1
            gsem_nb = gsem1 if b == 0 else gsem0
            pltpu.make_async_copy(ft_hbm.at[srcT.at[b]], rows.at[b],
                                  gsem_b).wait()

            @pl.when(g + 1 < NCHUNK)
            def _prefetch():
                _stage_idx(nb, g + 1)
                pltpu.async_copy(ft_hbm.at[srcT.at[nb]], rows.at[nb],
                                 gsem_nb)

            _compute_and_scatter(b)
        return 0

    lax.fori_loop(0, NCHUNK // 2, _pair, 0)
    pltpu.make_async_copy(ft_hbm.at[srcT.at[0]], rows.at[0], gsem0).wait()
    _compute_and_scatter(0)
    plsc.subcore_barrier()

    @pl.when(sid < NS - 1)
    def _out_main():
        def _o(i, _):
            off = rb + i * 48
            pltpu.sync_copy(acc_sh.at[pl.ds(off, 48)],
                            rows.at[0, pl.ds(0, 48)])
            pltpu.sync_copy(rows.at[0, pl.ds(0, 48)],
                            acc_out.at[cid, pl.ds(off, 48)])
            pltpu.sync_copy(den_sh.at[pl.ds(off, 48)], exb.at[pl.ds(0, 48)])
            pltpu.sync_copy(exb.at[pl.ds(0, 48)],
                            den_out.at[cid, pl.ds(off, 48)])
            return 0

        lax.fori_loop(0, RPT // 48, _o, 0)

    @pl.when(sid == NS - 1)
    def _out_last():
        def _o(i, _):
            off = rb + i * 80
            pltpu.sync_copy(acc_sh.at[pl.ds(off, 80)],
                            rows.at[0, pl.ds(0, 80)])
            pltpu.sync_copy(rows.at[0, pl.ds(0, 80)],
                            acc_out.at[cid, pl.ds(off, 80)])
            pltpu.sync_copy(den_sh.at[pl.ds(off, 80)], exb.at[pl.ds(0, 80)])
            pltpu.sync_copy(exb.at[pl.ds(0, 80)],
                            den_out.at[cid, pl.ds(off, 80)])
            return 0

        lax.fori_loop(0, RPT_LAST // 80, _o, 0)


def _edge_pass(ftS, elF, erF, src, dst):
    mesh = plsc.VectorSubcoreMesh(core_axis_name="c", subcore_axis_name="s", num_cores=NC, num_subcores=NS)
    fn = pl.kernel(
        _edge_body,
        out_type=[
            jax.ShapeDtypeStruct((NC, N, HC), jnp.float32),
            jax.ShapeDtypeStruct((NC, N, 16), jnp.float32),
        ],
        mesh=mesh,
        compiler_params=pltpu.CompilerParams(needs_layout_passes=False,
                                             use_tc_tiling_on_sc=False),
        scratch_types=[
            pltpu.VMEM((2 * N,), jnp.float32),
            pltpu.VMEM((2 * N,), jnp.float32),
            pltpu.VMEM((2, C), jnp.int32),
            pltpu.VMEM((2, C), jnp.int32),
            pltpu.VMEM((2, C, HC), jnp.float32),
            pltpu.VMEM((C, 16), jnp.float32),
            pltpu.VMEM_SHARED((N, HC), jnp.float32),
            pltpu.VMEM_SHARED((N, 16), jnp.float32),
            pltpu.SemaphoreType.DMA,
            pltpu.SemaphoreType.DMA,
            pltpu.SemaphoreType.DMA,
        ],
    )
    return fn(ftS, elF, erF, src, dst)


def _combine_body(acc_ref, den_ref, pm_ref, b_ref, out_ref):
    a = jnp.concatenate([acc_ref[0], acc_ref[1]], axis=1)
    d = jnp.concatenate([den_ref[0, :, :2], den_ref[1, :, :2]], axis=1)
    r = 1.0 / (d + 1e-9)
    rw = lax.dot(r, pm_ref[...], precision=_HIGH)
    out_ref[...] = a * rw + b_ref[...]


def _combine(acc2, den2, pmask, bias2):
    bN = 2000
    grid = (N // bN,)
    return pl.pallas_call(
        _combine_body,
        grid=grid,
        in_specs=[
            pl.BlockSpec((NC, bN, HC), lambda i: (0, i, 0)),
            pl.BlockSpec((NC, bN, 16), lambda i: (0, i, 0)),
            pl.BlockSpec((H, HF), lambda i: (0, 0)),
            pl.BlockSpec((1, HF), lambda i: (0, 0)),
        ],
        out_specs=pl.BlockSpec((bN, HF), lambda i: (i, 0)),
        out_shape=jax.ShapeDtypeStruct((N, HF), jnp.float32),
    )(acc2, den2, pmask, bias2)


def _amat(attn_l, attn_r):
    al = attn_l[0]
    ar = attn_r[0]
    eye = jnp.eye(H, dtype=jnp.float32)
    left = (al[:, :, None] * eye[:, None, :]).reshape(HF, H)
    right = (ar[:, :, None] * eye[:, None, :]).reshape(HF, H)
    return jnp.concatenate([left, right], axis=1)


def kernel(feat, edge_index, W, attn_l, attn_r, bias):
    ft3, el3, er3 = _project(feat, W.T, _amat(attn_l, attn_r))
    src = edge_index[0]
    dst = edge_index[1]
    acc2, den2 = _edge_pass(ft3.reshape(NC * N, HC),
                            el3.reshape(NC * N * 2),
                            er3.reshape(NC * N * 2),
                            src, dst)
    pmask = jnp.repeat(jnp.eye(H, dtype=jnp.float32), F, axis=1)
    out = _combine(acc2, den2, pmask, bias.reshape(1, HF))
    return out.reshape(N, H, F)

# --- scband reference (transcript-rebuilt; emitter-appended) ---
"""Pipeline reference for scband-gat-conv-13606456394065 (READ-ONLY COPY).

The authoritative reference and input builder live on the scoring server;
editing this copy changes nothing except your own understanding.
"""

import jax, jax.numpy as jnp
import numpy as np

N = 10000
E = 320000
D = 128
H = 4
F = 32


def setup_inputs(seed: int = 0) -> dict:
    key = jax.random.key(seed)
    k1, k2, k3, k4, k5 = jax.random.split(key, 5)
    feat = jax.random.normal(k1, (N, D), dtype=jnp.float32)
    edge_index = jax.random.randint(k2, (2, E), 0, N, dtype=jnp.int32)
    # learned params: fc weight [H*F, D], attn vectors [1,H,F], bias [H*F]
    W = jax.random.normal(k3, (H * F, D), dtype=jnp.float32) * (1.0 / np.sqrt(D))
    attn_l = jax.random.normal(k4, (1, H, F), dtype=jnp.float32) * 0.1
    attn_r = jax.random.normal(k5, (1, H, F), dtype=jnp.float32) * 0.1
    bias = jnp.zeros((H * F,), dtype=jnp.float32)
    return {"feat": feat, "edge_index": edge_index, "W": W,
            "attn_l": attn_l, "attn_r": attn_r, "bias": bias}


def reference(feat, edge_index, W, attn_l, attn_r, bias):
    src = edge_index[0]
    dst = edge_index[1]
    # fc projection, view as [N, H, F]
    ft = (feat @ W.T).reshape(N, H, F)
    # el = (ft * attn_l).sum(-1); er = (ft * attn_r).sum(-1)  -> [N, H]
    el = jnp.sum(ft * attn_l, axis=-1)
    er = jnp.sum(ft * attn_r, axis=-1)
    # u_add_v then leaky relu -> per-edge logits [E, H]
    e = jax.nn.leaky_relu(el[src] + er[dst], negative_slope=0.2)
    # edge softmax over incoming edges of each dst node
    m = jax.ops.segment_max(e, dst, num_segments=N)
    m = jnp.where(jnp.isfinite(m), m, 0.0)
    ex = jnp.exp(e - m[dst])
    denom = jax.ops.segment_sum(ex, dst, num_segments=N)
    a = ex / (denom[dst] + 1e-9)  # [E, H]
    # message passing: u_mul_e then sum -> [N, H, F]
    msg = ft[src] * a[:, :, None]
    rst = jax.ops.segment_sum(msg, dst, num_segments=N)
    rst = rst + bias.reshape(1, H, F)
    return rst

if __name__ == "__main__":
    import jax
    _d = setup_inputs()
    print(jax.jit(kernel)(*tuple(_d.values())))

</pallas_src>

<mosaic_0001>
#map = affine_map<(d0, d1) -> (0, 0)>
#map1 = affine_map<(d0, d1) -> (0)>
#map2 = affine_map<(d0, d1) -> (0, 0, 0)>
module attributes {stable_mosaic.version = 14 : i64} {
  func.func @_edge_body(%arg0: i32, %arg1: i32, %arg2: memref<20000x64xf32, #tpu.memory_space<hbm>>, %arg3: memref<40000xf32, #tpu.memory_space<hbm>>, %arg4: memref<40000xf32, #tpu.memory_space<hbm>>, %arg5: memref<320000xi32, #tpu.memory_space<hbm>>, %arg6: memref<320000xi32, #tpu.memory_space<hbm>>, %arg7: memref<2x10000x64xf32, #tpu.memory_space<hbm>>, %arg8: memref<2x10000x16xf32, #tpu.memory_space<hbm>>, %arg9: memref<20000xf32, #tpu.memory_space<vmem>>, %arg10: memref<20000xf32, #tpu.memory_space<vmem>>, %arg11: memref<2x160xi32, #tpu.memory_space<vmem>>, %arg12: memref<2x160xi32, #tpu.memory_space<vmem>>, %arg13: memref<2x160x64xf32, #tpu.memory_space<vmem>>, %arg14: memref<160x16xf32, #tpu.memory_space<vmem>>, %arg15: memref<10000x64xf32, #tpu.memory_space<vmem_shared>>, %arg16: memref<10000x16xf32, #tpu.memory_space<vmem_shared>>, %arg17: memref<!tpu.dma_semaphore, #tpu.memory_space<semaphore_mem>>, %arg18: memref<!tpu.dma_semaphore, #tpu.memory_space<semaphore_mem>>, %arg19: memref<!tpu.dma_semaphore, #tpu.memory_space<semaphore_mem>>) attributes {dimension_semantics = [#tpu.dimension_semantics<core_parallel>, #tpu.dimension_semantics<subcore_parallel>], iteration_bounds = array<i64: 2, 16>, scalar_prefetch = 0 : i64, scratch_operands = 11 : i64, tpu.core_type = #tpu.core_type<sc_vector_subcore>, window_params = [{transform_indices = #map}, {transform_indices = #map1}, {transform_indices = #map1}, {transform_indices = #map1}, {transform_indices = #map1}, {transform_indices = #map2}, {transform_indices = #map2}]} {
    %mul3A = arith.constant 20000 : i32
    %mul3A_0 = arith.muli %arg1, %mul3A : i32
    %mul3A_1 = arith.constant 2 : i32
    %mul3A_2 = arith.muli %arg0, %mul3A_1 : i32
    %mul3A_3 = arith.constant 10000 : i32
    %mul3A_4 = arith.muli %mul3A_2, %mul3A_3 : i32
    "tpu.region"() ({
      %run_scoped3A_211 = tpu.sem_alloc : memref<!tpu.dma_semaphore, #tpu.memory_space<semaphore_mem>>
      %dma_start3A_212 = tpu.memref_slice %arg3[%mul3A_4] : memref<40000xf32, #tpu.memory_space<hbm>> -> memref<20000xf32, #tpu.memory_space<hbm>>
      %dma_start3A_213 = tpu.memref_slice %arg3[%mul3A_4] : memref<40000xf32, #tpu.memory_space<hbm>> -> memref<20000xf32, #tpu.memory_space<hbm>>
      tpu.enqueue_dma source(%dma_start3A_213 : memref<20000xf32, #tpu.memory_space<hbm>>) target(%arg9 : memref<20000xf32, #tpu.memory_space<vmem>>) target_semaphore(%run_scoped3A_211 : memref<!tpu.dma_semaphore, #tpu.memory_space<semaphore_mem>>)
      %dma_wait3A_214 = tpu.memref_slice %arg3[%mul3A_4] : memref<40000xf32, #tpu.memory_space<hbm>> -> memref<20000xf32, #tpu.memory_space<hbm>>
      %dma_wait3A_215 = tpu.memref_slice %arg3[%mul3A_4] : memref<40000xf32, #tpu.memory_space<hbm>> -> memref<20000xf32, #tpu.memory_space<hbm>>
      tpu.wait_dma2 semaphore(%run_scoped3A_211 : memref<!tpu.dma_semaphore, #tpu.memory_space<semaphore_mem>>) src(%dma_wait3A_215 : memref<20000xf32, #tpu.memory_space<hbm>>) dst(%arg9 : memref<20000xf32, #tpu.memory_space<vmem>>)
      tpu.yield
    }) : () -> ()
    %mul3A_5 = arith.constant 2 : i32
    %mul3A_6 = arith.muli %arg0, %mul3A_5 : i32
    %mul3A_7 = arith.constant 10000 : i32
    %mul3A_8 = arith.muli %mul3A_6, %mul3A_7 : i32
    "tpu.region"() ({
      %run_scoped3A_211 = tpu.sem_alloc : memref<!tpu.dma_semaphore, #tpu.memory_space<semaphore_mem>>
      %dma_start3A_212 = tpu.memref_slice %arg4[%mul3A_8] : memref<40000xf32, #tpu.memory_space<hbm>> -> memref<20000xf32, #tpu.memory_space<hbm>>
      %dma_start3A_213 = tpu.memref_slice %arg4[%mul3A_8] : memref<40000xf32, #tpu.memory_space<hbm>> -> memref<20000xf32, #tpu.memory_space<hbm>>
      tpu.enqueue_dma source(%dma_start3A_213 : memref<20000xf32, #tpu.memory_space<hbm>>) target(%arg10 : memref<20000xf32, #tpu.memory_space<vmem>>) target_semaphore(%run_scoped3A_211 : memref<!tpu.dma_semaphore, #tpu.memory_space<semaphore_mem>>)
      %dma_wait3A_214 = tpu.memref_slice %arg4[%mul3A_8] : memref<40000xf32, #tpu.memory_space<hbm>> -> memref<20000xf32, #tpu.memory_space<hbm>>
      %dma_wait3A_215 = tpu.memref_slice %arg4[%mul3A_8] : memref<40000xf32, #tpu.memory_space<hbm>> -> memref<20000xf32, #tpu.memory_space<hbm>>
      tpu.wait_dma2 semaphore(%run_scoped3A_211 : memref<!tpu.dma_semaphore, #tpu.memory_space<semaphore_mem>>) src(%dma_wait3A_215 : memref<20000xf32, #tpu.memory_space<hbm>>) dst(%arg10 : memref<20000xf32, #tpu.memory_space<vmem>>)
      tpu.yield
    }) : () -> ()
    %mul3A_9 = arith.constant 10000 : i32
    %mul3A_10 = arith.muli %arg0, %mul3A_9 : i32
    %iota3A = tpu.iota {dimensions = array<i32: 0>} : vector<16xi32>
    %broadcast_in_dim3A = arith.constant 0.000000e+00 : f32
    %broadcast_in_dim3A_11 = vector.broadcast %broadcast_in_dim3A : f32 to vector<16xf32>
    %scan3A = arith.constant 0 : i32
    %scan3A_12 = arith.constant 0 : i32
    %scan3A_13 = arith.constant 160 : i32
    %scan3A_14 = arith.addi %scan3A_12, %scan3A_13 : i32
    %scan3A_15 = arith.constant 1 : i32
    %scan3A_16 = scf.for %scan3A_211 = %scan3A_12 to %scan3A_14 step %scan3A_15 iter_args(%scan3A_212 = %scan3A) -> (i32)  : i32 {
      %swap3A_213 = arith.constant 0 : i32
      %swap3A_214 = arith.index_cast %swap3A_213 : i32 to index
      %swap3A_215 = arith.index_cast %scan3A_211 : i32 to index
      %swap3A_216 = arith.constant 0 : index
      %swap3A_217 = tpu.vector_load %arg13[%swap3A_214, %swap3A_215, %swap3A_216] {strides = array<i32>} : memref<2x160x64xf32, #tpu.memory_space<vmem>>, vector<16xf32>,
      tpu.vector_store %arg13[%swap3A_214, %swap3A_215, %swap3A_216], %broadcast_in_dim3A_11 {strides = array<i32>} : memref<2x160x64xf32, #tpu.memory_space<vmem>>, vector<16xf32>,
      %swap3A_218 = arith.constant 0 : i32
      %swap3A_219 = arith.index_cast %swap3A_218 : i32 to index
      %swap3A_220 = arith.index_cast %scan3A_211 : i32 to index
      %swap3A_221 = arith.constant 16 : index
      %swap3A_222 = tpu.vector_load %arg13[%swap3A_219, %swap3A_220, %swap3A_221] {strides = array<i32>} : memref<2x160x64xf32, #tpu.memory_space<vmem>>, vector<16xf32>,
      tpu.vector_store %arg13[%swap3A_219, %swap3A_220, %swap3A_221], %broadcast_in_dim3A_11 {strides = array<i32>} : memref<2x160x64xf32, #tpu.memory_space<vmem>>, vector<16xf32>,
      %swap3A_223 = arith.constant 0 : i32
      %swap3A_224 = arith.index_cast %swap3A_223 : i32 to index
      %swap3A_225 = arith.index_cast %scan3A_211 : i32 to index
      %swap3A_226 = arith.constant 32 : index
      %swap3A_227 = tpu.vector_load %arg13[%swap3A_224, %swap3A_225, %swap3A_226] {strides = array<i32>} : memref<2x160x64xf32, #tpu.memory_space<vmem>>, vector<16xf32>,
      tpu.vector_store %arg13[%swap3A_224, %swap3A_225, %swap3A_226], %broadcast_in_dim3A_11 {strides = array<i32>} : memref<2x160x64xf32, #tpu.memory_space<vmem>>, vector<16xf32>,
      %swap3A_228 = arith.constant 0 : i32
      %swap3A_229 = arith.index_cast %swap3A_228 : i32 to index
      %swap3A_230 = arith.index_cast %scan3A_211 : i32 to index
      %swap3A_231 = arith.constant 48 : index
      %swap3A_232 = tpu.vector_load %arg13[%swap3A_229, %swap3A_230, %swap3A_231] {strides = array<i32>} : memref<2x160x64xf32, #tpu.memory_space<vmem>>, vector<16xf32>,
      tpu.vector_store %arg13[%swap3A_229, %swap3A_230, %swap3A_231], %broadcast_in_dim3A_11 {strides = array<i32>} : memref<2x160x64xf32, #tpu.memory_space<vmem>>, vector<16xf32>,
      %scan3A_233 = arith.constant 0 : i32
      scf.yield %scan3A_233 : i32
    }
    %scan3A_17 = arith.constant 160 : i32
    %scan3A_18 = arith.constant 0 : i32
    %scan3A_19 = arith.constant 0 : i32
    %scan3A_20 = arith.constant 160 : i32
    %scan3A_21 = arith.addi %scan3A_19, %scan3A_20 : i32
    %scan3A_22 = arith.constant 1 : i32
    %scan3A_23 = scf.for %scan3A_211 = %scan3A_19 to %scan3A_21 step %scan3A_22 iter_args(%scan3A_212 = %scan3A_18) -> (i32)  : i32 {
      %swap3A_213 = arith.index_cast %scan3A_211 : i32 to index
      %swap3A_214 = arith.constant 0 : index
      %swap3A_215 = tpu.vector_load %arg14[%swap3A_213, %swap3A_214] {strides = array<i32>} : memref<160x16xf32, #tpu.memory_space<vmem>>, vector<16xf32>,
      tpu.vector_store %arg14[%swap3A_213, %swap3A_214], %broadcast_in_dim3A_11 {strides = array<i32>} : memref<160x16xf32, #tpu.memory_space<vmem>>, vector<16xf32>,
      %scan3A_216 = arith.constant 0 : i32
      scf.yield %scan3A_216 : i32
    }
    %scan3A_24 = arith.constant 160 : i32
    %mul3A_25 = arith.constant 624 : i32
    %mul3A_26 = arith.muli %arg1, %mul3A_25 : i32
    %lt3A = arith.constant 15 : i32
    %lt3A_27 = arith.cmpi slt, %arg1, %lt3A : i32
    %convert_element_type3A = arith.extui %lt3A_27 : i1 to i32
    %cond3A = arith.constant 0 : i32
    %cond3A_28 = arith.cmpi ne, %convert_element_type3A, %cond3A : i32
    scf.if %cond3A_28 {
      %scan3A_211 = arith.constant 0 : i32
      %scan3A_212 = arith.constant 0 : i32
      %scan3A_213 = arith.constant 13 : i32
      %scan3A_214 = arith.addi %scan3A_212, %scan3A_213 : i32
      %scan3A_215 = arith.constant 1 : i32
      %scan3A_216 = scf.for %scan3A_218 = %scan3A_212 to %scan3A_214 step %scan3A_215 iter_args(%scan3A_219 = %scan3A_211) -> (i32)  : i32 {
        %mul3A_220 = arith.constant 48 : i32
        %mul3A_221 = arith.muli %scan3A_218, %mul3A_220 : i32
        %add3A_222 = arith.addi %mul3A_26, %mul3A_221 : i32
        %run_scoped3A_223 = arith.constant 0 : i32
        "tpu.region"() ({
          %run_scoped3A_228 = tpu.sem_alloc : memref<!tpu.dma_semaphore, #tpu.memory_space<semaphore_mem>>
          %dma_start3A_229 = arith.constant 0 : i32
          %dma_start3A_230 = arith.constant 0 : i32
          %dma_start3A_231 = tpu.memref_slice %arg13[%run_scoped3A_223, %dma_start3A_229, %dma_start3A_230] : memref<2x160x64xf32, #tpu.memory_space<vmem>> -> memref<1x48x64xf32, #tpu.memory_space<vmem>>
          %dma_start3A_232 = tpu.memref_squeeze %dma_start3A_231 : memref<1x48x64xf32, #tpu.memory_space<vmem>> -> memref<48x64xf32, #tpu.memory_space<vmem>>
          %dma_start3A_233 = arith.constant 0 : i32
          %dma_start3A_234 = tpu.memref_slice %arg15[%add3A_222, %dma_start3A_233] : memref<10000x64xf32, #tpu.memory_space<vmem_shared>> -> memref<48x64xf32, #tpu.memory_space<vmem_shared>>
          %dma_start3A_235 = arith.constant 0 : i32
          %dma_start3A_236 = tpu.memref_slice %arg15[%add3A_222, %dma_start3A_235] : memref<10000x64xf32, #tpu.memory_space<vmem_shared>> -> memref<48x64xf32, #tpu.memory_space<vmem_shared>>
          %dma_start3A_237 = arith.constant 0 : i32
          %dma_start3A_238 = arith.constant 0 : i32
          %dma_start3A_239 = tpu.memref_slice %arg13[%run_scoped3A_223, %dma_start3A_237, %dma_start3A_238] : memref<2x160x64xf32, #tpu.memory_space<vmem>> -> memref<1x48x64xf32, #tpu.memory_space<vmem>>
          %dma_start3A_240 = tpu.memref_squeeze %dma_start3A_239 : memref<1x48x64xf32, #tpu.memory_space<vmem>> -> memref<48x64xf32, #tpu.memory_space<vmem>>
          tpu.enqueue_dma source(%dma_start3A_240 : memref<48x64xf32, #tpu.memory_space<vmem>>) target(%dma_start3A_236 : memref<48x64xf32, #tpu.memory_space<vmem_shared>>) target_semaphore(%run_scoped3A_228 : memref<!tpu.dma_semaphore, #tpu.memory_space<semaphore_mem>>)
          %dma_wait3A_241 = arith.constant 0 : i32
          %dma_wait3A_242 = arith.constant 0 : i32
          %dma_wait3A_243 = tpu.memref_slice %arg13[%run_scoped3A_223, %dma_wait3A_241, %dma_wait3A_242] : memref<2x160x64xf32, #tpu.memory_space<vmem>> -> memref<1x48x64xf32, #tpu.memory_space<vmem>>
          %dma_wait3A_244 = tpu.memref_squeeze %dma_wait3A_243 : memref<1x48x64xf32, #tpu.memory_space<vmem>> -> memref<48x64xf32, #tpu.memory_space<vmem>>
          %dma_wait3A_245 = arith.constant 0 : i32
          %dma_wait3A_246 = tpu.memref_slice %arg15[%add3A_222, %dma_wait3A_245] : memref<10000x64xf32, #tpu.memory_space<vmem_shared>> -> memref<48x64xf32, #tpu.memory_space<vmem_shared>>
          %dma_wait3A_247 = arith.constant 0 : i32
          %dma_wait3A_248 = tpu.memref_slice %arg15[%add3A_222, %dma_wait3A_247] : memref<10000x64xf32, #tpu.memory_space<vmem_shared>> -> memref<48x64xf32, #tpu.memory_space<vmem_shared>>
          %dma_wait3A_249 = arith.constant 0 : i32
          %dma_wait3A_250 = arith.constant 0 : i32
          %dma_wait3A_251 = tpu.memref_slice %arg13[%run_scoped3A_223, %dma_wait3A_249, %dma_wait3A_250] : memref<2x160x64xf32, #tpu.memory_space<vmem>> -> memref<1x48x64xf32, #tpu.memory_space<vmem>>
          %dma_wait3A_252 = tpu.memref_squeeze %dma_wait3A_251 : memref<1x48x64xf32, #tpu.memory_space<vmem>> -> memref<48x64xf32, #tpu.memory_space<vmem>>
          tpu.wait_dma2 semaphore(%run_scoped3A_228 : memref<!tpu.dma_semaphore, #tpu.memory_space<semaphore_mem>>) src(%dma_wait3A_252 : memref<48x64xf32, #tpu.memory_space<vmem>>) dst(%dma_wait3A_248 : memref<48x64xf32, #tpu.memory_space<vmem_shared>>)
          tpu.yield
        }) : () -> ()
        %mul3A_224 = arith.constant 48 : i32
        %mul3A_225 = arith.muli %scan3A_218, %mul3A_224 : i32
        %add3A_226 = arith.addi %mul3A_26, %mul3A_225 : i32
        "tpu.region"() ({
          %run_scoped3A_228 = tpu.sem_alloc : memref<!tpu.dma_semaphore, #tpu.memory_space<semaphore_mem>>
          %dma_start3A_229 = arith.constant 0 : i32
          %dma_start3A_230 = arith.constant 0 : i32
          %dma_start3A_231 = tpu.memref_slice %arg14[%dma_start3A_229, %dma_start3A_230] : memref<160x16xf32, #tpu.memory_space<vmem>> -> memref<48x16xf32, #tpu.memory_space<vmem>>
          %dma_start3A_232 = arith.constant 0 : i32
          %dma_start3A_233 = tpu.memref_slice %arg16[%add3A_226, %dma_start3A_232] : memref<10000x16xf32, #tpu.memory_space<vmem_shared>> -> memref<48x16xf32, #tpu.memory_space<vmem_shared>>
          %dma_start3A_234 = arith.constant 0 : i32
          %dma_start3A_235 = tpu.memref_slice %arg16[%add3A_226, %dma_start3A_234] : memref<10000x16xf32, #tpu.memory_space<vmem_shared>> -> memref<48x16xf32, #tpu.memory_space<vmem_shared>>
          %dma_start3A_236 = arith.constant 0 : i32
          %dma_start3A_237 = arith.constant 0 : i32
          %dma_start3A_238 = tpu.memref_slice %arg14[%dma_start3A_236, %dma_start3A_237] : memref<160x16xf32, #tpu.memory_space<vmem>> -> memref<48x16xf32, #tpu.memory_space<vmem>>
          tpu.enqueue_dma source(%dma_start3A_238 : memref<48x16xf32, #tpu.memory_space<vmem>>) target(%dma_start3A_235 : memref<48x16xf32, #tpu.memory_space<vmem_shared>>) target_semaphore(%run_scoped3A_228 : memref<!tpu.dma_semaphore, #tpu.memory_space<semaphore_mem>>)
          %dma_wait3A_239 = arith.constant 0 : i32
          %dma_wait3A_240 = arith.constant 0 : i32
          %dma_wait3A_241 = tpu.memref_slice %arg14[%dma_wait3A_239, %dma_wait3A_240] : memref<160x16xf32, #tpu.memory_space<vmem>> -> memref<48x16xf32, #tpu.memory_space<vmem>>
          %dma_wait3A_242 = arith.constant 0 : i32
          %dma_wait3A_243 = tpu.memref_slice %arg16[%add3A_226, %dma_wait3A_242] : memref<10000x16xf32, #tpu.memory_space<vmem_shared>> -> memref<48x16xf32, #tpu.memory_space<vmem_shared>>
          %dma_wait3A_244 = arith.constant 0 : i32
          %dma_wait3A_245 = tpu.memref_slice %arg16[%add3A_226, %dma_wait3A_244] : memref<10000x16xf32, #tpu.memory_space<vmem_shared>> -> memref<48x16xf32, #tpu.memory_space<vmem_shared>>
          %dma_wait3A_246 = arith.constant 0 : i32
          %dma_wait3A_247 = arith.constant 0 : i32
          %dma_wait3A_248 = tpu.memref_slice %arg14[%dma_wait3A_246, %dma_wait3A_247] : memref<160x16xf32, #tpu.memory_space<vmem>> -> memref<48x16xf32, #tpu.memory_space<vmem>>
          tpu.wait_dma2 semaphore(%run_scoped3A_228 : memref<!tpu.dma_semaphore, #tpu.memory_space<semaphore_mem>>) src(%dma_wait3A_248 : memref<48x16xf32, #tpu.memory_space<vmem>>) dst(%dma_wait3A_245 : memref<48x16xf32, #tpu.memory_space<vmem_shared>>)
          tpu.yield
        }) : () -> ()
        %scan3A_227 = arith.constant 0 : i32
        scf.yield %scan3A_227 : i32
      }
      %scan3A_217 = arith.constant 13 : i32
    } else {
    }
    %eq3A = arith.constant 15 : i32
    %eq3A_29 = arith.cmpi eq, %arg1, %eq3A : i32
    %convert_element_type3A_30 = arith.extui %eq3A_29 : i1 to i32
    %cond3A_31 = arith.constant 0 : i32
    %cond3A_32 = arith.cmpi ne, %convert_element_type3A_30, %cond3A_31 : i32
    scf.if %cond3A_32 {
      %scan3A_211 = arith.constant 0 : i32
      %scan3A_212 = arith.constant 0 : i32
      %scan3A_213 = arith.constant 8 : i32
      %scan3A_214 = arith.addi %scan3A_212, %scan3A_213 : i32
      %scan3A_215 = arith.constant 1 : i32
      %scan3A_216 = scf.for %scan3A_218 = %scan3A_212 to %scan3A_214 step %scan3A_215 iter_args(%scan3A_219 = %scan3A_211) -> (i32)  : i32 {
        %mul3A_220 = arith.constant 80 : i32
        %mul3A_221 = arith.muli %scan3A_218, %mul3A_220 : i32
        %add3A_222 = arith.addi %mul3A_26, %mul3A_221 : i32
        %run_scoped3A_223 = arith.constant 0 : i32
        "tpu.region"() ({
          %run_scoped3A_228 = tpu.sem_alloc : memref<!tpu.dma_semaphore, #tpu.memory_space<semaphore_mem>>
          %dma_start3A_229 = arith.constant 0 : i32
          %dma_start3A_230 = arith.constant 0 : i32
          %dma_start3A_231 = tpu.memref_slice %arg13[%run_scoped3A_223, %dma_start3A_229, %dma_start3A_230] : memref<2x160x64xf32, #tpu.memory_space<vmem>> -> memref<1x80x64xf32, #tpu.memory_space<vmem>>
          %dma_start3A_232 = tpu.memref_squeeze %dma_start3A_231 : memref<1x80x64xf32, #tpu.memory_space<vmem>> -> memref<80x64xf32, #tpu.memory_space<vmem>>
          %dma_start3A_233 = arith.constant 0 : i32
          %dma_start3A_234 = tpu.memref_slice %arg15[%add3A_222, %dma_start3A_233] : memref<10000x64xf32, #tpu.memory_space<vmem_shared>> -> memref<80x64xf32, #tpu.memory_space<vmem_shared>>
          %dma_start3A_235 = arith.constant 0 : i32
          %dma_start3A_236 = tpu.memref_slice %arg15[%add3A_222, %dma_start3A_235] : memref<10000x64xf32, #tpu.memory_space<vmem_shared>> -> memref<80x64xf32, #tpu.memory_space<vmem_shared>>
          %dma_start3A_237 = arith.constant 0 : i32
          %dma_start3A_238 = arith.constant 0 : i32
          %dma_start3A_239 = tpu.memref_slice %arg13[%run_scoped3A_223, %dma_start3A_237, %dma_start3A_238] : memref<2x160x64xf32, #tpu.memory_space<vmem>> -> memref<1x80x64xf32, #tpu.memory_space<vmem>>
          %dma_start3A_240 = tpu.memref_squeeze %dma_start3A_239 : memref<1x80x64xf32, #tpu.memory_space<vmem>> -> memref<80x64xf32, #tpu.memory_space<vmem>>
          tpu.enqueue_dma source(%dma_start3A_240 : memref<80x64xf32, #tpu.memory_space<vmem>>) target(%dma_start3A_236 : memref<80x64xf32, #tpu.memory_space<vmem_shared>>) target_semaphore(%run_scoped3A_228 : memref<!tpu.dma_semaphore, #tpu.memory_space<semaphore_mem>>)
          %dma_wait3A_241 = arith.constant 0 : i32
          %dma_wait3A_242 = arith.constant 0 : i32
          %dma_wait3A_243 = tpu.memref_slice %arg13[%run_scoped3A_223, %dma_wait3A_241, %dma_wait3A_242] : memref<2x160x64xf32, #tpu.memory_space<vmem>> -> memref<1x80x64xf32, #tpu.memory_space<vmem>>
          %dma_wait3A_244 = tpu.memref_squeeze %dma_wait3A_243 : memref<1x80x64xf32, #tpu.memory_space<vmem>> -> memref<80x64xf32, #tpu.memory_space<vmem>>
          %dma_wait3A_245 = arith.constant 0 : i32
          %dma_wait3A_246 = tpu.memref_slice %arg15[%add3A_222, %dma_wait3A_245] : memref<10000x64xf32, #tpu.memory_space<vmem_shared>> -> memref<80x64xf32, #tpu.memory_space<vmem_shared>>
          %dma_wait3A_247 = arith.constant 0 : i32
          %dma_wait3A_248 = tpu.memref_slice %arg15[%add3A_222, %dma_wait3A_247] : memref<10000x64xf32, #tpu.memory_space<vmem_shared>> -> memref<80x64xf32, #tpu.memory_space<vmem_shared>>
          %dma_wait3A_249 = arith.constant 0 : i32
          %dma_wait3A_250 = arith.constant 0 : i32
          %dma_wait3A_251 = tpu.memref_slice %arg13[%run_scoped3A_223, %dma_wait3A_249, %dma_wait3A_250] : memref<2x160x64xf32, #tpu.memory_space<vmem>> -> memref<1x80x64xf32, #tpu.memory_space<vmem>>
          %dma_wait3A_252 = tpu.memref_squeeze %dma_wait3A_251 : memref<1x80x64xf32, #tpu.memory_space<vmem>> -> memref<80x64xf32, #tpu.memory_space<vmem>>
          tpu.wait_dma2 semaphore(%run_scoped3A_228 : memref<!tpu.dma_semaphore, #tpu.memory_space<semaphore_mem>>) src(%dma_wait3A_252 : memref<80x64xf32, #tpu.memory_space<vmem>>) dst(%dma_wait3A_248 : memref<80x64xf32, #tpu.memory_space<vmem_shared>>)
          tpu.yield
        }) : () -> ()
        %mul3A_224 = arith.constant 80 : i32
        %mul3A_225 = arith.muli %scan3A_218, %mul3A_224 : i32
        %add3A_226 = arith.addi %mul3A_26, %mul3A_225 : i32
        "tpu.region"() ({
          %run_scoped3A_228 = tpu.sem_alloc : memref<!tpu.dma_semaphore, #tpu.memory_space<semaphore_mem>>
          %dma_start3A_229 = arith.constant 0 : i32
          %dma_start3A_230 = arith.constant 0 : i32
          %dma_start3A_231 = tpu.memref_slice %arg14[%dma_start3A_229, %dma_start3A_230] : memref<160x16xf32, #tpu.memory_space<vmem>> -> memref<80x16xf32, #tpu.memory_space<vmem>>
          %dma_start3A_232 = arith.constant 0 : i32
          %dma_start3A_233 = tpu.memref_slice %arg16[%add3A_226, %dma_start3A_232] : memref<10000x16xf32, #tpu.memory_space<vmem_shared>> -> memref<80x16xf32, #tpu.memory_space<vmem_shared>>
          %dma_start3A_234 = arith.constant 0 : i32
          %dma_start3A_235 = tpu.memref_slice %arg16[%add3A_226, %dma_start3A_234] : memref<10000x16xf32, #tpu.memory_space<vmem_shared>> -> memref<80x16xf32, #tpu.memory_space<vmem_shared>>
          %dma_start3A_236 = arith.constant 0 : i32
          %dma_start3A_237 = arith.constant 0 : i32
          %dma_start3A_238 = tpu.memref_slice %arg14[%dma_start3A_236, %dma_start3A_237] : memref<160x16xf32, #tpu.memory_space<vmem>> -> memref<80x16xf32, #tpu.memory_space<vmem>>
          tpu.enqueue_dma source(%dma_start3A_238 : memref<80x16xf32, #tpu.memory_space<vmem>>) target(%dma_start3A_235 : memref<80x16xf32, #tpu.memory_space<vmem_shared>>) target_semaphore(%run_scoped3A_228 : memref<!tpu.dma_semaphore, #tpu.memory_space<semaphore_mem>>)
          %dma_wait3A_239 = arith.constant 0 : i32
          %dma_wait3A_240 = arith.constant 0 : i32
          %dma_wait3A_241 = tpu.memref_slice %arg14[%dma_wait3A_239, %dma_wait3A_240] : memref<160x16xf32, #tpu.memory_space<vmem>> -> memref<80x16xf32, #tpu.memory_space<vmem>>
          %dma_wait3A_242 = arith.constant 0 : i32
          %dma_wait3A_243 = tpu.memref_slice %arg16[%add3A_226, %dma_wait3A_242] : memref<10000x16xf32, #tpu.memory_space<vmem_shared>> -> memref<80x16xf32, #tpu.memory_space<vmem_shared>>
          %dma_wait3A_244 = arith.constant 0 : i32
          %dma_wait3A_245 = tpu.memref_slice %arg16[%add3A_226, %dma_wait3A_244] : memref<10000x16xf32, #tpu.memory_space<vmem_shared>> -> memref<80x16xf32, #tpu.memory_space<vmem_shared>>
          %dma_wait3A_246 = arith.constant 0 : i32
          %dma_wait3A_247 = arith.constant 0 : i32
          %dma_wait3A_248 = tpu.memref_slice %arg14[%dma_wait3A_246, %dma_wait3A_247] : memref<160x16xf32, #tpu.memory_space<vmem>> -> memref<80x16xf32, #tpu.memory_space<vmem>>
          tpu.wait_dma2 semaphore(%run_scoped3A_228 : memref<!tpu.dma_semaphore, #tpu.memory_space<semaphore_mem>>) src(%dma_wait3A_248 : memref<80x16xf32, #tpu.memory_space<vmem>>) dst(%dma_wait3A_245 : memref<80x16xf32, #tpu.memory_space<vmem_shared>>)
          tpu.yield
        }) : () -> ()
        %scan3A_227 = arith.constant 0 : i32
        scf.yield %scan3A_227 : i32
      }
      %scan3A_217 = arith.constant 8 : i32
    } else {
    }
    %barrier3A = arith.constant 0 : index
    tpu.barrier barrier_id(%barrier3A)
    %mul3A_33 = arith.constant 2 : i32
    %mul3A_34 = arith.muli %arg0, %mul3A_33 : i32
    %mul3A_35 = arith.constant 10000 : i32
    %mul3A_36 = arith.muli %mul3A_34, %mul3A_35 : i32
    %add3A = arith.constant 0 : i32
    %add3A_37 = arith.addi %mul3A_0, %add3A : i32
    %run_scoped3A = arith.constant 0 : i32
    "tpu.region"() ({
      %run_scoped3A_211 = tpu.sem_alloc : memref<!tpu.dma_semaphore, #tpu.memory_space<semaphore_mem>>
      %dma_start3A_212 = arith.constant 0 : i32
      %dma_start3A_213 = tpu.memref_slice %arg11[%run_scoped3A, %dma_start3A_212] : memref<2x160xi32, #tpu.memory_space<vmem>> -> memref<1x160xi32, #tpu.memory_space<vmem>>
      %dma_start3A_214 = tpu.memref_squeeze %dma_start3A_213 : memref<1x160xi32, #tpu.memory_space<vmem>> -> memref<160xi32, #tpu.memory_space<vmem>>
      %dma_start3A_215 = tpu.memref_slice %arg5[%add3A_37] : memref<320000xi32, #tpu.memory_space<hbm>> -> memref<160xi32, #tpu.memory_space<hbm>>
      %dma_start3A_216 = arith.constant 0 : i32
      %dma_start3A_217 = tpu.memref_slice %arg11[%run_scoped3A, %dma_start3A_216] : memref<2x160xi32, #tpu.memory_space<vmem>> -> memref<1x160xi32, #tpu.memory_space<vmem>>
      %dma_start3A_218 = tpu.memref_squeeze %dma_start3A_217 : memref<1x160xi32, #tpu.memory_space<vmem>> -> memref<160xi32, #tpu.memory_space<vmem>>
      %dma_start3A_219 = tpu.memref_slice %arg5[%add3A_37] : memref<320000xi32, #tpu.memory_space<hbm>> -> memref<160xi32, #tpu.memory_space<hbm>>
      tpu.enqueue_dma source(%dma_start3A_219 : memref<160xi32, #tpu.memory_space<hbm>>) target(%dma_start3A_218 : memref<160xi32, #tpu.memory_space<vmem>>) target_semaphore(%run_scoped3A_211 : memref<!tpu.dma_semaphore, #tpu.memory_space<semaphore_mem>>)
      %dma_wait3A_220 = arith.constant 0 : i32
      %dma_wait3A_221 = tpu.memref_slice %arg11[%run_scoped3A, %dma_wait3A_220] : memref<2x160xi32, #tpu.memory_space<vmem>> -> memref<1x160xi32, #tpu.memory_space<vmem>>
      %dma_wait3A_222 = tpu.memref_squeeze %dma_wait3A_221 : memref<1x160xi32, #tpu.memory_space<vmem>> -> memref<160xi32, #tpu.memory_space<vmem>>
      %dma_wait3A_223 = tpu.memref_slice %arg5[%add3A_37] : memref<320000xi32, #tpu.memory_space<hbm>> -> memref<160xi32, #tpu.memory_space<hbm>>
      %dma_wait3A_224 = arith.constant 0 : i32
      %dma_wait3A_225 = tpu.memref_slice %arg11[%run_scoped3A, %dma_wait3A_224] : memref<2x160xi32, #tpu.memory_space<vmem>> -> memref<1x160xi32, #tpu.memory_space<vmem>>
      %dma_wait3A_226 = tpu.memref_squeeze %dma_wait3A_225 : memref<1x160xi32, #tpu.memory_space<vmem>> -> memref<160xi32, #tpu.memory_space<vmem>>
      %dma_wait3A_227 = tpu.memref_slice %arg5[%add3A_37] : memref<320000xi32, #tpu.memory_space<hbm>> -> memref<160xi32, #tpu.memory_space<hbm>>
      tpu.wait_dma2 semaphore(%run_scoped3A_211 : memref<!tpu.dma_semaphore, #tpu.memory_space<semaphore_mem>>) src(%dma_wait3A_227 : memref<160xi32, #tpu.memory_space<hbm>>) dst(%dma_wait3A_226 : memref<160xi32, #tpu.memory_space<vmem>>)
      tpu.yield
    }) : () -> ()
    %add3A_38 = arith.constant 0 : i32
    %add3A_39 = arith.addi %mul3A_0, %add3A_38 : i32
    %run_scoped3A_40 = arith.constant 0 : i32
    "tpu.region"() ({
      %run_scoped3A_211 = tpu.sem_alloc : memref<!tpu.dma_semaphore, #tpu.memory_space<semaphore_mem>>
      %dma_start3A_212 = arith.constant 0 : i32
      %dma_start3A_213 = tpu.memref_slice %arg12[%run_scoped3A_40, %dma_start3A_212] : memref<2x160xi32, #tpu.memory_space<vmem>> -> memref<1x160xi32, #tpu.memory_space<vmem>>
      %dma_start3A_214 = tpu.memref_squeeze %dma_start3A_213 : memref<1x160xi32, #tpu.memory_space<vmem>> -> memref<160xi32, #tpu.memory_space<vmem>>
      %dma_start3A_215 = tpu.memref_slice %arg6[%add3A_39] : memref<320000xi32, #tpu.memory_space<hbm>> -> memref<160xi32, #tpu.memory_space<hbm>>
      %dma_start3A_216 = arith.constant 0 : i32
      %dma_start3A_217 = tpu.memref_slice %arg12[%run_scoped3A_40, %dma_start3A_216] : memref<2x160xi32, #tpu.memory_space<vmem>> -> memref<1x160xi32, #tpu.memory_space<vmem>>
      %dma_start3A_218 = tpu.memref_squeeze %dma_start3A_217 : memref<1x160xi32, #tpu.memory_space<vmem>> -> memref<160xi32, #tpu.memory_space<vmem>>
      %dma_start3A_219 = tpu.memref_slice %arg6[%add3A_39] : memref<320000xi32, #tpu.memory_space<hbm>> -> memref<160xi32, #tpu.memory_space<hbm>>
      tpu.enqueue_dma source(%dma_start3A_219 : memref<160xi32, #tpu.memory_space<hbm>>) target(%dma_start3A_218 : memref<160xi32, #tpu.memory_space<vmem>>) target_semaphore(%run_scoped3A_211 : memref<!tpu.dma_semaphore, #tpu.memory_space<semaphore_mem>>)
      %dma_wait3A_220 = arith.constant 0 : i32
      %dma_wait3A_221 = tpu.memref_slice %arg12[%run_scoped3A_40, %dma_wait3A_220] : memref<2x160xi32, #tpu.memory_space<vmem>> -> memref<1x160xi32, #tpu.memory_space<vmem>>
      %dma_wait3A_222 = tpu.memref_squeeze %dma_wait3A_221 : memref<1x160xi32, #tpu.memory_space<vmem>> -> memref<160xi32, #tpu.memory_space<vmem>>
      %dma_wait3A_223 = tpu.memref_slice %arg6[%add3A_39] : memref<320000xi32, #tpu.memory_space<hbm>> -> memref<160xi32, #tpu.memory_space<hbm>>
      %dma_wait3A_224 = arith.constant 0 : i32
      %dma_wait3A_225 = tpu.memref_slice %arg12[%run_scoped3A_40, %dma_wait3A_224] : memref<2x160xi32, #tpu.memory_space<vmem>> -> memref<1x160xi32, #tpu.memory_space<vmem>>
      %dma_wait3A_226 = tpu.memref_squeeze %dma_wait3A_225 : memref<1x160xi32, #tpu.memory_space<vmem>> -> memref<160xi32, #tpu.memory_space<vmem>>
      %dma_wait3A_227 = tpu.memref_slice %arg6[%add3A_39] : memref<320000xi32, #tpu.memory_space<hbm>> -> memref<160xi32, #tpu.memory_space<hbm>>
      tpu.wait_dma2 semaphore(%run_scoped3A_211 : memref<!tpu.dma_semaphore, #tpu.memory_space<semaphore_mem>>) src(%dma_wait3A_227 : memref<160xi32, #tpu.memory_space<hbm>>) dst(%dma_wait3A_226 : memref<160xi32, #tpu.memory_space<vmem>>)
      tpu.yield
    }) : () -> ()
    %get3A = arith.constant 0 : i32
    %get3A_41 = arith.index_cast %get3A : i32 to index
    %get3A_42 = arith.constant 0 : index
    %get3A_43 = tpu.vector_load %arg11[%get3A_41, %get3A_42] {strides = array<i32>} : memref<2x160xi32, #tpu.memory_space<vmem>>, vector<16xi32>,
    %add3A_44 = vector.broadcast %mul3A_10 : i32 to vector<16xi32>
    %add3A_45 = arith.addi %get3A_43, %add3A_44 : vector<16xi32>
    %swap3A = arith.constant 0 : i32
    %swap3A_46 = arith.index_cast %swap3A : i32 to index
    %swap3A_47 = arith.constant 0 : index
    %swap3A_48 = tpu.vector_load %arg11[%swap3A_46, %swap3A_47] {strides = array<i32>} : memref<2x160xi32, #tpu.memory_space<vmem>>, vector<16xi32>,
    tpu.vector_store %arg11[%swap3A_46, %swap3A_47], %add3A_45 {strides = array<i32>} : memref<2x160xi32, #tpu.memory_space<vmem>>, vector<16xi32>,
    %get3A_49 = arith.constant 0 : i32
    %get3A_50 = arith.index_cast %get3A_49 : i32 to index
    %get3A_51 = arith.constant 16 : index
    %get3A_52 = tpu.vector_load %arg11[%get3A_50, %get3A_51] {strides = array<i32>} : memref<2x160xi32, #tpu.memory_space<vmem>>, vector<16xi32>,
    %add3A_53 = vector.broadcast %mul3A_10 : i32 to vector<16xi32>
    %add3A_54 = arith.addi %get3A_52, %add3A_53 : vector<16xi32>
    %swap3A_55 = arith.constant 0 : i32
    %swap3A_56 = arith.index_cast %swap3A_55 : i32 to index
    %swap3A_57 = arith.constant 16 : index
    %swap3A_58 = tpu.vector_load %arg11[%swap3A_56, %swap3A_57] {strides = array<i32>} : memref<2x160xi32, #tpu.memory_space<vmem>>, vector<16xi32>,
    tpu.vector_store %arg11[%swap3A_56, %swap3A_57], %add3A_54 {strides = array<i32>} : memref<2x160xi32, #tpu.memory_space<vmem>>, vector<16xi32>,
    %get3A_59 = arith.constant 0 : i32
    %get3A_60 = arith.index_cast %get3A_59 : i32 to index
    %get3A_61 = arith.constant 32 : index
    %get3A_62 = tpu.vector_load %arg11[%get3A_60, %get3A_61] {strides = array<i32>} : memref<2x160xi32, #tpu.memory_space<vmem>>, vector<16xi32>,
    %add3A_63 = vector.broadcast %mul3A_10 : i32 to vector<16xi32>
    %add3A_64 = arith.addi %get3A_62, %add3A_63 : vector<16xi32>
    %swap3A_65 = arith.constant 0 : i32
    %swap3A_66 = arith.index_cast %swap3A_65 : i32 to index
    %swap3A_67 = arith.constant 32 : index
    %swap3A_68 = tpu.vector_load %arg11[%swap3A_66, %swap3A_67] {strides = array<i32>} : memref<2x160xi32, #tpu.memory_space<vmem>>, vector<16xi32>,
    tpu.vector_store %arg11[%swap3A_66, %swap3A_67], %add3A_64 {strides = array<i32>} : memref<2x160xi32, #tpu.memory_space<vmem>>, vector<16xi32>,
    %get3A_69 = arith.constant 0 : i32
    %get3A_70 = arith.index_cast %get3A_69 : i32 to index
    %get3A_71 = arith.constant 48 : index
    %get3A_72 = tpu.vector_load %arg11[%get3A_70, %get3A_71] {strides = array<i32>} : memref<2x160xi32, #tpu.memory_space<vmem>>, vector<16xi32>,
    %add3A_73 = vector.broadcast %mul3A_10 : i32 to vector<16xi32>
    %add3A_74 = arith.addi %get3A_72, %add3A_73 : vector<16xi32>
    %swap3A_75 = arith.constant 0 : i32
    %swap3A_76 = arith.index_cast %swap3A_75 : i32 to index
    %swap3A_77 = arith.constant 48 : index
    %swap3A_78 = tpu.vector_load %arg11[%swap3A_76, %swap3A_77] {strides = array<i32>} : memref<2x160xi32, #tpu.memory_space<vmem>>, vector<16xi32>,
    tpu.vector_store %arg11[%swap3A_76, %swap3A_77], %add3A_74 {strides = array<i32>} : memref<2x160xi32, #tpu.memory_space<vmem>>, vector<16xi32>,
    %get3A_79 = arith.constant 0 : i32
    %get3A_80 = arith.index_cast %get3A_79 : i32 to index
    %get3A_81 = arith.constant 64 : index
    %get3A_82 = tpu.vector_load %arg11[%get3A_80, %get3A_81] {strides = array<i32>} : memref<2x160xi32, #tpu.memory_space<vmem>>, vector<16xi32>,
    %add3A_83 = vector.broadcast %mul3A_10 : i32 to vector<16xi32>
    %add3A_84 = arith.addi %get3A_82, %add3A_83 : vector<16xi32>
    %swap3A_85 = arith.constant 0 : i32
    %swap3A_86 = arith.index_cast %swap3A_85 : i32 to index
    %swap3A_87 = arith.constant 64 : index
    %swap3A_88 = tpu.vector_load %arg11[%swap3A_86, %swap3A_87] {strides = array<i32>} : memref<2x160xi32, #tpu.memory_space<vmem>>, vector<16xi32>,
    tpu.vector_store %arg11[%swap3A_86, %swap3A_87], %add3A_84 {strides = array<i32>} : memref<2x160xi32, #tpu.memory_space<vmem>>, vector<16xi32>,
    %get3A_89 = arith.constant 0 : i32
    %get3A_90 = arith.index_cast %get3A_89 : i32 to index
    %get3A_91 = arith.constant 80 : index
    %get3A_92 = tpu.vector_load %arg11[%get3A_90, %get3A_91] {strides = array<i32>} : memref<2x160xi32, #tpu.memory_space<vmem>>, vector<16xi32>,
    %add3A_93 = vector.broadcast %mul3A_10 : i32 to vector<16xi32>
    %add3A_94 = arith.addi %get3A_92, %add3A_93 : vector<16xi32>
    %swap3A_95 = arith.constant 0 : i32
    %swap3A_96 = arith.index_cast %swap3A_95 : i32 to index
    %swap3A_97 = arith.constant 80 : index
    %swap3A_98 = tpu.vector_load %arg11[%swap3A_96, %swap3A_97] {strides = array<i32>} : memref<2x160xi32, #tpu.memory_space<vmem>>, vector<16xi32>,
    tpu.vector_store %arg11[%swap3A_96, %swap3A_97], %add3A_94 {strides = array<i32>} : memref<2x160xi32, #tpu.memory_space<vmem>>, vector<16xi32>,
    %get3A_99 = arith.constant 0 : i32
    %get3A_100 = arith.index_cast %get3A_99 : i32 to index
    %get3A_101 = arith.constant 96 : index
    %get3A_102 = tpu.vector_load %arg11[%get3A_100, %get3A_101] {strides = array<i32>} : memref<2x160xi32, #tpu.memory_space<vmem>>, vector<16xi32>,
    %add3A_103 = vector.broadcast %mul3A_10 : i32 to vector<16xi32>
    %add3A_104 = arith.addi %get3A_102, %add3A_103 : vector<16xi32>
    %swap3A_105 = arith.constant 0 : i32
    %swap3A_106 = arith.index_cast %swap3A_105 : i32 to index
    %swap3A_107 = arith.constant 96 : index
    %swap3A_108 = tpu.vector_load %arg11[%swap3A_106, %swap3A_107] {strides = array<i32>} : memref<2x160xi32, #tpu.memory_space<vmem>>, vector<16xi32>,
    tpu.vector_store %arg11[%swap3A_106, %swap3A_107], %add3A_104 {strides = array<i32>} : memref<2x160xi32, #tpu.memory_space<vmem>>, vector<16xi32>,
    %get3A_109 = arith.constant 0 : i32
    %get3A_110 = arith.index_cast %get3A_109 : i32 to index
    %get3A_111 = arith.constant 112 : index
    %get3A_112 = tpu.vector_load %arg11[%get3A_110, %get3A_111] {strides = array<i32>} : memref<2x160xi32, #tpu.memory_space<vmem>>, vector<16xi32>,
    %add3A_113 = vector.broadcast %mul3A_10 : i32 to vector<16xi32>
    %add3A_114 = arith.addi %get3A_112, %add3A_113 : vector<16xi32>
    %swap3A_115 = arith.constant 0 : i32
    %swap3A_116 = arith.index_cast %swap3A_115 : i32 to index
    %swap3A_117 = arith.constant 112 : index
    %swap3A_118 = tpu.vector_load %arg11[%swap3A_116, %swap3A_117] {strides = array<i32>} : memref<2x160xi32, #tpu.memory_space<vmem>>, vector<16xi32>,
    tpu.vector_store %arg11[%swap3A_116, %swap3A_117], %add3A_114 {strides = array<i32>} : memref<2x160xi32, #tpu.memory_space<vmem>>, vector<16xi32>,
    %get3A_119 = arith.constant 0 : i32
    %get3A_120 = arith.index_cast %get3A_119 : i32 to index
    %get3A_121 = arith.constant 128 : index
    %get3A_122 = tpu.vector_load %arg11[%get3A_120, %get3A_121] {strides = array<i32>} : memref<2x160xi32, #tpu.memory_space<vmem>>, vector<16xi32>,
    %add3A_123 = vector.broadcast %mul3A_10 : i32 to vector<16xi32>
    %add3A_124 = arith.addi %get3A_122, %add3A_123 : vector<16xi32>
    %swap3A_125 = arith.constant 0 : i32
    %swap3A_126 = arith.index_cast %swap3A_125 : i32 to index
    %swap3A_127 = arith.constant 128 : index
    %swap3A_128 = tpu.vector_load %arg11[%swap3A_126, %swap3A_127] {strides = array<i32>} : memref<2x160xi32, #tpu.memory_space<vmem>>, vector<16xi32>,
    tpu.vector_store %arg11[%swap3A_126, %swap3A_127], %add3A_124 {strides = array<i32>} : memref<2x160xi32, #tpu.memory_space<vmem>>, vector<16xi32>,
    %get3A_129 = arith.constant 0 : i32
    %get3A_130 = arith.index_cast %get3A_129 : i32 to index
    %get3A_131 = arith.constant 144 : index
    %get3A_132 = tpu.vector_load %arg11[%get3A_130, %get3A_131] {strides = array<i32>} : memref<2x160xi32, #tpu.memory_space<vmem>>, vector<16xi32>,
    %add3A_133 = vector.broadcast %mul3A_10 : i32 to vector<16xi32>
    %add3A_134 = arith.addi %get3A_132, %add3A_133 : vector<16xi32>
    %swap3A_135 = arith.constant 0 : i32
    %swap3A_136 = arith.index_cast %swap3A_135 : i32 to index
    %swap3A_137 = arith.constant 144 : index
    %swap3A_138 = tpu.vector_load %arg11[%swap3A_136, %swap3A_137] {strides = array<i32>} : memref<2x160xi32, #tpu.memory_space<vmem>>, vector<16xi32>,
    tpu.vector_store %arg11[%swap3A_136, %swap3A_137], %add3A_134 {strides = array<i32>} : memref<2x160xi32, #tpu.memory_space<vmem>>, vector<16xi32>,
    %dma_start3A = arith.constant 0 : i32
    %dma_start3A_139 = arith.constant 0 : i32
    %dma_start3A_140 = arith.constant 0 : i32
    %dma_start3A_141 = arith.constant 0 : i32
    %dma_start3A_142 = tpu.memref_slice %arg13[%dma_start3A_139, %dma_start3A_140, %dma_start3A_141] : memref<2x160x64xf32, #tpu.memory_space<vmem>> -> memref<1x160x64xf32, #tpu.memory_space<vmem>>
    %dma_start3A_143 = tpu.memref_squeeze %dma_start3A_142 : memref<1x160x64xf32, #tpu.memory_space<vmem>> -> memref<160x64xf32, #tpu.memory_space<vmem>>
    %dma_start3A_144 = arith.constant 0 : i32
    %dma_start3A_145 = tpu.memref_slice %arg11[%dma_start3A, %dma_start3A_144] : memref<2x160xi32, #tpu.memory_space<vmem>> -> memref<1x160xi32, #tpu.memory_space<vmem>>
    %dma_start3A_146 = tpu.memref_squeeze %dma_start3A_145 : memref<1x160xi32, #tpu.memory_space<vmem>> -> memref<160xi32, #tpu.memory_space<vmem>>
    %dma_start3A_147 = arith.constant 0 : i32
    %dma_start3A_148 = arith.constant 0 : i32
    %dma_start3A_149 = tpu.memref_slice %arg2[%dma_start3A_147, %dma_start3A_148] : memref<20000x64xf32, #tpu.memory_space<hbm>> -> memref<20000x64xf32, #tpu.memory_space<hbm>>
    tpu.enqueue_indirect_dma source(%dma_start3A_149 : memref<20000x64xf32, #tpu.memory_space<hbm>>) target(%dma_start3A_143 : memref<160x64xf32, #tpu.memory_space<vmem>>) offsets(%dma_start3A_146 : memref<160xi32, #tpu.memory_space<vmem>>) semaphore(%arg17 : memref<!tpu.dma_semaphore, #tpu.memory_space<semaphore_mem>>)
    %scan3A_150 = arith.constant 0 : i32
    %scan3A_151 = arith.constant 0 : i32
    %scan3A_152 = arith.constant 62 : i32
    %scan3A_153 = arith.addi %scan3A_151, %scan3A_152 : i32
    %scan3A_154 = arith.constant 1 : i32
    %scan3A_155 = scf.for %scan3A_211 = %scan3A_151 to %scan3A_153 step %scan3A_154 iter_args(%scan3A_212 = %scan3A_150) -> (i32)  : i32 {
      %mul3A_213 = arith.constant 2 : i32
      %mul3A_214 = arith.muli %scan3A_211, %mul3A_213 : i32
      %add3A_215 = arith.constant 0 : i32
      %add3A_216 = arith.addi %mul3A_214, %add3A_215 : i32
      %dma_wait3A_217 = arith.constant 0 : i32
      %dma_wait3A_218 = arith.constant 0 : i32
      %dma_wait3A_219 = arith.constant 0 : i32
      %dma_wait3A_220 = arith.constant 0 : i32
      %dma_wait3A_221 = tpu.memref_slice %arg13[%dma_wait3A_218, %dma_wait3A_219, %dma_wait3A_220] : memref<2x160x64xf32, #tpu.memory_space<vmem>> -> memref<1x160x64xf32, #tpu.memory_space<vmem>>
      %dma_wait3A_222 = tpu.memref_squeeze %dma_wait3A_221 : memref<1x160x64xf32, #tpu.memory_space<vmem>> -> memref<160x64xf32, #tpu.memory_space<vmem>>
      %dma_wait3A_223 = arith.constant 0 : i32
      %dma_wait3A_224 = tpu.memref_slice %arg11[%dma_wait3A_217, %dma_wait3A_223] : memref<2x160xi32, #tpu.memory_space<vmem>> -> memref<1x160xi32, #tpu.memory_space<vmem>>
      %dma_wait3A_225 = tpu.memref_squeeze %dma_wait3A_224 : memref<1x160xi32, #tpu.memory_space<vmem>> -> memref<160xi32, #tpu.memory_space<vmem>>
      %dma_wait3A_226 = arith.constant 0 : i32
      %dma_wait3A_227 = arith.constant 0 : i32
      %dma_wait3A_228 = tpu.memref_slice %arg2[%dma_wait3A_226, %dma_wait3A_227] : memref<20000x64xf32, #tpu.memory_space<hbm>> -> memref<20000x64xf32, #tpu.memory_space<hbm>>
      tpu.wait_indirect_dma semaphore(%arg17 : memref<!tpu.dma_semaphore, #tpu.memory_space<semaphore_mem>>) src(%dma_wait3A_228 : memref<20000x64xf32, #tpu.memory_space<hbm>>) dst(%dma_wait3A_222 : memref<160x64xf32, #tpu.memory_space<vmem>>)
      %add3A_229 = arith.constant 1 : i32
      %add3A_230 = arith.addi %add3A_216, %add3A_229 : i32
      %lt3A_231 = arith.constant 125 : i32
      %lt3A_232 = arith.cmpi slt, %add3A_230, %lt3A_231 : i32
      %convert_element_type3A_233 = arith.extui %lt3A_232 : i1 to i32
      %cond3A_234 = arith.constant 0 : i32
      %cond3A_235 = arith.cmpi ne, %convert_element_type3A_233, %cond3A_234 : i32
      scf.if %cond3A_235 {
        %add3A_324 = arith.constant 1 : i32
        %add3A_325 = arith.addi %add3A_216, %add3A_324 : i32
        %mul3A_326 = arith.constant 160 : i32
        %mul3A_327 = arith.muli %add3A_325, %mul3A_326 : i32
        %add3A_328 = arith.addi %mul3A_0, %mul3A_327 : i32
        %run_scoped3A_329 = arith.constant 1 : i32
        "tpu.region"() ({
          %run_scoped3A_446 = tpu.sem_alloc : memref<!tpu.dma_semaphore, #tpu.memory_space<semaphore_mem>>
          %dma_start3A_447 = arith.constant 0 : i32
          %dma_start3A_448 = tpu.memref_slice %arg11[%run_scoped3A_329, %dma_start3A_447] : memref<2x160xi32, #tpu.memory_space<vmem>> -> memref<1x160xi32, #tpu.memory_space<vmem>>
          %dma_start3A_449 = tpu.memref_squeeze %dma_start3A_448 : memref<1x160xi32, #tpu.memory_space<vmem>> -> memref<160xi32, #tpu.memory_space<vmem>>
          %dma_start3A_450 = tpu.memref_slice %arg5[%add3A_328] : memref<320000xi32, #tpu.memory_space<hbm>> -> memref<160xi32, #tpu.memory_space<hbm>>
          %dma_start3A_451 = arith.constant 0 : i32
          %dma_start3A_452 = tpu.memref_slice %arg11[%run_scoped3A_329, %dma_start3A_451] : memref<2x160xi32, #tpu.memory_space<vmem>> -> memref<1x160xi32, #tpu.memory_space<vmem>>
          %dma_start3A_453 = tpu.memref_squeeze %dma_start3A_452 : memref<1x160xi32, #tpu.memory_space<vmem>> -> memref<160xi32, #tpu.memory_space<vmem>>
          %dma_start3A_454 = tpu.memref_slice %arg5[%add3A_328] : memref<320000xi32, #tpu.memory_space<hbm>> -> memref<160xi32, #tpu.memory_space<hbm>>
          tpu.enqueue_dma source(%dma_start3A_454 : memref<160xi32, #tpu.memory_space<hbm>>) target(%dma_start3A_453 : memref<160xi32, #tpu.memory_space<vmem>>) target_semaphore(%run_scoped3A_446 : memref<!tpu.dma_semaphore, #tpu.memory_space<semaphore_mem>>)
          %dma_wait3A_455 = arith.constant 0 : i32
          %dma_wait3A_456 = tpu.memref_slice %arg11[%run_scoped3A_329, %dma_wait3A_455] : memref<2x160xi32, #tpu.memory_space<vmem>> -> memref<1x160xi32, #tpu.memory_space<vmem>>
          %dma_wait3A_457 = tpu.memref_squeeze %dma_wait3A_456 : memref<1x160xi32, #tpu.memory_space<vmem>> -> memref<160xi32, #tpu.memory_space<vmem>>
          %dma_wait3A_458 = tpu.memref_slice %arg5[%add3A_328] : memref<320000xi32, #tpu.memory_space<hbm>> -> memref<160xi32, #tpu.memory_space<hbm>>
          %dma_wait3A_459 = arith.constant 0 : i32
          %dma_wait3A_460 = tpu.memref_slice %arg11[%run_scoped3A_329, %dma_wait3A_459] : memref<2x160xi32, #tpu.memory_space<vmem>> -> memref<1x160xi32, #tpu.memory_space<vmem>>
          %dma_wait3A_461 = tpu.memref_squeeze %dma_wait3A_460 : memref<1x160xi32, #tpu.memory_space<vmem>> -> memref<160xi32, #tpu.memory_space<vmem>>
          %dma_wait3A_462 = tpu.memref_slice %arg5[%add3A_328] : memref<320000xi32, #tpu.memory_space<hbm>> -> memref<160xi32, #tpu.memory_space<hbm>>
          tpu.wait_dma2 semaphore(%run_scoped3A_446 : memref<!tpu.dma_semaphore, #tpu.memory_space<semaphore_mem>>) src(%dma_wait3A_462 : memref<160xi32, #tpu.memory_space<hbm>>) dst(%dma_wait3A_461 : memref<160xi32, #tpu.memory_space<vmem>>)
          tpu.yield
        }) : () -> ()
        %mul3A_330 = arith.constant 160 : i32
        %mul3A_331 = arith.muli %add3A_325, %mul3A_330 : i32
        %add3A_332 = arith.addi %mul3A_0, %mul3A_331 : i32
        %run_scoped3A_333 = arith.constant 1 : i32
        "tpu.region"() ({
          %run_scoped3A_446 = tpu.sem_alloc : memref<!tpu.dma_semaphore, #tpu.memory_space<semaphore_mem>>
          %dma_start3A_447 = arith.constant 0 : i32
          %dma_start3A_448 = tpu.memref_slice %arg12[%run_scoped3A_333, %dma_start3A_447] : memref<2x160xi32, #tpu.memory_space<vmem>> -> memref<1x160xi32, #tpu.memory_space<vmem>>
          %dma_start3A_449 = tpu.memref_squeeze %dma_start3A_448 : memref<1x160xi32, #tpu.memory_space<vmem>> -> memref<160xi32, #tpu.memory_space<vmem>>
          %dma_start3A_450 = tpu.memref_slice %arg6[%add3A_332] : memref<320000xi32, #tpu.memory_space<hbm>> -> memref<160xi32, #tpu.memory_space<hbm>>
          %dma_start3A_451 = arith.constant 0 : i32
          %dma_start3A_452 = tpu.memref_slice %arg12[%run_scoped3A_333, %dma_start3A_451] : memref<2x160xi32, #tpu.memory_space<vmem>> -> memref<1x160xi32, #tpu.memory_space<vmem>>
          %dma_start3A_453 = tpu.memref_squeeze %dma_start3A_452 : memref<1x160xi32, #tpu.memory_space<vmem>> -> memref<160xi32, #tpu.memory_space<vmem>>
          %dma_start3A_454 = tpu.memref_slice %arg6[%add3A_332] : memref<320000xi32, #tpu.memory_space<hbm>> -> memref<160xi32, #tpu.memory_space<hbm>>
          tpu.enqueue_dma source(%dma_start3A_454 : memref<160xi32, #tpu.memory_space<hbm>>) target(%dma_start3A_453 : memref<160xi32, #tpu.memory_space<vmem>>) target_semaphore(%run_scoped3A_446 : memref<!tpu.dma_semaphore, #tpu.memory_space<semaphore_mem>>)
          %dma_wait3A_455 = arith.constant 0 : i32
          %dma_wait3A_456 = tpu.memref_slice %arg12[%run_scoped3A_333, %dma_wait3A_455] : memref<2x160xi32, #tpu.memory_space<vmem>> -> memref<1x160xi32, #tpu.memory_space<vmem>>
          %dma_wait3A_457 = tpu.memref_squeeze %dma_wait3A_456 : memref<1x160xi32, #tpu.memory_space<vmem>> -> memref<160xi32, #tpu.memory_space<vmem>>
          %dma_wait3A_458 = tpu.memref_slice %arg6[%add3A_332] : memref<320000xi32, #tpu.memory_space<hbm>> -> memref<160xi32, #tpu.memory_space<hbm>>
          %dma_wait3A_459 = arith.constant 0 : i32
          %dma_wait3A_460 = tpu.memref_slice %arg12[%run_scoped3A_333, %dma_wait3A_459] : memref<2x160xi32, #tpu.memory_space<vmem>> -> memref<1x160xi32, #tpu.memory_space<vmem>>
          %dma_wait3A_461 = tpu.memref_squeeze %dma_wait3A_460 : memref<1x160xi32, #tpu.memory_space<vmem>> -> memref<160xi32, #tpu.memory_space<vmem>>
          %dma_wait3A_462 = tpu.memref_slice %arg6[%add3A_332] : memref<320000xi32, #tpu.memory_space<hbm>> -> memref<160xi32, #tpu.memory_space<hbm>>
          tpu.wait_dma2 semaphore(%run_scoped3A_446 : memref<!tpu.dma_semaphore, #tpu.memory_space<semaphore_mem>>) src(%dma_wait3A_462 : memref<160xi32, #tpu.memory_space<hbm>>) dst(%dma_wait3A_461 : memref<160xi32, #tpu.memory_space<vmem>>)
          tpu.yield
        }) : () -> ()
        %get3A_334 = arith.constant 1 : i32
        %get3A_335 = arith.index_cast %get3A_334 : i32 to index
        %get3A_336 = arith.constant 0 : index
        %get3A_337 = tpu.vector_load %arg11[%get3A_335, %get3A_336] {strides = array<i32>} : memref<2x160xi32, #tpu.memory_space<vmem>>, vector<16xi32>,
        %add3A_338 = vector.broadcast %mul3A_10 : i32 to vector<16xi32>
        %add3A_339 = arith.addi %get3A_337, %add3A_338 : vector<16xi32>
        %swap3A_340 = arith.constant 1 : i32
        %swap3A_341 = arith.index_cast %swap3A_340 : i32 to index
        %swap3A_342 = arith.constant 0 : index
        %swap3A_343 = tpu.vector_load %arg11[%swap3A_341, %swap3A_342] {strides = array<i32>} : memref<2x160xi32, #tpu.memory_space<vmem>>, vector<16xi32>,
        tpu.vector_store %arg11[%swap3A_341, %swap3A_342], %add3A_339 {strides = array<i32>} : memref<2x160xi32, #tpu.memory_space<vmem>>, vector<16xi32>,
        %get3A_344 = arith.constant 1 : i32
        %get3A_345 = arith.index_cast %get3A_344 : i32 to index
        %get3A_346 = arith.constant 16 : index
        %get3A_347 = tpu.vector_load %arg11[%get3A_345, %get3A_346] {strides = array<i32>} : memref<2x160xi32, #tpu.memory_space<vmem>>, vector<16xi32>,
        %add3A_348 = vector.broadcast %mul3A_10 : i32 to vector<16xi32>
        %add3A_349 = arith.addi %get3A_347, %add3A_348 : vector<16xi32>
        %swap3A_350 = arith.constant 1 : i32
        %swap3A_351 = arith.index_cast %swap3A_350 : i32 to index
        %swap3A_352 = arith.constant 16 : index
        %swap3A_353 = tpu.vector_load %arg11[%swap3A_351, %swap3A_352] {strides = array<i32>} : memref<2x160xi32, #tpu.memory_space<vmem>>, vector<16xi32>,
        tpu.vector_store %arg11[%swap3A_351, %swap3A_352], %add3A_349 {strides = array<i32>} : memref<2x160xi32, #tpu.memory_space<vmem>>, vector<16xi32>,
        %get3A_354 = arith.constant 1 : i32
        %get3A_355 = arith.index_cast %get3A_354 : i32 to index
        %get3A_356 = arith.constant 32 : index
        %get3A_357 = tpu.vector_load %arg11[%get3A_355, %get3A_356] {strides = array<i32>} : memref<2x160xi32, #tpu.memory_space<vmem>>, vector<16xi32>,
        %add3A_358 = vector.broadcast %mul3A_10 : i32 to vector<16xi32>
        %add3A_359 = arith.addi %get3A_357, %add3A_358 : vector<16xi32>
        %swap3A_360 = arith.constant 1 : i32
        %swap3A_361 = arith.index_cast %swap3A_360 : i32 to index
        %swap3A_362 = arith.constant 32 : index
        %swap3A_363 = tpu.vector_load %arg11[%swap3A_361, %swap3A_362] {strides = array<i32>} : memref<2x160xi32, #tpu.memory_space<vmem>>, vector<16xi32>,
        tpu.vector_store %arg11[%swap3A_361, %swap3A_362], %add3A_359 {strides = array<i32>} : memref<2x160xi32, #tpu.memory_space<vmem>>, vector<16xi32>,
        %get3A_364 = arith.constant 1 : i32
        %get3A_365 = arith.index_cast %get3A_364 : i32 to index
        %get3A_366 = arith.constant 48 : index
        %get3A_367 = tpu.vector_load %arg11[%get3A_365, %get3A_366] {strides = array<i32>} : memref<2x160xi32, #tpu.memory_space<vmem>>, vector<16xi32>,
        %add3A_368 = vector.broadcast %mul3A_10 : i32 to vector<16xi32>
        %add3A_369 = arith.addi %get3A_367, %add3A_368 : vector<16xi32>
        %swap3A_370 = arith.constant 1 : i32
        %swap3A_371 = arith.index_cast %swap3A_370 : i32 to index
        %swap3A_372 = arith.constant 48 : index
        %swap3A_373 = tpu.vector_load %arg11[%swap3A_371, %swap3A_372] {strides = array<i32>} : memref<2x160xi32, #tpu.memory_space<vmem>>, vector<16xi32>,
        tpu.vector_store %arg11[%swap3A_371, %swap3A_372], %add3A_369 {strides = array<i32>} : memref<2x160xi32, #tpu.memory_space<vmem>>, vector<16xi32>,
        %get3A_374 = arith.constant 1 : i32
        %get3A_375 = arith.index_cast %get3A_374 : i32 to index
        %get3A_376 = arith.constant 64 : index
        %get3A_377 = tpu.vector_load %arg11[%get3A_375, %get3A_376] {strides = array<i32>} : memref<2x160xi32, #tpu.memory_space<vmem>>, vector<16xi32>,
        %add3A_378 = vector.broadcast %mul3A_10 : i32 to vector<16xi32>
        %add3A_379 = arith.addi %get3A_377, %add3A_378 : vector<16xi32>
        %swap3A_380 = arith.constant 1 : i32
        %swap3A_381 = arith.index_cast %swap3A_380 : i32 to index
        %swap3A_382 = arith.constant 64 : index
        %swap3A_383 = tpu.vector_load %arg11[%swap3A_381, %swap3A_382] {strides = array<i32>} : memref<2x160xi32, #tpu.memory_space<vmem>>, vector<16xi32>,
        tpu.vector_store %arg11[%swap3A_381, %swap3A_382], %add3A_379 {strides = array<i32>} : memref<2x160xi32, #tpu.memory_space<vmem>>, vector<16xi32>,
        %get3A_384 = arith.constant 1 : i32
        %get3A_385 = arith.index_cast %get3A_384 : i32 to index
        %get3A_386 = arith.constant 80 : index
        %get3A_387 = tpu.vector_load %arg11[%get3A_385, %get3A_386] {strides = array<i32>} : memref<2x160xi32, #tpu.memory_space<vmem>>, vector<16xi32>,
        %add3A_388 = vector.broadcast %mul3A_10 : i32 to vector<16xi32>
        %add3A_389 = arith.addi %get3A_387, %add3A_388 : vector<16xi32>
        %swap3A_390 = arith.constant 1 : i32
        %swap3A_391 = arith.index_cast %swap3A_390 : i32 to index
        %swap3A_392 = arith.constant 80 : index
        %swap3A_393 = tpu.vector_load %arg11[%swap3A_391, %swap3A_392] {strides = array<i32>} : memref<2x160xi32, #tpu.memory_space<vmem>>, vector<16xi32>,
        tpu.vector_store %arg11[%swap3A_391, %swap3A_392], %add3A_389 {strides = array<i32>} : memref<2x160xi32, #tpu.memory_space<vmem>>, vector<16xi32>,
        %get3A_394 = arith.constant 1 : i32
        %get3A_395 = arith.index_cast %get3A_394 : i32 to index
        %get3A_396 = arith.constant 96 : index
        %get3A_397 = tpu.vector_load %arg11[%get3A_395, %get3A_396] {strides = array<i32>} : memref<2x160xi32, #tpu.memory_space<vmem>>, vector<16xi32>,
        %add3A_398 = vector.broadcast %mul3A_10 : i32 to vector<16xi32>
        %add3A_399 = arith.addi %get3A_397, %add3A_398 : vector<16xi32>
        %swap3A_400 = arith.constant 1 : i32
        %swap3A_401 = arith.index_cast %swap3A_400 : i32 to index
        %swap3A_402 = arith.constant 96 : index
        %swap3A_403 = tpu.vector_load %arg11[%swap3A_401, %swap3A_402] {strides = array<i32>} : memref<2x160xi32, #tpu.memory_space<vmem>>, vector<16xi32>,
        tpu.vector_store %arg11[%swap3A_401, %swap3A_402], %add3A_399 {strides = array<i32>} : memref<2x160xi32, #tpu.memory_space<vmem>>, vector<16xi32>,
        %get3A_404 = arith.constant 1 : i32
        %get3A_405 = arith.index_cast %get3A_404 : i32 to index
        %get3A_406 = arith.constant 112 : index
        %get3A_407 = tpu.vector_load %arg11[%get3A_405, %get3A_406] {strides = array<i32>} : memref<2x160xi32, #tpu.memory_space<vmem>>, vector<16xi32>,
        %add3A_408 = vector.broadcast %mul3A_10 : i32 to vector<16xi32>
        %add3A_409 = arith.addi %get3A_407, %add3A_408 : vector<16xi32>
        %swap3A_410 = arith.constant 1 : i32
        %swap3A_411 = arith.index_cast %swap3A_410 : i32 to index
        %swap3A_412 = arith.constant 112 : index
        %swap3A_413 = tpu.vector_load %arg11[%swap3A_411, %swap3A_412] {strides = array<i32>} : memref<2x160xi32, #tpu.memory_space<vmem>>, vector<16xi32>,
        tpu.vector_store %arg11[%swap3A_411, %swap3A_412], %add3A_409 {strides = array<i32>} : memref<2x160xi32, #tpu.memory_space<vmem>>, vector<16xi32>,
        %get3A_414 = arith.constant 1 : i32
        %get3A_415 = arith.index_cast %get3A_414 : i32 to index
        %get3A_416 = arith.constant 128 : index
        %get3A_417 = tpu.vector_load %arg11[%get3A_415, %get3A_416] {strides = array<i32>} : memref<2x160xi32, #tpu.memory_space<vmem>>, vector<16xi32>,
        %add3A_418 = vector.broadcast %mul3A_10 : i32 to vector<16xi32>
        %add3A_419 = arith.addi %get3A_417, %add3A_418 : vector<16xi32>
        %swap3A_420 = arith.constant 1 : i32
        %swap3A_421 = arith.index_cast %swap3A_420 : i32 to index
        %swap3A_422 = arith.constant 128 : index
        %swap3A_423 = tpu.vector_load %arg11[%swap3A_421, %swap3A_422] {strides = array<i32>} : memref<2x160xi32, #tpu.memory_space<vmem>>, vector<16xi32>,
        tpu.vector_store %arg11[%swap3A_421, %swap3A_422], %add3A_419 {strides = array<i32>} : memref<2x160xi32, #tpu.memory_space<vmem>>, vector<16xi32>,
        %get3A_424 = arith.constant 1 : i32
        %get3A_425 = arith.index_cast %get3A_424 : i32 to index
        %get3A_426 = arith.constant 144 : index
        %get3A_427 = tpu.vector_load %arg11[%get3A_425, %get3A_426] {strides = array<i32>} : memref<2x160xi32, #tpu.memory_space<vmem>>, vector<16xi32>,
        %add3A_428 = vector.broadcast %mul3A_10 : i32 to vector<16xi32>
        %add3A_429 = arith.addi %get3A_427, %add3A_428 : vector<16xi32>
        %swap3A_430 = arith.constant 1 : i32
        %swap3A_431 = arith.index_cast %swap3A_430 : i32 to index
        %swap3A_432 = arith.constant 144 : index
        %swap3A_433 = tpu.vector_load %arg11[%swap3A_431, %swap3A_432] {strides = array<i32>} : memref<2x160xi32, #tpu.memory_space<vmem>>, vector<16xi32>,
        tpu.vector_store %arg11[%swap3A_431, %swap3A_432], %add3A_429 {strides = array<i32>} : memref<2x160xi32, #tpu.memory_space<vmem>>, vector<16xi32>,
        %dma_start3A_434 = arith.constant 1 : i32
        %dma_start3A_435 = arith.constant 1 : i32
        %dma_start3A_436 = arith.constant 0 : i32
        %dma_start3A_437 = arith.constant 0 : i32
        %dma_start3A_438 = tpu.memref_slice %arg13[%dma_start3A_435, %dma_start3A_436, %dma_start3A_437] : memref<2x160x64xf32, #tpu.memory_space<vmem>> -> memref<1x160x64xf32, #tpu.memory_space<vmem>>
        %dma_start3A_439 = tpu.memref_squeeze %dma_start3A_438 : memref<1x160x64xf32, #tpu.memory_space<vmem>> -> memref<160x64xf32, #tpu.memory_space<vmem>>
        %dma_start3A_440 = arith.constant 0 : i32
        %dma_start3A_441 = tpu.memref_slice %arg11[%dma_start3A_434, %dma_start3A_440] : memref<2x160xi32, #tpu.memory_space<vmem>> -> memref<1x160xi32, #tpu.memory_space<vmem>>
        %dma_start3A_442 = tpu.memref_squeeze %dma_start3A_441 : memref<1x160xi32, #tpu.memory_space<vmem>> -> memref<160xi32, #tpu.memory_space<vmem>>
        %dma_start3A_443 = arith.constant 0 : i32
        %dma_start3A_444 = arith.constant 0 : i32
        %dma_start3A_445 = tpu.memref_slice %arg2[%dma_start3A_443, %dma_start3A_444] : memref<20000x64xf32, #tpu.memory_space<hbm>> -> memref<20000x64xf32, #tpu.memory_space<hbm>>
        tpu.enqueue_indirect_dma source(%dma_start3A_445 : memref<20000x64xf32, #tpu.memory_space<hbm>>) target(%dma_start3A_439 : memref<160x64xf32, #tpu.memory_space<vmem>>) offsets(%dma_start3A_442 : memref<160xi32, #tpu.memory_space<vmem>>) semaphore(%arg18 : memref<!tpu.dma_semaphore, #tpu.memory_space<semaphore_mem>>)
      } else {
      }
      %scan3A_236 = arith.constant 0 : i32
      %scan3A_237 = arith.constant 0 : i32
      %scan3A_238 = arith.constant 10 : i32
      %scan3A_239 = arith.addi %scan3A_237, %scan3A_238 : i32
      %scan3A_240 = arith.constant 1 : i32
      %scan3A_241 = scf.for %scan3A_324 = %scan3A_237 to %scan3A_239 step %scan3A_240 iter_args(%scan3A_325 = %scan3A_236) -> (i32)  : i32 {
        %mul3A_326 = arith.constant 16 : i32
        %mul3A_327 = arith.muli %scan3A_324, %mul3A_326 : i32
        %get3A_328 = arith.constant 0 : i32
        %get3A_329 = arith.index_cast %get3A_328 : i32 to index
        %get3A_330 = arith.index_cast %mul3A_327 : i32 to index
        %get3A_331 = tpu.vector_load %arg11[%get3A_329, %get3A_330] {strides = array<i32>} : memref<2x160xi32, #tpu.memory_space<vmem>>, vector<16xi32>,
        %get3A_332 = arith.constant 0 : i32
        %get3A_333 = arith.index_cast %get3A_332 : i32 to index
        %get3A_334 = arith.index_cast %mul3A_327 : i32 to index
        %get3A_335 = tpu.vector_load %arg12[%get3A_333, %get3A_334] {strides = array<i32>} : memref<2x160xi32, #tpu.memory_space<vmem>>, vector<16xi32>,
        %mul3A_336 = arith.constant 2 : i32
        %mul3A_337 = vector.broadcast %mul3A_336 : i32 to vector<16xi32>
        %mul3A_338 = arith.muli %get3A_331, %mul3A_337 : vector<16xi32>
        %sub3A = vector.broadcast %mul3A_36 : i32 to vector<16xi32>
        %sub3A_339 = arith.subi %mul3A_338, %sub3A : vector<16xi32>
        %mul3A_340 = arith.constant 2 : i32
        %mul3A_341 = vector.broadcast %mul3A_340 : i32 to vector<16xi32>
        %mul3A_342 = arith.muli %get3A_335, %mul3A_341 : vector<16xi32>
        %add3A_343 = arith.constant 0 : i32
        %add3A_344 = vector.broadcast %add3A_343 : i32 to vector<16xi32>
        %add3A_345 = arith.addi %sub3A_339, %add3A_344 : vector<16xi32>
        %gather3A = tpu.vector_load_idx %arg9[%add3A_345] : memref<20000xf32, #tpu.memory_space<vmem>>[vector<16xi32>], vector<16xf32>,
        %add3A_346 = arith.constant 0 : i32
        %add3A_347 = vector.broadcast %add3A_346 : i32 to vector<16xi32>
        %add3A_348 = arith.addi %mul3A_342, %add3A_347 : vector<16xi32>
        %gather3A_349 = tpu.vector_load_idx %arg10[%add3A_348] : memref<20000xf32, #tpu.memory_space<vmem>>[vector<16xi32>], vector<16xf32>,
        %add3A_350 = arith.addf %gather3A, %gather3A_349 : vector<16xf32>
        %ge3A = arith.constant 0.000000e+00 : f32
        %ge3A_351 = vector.broadcast %ge3A : f32 to vector<16xf32>
        %ge3A_352 = arith.cmpf oge, %add3A_350, %ge3A_351 : vector<16xf32>
        %mul3A_353 = arith.constant 2.000000e-01 : f32
        %mul3A_354 = vector.broadcast %mul3A_353 : f32 to vector<16xf32>
        %mul3A_355 = arith.mulf %mul3A_354, %add3A_350 : vector<16xf32>
        %select_n3A = arith.select %ge3A_352, %add3A_350, %mul3A_355 : vector<16xi1>, vector<16xf32>
        %exp3A = math.exp %select_n3A : vector<16xf32>
        %add3A_356 = vector.broadcast %mul3A_327 : i32 to vector<16xi32>
        %add3A_357 = arith.addi %add3A_356, %iota3A : vector<16xi32>
        %broadcast_in_dim3A_358 = arith.constant 0 : i32
        %broadcast_in_dim3A_359 = vector.broadcast %broadcast_in_dim3A_358 : i32 to vector<16xi32>
        tpu.vector_store_idx %arg14[%add3A_357, %broadcast_in_dim3A_359], %exp3A : memref<160x16xf32, #tpu.memory_space<vmem>>[vector<16xi32>, vector<16xi32>], vector<16xf32>,
        %add3A_360 = arith.constant 1 : i32
        %add3A_361 = vector.broadcast %add3A_360 : i32 to vector<16xi32>
        %add3A_362 = arith.addi %sub3A_339, %add3A_361 : vector<16xi32>
        %gather3A_363 = tpu.vector_load_idx %arg9[%add3A_362] : memref<20000xf32, #tpu.memory_space<vmem>>[vector<16xi32>], vector<16xf32>,
        %add3A_364 = arith.constant 1 : i32
        %add3A_365 = vector.broadcast %add3A_364 : i32 to vector<16xi32>
        %add3A_366 = arith.addi %mul3A_342, %add3A_365 : vector<16xi32>
        %gather3A_367 = tpu.vector_load_idx %arg10[%add3A_366] : memref<20000xf32, #tpu.memory_space<vmem>>[vector<16xi32>], vector<16xf32>,
        %add3A_368 = arith.addf %gather3A_363, %gather3A_367 : vector<16xf32>
        %ge3A_369 = arith.constant 0.000000e+00 : f32
        %ge3A_370 = vector.broadcast %ge3A_369 : f32 to vector<16xf32>
        %ge3A_371 = arith.cmpf oge, %add3A_368, %ge3A_370 : vector<16xf32>
        %mul3A_372 = arith.constant 2.000000e-01 : f32
        %mul3A_373 = vector.broadcast %mul3A_372 : f32 to vector<16xf32>
        %mul3A_374 = arith.mulf %mul3A_373, %add3A_368 : vector<16xf32>
        %select_n3A_375 = arith.select %ge3A_371, %add3A_368, %mul3A_374 : vector<16xi1>, vector<16xf32>
        %exp3A_376 = math.exp %select_n3A_375 : vector<16xf32>
        %add3A_377 = vector.broadcast %mul3A_327 : i32 to vector<16xi32>
        %add3A_378 = arith.addi %add3A_377, %iota3A : vector<16xi32>
        %broadcast_in_dim3A_379 = arith.constant 1 : i32
        %broadcast_in_dim3A_380 = vector.broadcast %broadcast_in_dim3A_379 : i32 to vector<16xi32>
        tpu.vector_store_idx %arg14[%add3A_378, %broadcast_in_dim3A_380], %exp3A_376 : memref<160x16xf32, #tpu.memory_space<vmem>>[vector<16xi32>, vector<16xi32>], vector<16xf32>,
        %add3A_381 = arith.constant 0 : i32
        %add3A_382 = arith.addi %mul3A_327, %add3A_381 : i32
        %slice3A = vector.extract_strided_slice %exp3A {offsets = [0], sizes = [1], strides = [1]} : vector<16xf32> to vector<1xf32>
        %squeeze3A = vector.extract %slice3A[0] : f32 from vector<1xf32>
        %broadcast_in_dim3A_383 = vector.broadcast %squeeze3A : f32 to vector<16xf32>
        %slice3A_384 = vector.extract_strided_slice %exp3A_376 {offsets = [0], sizes = [1], strides = [1]} : vector<16xf32> to vector<1xf32>
        %squeeze3A_385 = vector.extract %slice3A_384[0] : f32 from vector<1xf32>
        %broadcast_in_dim3A_386 = vector.broadcast %squeeze3A_385 : f32 to vector<16xf32>
        %get3A_387 = arith.constant 0 : i32
        %get3A_388 = arith.index_cast %get3A_387 : i32 to index
        %get3A_389 = arith.index_cast %add3A_382 : i32 to index
        %get3A_390 = arith.constant 0 : index
        %get3A_391 = tpu.vector_load %arg13[%get3A_388, %get3A_389, %get3A_390] {strides = array<i32>} : memref<2x160x64xf32, #tpu.memory_space<vmem>>, vector<16xf32>,
        %mul3A_392 = arith.mulf %get3A_391, %broadcast_in_dim3A_383 : vector<16xf32>
        %swap3A_393 = arith.constant 0 : i32
        %swap3A_394 = arith.index_cast %swap3A_393 : i32 to index
        %swap3A_395 = arith.index_cast %add3A_382 : i32 to index
        %swap3A_396 = arith.constant 0 : index
        %swap3A_397 = tpu.vector_load %arg13[%swap3A_394, %swap3A_395, %swap3A_396] {strides = array<i32>} : memref<2x160x64xf32, #tpu.memory_space<vmem>>, vector<16xf32>,
        tpu.vector_store %arg13[%swap3A_394, %swap3A_395, %swap3A_396], %mul3A_392 {strides = array<i32>} : memref<2x160x64xf32, #tpu.memory_space<vmem>>, vector<16xf32>,
        %get3A_398 = arith.constant 0 : i32
        %get3A_399 = arith.index_cast %get3A_398 : i32 to index
        %get3A_400 = arith.index_cast %add3A_382 : i32 to index
        %get3A_401 = arith.constant 16 : index
        %get3A_402 = tpu.vector_load %arg13[%get3A_399, %get3A_400, %get3A_401] {strides = array<i32>} : memref<2x160x64xf32, #tpu.memory_space<vmem>>, vector<16xf32>,
        %mul3A_403 = arith.mulf %get3A_402, %broadcast_in_dim3A_383 : vector<16xf32>
        %swap3A_404 = arith.constant 0 : i32
        %swap3A_405 = arith.index_cast %swap3A_404 : i32 to index
        %swap3A_406 = arith.index_cast %add3A_382 : i32 to index
        %swap3A_407 = arith.constant 16 : index
        %swap3A_408 = tpu.vector_load %arg13[%swap3A_405, %swap3A_406, %swap3A_407] {strides = array<i32>} : memref<2x160x64xf32, #tpu.memory_space<vmem>>, vector<16xf32>,
        tpu.vector_store %arg13[%swap3A_405, %swap3A_406, %swap3A_407], %mul3A_403 {strides = array<i32>} : memref<2x160x64xf32, #tpu.memory_space<vmem>>, vector<16xf32>,
        %get3A_409 = arith.constant 0 : i32
        %get3A_410 = arith.index_cast %get3A_409 : i32 to index
        %get3A_411 = arith.index_cast %add3A_382 : i32 to index
        %get3A_412 = arith.constant 32 : index
        %get3A_413 = tpu.vector_load %arg13[%get3A_410, %get3A_411, %get3A_412] {strides = array<i32>} : memref<2x160x64xf32, #tpu.memory_space<vmem>>, vector<16xf32>,
        %mul3A_414 = arith.mulf %get3A_413, %broadcast_in_dim3A_386 : vector<16xf32>
        %swap3A_415 = arith.constant 0 : i32
        %swap3A_416 = arith.index_cast %swap3A_415 : i32 to index
        %swap3A_417 = arith.index_cast %add3A_382 : i32 to index
        %swap3A_418 = arith.constant 32 : index
        %swap3A_419 = tpu.vector_load %arg13[%swap3A_416, %swap3A_417, %swap3A_418] {strides = array<i32>} : memref<2x160x64xf32, #tpu.memory_space<vmem>>, vector<16xf32>,
        tpu.vector_store %arg13[%swap3A_416, %swap3A_417, %swap3A_418], %mul3A_414 {strides = array<i32>} : memref<2x160x64xf32, #tpu.memory_space<vmem>>, vector<16xf32>,
        %get3A_420 = arith.constant 0 : i32
        %get3A_421 = arith.index_cast %get3A_420 : i32 to index
        %get3A_422 = arith.index_cast %add3A_382 : i32 to index
        %get3A_423 = arith.constant 48 : index
        %get3A_424 = tpu.vector_load %arg13[%get3A_421, %get3A_422, %get3A_423] {strides = array<i32>} : memref<2x160x64xf32, #tpu.memory_space<vmem>>, vector<16xf32>,
        %mul3A_425 = arith.mulf %get3A_424, %broadcast_in_dim3A_386 : vector<16xf32>
        %swap3A_426 = arith.constant 0 : i32
        %swap3A_427 = arith.index_cast %swap3A_426 : i32 to index
        %swap3A_428 = arith.index_cast %add3A_382 : i32 to index
        %swap3A_429 = arith.constant 48 : index
        %swap3A_430 = tpu.vector_load %arg13[%swap3A_427, %swap3A_428, %swap3A_429] {strides = array<i32>} : memref<2x160x64xf32, #tpu.memory_space<vmem>>, vector<16xf32>,
        tpu.vector_store %arg13[%swap3A_427, %swap3A_428, %swap3A_429], %mul3A_425 {strides = array<i32>} : memref<2x160x64xf32, #tpu.memory_space<vmem>>, vector<16xf32>,
        %add3A_431 = arith.constant 1 : i32
        %add3A_432 = arith.addi %mul3A_327, %add3A_431 : i32
        %slice3A_433 = vector.extract_strided_slice %exp3A {offsets = [1], sizes = [1], strides = [1]} : vector<16xf32> to vector<1xf32>
        %squeeze3A_434 = vector.extract %slice3A_433[0] : f32 from vector<1xf32>
        %broadcast_in_dim3A_435 = vector.broadcast %squeeze3A_434 : f32 to vector<16xf32>
        %slice3A_436 = vector.extract_strided_slice %exp3A_376 {offsets = [1], sizes = [1], strides = [1]} : vector<16xf32> to vector<1xf32>
        %squeeze3A_437 = vector.extract %slice3A_436[0] : f32 from vector<1xf32>
        %broadcast_in_dim3A_438 = vector.broadcast %squeeze3A_437 : f32 to vector<16xf32>
        %get3A_439 = arith.constant 0 : i32
        %get3A_440 = arith.index_cast %get3A_439 : i32 to index
        %get3A_441 = arith.index_cast %add3A_432 : i32 to index
        %get3A_442 = arith.constant 0 : index
        %get3A_443 = tpu.vector_load %arg13[%get3A_440, %get3A_441, %get3A_442] {strides = array<i32>} : memref<2x160x64xf32, #tpu.memory_space<vmem>>, vector<16xf32>,
        %mul3A_444 = arith.mulf %get3A_443, %broadcast_in_dim3A_435 : vector<16xf32>
        %swap3A_445 = arith.constant 0 : i32
        %swap3A_446 = arith.index_cast %swap3A_445 : i32 to index
        %swap3A_447 = arith.index_cast %add3A_432 : i32 to index
        %swap3A_448 = arith.constant 0 : index
        %swap3A_449 = tpu.vector_load %arg13[%swap3A_446, %swap3A_447, %swap3A_448] {strides = array<i32>} : memref<2x160x64xf32, #tpu.memory_space<vmem>>, vector<16xf32>,
        tpu.vector_store %arg13[%swap3A_446, %swap3A_447, %swap3A_448], %mul3A_444 {strides = array<i32>} : memref<2x160x64xf32, #tpu.memory_space<vmem>>, vector<16xf32>,
        %get3A_450 = arith.constant 0 : i32
        %get3A_451 = arith.index_cast %get3A_450 : i32 to index
        %get3A_452 = arith.index_cast %add3A_432 : i32 to index
        %get3A_453 = arith.constant 16 : index
        %get3A_454 = tpu.vector_load %arg13[%get3A_451, %get3A_452, %get3A_453] {strides = array<i32>} : memref<2x160x64xf32, #tpu.memory_space<vmem>>, vector<16xf32>,
        %mul3A_455 = arith.mulf %get3A_454, %broadcast_in_dim3A_435 : vector<16xf32>
        %swap3A_456 = arith.constant 0 : i32
        %swap3A_457 = arith.index_cast %swap3A_456 : i32 to index
        %swap3A_458 = arith.index_cast %add3A_432 : i32 to index
        %swap3A_459 = arith.constant 16 : index
        %swap3A_460 = tpu.vector_load %arg13[%swap3A_457, %swap3A_458, %swap3A_459] {strides = array<i32>} : memref<2x160x64xf32, #tpu.memory_space<vmem>>, vector<16xf32>,
        tpu.vector_store %arg13[%swap3A_457, %swap3A_458, %swap3A_459], %mul3A_455 {strides = array<i32>} : memref<2x160x64xf32, #tpu.memory_space<vmem>>, vector<16xf32>,
        %get3A_461 = arith.constant 0 : i32
        %get3A_462 = arith.index_cast %get3A_461 : i32 to index
        %get3A_463 = arith.index_cast %add3A_432 : i32 to index
        %get3A_464 = arith.constant 32 : index
        %get3A_465 = tpu.vector_load %arg13[%get3A_462, %get3A_463, %get3A_464] {strides = array<i32>} : memref<2x160x64xf32, #tpu.memory_space<vmem>>, vector<16xf32>,
        %mul3A_466 = arith.mulf %get3A_465, %broadcast_in_dim3A_438 : vector<16xf32>
        %swap3A_467 = arith.constant 0 : i32
        %swap3A_468 = arith.index_cast %swap3A_467 : i32 to index
        %swap3A_469 = arith.index_cast %add3A_432 : i32 to index
        %swap3A_470 = arith.constant 32 : index
        %swap3A_471 = tpu.vector_load %arg13[%swap3A_468, %swap3A_469, %swap3A_470] {strides = array<i32>} : memref<2x160x64xf32, #tpu.memory_space<vmem>>, vector<16xf32>,
        tpu.vector_store %arg13[%swap3A_468, %swap3A_469, %swap3A_470], %mul3A_466 {strides = array<i32>} : memref<2x160x64xf32, #tpu.memory_space<vmem>>, vector<16xf32>,
        %get3A_472 = arith.constant 0 : i32
        %get3A_473 = arith.index_cast %get3A_472 : i32 to index
        %get3A_474 = arith.index_cast %add3A_432 : i32 to index
        %get3A_475 = arith.constant 48 : index
        %get3A_476 = tpu.vector_load %arg13[%get3A_473, %get3A_474, %get3A_475] {strides = array<i32>} : memref<2x160x64xf32, #tpu.memory_space<vmem>>, vector<16xf32>,
        %mul3A_477 = arith.mulf %get3A_476, %broadcast_in_dim3A_438 : vector<16xf32>
        %swap3A_478 = arith.constant 0 : i32
        %swap3A_479 = arith.index_cast %swap3A_478 : i32 to index
        %swap3A_480 = arith.index_cast %add3A_432 : i32 to index
        %swap3A_481 = arith.constant 48 : index
        %swap3A_482 = tpu.vector_load %arg13[%swap3A_479, %swap3A_480, %swap3A_481] {strides = array<i32>} : memref<2x160x64xf32, #tpu.memory_space<vmem>>, vector<16xf32>,
        tpu.vector_store %arg13[%swap3A_479, %swap3A_480, %swap3A_481], %mul3A_477 {strides = array<i32>} : memref<2x160x64xf32, #tpu.memory_space<vmem>>, vector<16xf32>,
        %add3A_483 = arith.constant 2 : i32
        %add3A_484 = arith.addi %mul3A_327, %add3A_483 : i32
        %slice3A_485 = vector.extract_strided_slice %exp3A {offsets = [2], sizes = [1], strides = [1]} : vector<16xf32> to vector<1xf32>
        %squeeze3A_486 = vector.extract %slice3A_485[0] : f32 from vector<1xf32>
        %broadcast_in_dim3A_487 = vector.broadcast %squeeze3A_486 : f32 to vector<16xf32>
        %slice3A_488 = vector.extract_strided_slice %exp3A_376 {offsets = [2], sizes = [1], strides = [1]} : vector<16xf32> to vector<1xf32>
        %squeeze3A_489 = vector.extract %slice3A_488[0] : f32 from vector<1xf32>
        %broadcast_in_dim3A_490 = vector.broadcast %squeeze3A_489 : f32 to vector<16xf32>
        %get3A_491 = arith.constant 0 : i32
        %get3A_492 = arith.index_cast %get3A_491 : i32 to index
        %get3A_493 = arith.index_cast %add3A_484 : i32 to index
        %get3A_494 = arith.constant 0 : index
        %get3A_495 = tpu.vector_load %arg13[%get3A_492, %get3A_493, %get3A_494] {strides = array<i32>} : memref<2x160x64xf32, #tpu.memory_space<vmem>>, vector<16xf32>,
        %mul3A_496 = arith.mulf %get3A_495, %broadcast_in_dim3A_487 : vector<16xf32>
        %swap3A_497 = arith.constant 0 : i32
        %swap3A_498 = arith.index_cast %swap3A_497 : i32 to index
        %swap3A_499 = arith.index_cast %add3A_484 : i32 to index
        %swap3A_500 = arith.constant 0 : index
        %swap3A_501 = tpu.vector_load %arg13[%swap3A_498, %swap3A_499, %swap3A_500] {strides = array<i32>} : memref<2x160x64xf32, #tpu.memory_space<vmem>>, vector<16xf32>,
        tpu.vector_store %arg13[%swap3A_498, %swap3A_499, %swap3A_500], %mul3A_496 {strides = array<i32>} : memref<2x160x64xf32, #tpu.memory_space<vmem>>, vector<16xf32>,
        %get3A_502 = arith.constant 0 : i32
        %get3A_503 = arith.index_cast %get3A_502 : i32 to index
        %get3A_504 = arith.index_cast %add3A_484 : i32 to index
        %get3A_505 = arith.constant 16 : index
        %get3A_506 = tpu.vector_load %arg13[%get3A_503, %get3A_504, %get3A_505] {strides = array<i32>} : memref<2x160x64xf32, #tpu.memory_space<vmem>>, vector<16xf32>,
        %mul3A_507 = arith.mulf %get3A_506, %broadcast_in_dim3A_487 : vector<16xf32>
        %swap3A_508 = arith.constant 0 : i32
        %swap3A_509 = arith.index_cast %swap3A_508 : i32 to index
        %swap3A_510 = arith.index_cast %add3A_484 : i32 to index
        %swap3A_511 = arith.constant 16 : index
        %swap3A_512 = tpu.vector_load %arg13[%swap3A_509, %swap3A_510, %swap3A_511] {strides = array<i32>} : memref<2x160x64xf32, #tpu.memory_space<vmem>>, vector<16xf32>,
        tpu.vector_store %arg13[%swap3A_509, %swap3A_510, %swap3A_511], %mul3A_507 {strides = array<i32>} : memref<2x160x64xf32, #tpu.memory_space<vmem>>, vector<16xf32>,
        %get3A_513 = arith.constant 0 : i32
        %get3A_514 = arith.index_cast %get3A_513 : i32 to index
        %get3A_515 = arith.index_cast %add3A_484 : i32 to index
        %get3A_516 = arith.constant 32 : index
        %get3A_517 = tpu.vector_load %arg13[%get3A_514, %get3A_515, %get3A_516] {strides = array<i32>} : memref<2x160x64xf32, #tpu.memory_space<vmem>>, vector<16xf32>,
        %mul3A_518 = arith.mulf %get3A_517, %broadcast_in_dim3A_490 : vector<16xf32>
        %swap3A_519 = arith.constant 0 : i32
        %swap3A_520 = arith.index_cast %swap3A_519 : i32 to index
        %swap3A_521 = arith.index_cast %add3A_484 : i32 to index
        %swap3A_522 = arith.constant 32 : index
        %swap3A_523 = tpu.vector_load %arg13[%swap3A_520, %swap3A_521, %swap3A_522] {strides = array<i32>} : memref<2x160x64xf32, #tpu.memory_space<vmem>>, vector<16xf32>,
        tpu.vector_store %arg13[%swap3A_520, %swap3A_521, %swap3A_522], %mul3A_518 {strides = array<i32>} : memref<2x160x64xf32, #tpu.memory_space<vmem>>, vector<16xf32>,
        %get3A_524 = arith.constant 0 : i32
        %get3A_525 = arith.index_cast %get3A_524 : i32 to index
        %get3A_526 = arith.index_cast %add3A_484 : i32 to index
        %get3A_527 = arith.constant 48 : index
        %get3A_528 = tpu.vector_load %arg13[%get3A_525, %get3A_526, %get3A_527] {strides = array<i32>} : memref<2x160x64xf32, #tpu.memory_space<vmem>>, vector<16xf32>,
        %mul3A_529 = arith.mulf %get3A_528, %broadcast_in_dim3A_490 : vector<16xf32>
        %swap3A_530 = arith.constant 0 : i32
        %swap3A_531 = arith.index_cast %swap3A_530 : i32 to index
        %swap3A_532 = arith.index_cast %add3A_484 : i32 to index
        %swap3A_533 = arith.constant 48 : index
        %swap3A_534 = tpu.vector_load %arg13[%swap3A_531, %swap3A_532, %swap3A_533] {strides = array<i32>} : memref<2x160x64xf32, #tpu.memory_space<vmem>>, vector<16xf32>,
        tpu.vector_store %arg13[%swap3A_531, %swap3A_532, %swap3A_533], %mul3A_529 {strides = array<i32>} : memref<2x160x64xf32, #tpu.memory_space<vmem>>, vector<16xf32>,
        %add3A_535 = arith.constant 3 : i32
        %add3A_536 = arith.addi %mul3A_327, %add3A_535 : i32
        %slice3A_537 = vector.extract_strided_slice %exp3A {offsets = [3], sizes = [1], strides = [1]} : vector<16xf32> to vector<1xf32>
        %squeeze3A_538 = vector.extract %slice3A_537[0] : f32 from vector<1xf32>
        %broadcast_in_dim3A_539 = vector.broadcast %squeeze3A_538 : f32 to vector<16xf32>
        %slice3A_540 = vector.extract_strided_slice %exp3A_376 {offsets = [3], sizes = [1], strides = [1]} : vector<16xf32> to vector<1xf32>
        %squeeze3A_541 = vector.extract %slice3A_540[0] : f32 from vector<1xf32>
        %broadcast_in_dim3A_542 = vector.broadcast %squeeze3A_541 : f32 to vector<16xf32>
        %get3A_543 = arith.constant 0 : i32
        %get3A_544 = arith.index_cast %get3A_543 : i32 to index
        %get3A_545 = arith.index_cast %add3A_536 : i32 to index
        %get3A_546 = arith.constant 0 : index
        %get3A_547 = tpu.vector_load %arg13[%get3A_544, %get3A_545, %get3A_546] {strides = array<i32>} : memref<2x160x64xf32, #tpu.memory_space<vmem>>, vector<16xf32>,
        %mul3A_548 = arith.mulf %get3A_547, %broadcast_in_dim3A_539 : vector<16xf32>
        %swap3A_549 = arith.constant 0 : i32
        %swap3A_550 = arith.index_cast %swap3A_549 : i32 to index
        %swap3A_551 = arith.index_cast %add3A_536 : i32 to index
        %swap3A_552 = arith.constant 0 : index
        %swap3A_553 = tpu.vector_load %arg13[%swap3A_550, %swap3A_551, %swap3A_552] {strides = array<i32>} : memref<2x160x64xf32, #tpu.memory_space<vmem>>, vector<16xf32>,
        tpu.vector_store %arg13[%swap3A_550, %swap3A_551, %swap3A_552], %mul3A_548 {strides = array<i32>} : memref<2x160x64xf32, #tpu.memory_space<vmem>>, vector<16xf32>,
        %get3A_554 = arith.constant 0 : i32
        %get3A_555 = arith.index_cast %get3A_554 : i32 to index
        %get3A_556 = arith.index_cast %add3A_536 : i32 to index
        %get3A_557 = arith.constant 16 : index
        %get3A_558 = tpu.vector_load %arg13[%get3A_555, %get3A_556, %get3A_557] {strides = array<i32>} : memref<2x160x64xf32, #tpu.memory_space<vmem>>, vector<16xf32>,
        %mul3A_559 = arith.mulf %get3A_558, %broadcast_in_dim3A_539 : vector<16xf32>
        %swap3A_560 = arith.constant 0 : i32
        %swap3A_561 = arith.index_cast %swap3A_560 : i32 to index
        %swap3A_562 = arith.index_cast %add3A_536 : i32 to index
        %swap3A_563 = arith.constant 16 : index
        %swap3A_564 = tpu.vector_load %arg13[%swap3A_561, %swap3A_562, %swap3A_563] {strides = array<i32>} : memref<2x160x64xf32, #tpu.memory_space<vmem>>, vector<16xf32>,
        tpu.vector_store %arg13[%swap3A_561, %swap3A_562, %swap3A_563], %mul3A_559 {strides = array<i32>} : memref<2x160x64xf32, #tpu.memory_space<vmem>>, vector<16xf32>,
        %get3A_565 = arith.constant 0 : i32
        %get3A_566 = arith.index_cast %get3A_565 : i32 to index
        %get3A_567 = arith.index_cast %add3A_536 : i32 to index
        %get3A_568 = arith.constant 32 : index
        %get3A_569 = tpu.vector_load %arg13[%get3A_566, %get3A_567, %get3A_568] {strides = array<i32>} : memref<2x160x64xf32, #tpu.memory_space<vmem>>, vector<16xf32>,
        %mul3A_570 = arith.mulf %get3A_569, %broadcast_in_dim3A_542 : vector<16xf32>
        %swap3A_571 = arith.constant 0 : i32
        %swap3A_572 = arith.index_cast %swap3A_571 : i32 to index
        %swap3A_573 = arith.index_cast %add3A_536 : i32 to index
        %swap3A_574 = arith.constant 32 : index
        %swap3A_575 = tpu.vector_load %arg13[%swap3A_572, %swap3A_573, %swap3A_574] {strides = array<i32>} : memref<2x160x64xf32, #tpu.memory_space<vmem>>, vector<16xf32>,
        tpu.vector_store %arg13[%swap3A_572, %swap3A_573, %swap3A_574], %mul3A_570 {strides = array<i32>} : memref<2x160x64xf32, #tpu.memory_space<vmem>>, vector<16xf32>,
        %get3A_576 = arith.constant 0 : i32
        %get3A_577 = arith.index_cast %get3A_576 : i32 to index
        %get3A_578 = arith.index_cast %add3A_536 : i32 to index
        %get3A_579 = arith.constant 48 : index
        %get3A_580 = tpu.vector_load %arg13[%get3A_577, %get3A_578, %get3A_579] {strides = array<i32>} : memref<2x160x64xf32, #tpu.memory_space<vmem>>, vector<16xf32>,
        %mul3A_581 = arith.mulf %get3A_580, %broadcast_in_dim3A_542 : vector<16xf32>
        %swap3A_582 = arith.constant 0 : i32
        %swap3A_583 = arith.index_cast %swap3A_582 : i32 to index
        %swap3A_584 = arith.index_cast %add3A_536 : i32 to index
        %swap3A_585 = arith.constant 48 : index
        %swap3A_586 = tpu.vector_load %arg13[%swap3A_583, %swap3A_584, %swap3A_585] {strides = array<i32>} : memref<2x160x64xf32, #tpu.memory_space<vmem>>, vector<16xf32>,
        tpu.vector_store %arg13[%swap3A_583, %swap3A_584, %swap3A_585], %mul3A_581 {strides = array<i32>} : memref<2x160x64xf32, #tpu.memory_space<vmem>>, vector<16xf32>,
        %add3A_587 = arith.constant 4 : i32
        %add3A_588 = arith.addi %mul3A_327, %add3A_587 : i32
        %slice3A_589 = vector.extract_strided_slice %exp3A {offsets = [4], sizes = [1], strides = [1]} : vector<16xf32> to vector<1xf32>
        %squeeze3A_590 = vector.extract %slice3A_589[0] : f32 from vector<1xf32>
        %broadcast_in_dim3A_591 = vector.broadcast %squeeze3A_590 : f32 to vector<16xf32>
        %slice3A_592 = vector.extract_strided_slice %exp3A_376 {offsets = [4], sizes = [1], strides = [1]} : vector<16xf32> to vector<1xf32>
        %squeeze3A_593 = vector.extract %slice3A_592[0] : f32 from vector<1xf32>
        %broadcast_in_dim3A_594 = vector.broadcast %squeeze3A_593 : f32 to vector<16xf32>
        %get3A_595 = arith.constant 0 : i32
        %get3A_596 = arith.index_cast %get3A_595 : i32 to index
        %get3A_597 = arith.index_cast %add3A_588 : i32 to index
        %get3A_598 = arith.constant 0 : index
        %get3A_599 = tpu.vector_load %arg13[%get3A_596, %get3A_597, %get3A_598] {strides = array<i32>} : memref<2x160x64xf32, #tpu.memory_space<vmem>>, vector<16xf32>,
        %mul3A_600 = arith.mulf %get3A_599, %broadcast_in_dim3A_591 : vector<16xf32>
        %swap3A_601 = arith.constant 0 : i32
        %swap3A_602 = arith.index_cast %swap3A_601 : i32 to index
        %swap3A_603 = arith.index_cast %add3A_588 : i32 to index
        %swap3A_604 = arith.constant 0 : index
        %swap3A_605 = tpu.vector_load %arg13[%swap3A_602, %swap3A_603, %swap3A_604] {strides = array<i32>} : memref<2x160x64xf32, #tpu.memory_space<vmem>>, vector<16xf32>,
        tpu.vector_store %arg13[%swap3A_602, %swap3A_603, %swap3A_604], %mul3A_600 {strides = array<i32>} : memref<2x160x64xf32, #tpu.memory_space<vmem>>, vector<16xf32>,
        %get3A_606 = arith.constant 0 : i32
        %get3A_607 = arith.index_cast %get3A_606 : i32 to index
        %get3A_608 = arith.index_cast %add3A_588 : i32 to index
        %get3A_609 = arith.constant 16 : index
        %get3A_610 = tpu.vector_load %arg13[%get3A_607, %get3A_608, %get3A_609] {strides = array<i32>} : memref<2x160x64xf32, #tpu.memory_space<vmem>>, vector<16xf32>,
        %mul3A_611 = arith.mulf %get3A_610, %broadcast_in_dim3A_591 : vector<16xf32>
        %swap3A_612 = arith.constant 0 : i32
        %swap3A_613 = arith.index_cast %swap3A_612 : i32 to index
        %swap3A_614 = arith.index_cast %add3A_588 : i32 to index
        %swap3A_615 = arith.constant 16 : index
        %swap3A_616 = tpu.vector_load %arg13[%swap3A_613, %swap3A_614, %swap3A_615] {strides = array<i32>} : memref<2x160x64xf32, #tpu.memory_space<vmem>>, vector<16xf32>,
        tpu.vector_store %arg13[%swap3A_613, %swap3A_614, %swap3A_615], %mul3A_611 {strides = array<i32>} : memref<2x160x64xf32, #tpu.memory_space<vmem>>, vector<16xf32>,
        %get3A_617 = arith.constant 0 : i32
        %get3A_618 = arith.index_cast %get3A_617 : i32 to index
        %get3A_619 = arith.index_cast %add3A_588 : i32 to index
        %get3A_620 = arith.constant 32 : index
        %get3A_621 = tpu.vector_load %arg13[%get3A_618, %get3A_619, %get3A_620] {strides = array<i32>} : memref<2x160x64xf32, #tpu.memory_space<vmem>>, vector<16xf32>,
        %mul3A_622 = arith.mulf %get3A_621, %broadcast_in_dim3A_594 : vector<16xf32>
        %swap3A_623 = arith.constant 0 : i32
        %swap3A_624 = arith.index_cast %swap3A_623 : i32 to index
        %swap3A_625 = arith.index_cast %add3A_588 : i32 to index
        %swap3A_626 = arith.constant 32 : index
        %swap3A_627 = tpu.vector_load %arg13[%swap3A_624, %swap3A_625, %swap3A_626] {strides = array<i32>} : memref<2x160x64xf32, #tpu.memory_space<vmem>>, vector<16xf32>,
        tpu.vector_store %arg13[%swap3A_624, %swap3A_625, %swap3A_626], %mul3A_622 {strides = array<i32>} : memref<2x160x64xf32, #tpu.memory_space<vmem>>, vector<16xf32>,
        %get3A_628 = arith.constant 0 : i32
        %get3A_629 = arith.index_cast %get3A_628 : i32 to index
        %get3A_630 = arith.index_cast %add3A_588 : i32 to index
        %get3A_631 = arith.constant 48 : index
        %get3A_632 = tpu.vector_load %arg13[%get3A_629, %get3A_630, %get3A_631] {strides = array<i32>} : memref<2x160x64xf32, #tpu.memory_space<vmem>>, vector<16xf32>,
        %mul3A_633 = arith.mulf %get3A_632, %broadcast_in_dim3A_594 : vector<16xf32>
        %swap3A_634 = arith.constant 0 : i32
        %swap3A_635 = arith.index_cast %swap3A_634 : i32 to index
        %swap3A_636 = arith.index_cast %add3A_588 : i32 to index
        %swap3A_637 = arith.constant 48 : index
        %swap3A_638 = tpu.vector_load %arg13[%swap3A_635, %swap3A_636, %swap3A_637] {strides = array<i32>} : memref<2x160x64xf32, #tpu.memory_space<vmem>>, vector<16xf32>,
        tpu.vector_store %arg13[%swap3A_635, %swap3A_636, %swap3A_637], %mul3A_633 {strides = array<i32>} : memref<2x160x64xf32, #tpu.memory_space<vmem>>, vector<16xf32>,
        %add3A_639 = arith.constant 5 : i32
        %add3A_640 = arith.addi %mul3A_327, %add3A_639 : i32
        %slice3A_641 = vector.extract_strided_slice %exp3A {offsets = [5], sizes = [1], strides = [1]} : vector<16xf32> to vector<1xf32>
        %squeeze3A_642 = vector.extract %slice3A_641[0] : f32 from vector<1xf32>
        %broadcast_in_dim3A_643 = vector.broadcast %squeeze3A_642 : f32 to vector<16xf32>
        %slice3A_644 = vector.extract_strided_slice %exp3A_376 {offsets = [5], sizes = [1], strides = [1]} : vector<16xf32> to vector<1xf32>
        %squeeze3A_645 = vector.extract %slice3A_644[0] : f32 from vector<1xf32>
        %broadcast_in_dim3A_646 = vector.broadcast %squeeze3A_645 : f32 to vector<16xf32>
        %get3A_647 = arith.constant 0 : i32
        %get3A_648 = arith.index_cast %get3A_647 : i32 to index
        %get3A_649 = arith.index_cast %add3A_640 : i32 to index
        %get3A_650 = arith.constant 0 : index
        %get3A_651 = tpu.vector_load %arg13[%get3A_648, %get3A_649, %get3A_650] {strides = array<i32>} : memref<2x160x64xf32, #tpu.memory_space<vmem>>, vector<16xf32>,
        %mul3A_652 = arith.mulf %get3A_651, %broadcast_in_dim3A_643 : vector<16xf32>
        %swap3A_653 = arith.constant 0 : i32
        %swap3A_654 = arith.index_cast %swap3A_653 : i32 to index
        %swap3A_655 = arith.index_cast %add3A_640 : i32 to index
        %swap3A_656 = arith.constant 0 : index
        %swap3A_657 = tpu.vector_load %arg13[%swap3A_654, %swap3A_655, %swap3A_656] {strides = array<i32>} : memref<2x160x64xf32, #tpu.memory_space<vmem>>, vector<16xf32>,
        tpu.vector_store %arg13[%swap3A_654, %swap3A_655, %swap3A_656], %mul3A_652 {strides = array<i32>} : memref<2x160x64xf32, #tpu.memory_space<vmem>>, vector<16xf32>,
        %get3A_658 = arith.constant 0 : i32
        %get3A_659 = arith.index_cast %get3A_658 : i32 to index
        %get3A_660 = arith.index_cast %add3A_640 : i32 to index
        %get3A_661 = arith.constant 16 : index
        %get3A_662 = tpu.vector_load %arg13[%get3A_659, %get3A_660, %get3A_661] {strides = array<i32>} : memref<2x160x64xf32, #tpu.memory_space<vmem>>, vector<16xf32>,
        %mul3A_663 = arith.mulf %get3A_662, %broadcast_in_dim3A_643 : vector<16xf32>
        %swap3A_664 = arith.constant 0 : i32
        %swap3A_665 = arith.index_cast %swap3A_664 : i32 to index
        %swap3A_666 = arith.index_cast %add3A_640 : i32 to index
        %swap3A_667 = arith.constant 16 : index
        %swap3A_668 = tpu.vector_load %arg13[%swap3A_665, %swap3A_666, %swap3A_667] {strides = array<i32>} : memref<2x160x64xf32, #tpu.memory_space<vmem>>, vector<16xf32>,
        tpu.vector_store %arg13[%swap3A_665, %swap3A_666, %swap3A_667], %mul3A_663 {strides = array<i32>} : memref<2x160x64xf32, #tpu.memory_space<vmem>>, vector<16xf32>,
        %get3A_669 = arith.constant 0 : i32
        %get3A_670 = arith.index_cast %get3A_669 : i32 to index
        %get3A_671 = arith.index_cast %add3A_640 : i32 to index
        %get3A_672 = arith.constant 32 : index
        %get3A_673 = tpu.vector_load %arg13[%get3A_670, %get3A_671, %get3A_672] {strides = array<i32>} : memref<2x160x64xf32, #tpu.memory_space<vmem>>, vector<16xf32>,
        %mul3A_674 = arith.mulf %get3A_673, %broadcast_in_dim3A_646 : vector<16xf32>
        %swap3A_675 = arith.constant 0 : i32
        %swap3A_676 = arith.index_cast %swap3A_675 : i32 to index
        %swap3A_677 = arith.index_cast %add3A_640 : i32 to index
        %swap3A_678 = arith.constant 32 : index
        %swap3A_679 = tpu.vector_load %arg13[%swap3A_676, %swap3A_677, %swap3A_678] {strides = array<i32>} : memref<2x160x64xf32, #tpu.memory_space<vmem>>, vector<16xf32>,
        tpu.vector_store %arg13[%swap3A_676, %swap3A_677, %swap3A_678], %mul3A_674 {strides = array<i32>} : memref<2x160x64xf32, #tpu.memory_space<vmem>>, vector<16xf32>,
        %get3A_680 = arith.constant 0 : i32
        %get3A_681 = arith.index_cast %get3A_680 : i32 to index
        %get3A_682 = arith.index_cast %add3A_640 : i32 to index
        %get3A_683 = arith.constant 48 : index
        %get3A_684 = tpu.vector_load %arg13[%get3A_681, %get3A_682, %get3A_683] {strides = array<i32>} : memref<2x160x64xf32, #tpu.memory_space<vmem>>, vector<16xf32>,
        %mul3A_685 = arith.mulf %get3A_684, %broadcast_in_dim3A_646 : vector<16xf32>
        %swap3A_686 = arith.constant 0 : i32
        %swap3A_687 = arith.index_cast %swap3A_686 : i32 to index
        %swap3A_688 = arith.index_cast %add3A_640 : i32 to index
        %swap3A_689 = arith.constant 48 : index
        %swap3A_690 = tpu.vector_load %arg13[%swap3A_687, %swap3A_688, %swap3A_689] {strides = array<i32>} : memref<2x160x64xf32, #tpu.memory_space<vmem>>, vector<16xf32>,
        tpu.vector_store %arg13[%swap3A_687, %swap3A_688, %swap3A_689], %mul3A_685 {strides = array<i32>} : memref<2x160x64xf32, #tpu.memory_space<vmem>>, vector<16xf32>,
        %add3A_691 = arith.constant 6 : i32
        %add3A_692 = arith.addi %mul3A_327, %add3A_691 : i32
        %slice3A_693 = vector.extract_strided_slice %exp3A {offsets = [6], sizes = [1], strides = [1]} : vector<16xf32> to vector<1xf32>
        %squeeze3A_694 = vector.extract %slice3A_693[0] : f32 from vector<1xf32>
        %broadcast_in_dim3A_695 = vector.broadcast %squeeze3A_694 : f32 to vector<16xf32>
        %slice3A_696 = vector.extract_strided_slice %exp3A_376 {offsets = [6], sizes = [1], strides = [1]} : vector<16xf32> to vector<1xf32>
        %squeeze3A_697 = vector.extract %slice3A_696[0] : f32 from vector<1xf32>
        %broadcast_in_dim3A_698 = vector.broadcast %squeeze3A_697 : f32 to vector<16xf32>
        %get3A_699 = arith.constant 0 : i32
        %get3A_700 = arith.index_cast %get3A_699 : i32 to index
        %get3A_701 = arith.index_cast %add3A_692 : i32 to index
        %get3A_702 = arith.constant 0 : index
        %get3A_703 = tpu.vector_load %arg13[%get3A_700, %get3A_701, %get3A_702] {strides = array<i32>} : memref<2x160x64xf32, #tpu.memory_space<vmem>>, vector<16xf32>,
        %mul3A_704 = arith.mulf %get3A_703, %broadcast_in_dim3A_695 : vector<16xf32>
        %swap3A_705 = arith.constant 0 : i32
        %swap3A_706 = arith.index_cast %swap3A_705 : i32 to index
        %swap3A_707 = arith.index_cast %add3A_692 : i32 to index
        %swap3A_708 = arith.constant 0 : index
        %swap3A_709 = tpu.vector_load %arg13[%swap3A_706, %swap3A_707, %swap3A_708] {strides = array<i32>} : memref<2x160x64xf32, #tpu.memory_space<vmem>>, vector<16xf32>,
        tpu.vector_store %arg13[%swap3A_706, %swap3A_707, %swap3A_708], %mul3A_704 {strides = array<i32>} : memref<2x160x64xf32, #tpu.memory_space<vmem>>, vector<16xf32>,
        %get3A_710 = arith.constant 0 : i32
        %get3A_711 = arith.index_cast %get3A_710 : i32 to index
        %get3A_712 = arith.index_cast %add3A_692 : i32 to index
        %get3A_713 = arith.constant 16 : index
        %get3A_714 = tpu.vector_load %arg13[%get3A_711, %get3A_712, %get3A_713] {strides = array<i32>} : memref<2x160x64xf32, #tpu.memory_space<vmem>>, vector<16xf32>,
        %mul3A_715 = arith.mulf %get3A_714, %broadcast_in_dim3A_695 : vector<16xf32>
        %swap3A_716 = arith.constant 0 : i32
        %swap3A_717 = arith.index_cast %swap3A_716 : i32 to index
        %swap3A_718 = arith.index_cast %add3A_692 : i32 to index
        %swap3A_719 = arith.constant 16 : index
        %swap3A_720 = tpu.vector_load %arg13[%swap3A_717, %swap3A_718, %swap3A_719] {strides = array<i32>} : memref<2x160x64xf32, #tpu.memory_space<vmem>>, vector<16xf32>,
        tpu.vector_store %arg13[%swap3A_717, %swap3A_718, %swap3A_719], %mul3A_715 {strides = array<i32>} : memref<2x160x64xf32, #tpu.memory_space<vmem>>, vector<16xf32>,
        %get3A_721 = arith.constant 0 : i32
        %get3A_722 = arith.index_cast %get3A_721 : i32 to index
        %get3A_723 = arith.index_cast %add3A_692 : i32 to index
        %get3A_724 = arith.constant 32 : index
        %get3A_725 = tpu.vector_load %arg13[%get3A_722, %get3A_723, %get3A_724] {strides = array<i32>} : memref<2x160x64xf32, #tpu.memory_space<vmem>>, vector<16xf32>,
        %mul3A_726 = arith.mulf %get3A_725, %broadcast_in_dim3A_698 : vector<16xf32>
        %swap3A_727 = arith.constant 0 : i32
        %swap3A_728 = arith.index_cast %swap3A_727 : i32 to index
        %swap3A_729 = arith.index_cast %add3A_692 : i32 to index
        %swap3A_730 = arith.constant 32 : index
        %swap3A_731 = tpu.vector_load %arg13[%swap3A_728, %swap3A_729, %swap3A_730] {strides = array<i32>} : memref<2x160x64xf32, #tpu.memory_space<vmem>>, vector<16xf32>,
        tpu.vector_store %arg13[%swap3A_728, %swap3A_729, %swap3A_730], %mul3A_726 {strides = array<i32>} : memref<2x160x64xf32, #tpu.memory_space<vmem>>, vector<16xf32>,
        %get3A_732 = arith.constant 0 : i32
        %get3A_733 = arith.index_cast %get3A_732 : i32 to index
        %get3A_734 = arith.index_cast %add3A_692 : i32 to index
        %get3A_735 = arith.constant 48 : index
        %get3A_736 = tpu.vector_load %arg13[%get3A_733, %get3A_734, %get3A_735] {strides = array<i32>} : memref<2x160x64xf32, #tpu.memory_space<vmem>>, vector<16xf32>,
        %mul3A_737 = arith.mulf %get3A_736, %broadcast_in_dim3A_698 : vector<16xf32>
        %swap3A_738 = arith.constant 0 : i32
        %swap3A_739 = arith.index_cast %swap3A_738 : i32 to index
        %swap3A_740 = arith.index_cast %add3A_692 : i32 to index
        %swap3A_741 = arith.constant 48 : index
        %swap3A_742 = tpu.vector_load %arg13[%swap3A_739, %swap3A_740, %swap3A_741] {strides = array<i32>} : memref<2x160x64xf32, #tpu.memory_space<vmem>>, vector<16xf32>,
        tpu.vector_store %arg13[%swap3A_739, %swap3A_740, %swap3A_741], %mul3A_737 {strides = array<i32>} : memref<2x160x64xf32, #tpu.memory_space<vmem>>, vector<16xf32>,
        %add3A_743 = arith.constant 7 : i32
        %add3A_744 = arith.addi %mul3A_327, %add3A_743 : i32
        %slice3A_745 = vector.extract_strided_slice %exp3A {offsets = [7], sizes = [1], strides = [1]} : vector<16xf32> to vector<1xf32>
        %squeeze3A_746 = vector.extract %slice3A_745[0] : f32 from vector<1xf32>
        %broadcast_in_dim3A_747 = vector.broadcast %squeeze3A_746 : f32 to vector<16xf32>
        %slice3A_748 = vector.extract_strided_slice %exp3A_376 {offsets = [7], sizes = [1], strides = [1]} : vector<16xf32> to vector<1xf32>
        %squeeze3A_749 = vector.extract %slice3A_748[0] : f32 from vector<1xf32>
        %broadcast_in_dim3A_750 = vector.broadcast %squeeze3A_749 : f32 to vector<16xf32>
        %get3A_751 = arith.constant 0 : i32
        %get3A_752 = arith.index_cast %get3A_751 : i32 to index
        %get3A_753 = arith.index_cast %add3A_744 : i32 to index
        %get3A_754 = arith.constant 0 : index
        %get3A_755 = tpu.vector_load %arg13[%get3A_752, %get3A_753, %get3A_754] {strides = array<i32>} : memref<2x160x64xf32, #tpu.memory_space<vmem>>, vector<16xf32>,
        %mul3A_756 = arith.mulf %get3A_755, %broadcast_in_dim3A_747 : vector<16xf32>
        %swap3A_757 = arith.constant 0 : i32
        %swap3A_758 = arith.index_cast %swap3A_757 : i32 to index
        %swap3A_759 = arith.index_cast %add3A_744 : i32 to index
        %swap3A_760 = arith.constant 0 : index
        %swap3A_761 = tpu.vector_load %arg13[%swap3A_758, %swap3A_759, %swap3A_760] {strides = array<i32>} : memref<2x160x64xf32, #tpu.memory_space<vmem>>, vector<16xf32>,
        tpu.vector_store %arg13[%swap3A_758, %swap3A_759, %swap3A_760], %mul3A_756 {strides = array<i32>} : memref<2x160x64xf32, #tpu.memory_space<vmem>>, vector<16xf32>,
        %get3A_762 = arith.constant 0 : i32
        %get3A_763 = arith.index_cast %get3A_762 : i32 to index
        %get3A_764 = arith.index_cast %add3A_744 : i32 to index
        %get3A_765 = arith.constant 16 : index
        %get3A_766 = tpu.vector_load %arg13[%get3A_763, %get3A_764, %get3A_765] {strides = array<i32>} : memref<2x160x64xf32, #tpu.memory_space<vmem>>, vector<16xf32>,
        %mul3A_767 = arith.mulf %get3A_766, %broadcast_in_dim3A_747 : vector<16xf32>
        %swap3A_768 = arith.constant 0 : i32
        %swap3A_769 = arith.index_cast %swap3A_768 : i32 to index
        %swap3A_770 = arith.index_cast %add3A_744 : i32 to index
        %swap3A_771 = arith.constant 16 : index
        %swap3A_772 = tpu.vector_load %arg13[%swap3A_769, %swap3A_770, %swap3A_771] {strides = array<i32>} : memref<2x160x64xf32, #tpu.memory_space<vmem>>, vector<16xf32>,
        tpu.vector_store %arg13[%swap3A_769, %swap3A_770, %swap3A_771], %mul3A_767 {strides = array<i32>} : memref<2x160x64xf32, #tpu.memory_space<vmem>>, vector<16xf32>,
        %get3A_773 = arith.constant 0 : i32
        %get3A_774 = arith.index_cast %get3A_773 : i32 to index
        %get3A_775 = arith.index_cast %add3A_744 : i32 to index
        %get3A_776 = arith.constant 32 : index
        %get3A_777 = tpu.vector_load %arg13[%get3A_774, %get3A_775, %get3A_776] {strides = array<i32>} : memref<2x160x64xf32, #tpu.memory_space<vmem>>, vector<16xf32>,
        %mul3A_778 = arith.mulf %get3A_777, %broadcast_in_dim3A_750 : vector<16xf32>
        %swap3A_779 = arith.constant 0 : i32
        %swap3A_780 = arith.index_cast %swap3A_779 : i32 to index
        %swap3A_781 = arith.index_cast %add3A_744 : i32 to index
        %swap3A_782 = arith.constant 32 : index
        %swap3A_783 = tpu.vector_load %arg13[%swap3A_780, %swap3A_781, %swap3A_782] {strides = array<i32>} : memref<2x160x64xf32, #tpu.memory_space<vmem>>, vector<16xf32>,
        tpu.vector_store %arg13[%swap3A_780, %swap3A_781, %swap3A_782], %mul3A_778 {strides = array<i32>} : memref<2x160x64xf32, #tpu.memory_space<vmem>>, vector<16xf32>,
        %get3A_784 = arith.constant 0 : i32
        %get3A_785 = arith.index_cast %get3A_784 : i32 to index
        %get3A_786 = arith.index_cast %add3A_744 : i32 to index
        %get3A_787 = arith.constant 48 : index
        %get3A_788 = tpu.vector_load %arg13[%get3A_785, %get3A_786, %get3A_787] {strides = array<i32>} : memref<2x160x64xf32, #tpu.memory_space<vmem>>, vector<16xf32>,
        %mul3A_789 = arith.mulf %get3A_788, %broadcast_in_dim3A_750 : vector<16xf32>
        %swap3A_790 = arith.constant 0 : i32
        %swap3A_791 = arith.index_cast %swap3A_790 : i32 to index
        %swap3A_792 = arith.index_cast %add3A_744 : i32 to index
        %swap3A_793 = arith.constant 48 : index
        %swap3A_794 = tpu.vector_load %arg13[%swap3A_791, %swap3A_792, %swap3A_793] {strides = array<i32>} : memref<2x160x64xf32, #tpu.memory_space<vmem>>, vector<16xf32>,
        tpu.vector_store %arg13[%swap3A_791, %swap3A_792, %swap3A_793], %mul3A_789 {strides = array<i32>} : memref<2x160x64xf32, #tpu.memory_space<vmem>>, vector<16xf32>,
        %add3A_795 = arith.constant 8 : i32
        %add3A_796 = arith.addi %mul3A_327, %add3A_795 : i32
        %slice3A_797 = vector.extract_strided_slice %exp3A {offsets = [8], sizes = [1], strides = [1]} : vector<16xf32> to vector<1xf32>
        %squeeze3A_798 = vector.extract %slice3A_797[0] : f32 from vector<1xf32>
        %broadcast_in_dim3A_799 = vector.broadcast %squeeze3A_798 : f32 to vector<16xf32>
        %slice3A_800 = vector.extract_strided_slice %exp3A_376 {offsets = [8], sizes = [1], strides = [1]} : vector<16xf32> to vector<1xf32>
        %squeeze3A_801 = vector.extract %slice3A_800[0] : f32 from vector<1xf32>
        %broadcast_in_dim3A_802 = vector.broadcast %squeeze3A_801 : f32 to vector<16xf32>
        %get3A_803 = arith.constant 0 : i32
        %get3A_804 = arith.index_cast %get3A_803 : i32 to index
        %get3A_805 = arith.index_cast %add3A_796 : i32 to index
        %get3A_806 = arith.constant 0 : index
        %get3A_807 = tpu.vector_load %arg13[%get3A_804, %get3A_805, %get3A_806] {strides = array<i32>} : memref<2x160x64xf32, #tpu.memory_space<vmem>>, vector<16xf32>,
        %mul3A_808 = arith.mulf %get3A_807, %broadcast_in_dim3A_799 : vector<16xf32>
        %swap3A_809 = arith.constant 0 : i32
        %swap3A_810 = arith.index_cast %swap3A_809 : i32 to index
        %swap3A_811 = arith.index_cast %add3A_796 : i32 to index
        %swap3A_812 = arith.constant 0 : index
        %swap3A_813 = tpu.vector_load %arg13[%swap3A_810, %swap3A_811, %swap3A_812] {strides = array<i32>} : memref<2x160x64xf32, #tpu.memory_space<vmem>>, vector<16xf32>,
        tpu.vector_store %arg13[%swap3A_810, %swap3A_811, %swap3A_812], %mul3A_808 {strides = array<i32>} : memref<2x160x64xf32, #tpu.memory_space<vmem>>, vector<16xf32>,
        %get3A_814 = arith.constant 0 : i32
        %get3A_815 = arith.index_cast %get3A_814 : i32 to index
        %get3A_816 = arith.index_cast %add3A_796 : i32 to index
        %get3A_817 = arith.constant 16 : index
        %get3A_818 = tpu.vector_load %arg13[%get3A_815, %get3A_816, %get3A_817] {strides = array<i32>} : memref<2x160x64xf32, #tpu.memory_space<vmem>>, vector<16xf32>,
        %mul3A_819 = arith.mulf %get3A_818, %broadcast_in_dim3A_799 : vector<16xf32>
        %swap3A_820 = arith.constant 0 : i32
        %swap3A_821 = arith.index_cast %swap3A_820 : i32 to index
        %swap3A_822 = arith.index_cast %add3A_796 : i32 to index
        %swap3A_823 = arith.constant 16 : index
        %swap3A_824 = tpu.vector_load %arg13[%swap3A_821, %swap3A_822, %swap3A_823] {strides = array<i32>} : memref<2x160x64xf32, #tpu.memory_space<vmem>>, vector<16xf32>,
        tpu.vector_store %arg13[%swap3A_821, %swap3A_822, %swap3A_823], %mul3A_819 {strides = array<i32>} : memref<2x160x64xf32, #tpu.memory_space<vmem>>, vector<16xf32>,
        %get3A_825 = arith.constant 0 : i32
        %get3A_826 = arith.index_cast %get3A_825 : i32 to index
        %get3A_827 = arith.index_cast %add3A_796 : i32 to index
        %get3A_828 = arith.constant 32 : index
        %get3A_829 = tpu.vector_load %arg13[%get3A_826, %get3A_827, %get3A_828] {strides = array<i32>} : memref<2x160x64xf32, #tpu.memory_space<vmem>>, vector<16xf32>,
        %mul3A_830 = arith.mulf %get3A_829, %broadcast_in_dim3A_802 : vector<16xf32>
        %swap3A_831 = arith.constant 0 : i32
        %swap3A_832 = arith.index_cast %swap3A_831 : i32 to index
        %swap3A_833 = arith.index_cast %add3A_796 : i32 to index
        %swap3A_834 = arith.constant 32 : index
        %swap3A_835 = tpu.vector_load %arg13[%swap3A_832, %swap3A_833, %swap3A_834] {strides = array<i32>} : memref<2x160x64xf32, #tpu.memory_space<vmem>>, vector<16xf32>,
        tpu.vector_store %arg13[%swap3A_832, %swap3A_833, %swap3A_834], %mul3A_830 {strides = array<i32>} : memref<2x160x64xf32, #tpu.memory_space<vmem>>, vector<16xf32>,
        %get3A_836 = arith.constant 0 : i32
        %get3A_837 = arith.index_cast %get3A_836 : i32 to index
        %get3A_838 = arith.index_cast %add3A_796 : i32 to index
        %get3A_839 = arith.constant 48 : index
        %get3A_840 = tpu.vector_load %arg13[%get3A_837, %get3A_838, %get3A_839] {strides = array<i32>} : memref<2x160x64xf32, #tpu.memory_space<vmem>>, vector<16xf32>,
        %mul3A_841 = arith.mulf %get3A_840, %broadcast_in_dim3A_802 : vector<16xf32>
        %swap3A_842 = arith.constant 0 : i32
        %swap3A_843 = arith.index_cast %swap3A_842 : i32 to index
        %swap3A_844 = arith.index_cast %add3A_796 : i32 to index
        %swap3A_845 = arith.constant 48 : index
        %swap3A_846 = tpu.vector_load %arg13[%swap3A_843, %swap3A_844, %swap3A_845] {strides = array<i32>} : memref<2x160x64xf32, #tpu.memory_space<vmem>>, vector<16xf32>,
        tpu.vector_store %arg13[%swap3A_843, %swap3A_844, %swap3A_845], %mul3A_841 {strides = array<i32>} : memref<2x160x64xf32, #tpu.memory_space<vmem>>, vector<16xf32>,
        %add3A_847 = arith.constant 9 : i32
        %add3A_848 = arith.addi %mul3A_327, %add3A_847 : i32
        %slice3A_849 = vector.extract_strided_slice %exp3A {offsets = [9], sizes = [1], strides = [1]} : vector<16xf32> to vector<1xf32>
        %squeeze3A_850 = vector.extract %slice3A_849[0] : f32 from vector<1xf32>
        %broadcast_in_dim3A_851 = vector.broadcast %squeeze3A_850 : f32 to vector<16xf32>
        %slice3A_852 = vector.extract_strided_slice %exp3A_376 {offsets = [9], sizes = [1], strides = [1]} : vector<16xf32> to vector<1xf32>
        %squeeze3A_853 = vector.extract %slice3A_852[0] : f32 from vector<1xf32>
        %broadcast_in_dim3A_854 = vector.broadcast %squeeze3A_853 : f32 to vector<16xf32>
        %get3A_855 = arith.constant 0 : i32
        %get3A_856 = arith.index_cast %get3A_855 : i32 to index
        %get3A_857 = arith.index_cast %add3A_848 : i32 to index
        %get3A_858 = arith.constant 0 : index
        %get3A_859 = tpu.vector_load %arg13[%get3A_856, %get3A_857, %get3A_858] {strides = array<i32>} : memref<2x160x64xf32, #tpu.memory_space<vmem>>, vector<16xf32>,
        %mul3A_860 = arith.mulf %get3A_859, %broadcast_in_dim3A_851 : vector<16xf32>
        %swap3A_861 = arith.constant 0 : i32
        %swap3A_862 = arith.index_cast %swap3A_861 : i32 to index
        %swap3A_863 = arith.index_cast %add3A_848 : i32 to index
        %swap3A_864 = arith.constant 0 : index
        %swap3A_865 = tpu.vector_load %arg13[%swap3A_862, %swap3A_863, %swap3A_864] {strides = array<i32>} : memref<2x160x64xf32, #tpu.memory_space<vmem>>, vector<16xf32>,
        tpu.vector_store %arg13[%swap3A_862, %swap3A_863, %swap3A_864], %mul3A_860 {strides = array<i32>} : memref<2x160x64xf32, #tpu.memory_space<vmem>>, vector<16xf32>,
        %get3A_866 = arith.constant 0 : i32
        %get3A_867 = arith.index_cast %get3A_866 : i32 to index
        %get3A_868 = arith.index_cast %add3A_848 : i32 to index
        %get3A_869 = arith.constant 16 : index
        %get3A_870 = tpu.vector_load %arg13[%get3A_867, %get3A_868, %get3A_869] {strides = array<i32>} : memref<2x160x64xf32, #tpu.memory_space<vmem>>, vector<16xf32>,
        %mul3A_871 = arith.mulf %get3A_870, %broadcast_in_dim3A_851 : vector<16xf32>
        %swap3A_872 = arith.constant 0 : i32
        %swap3A_873 = arith.index_cast %swap3A_872 : i32 to index
        %swap3A_874 = arith.index_cast %add3A_848 : i32 to index
        %swap3A_875 = arith.constant 16 : index
        %swap3A_876 = tpu.vector_load %arg13[%swap3A_873, %swap3A_874, %swap3A_875] {strides = array<i32>} : memref<2x160x64xf32, #tpu.memory_space<vmem>>, vector<16xf32>,
        tpu.vector_store %arg13[%swap3A_873, %swap3A_874, %swap3A_875], %mul3A_871 {strides = array<i32>} : memref<2x160x64xf32, #tpu.memory_space<vmem>>, vector<16xf32>,
        %get3A_877 = arith.constant 0 : i32
        %get3A_878 = arith.index_cast %get3A_877 : i32 to index
        %get3A_879 = arith.index_cast %add3A_848 : i32 to index
        %get3A_880 = arith.constant 32 : index
        %get3A_881 = tpu.vector_load %arg13[%get3A_878, %get3A_879, %get3A_880] {strides = array<i32>} : memref<2x160x64xf32, #tpu.memory_space<vmem>>, vector<16xf32>,
        %mul3A_882 = arith.mulf %get3A_881, %broadcast_in_dim3A_854 : vector<16xf32>
        %swap3A_883 = arith.constant 0 : i32
        %swap3A_884 = arith.index_cast %swap3A_883 : i32 to index
        %swap3A_885 = arith.index_cast %add3A_848 : i32 to index
        %swap3A_886 = arith.constant 32 : index
        %swap3A_887 = tpu.vector_load %arg13[%swap3A_884, %swap3A_885, %swap3A_886] {strides = array<i32>} : memref<2x160x64xf32, #tpu.memory_space<vmem>>, vector<16xf32>,
        tpu.vector_store %arg13[%swap3A_884, %swap3A_885, %swap3A_886], %mul3A_882 {strides = array<i32>} : memref<2x160x64xf32, #tpu.memory_space<vmem>>, vector<16xf32>,
        %get3A_888 = arith.constant 0 : i32
        %get3A_889 = arith.index_cast %get3A_888 : i32 to index
        %get3A_890 = arith.index_cast %add3A_848 : i32 to index
        %get3A_891 = arith.constant 48 : index
        %get3A_892 = tpu.vector_load %arg13[%get3A_889, %get3A_890, %get3A_891] {strides = array<i32>} : memref<2x160x64xf32, #tpu.memory_space<vmem>>, vector<16xf32>,
        %mul3A_893 = arith.mulf %get3A_892, %broadcast_in_dim3A_854 : vector<16xf32>
        %swap3A_894 = arith.constant 0 : i32
        %swap3A_895 = arith.index_cast %swap3A_894 : i32 to index
        %swap3A_896 = arith.index_cast %add3A_848 : i32 to index
        %swap3A_897 = arith.constant 48 : index
        %swap3A_898 = tpu.vector_load %arg13[%swap3A_895, %swap3A_896, %swap3A_897] {strides = array<i32>} : memref<2x160x64xf32, #tpu.memory_space<vmem>>, vector<16xf32>,
        tpu.vector_store %arg13[%swap3A_895, %swap3A_896, %swap3A_897], %mul3A_893 {strides = array<i32>} : memref<2x160x64xf32, #tpu.memory_space<vmem>>, vector<16xf32>,
        %add3A_899 = arith.constant 10 : i32
        %add3A_900 = arith.addi %mul3A_327, %add3A_899 : i32
        %slice3A_901 = vector.extract_strided_slice %exp3A {offsets = [10], sizes = [1], strides = [1]} : vector<16xf32> to vector<1xf32>
        %squeeze3A_902 = vector.extract %slice3A_901[0] : f32 from vector<1xf32>
        %broadcast_in_dim3A_903 = vector.broadcast %squeeze3A_902 : f32 to vector<16xf32>
        %slice3A_904 = vector.extract_strided_slice %exp3A_376 {offsets = [10], sizes = [1], strides = [1]} : vector<16xf32> to vector<1xf32>
        %squeeze3A_905 = vector.extract %slice3A_904[0] : f32 from vector<1xf32>
        %broadcast_in_dim3A_906 = vector.broadcast %squeeze3A_905 : f32 to vector<16xf32>
        %get3A_907 = arith.constant 0 : i32
        %get3A_908 = arith.index_cast %get3A_907 : i32 to index
        %get3A_909 = arith.index_cast %add3A_900 : i32 to index
        %get3A_910 = arith.constant 0 : index
        %get3A_911 = tpu.vector_load %arg13[%get3A_908, %get3A_909, %get3A_910] {strides = array<i32>} : memref<2x160x64xf32, #tpu.memory_space<vmem>>, vector<16xf32>,
        %mul3A_912 = arith.mulf %get3A_911, %broadcast_in_dim3A_903 : vector<16xf32>
        %swap3A_913 = arith.constant 0 : i32
        %swap3A_914 = arith.index_cast %swap3A_913 : i32 to index
        %swap3A_915 = arith.index_cast %add3A_900 : i32 to index
        %swap3A_916 = arith.constant 0 : index
        %swap3A_917 = tpu.vector_load %arg13[%swap3A_914, %swap3A_915, %swap3A_916] {strides = array<i32>} : memref<2x160x64xf32, #tpu.memory_space<vmem>>, vector<16xf32>,
        tpu.vector_store %arg13[%swap3A_914, %swap3A_915, %swap3A_916], %mul3A_912 {strides = array<i32>} : memref<2x160x64xf32, #tpu.memory_space<vmem>>, vector<16xf32>,
        %get3A_918 = arith.constant 0 : i32
        %get3A_919 = arith.index_cast %get3A_918 : i32 to index
        %get3A_920 = arith.index_cast %add3A_900 : i32 to index
        %get3A_921 = arith.constant 16 : index
        %get3A_922 = tpu.vector_load %arg13[%get3A_919, %get3A_920, %get3A_921] {strides = array<i32>} : memref<2x160x64xf32, #tpu.memory_space<vmem>>, vector<16xf32>,
        %mul3A_923 = arith.mulf %get3A_922, %broadcast_in_dim3A_903 : vector<16xf32>
        %swap3A_924 = arith.constant 0 : i32
        %swap3A_925 = arith.index_cast %swap3A_924 : i32 to index
        %swap3A_926 = arith.index_cast %add3A_900 : i32 to index
        %swap3A_927 = arith.constant 16 : index
        %swap3A_928 = tpu.vector_load %arg13[%swap3A_925, %swap3A_926, %swap3A_927] {strides = array<i32>} : memref<2x160x64xf32, #tpu.memory_space<vmem>>, vector<16xf32>,
        tpu.vector_store %arg13[%swap3A_925, %swap3A_926, %swap3A_927], %mul3A_923 {strides = array<i32>} : memref<2x160x64xf32, #tpu.memory_space<vmem>>, vector<16xf32>,
        %get3A_929 = arith.constant 0 : i32
        %get3A_930 = arith.index_cast %get3A_929 : i32 to index
        %get3A_931 = arith.index_cast %add3A_900 : i32 to index
        %get3A_932 = arith.constant 32 : index
        %get3A_933 = tpu.vector_load %arg13[%get3A_930, %get3A_931, %get3A_932] {strides = array<i32>} : memref<2x160x64xf32, #tpu.memory_space<vmem>>, vector<16xf32>,
        %mul3A_934 = arith.mulf %get3A_933, %broadcast_in_dim3A_906 : vector<16xf32>
        %swap3A_935 = arith.constant 0 : i32
        %swap3A_936 = arith.index_cast %swap3A_935 : i32 to index
        %swap3A_937 = arith.index_cast %add3A_900 : i32 to index
        %swap3A_938 = arith.constant 32 : index
        %swap3A_939 = tpu.vector_load %arg13[%swap3A_936, %swap3A_937, %swap3A_938] {strides = array<i32>} : memref<2x160x64xf32, #tpu.memory_space<vmem>>, vector<16xf32>,
        tpu.vector_store %arg13[%swap3A_936, %swap3A_937, %swap3A_938], %mul3A_934 {strides = array<i32>} : memref<2x160x64xf32, #tpu.memory_space<vmem>>, vector<16xf32>,
        %get3A_940 = arith.constant 0 : i32
        %get3A_941 = arith.index_cast %get3A_940 : i32 to index
        %get3A_942 = arith.index_cast %add3A_900 : i32 to index
        %get3A_943 = arith.constant 48 : index
        %get3A_944 = tpu.vector_load %arg13[%get3A_941, %get3A_942, %get3A_943] {strides = array<i32>} : memref<2x160x64xf32, #tpu.memory_space<vmem>>, vector<16xf32>,
        %mul3A_945 = arith.mulf %get3A_944, %broadcast_in_dim3A_906 : vector<16xf32>
        %swap3A_946 = arith.constant 0 : i32
        %swap3A_947 = arith.index_cast %swap3A_946 : i32 to index
        %swap3A_948 = arith.index_cast %add3A_900 : i32 to index
        %swap3A_949 = arith.constant 48 : index
        %swap3A_950 = tpu.vector_load %arg13[%swap3A_947, %swap3A_948, %swap3A_949] {strides = array<i32>} : memref<2x160x64xf32, #tpu.memory_space<vmem>>, vector<16xf32>,
        tpu.vector_store %arg13[%swap3A_947, %swap3A_948, %swap3A_949], %mul3A_945 {strides = array<i32>} : memref<2x160x64xf32, #tpu.memory_space<vmem>>, vector<16xf32>,
        %add3A_951 = arith.constant 11 : i32
        %add3A_952 = arith.addi %mul3A_327, %add3A_951 : i32
        %slice3A_953 = vector.extract_strided_slice %exp3A {offsets = [11], sizes = [1], strides = [1]} : vector<16xf32> to vector<1xf32>
        %squeeze3A_954 = vector.extract %slice3A_953[0] : f32 from vector<1xf32>
        %broadcast_in_dim3A_955 = vector.broadcast %squeeze3A_954 : f32 to vector<16xf32>
        %slice3A_956 = vector.extract_strided_slice %exp3A_376 {offsets = [11], sizes = [1], strides = [1]} : vector<16xf32> to vector<1xf32>
        %squeeze3A_957 = vector.extract %slice3A_956[0] : f32 from vector<1xf32>
        %broadcast_in_dim3A_958 = vector.broadcast %squeeze3A_957 : f32 to vector<16xf32>
        %get3A_959 = arith.constant 0 : i32
        %get3A_960 = arith.index_cast %get3A_959 : i32 to index
        %get3A_961 = arith.index_cast %add3A_952 : i32 to index
        %get3A_962 = arith.constant 0 : index
        %get3A_963 = tpu.vector_load %arg13[%get3A_960, %get3A_961, %get3A_962] {strides = array<i32>} : memref<2x160x64xf32, #tpu.memory_space<vmem>>, vector<16xf32>,
        %mul3A_964 = arith.mulf %get3A_963, %broadcast_in_dim3A_955 : vector<16xf32>
        %swap3A_965 = arith.constant 0 : i32
        %swap3A_966 = arith.index_cast %swap3A_965 : i32 to index
        %swap3A_967 = arith.index_cast %add3A_952 : i32 to index
        %swap3A_968 = arith.constant 0 : index
        %swap3A_969 = tpu.vector_load %arg13[%swap3A_966, %swap3A_967, %swap3A_968] {strides = array<i32>} : memref<2x160x64xf32, #tpu.memory_space<vmem>>, vector<16xf32>,
        tpu.vector_store %arg13[%swap3A_966, %swap3A_967, %swap3A_968], %mul3A_964 {strides = array<i32>} : memref<2x160x64xf32, #tpu.memory_space<vmem>>, vector<16xf32>,
        %get3A_970 = arith.constant 0 : i32
        %get3A_971 = arith.index_cast %get3A_970 : i32 to index
        %get3A_972 = arith.index_cast %add3A_952 : i32 to index
        %get3A_973 = arith.constant 16 : index
        %get3A_974 = tpu.vector_load %arg13[%get3A_971, %get3A_972, %get3A_973] {strides = array<i32>} : memref<2x160x64xf32, #tpu.memory_space<vmem>>, vector<16xf32>,
        %mul3A_975 = arith.mulf %get3A_974, %broadcast_in_dim3A_955 : vector<16xf32>
        %swap3A_976 = arith.constant 0 : i32
        %swap3A_977 = arith.index_cast %swap3A_976 : i32 to index
        %swap3A_978 = arith.index_cast %add3A_952 : i32 to index
        %swap3A_979 = arith.constant 16 : index
        %swap3A_980 = tpu.vector_load %arg13[%swap3A_977, %swap3A_978, %swap3A_979] {strides = array<i32>} : memref<2x160x64xf32, #tpu.memory_space<vmem>>, vector<16xf32>,
        tpu.vector_store %arg13[%swap3A_977, %swap3A_978, %swap3A_979], %mul3A_975 {strides = array<i32>} : memref<2x160x64xf32, #tpu.memory_space<vmem>>, vector<16xf32>,
        %get3A_981 = arith.constant 0 : i32
        %get3A_982 = arith.index_cast %get3A_981 : i32 to index
        %get3A_983 = arith.index_cast %add3A_952 : i32 to index
        %get3A_984 = arith.constant 32 : index
        %get3A_985 = tpu.vector_load %arg13[%get3A_982, %get3A_983, %get3A_984] {strides = array<i32>} : memref<2x160x64xf32, #tpu.memory_space<vmem>>, vector<16xf32>,
        %mul3A_986 = arith.mulf %get3A_985, %broadcast_in_dim3A_958 : vector<16xf32>
        %swap3A_987 = arith.constant 0 : i32
        %swap3A_988 = arith.index_cast %swap3A_987 : i32 to index
        %swap3A_989 = arith.index_cast %add3A_952 : i32 to index
        %swap3A_990 = arith.constant 32 : index
        %swap3A_991 = tpu.vector_load %arg13[%swap3A_988, %swap3A_989, %swap3A_990] {strides = array<i32>} : memref<2x160x64xf32, #tpu.memory_space<vmem>>, vector<16xf32>,
        tpu.vector_store %arg13[%swap3A_988, %swap3A_989, %swap3A_990], %mul3A_986 {strides = array<i32>} : memref<2x160x64xf32, #tpu.memory_space<vmem>>, vector<16xf32>,
        %get3A_992 = arith.constant 0 : i32
        %get3A_993 = arith.index_cast %get3A_992 : i32 to index
        %get3A_994 = arith.index_cast %add3A_952 : i32 to index
        %get3A_995 = arith.constant 48 : index
        %get3A_996 = tpu.vector_load %arg13[%get3A_993, %get3A_994, %get3A_995] {strides = array<i32>} : memref<2x160x64xf32, #tpu.memory_space<vmem>>, vector<16xf32>,
        %mul3A_997 = arith.mulf %get3A_996, %broadcast_in_dim3A_958 : vector<16xf32>
        %swap3A_998 = arith.constant 0 : i32
        %swap3A_999 = arith.index_cast %swap3A_998 : i32 to index
        %swap3A_1000 = arith.index_cast %add3A_952 : i32 to index
        %swap3A_1001 = arith.constant 48 : index
        %swap3A_1002 = tpu.vector_load %arg13[%swap3A_999, %swap3A_1000, %swap3A_1001] {strides = array<i32>} : memref<2x160x64xf32, #tpu.memory_space<vmem>>, vector<16xf32>,
        tpu.vector_store %arg13[%swap3A_999, %swap3A_1000, %swap3A_1001], %mul3A_997 {strides = array<i32>} : memref<2x160x64xf32, #tpu.memory_space<vmem>>, vector<16xf32>,
        %add3A_1003 = arith.constant 12 : i32
        %add3A_1004 = arith.addi %mul3A_327, %add3A_1003 : i32
        %slice3A_1005 = vector.extract_strided_slice %exp3A {offsets = [12], sizes = [1], strides = [1]} : vector<16xf32> to vector<1xf32>
        %squeeze3A_1006 = vector.extract %slice3A_1005[0] : f32 from vector<1xf32>
        %broadcast_in_dim3A_1007 = vector.broadcast %squeeze3A_1006 : f32 to vector<16xf32>
        %slice3A_1008 = vector.extract_strided_slice %exp3A_376 {offsets = [12], sizes = [1], strides = [1]} : vector<16xf32> to vector<1xf32>
        %squeeze3A_1009 = vector.extract %slice3A_1008[0] : f32 from vector<1xf32>
        %broadcast_in_dim3A_1010 = vector.broadcast %squeeze3A_1009 : f32 to vector<16xf32>
        %get3A_1011 = arith.constant 0 : i32
        %get3A_1012 = arith.index_cast %get3A_1011 : i32 to index
        %get3A_1013 = arith.index_cast %add3A_1004 : i32 to index
        %get3A_1014 = arith.constant 0 : index
        %get3A_1015 = tpu.vector_load %arg13[%get3A_1012, %get3A_1013, %get3A_1014] {strides = array<i32>} : memref<2x160x64xf32, #tpu.memory_space<vmem>>, vector<16xf32>,
        %mul3A_1016 = arith.mulf %get3A_1015, %broadcast_in_dim3A_1007 : vector<16xf32>
        %swap3A_1017 = arith.constant 0 : i32
        %swap3A_1018 = arith.index_cast %swap3A_1017 : i32 to index
        %swap3A_1019 = arith.index_cast %add3A_1004 : i32 to index
        %swap3A_1020 = arith.constant 0 : index
        %swap3A_1021 = tpu.vector_load %arg13[%swap3A_1018, %swap3A_1019, %swap3A_1020] {strides = array<i32>} : memref<2x160x64xf32, #tpu.memory_space<vmem>>, vector<16xf32>,
        tpu.vector_store %arg13[%swap3A_1018, %swap3A_1019, %swap3A_1020], %mul3A_1016 {strides = array<i32>} : memref<2x160x64xf32, #tpu.memory_space<vmem>>, vector<16xf32>,
        %get3A_1022 = arith.constant 0 : i32
        %get3A_1023 = arith.index_cast %get3A_1022 : i32 to index
        %get3A_1024 = arith.index_cast %add3A_1004 : i32 to index
        %get3A_1025 = arith.constant 16 : index
        %get3A_1026 = tpu.vector_load %arg13[%get3A_1023, %get3A_1024, %get3A_1025] {strides = array<i32>} : memref<2x160x64xf32, #tpu.memory_space<vmem>>, vector<16xf32>,
        %mul3A_1027 = arith.mulf %get3A_1026, %broadcast_in_dim3A_1007 : vector<16xf32>
        %swap3A_1028 = arith.constant 0 : i32
        %swap3A_1029 = arith.index_cast %swap3A_1028 : i32 to index
        %swap3A_1030 = arith.index_cast %add3A_1004 : i32 to index
        %swap3A_1031 = arith.constant 16 : index
        %swap3A_1032 = tpu.vector_load %arg13[%swap3A_1029, %swap3A_1030, %swap3A_1031] {strides = array<i32>} : memref<2x160x64xf32, #tpu.memory_space<vmem>>, vector<16xf32>,
        tpu.vector_store %arg13[%swap3A_1029, %swap3A_1030, %swap3A_1031], %mul3A_1027 {strides = array<i32>} : memref<2x160x64xf32, #tpu.memory_space<vmem>>, vector<16xf32>,
        %get3A_1033 = arith.constant 0 : i32
        %get3A_1034 = arith.index_cast %get3A_1033 : i32 to index
        %get3A_1035 = arith.index_cast %add3A_1004 : i32 to index
        %get3A_1036 = arith.constant 32 : index
        %get3A_1037 = tpu.vector_load %arg13[%get3A_1034, %get3A_1035, %get3A_1036] {strides = array<i32>} : memref<2x160x64xf32, #tpu.memory_space<vmem>>, vector<16xf32>,
        %mul3A_1038 = arith.mulf %get3A_1037, %broadcast_in_dim3A_1010 : vector<16xf32>
        %swap3A_1039 = arith.constant 0 : i32
        %swap3A_1040 = arith.index_cast %swap3A_1039 : i32 to index
        %swap3A_1041 = arith.index_cast %add3A_1004 : i32 to index
        %swap3A_1042 = arith.constant 32 : index
        %swap3A_1043 = tpu.vector_load %arg13[%swap3A_1040, %swap3A_1041, %swap3A_1042] {strides = array<i32>} : memref<2x160x64xf32, #tpu.memory_space<vmem>>, vector<16xf32>,
        tpu.vector_store %arg13[%swap3A_1040, %swap3A_1041, %swap3A_1042], %mul3A_1038 {strides = array<i32>} : memref<2x160x64xf32, #tpu.memory_space<vmem>>, vector<16xf32>,
        %get3A_1044 = arith.constant 0 : i32
        %get3A_1045 = arith.index_cast %get3A_1044 : i32 to index
        %get3A_1046 = arith.index_cast %add3A_1004 : i32 to index
        %get3A_1047 = arith.constant 48 : index
        %get3A_1048 = tpu.vector_load %arg13[%get3A_1045, %get3A_1046, %get3A_1047] {strides = array<i32>} : memref<2x160x64xf32, #tpu.memory_space<vmem>>, vector<16xf32>,
        %mul3A_1049 = arith.mulf %get3A_1048, %broadcast_in_dim3A_1010 : vector<16xf32>
        %swap3A_1050 = arith.constant 0 : i32
        %swap3A_1051 = arith.index_cast %swap3A_1050 : i32 to index
        %swap3A_1052 = arith.index_cast %add3A_1004 : i32 to index
        %swap3A_1053 = arith.constant 48 : index
        %swap3A_1054 = tpu.vector_load %arg13[%swap3A_1051, %swap3A_1052, %swap3A_1053] {strides = array<i32>} : memref<2x160x64xf32, #tpu.memory_space<vmem>>, vector<16xf32>,
        tpu.vector_store %arg13[%swap3A_1051, %swap3A_1052, %swap3A_1053], %mul3A_1049 {strides = array<i32>} : memref<2x160x64xf32, #tpu.memory_space<vmem>>, vector<16xf32>,
        %add3A_1055 = arith.constant 13 : i32
        %add3A_1056 = arith.addi %mul3A_327, %add3A_1055 : i32
        %slice3A_1057 = vector.extract_strided_slice %exp3A {offsets = [13], sizes = [1], strides = [1]} : vector<16xf32> to vector<1xf32>
        %squeeze3A_1058 = vector.extract %slice3A_1057[0] : f32 from vector<1xf32>
        %broadcast_in_dim3A_1059 = vector.broadcast %squeeze3A_1058 : f32 to vector<16xf32>
        %slice3A_1060 = vector.extract_strided_slice %exp3A_376 {offsets = [13], sizes = [1], strides = [1]} : vector<16xf32> to vector<1xf32>
        %squeeze3A_1061 = vector.extract %slice3A_1060[0] : f32 from vector<1xf32>
        %broadcast_in_dim3A_1062 = vector.broadcast %squeeze3A_1061 : f32 to vector<16xf32>
        %get3A_1063 = arith.constant 0 : i32
        %get3A_1064 = arith.index_cast %get3A_1063 : i32 to index
        %get3A_1065 = arith.index_cast %add3A_1056 : i32 to index
        %get3A_1066 = arith.constant 0 : index
        %get3A_1067 = tpu.vector_load %arg13[%get3A_1064, %get3A_1065, %get3A_1066] {strides = array<i32>} : memref<2x160x64xf32, #tpu.memory_space<vmem>>, vector<16xf32>,
        %mul3A_1068 = arith.mulf %get3A_1067, %broadcast_in_dim3A_1059 : vector<16xf32>
        %swap3A_1069 = arith.constant 0 : i32
        %swap3A_1070 = arith.index_cast %swap3A_1069 : i32 to index
        %swap3A_1071 = arith.index_cast %add3A_1056 : i32 to index
        %swap3A_1072 = arith.constant 0 : index
        %swap3A_1073 = tpu.vector_load %arg13[%swap3A_1070, %swap3A_1071, %swap3A_1072] {strides = array<i32>} : memref<2x160x64xf32, #tpu.memory_space<vmem>>, vector<16xf32>,
        tpu.vector_store %arg13[%swap3A_1070, %swap3A_1071, %swap3A_1072], %mul3A_1068 {strides = array<i32>} : memref<2x160x64xf32, #tpu.memory_space<vmem>>, vector<16xf32>,
        %get3A_1074 = arith.constant 0 : i32
        %get3A_1075 = arith.index_cast %get3A_1074 : i32 to index
        %get3A_1076 = arith.index_cast %add3A_1056 : i32 to index
        %get3A_1077 = arith.constant 16 : index
        %get3A_1078 = tpu.vector_load %arg13[%get3A_1075, %get3A_1076, %get3A_1077] {strides = array<i32>} : memref<2x160x64xf32, #tpu.memory_space<vmem>>, vector<16xf32>,
        %mul3A_1079 = arith.mulf %get3A_1078, %broadcast_in_dim3A_1059 : vector<16xf32>
        %swap3A_1080 = arith.constant 0 : i32
        %swap3A_1081 = arith.index_cast %swap3A_1080 : i32 to index
        %swap3A_1082 = arith.index_cast %add3A_1056 : i32 to index
        %swap3A_1083 = arith.constant 16 : index
        %swap3A_1084 = tpu.vector_load %arg13[%swap3A_1081, %swap3A_1082, %swap3A_1083] {strides = array<i32>} : memref<2x160x64xf32, #tpu.memory_space<vmem>>, vector<16xf32>,
        tpu.vector_store %arg13[%swap3A_1081, %swap3A_1082, %swap3A_1083], %mul3A_1079 {strides = array<i32>} : memref<2x160x64xf32, #tpu.memory_space<vmem>>, vector<16xf32>,
        %get3A_1085 = arith.constant 0 : i32
        %get3A_1086 = arith.index_cast %get3A_1085 : i32 to index
        %get3A_1087 = arith.index_cast %add3A_1056 : i32 to index
        %get3A_1088 = arith.constant 32 : index
        %get3A_1089 = tpu.vector_load %arg13[%get3A_1086, %get3A_1087, %get3A_1088] {strides = array<i32>} : memref<2x160x64xf32, #tpu.memory_space<vmem>>, vector<16xf32>,
        %mul3A_1090 = arith.mulf %get3A_1089, %broadcast_in_dim3A_1062 : vector<16xf32>
        %swap3A_1091 = arith.constant 0 : i32
        %swap3A_1092 = arith.index_cast %swap3A_1091 : i32 to index
        %swap3A_1093 = arith.index_cast %add3A_1056 : i32 to index
        %swap3A_1094 = arith.constant 32 : index
        %swap3A_1095 = tpu.vector_load %arg13[%swap3A_1092, %swap3A_1093, %swap3A_1094] {strides = array<i32>} : memref<2x160x64xf32, #tpu.memory_space<vmem>>, vector<16xf32>,
        tpu.vector_store %arg13[%swap3A_1092, %swap3A_1093, %swap3A_1094], %mul3A_1090 {strides = array<i32>} : memref<2x160x64xf32, #tpu.memory_space<vmem>>, vector<16xf32>,
        %get3A_1096 = arith.constant 0 : i32
        %get3A_1097 = arith.index_cast %get3A_1096 : i32 to index
        %get3A_1098 = arith.index_cast %add3A_1056 : i32 to index
        %get3A_1099 = arith.constant 48 : index
        %get3A_1100 = tpu.vector_load %arg13[%get3A_1097, %get3A_1098, %get3A_1099] {strides = array<i32>} : memref<2x160x64xf32, #tpu.memory_space<vmem>>, vector<16xf32>,
        %mul3A_1101 = arith.mulf %get3A_1100, %broadcast_in_dim3A_1062 : vector<16xf32>
        %swap3A_1102 = arith.constant 0 : i32
        %swap3A_1103 = arith.index_cast %swap3A_1102 : i32 to index
        %swap3A_1104 = arith.index_cast %add3A_1056 : i32 to index
        %swap3A_1105 = arith.constant 48 : index
        %swap3A_1106 = tpu.vector_load %arg13[%swap3A_1103, %swap3A_1104, %swap3A_1105] {strides = array<i32>} : memref<2x160x64xf32, #tpu.memory_space<vmem>>, vector<16xf32>,
        tpu.vector_store %arg13[%swap3A_1103, %swap3A_1104, %swap3A_1105], %mul3A_1101 {strides = array<i32>} : memref<2x160x64xf32, #tpu.memory_space<vmem>>, vector<16xf32>,
        %add3A_1107 = arith.constant 14 : i32
        %add3A_1108 = arith.addi %mul3A_327, %add3A_1107 : i32
        %slice3A_1109 = vector.extract_strided_slice %exp3A {offsets = [14], sizes = [1], strides = [1]} : vector<16xf32> to vector<1xf32>
        %squeeze3A_1110 = vector.extract %slice3A_1109[0] : f32 from vector<1xf32>
        %broadcast_in_dim3A_1111 = vector.broadcast %squeeze3A_1110 : f32 to vector<16xf32>
        %slice3A_1112 = vector.extract_strided_slice %exp3A_376 {offsets = [14], sizes = [1], strides = [1]} : vector<16xf32> to vector<1xf32>
        %squeeze3A_1113 = vector.extract %slice3A_1112[0] : f32 from vector<1xf32>
        %broadcast_in_dim3A_1114 = vector.broadcast %squeeze3A_1113 : f32 to vector<16xf32>
        %get3A_1115 = arith.constant 0 : i32
        %get3A_1116 = arith.index_cast %get3A_1115 : i32 to index
        %get3A_1117 = arith.index_cast %add3A_1108 : i32 to index
        %get3A_1118 = arith.constant 0 : index
        %get3A_1119 = tpu.vector_load %arg13[%get3A_1116, %get3A_1117, %get3A_1118] {strides = array<i32>} : memref<2x160x64xf32, #tpu.memory_space<vmem>>, vector<16xf32>,
        %mul3A_1120 = arith.mulf %get3A_1119, %broadcast_in_dim3A_1111 : vector<16xf32>
        %swap3A_1121 = arith.constant 0 : i32
        %swap3A_1122 = arith.index_cast %swap3A_1121 : i32 to index
        %swap3A_1123 = arith.index_cast %add3A_1108 : i32 to index
        %swap3A_1124 = arith.constant 0 : index
        %swap3A_1125 = tpu.vector_load %arg13[%swap3A_1122, %swap3A_1123, %swap3A_1124] {strides = array<i32>} : memref<2x160x64xf32, #tpu.memory_space<vmem>>, vector<16xf32>,
        tpu.vector_store %arg13[%swap3A_1122, %swap3A_1123, %swap3A_1124], %mul3A_1120 {strides = array<i32>} : memref<2x160x64xf32, #tpu.memory_space<vmem>>, vector<16xf32>,
        %get3A_1126 = arith.constant 0 : i32
        %get3A_1127 = arith.index_cast %get3A_1126 : i32 to index
        %get3A_1128 = arith.index_cast %add3A_1108 : i32 to index
        %get3A_1129 = arith.constant 16 : index
        %get3A_1130 = tpu.vector_load %arg13[%get3A_1127, %get3A_1128, %get3A_1129] {strides = array<i32>} : memref<2x160x64xf32, #tpu.memory_space<vmem>>, vector<16xf32>,
        %mul3A_1131 = arith.mulf %get3A_1130, %broadcast_in_dim3A_1111 : vector<16xf32>
        %swap3A_1132 = arith.constant 0 : i32
        %swap3A_1133 = arith.index_cast %swap3A_1132 : i32 to index
        %swap3A_1134 = arith.index_cast %add3A_1108 : i32 to index
        %swap3A_1135 = arith.constant 16 : index
        %swap3A_1136 = tpu.vector_load %arg13[%swap3A_1133, %swap3A_1134, %swap3A_1135] {strides = array<i32>} : memref<2x160x64xf32, #tpu.memory_space<vmem>>, vector<16xf32>,
        tpu.vector_store %arg13[%swap3A_1133, %swap3A_1134, %swap3A_1135], %mul3A_1131 {strides = array<i32>} : memref<2x160x64xf32, #tpu.memory_space<vmem>>, vector<16xf32>,
        %get3A_1137 = arith.constant 0 : i32
        %get3A_1138 = arith.index_cast %get3A_1137 : i32 to index
        %get3A_1139 = arith.index_cast %add3A_1108 : i32 to index
        %get3A_1140 = arith.constant 32 : index
        %get3A_1141 = tpu.vector_load %arg13[%get3A_1138, %get3A_1139, %get3A_1140] {strides = array<i32>} : memref<2x160x64xf32, #tpu.memory_space<vmem>>, vector<16xf32>,
        %mul3A_1142 = arith.mulf %get3A_1141, %broadcast_in_dim3A_1114 : vector<16xf32>
        %swap3A_1143 = arith.constant 0 : i32
        %swap3A_1144 = arith.index_cast %swap3A_1143 : i32 to index
        %swap3A_1145 = arith.index_cast %add3A_1108 : i32 to index
        %swap3A_1146 = arith.constant 32 : index
        %swap3A_1147 = tpu.vector_load %arg13[%swap3A_1144, %swap3A_1145, %swap3A_1146] {strides = array<i32>} : memref<2x160x64xf32, #tpu.memory_space<vmem>>, vector<16xf32>,
        tpu.vector_store %arg13[%swap3A_1144, %swap3A_1145, %swap3A_1146], %mul3A_1142 {strides = array<i32>} : memref<2x160x64xf32, #tpu.memory_space<vmem>>, vector<16xf32>,
        %get3A_1148 = arith.constant 0 : i32
        %get3A_1149 = arith.index_cast %get3A_1148 : i32 to index
        %get3A_1150 = arith.index_cast %add3A_1108 : i32 to index
        %get3A_1151 = arith.constant 48 : index
        %get3A_1152 = tpu.vector_load %arg13[%get3A_1149, %get3A_1150, %get3A_1151] {strides = array<i32>} : memref<2x160x64xf32, #tpu.memory_space<vmem>>, vector<16xf32>,
        %mul3A_1153 = arith.mulf %get3A_1152, %broadcast_in_dim3A_1114 : vector<16xf32>
        %swap3A_1154 = arith.constant 0 : i32
        %swap3A_1155 = arith.index_cast %swap3A_1154 : i32 to index
        %swap3A_1156 = arith.index_cast %add3A_1108 : i32 to index
        %swap3A_1157 = arith.constant 48 : index
        %swap3A_1158 = tpu.vector_load %arg13[%swap3A_1155, %swap3A_1156, %swap3A_1157] {strides = array<i32>} : memref<2x160x64xf32, #tpu.memory_space<vmem>>, vector<16xf32>,
        tpu.vector_store %arg13[%swap3A_1155, %swap3A_1156, %swap3A_1157], %mul3A_1153 {strides = array<i32>} : memref<2x160x64xf32, #tpu.memory_space<vmem>>, vector<16xf32>,
        %add3A_1159 = arith.constant 15 : i32
        %add3A_1160 = arith.addi %mul3A_327, %add3A_1159 : i32
        %slice3A_1161 = vector.extract_strided_slice %exp3A {offsets = [15], sizes = [1], strides = [1]} : vector<16xf32> to vector<1xf32>
        %squeeze3A_1162 = vector.extract %slice3A_1161[0] : f32 from vector<1xf32>
        %broadcast_in_dim3A_1163 = vector.broadcast %squeeze3A_1162 : f32 to vector<16xf32>
        %slice3A_1164 = vector.extract_strided_slice %exp3A_376 {offsets = [15], sizes = [1], strides = [1]} : vector<16xf32> to vector<1xf32>
        %squeeze3A_1165 = vector.extract %slice3A_1164[0] : f32 from vector<1xf32>
        %broadcast_in_dim3A_1166 = vector.broadcast %squeeze3A_1165 : f32 to vector<16xf32>
        %get3A_1167 = arith.constant 0 : i32
        %get3A_1168 = arith.index_cast %get3A_1167 : i32 to index
        %get3A_1169 = arith.index_cast %add3A_1160 : i32 to index
        %get3A_1170 = arith.constant 0 : index
        %get3A_1171 = tpu.vector_load %arg13[%get3A_1168, %get3A_1169, %get3A_1170] {strides = array<i32>} : memref<2x160x64xf32, #tpu.memory_space<vmem>>, vector<16xf32>,
        %mul3A_1172 = arith.mulf %get3A_1171, %broadcast_in_dim3A_1163 : vector<16xf32>
        %swap3A_1173 = arith.constant 0 : i32
        %swap3A_1174 = arith.index_cast %swap3A_1173 : i32 to index
        %swap3A_1175 = arith.index_cast %add3A_1160 : i32 to index
        %swap3A_1176 = arith.constant 0 : index
        %swap3A_1177 = tpu.vector_load %arg13[%swap3A_1174, %swap3A_1175, %swap3A_1176] {strides = array<i32>} : memref<2x160x64xf32, #tpu.memory_space<vmem>>, vector<16xf32>,
        tpu.vector_store %arg13[%swap3A_1174, %swap3A_1175, %swap3A_1176], %mul3A_1172 {strides = array<i32>} : memref<2x160x64xf32, #tpu.memory_space<vmem>>, vector<16xf32>,
        %get3A_1178 = arith.constant 0 : i32
        %get3A_1179 = arith.index_cast %get3A_1178 : i32 to index
        %get3A_1180 = arith.index_cast %add3A_1160 : i32 to index
        %get3A_1181 = arith.constant 16 : index
        %get3A_1182 = tpu.vector_load %arg13[%get3A_1179, %get3A_1180, %get3A_1181] {strides = array<i32>} : memref<2x160x64xf32, #tpu.memory_space<vmem>>, vector<16xf32>,
        %mul3A_1183 = arith.mulf %get3A_1182, %broadcast_in_dim3A_1163 : vector<16xf32>
        %swap3A_1184 = arith.constant 0 : i32
        %swap3A_1185 = arith.index_cast %swap3A_1184 : i32 to index
        %swap3A_1186 = arith.index_cast %add3A_1160 : i32 to index
        %swap3A_1187 = arith.constant 16 : index
        %swap3A_1188 = tpu.vector_load %arg13[%swap3A_1185, %swap3A_1186, %swap3A_1187] {strides = array<i32>} : memref<2x160x64xf32, #tpu.memory_space<vmem>>, vector<16xf32>,
        tpu.vector_store %arg13[%swap3A_1185, %swap3A_1186, %swap3A_1187], %mul3A_1183 {strides = array<i32>} : memref<2x160x64xf32, #tpu.memory_space<vmem>>, vector<16xf32>,
        %get3A_1189 = arith.constant 0 : i32
        %get3A_1190 = arith.index_cast %get3A_1189 : i32 to index
        %get3A_1191 = arith.index_cast %add3A_1160 : i32 to index
        %get3A_1192 = arith.constant 32 : index
        %get3A_1193 = tpu.vector_load %arg13[%get3A_1190, %get3A_1191, %get3A_1192] {strides = array<i32>} : memref<2x160x64xf32, #tpu.memory_space<vmem>>, vector<16xf32>,
        %mul3A_1194 = arith.mulf %get3A_1193, %broadcast_in_dim3A_1166 : vector<16xf32>
        %swap3A_1195 = arith.constant 0 : i32
        %swap3A_1196 = arith.index_cast %swap3A_1195 : i32 to index
        %swap3A_1197 = arith.index_cast %add3A_1160 : i32 to index
        %swap3A_1198 = arith.constant 32 : index
        %swap3A_1199 = tpu.vector_load %arg13[%swap3A_1196, %swap3A_1197, %swap3A_1198] {strides = array<i32>} : memref<2x160x64xf32, #tpu.memory_space<vmem>>, vector<16xf32>,
        tpu.vector_store %arg13[%swap3A_1196, %swap3A_1197, %swap3A_1198], %mul3A_1194 {strides = array<i32>} : memref<2x160x64xf32, #tpu.memory_space<vmem>>, vector<16xf32>,
        %get3A_1200 = arith.constant 0 : i32
        %get3A_1201 = arith.index_cast %get3A_1200 : i32 to index
        %get3A_1202 = arith.index_cast %add3A_1160 : i32 to index
        %get3A_1203 = arith.constant 48 : index
        %get3A_1204 = tpu.vector_load %arg13[%get3A_1201, %get3A_1202, %get3A_1203] {strides = array<i32>} : memref<2x160x64xf32, #tpu.memory_space<vmem>>, vector<16xf32>,
        %mul3A_1205 = arith.mulf %get3A_1204, %broadcast_in_dim3A_1166 : vector<16xf32>
        %swap3A_1206 = arith.constant 0 : i32
        %swap3A_1207 = arith.index_cast %swap3A_1206 : i32 to index
        %swap3A_1208 = arith.index_cast %add3A_1160 : i32 to index
        %swap3A_1209 = arith.constant 48 : index
        %swap3A_1210 = tpu.vector_load %arg13[%swap3A_1207, %swap3A_1208, %swap3A_1209] {strides = array<i32>} : memref<2x160x64xf32, #tpu.memory_space<vmem>>, vector<16xf32>,
        tpu.vector_store %arg13[%swap3A_1207, %swap3A_1208, %swap3A_1209], %mul3A_1205 {strides = array<i32>} : memref<2x160x64xf32, #tpu.memory_space<vmem>>, vector<16xf32>,
        %scan3A_1211 = arith.constant 0 : i32
        scf.yield %scan3A_1211 : i32
      }
      %scan3A_242 = arith.constant 10 : i32
      %dma_start3A_243 = arith.constant 0 : i32
      %dma_start3A_244 = arith.constant 0 : i32
      %dma_start3A_245 = arith.constant 0 : i32
      %dma_start3A_246 = arith.constant 0 : i32
      %dma_start3A_247 = tpu.memref_slice %arg13[%dma_start3A_243, %dma_start3A_245, %dma_start3A_246] : memref<2x160x64xf32, #tpu.memory_space<vmem>> -> memref<1x160x64xf32, #tpu.memory_space<vmem>>
      %dma_start3A_248 = tpu.memref_squeeze %dma_start3A_247 : memref<1x160x64xf32, #tpu.memory_space<vmem>> -> memref<160x64xf32, #tpu.memory_space<vmem>>
      %dma_start3A_249 = arith.constant 0 : i32
      %dma_start3A_250 = tpu.memref_slice %arg12[%dma_start3A_244, %dma_start3A_249] : memref<2x160xi32, #tpu.memory_space<vmem>> -> memref<1x160xi32, #tpu.memory_space<vmem>>
      %dma_start3A_251 = tpu.memref_squeeze %dma_start3A_250 : memref<1x160xi32, #tpu.memory_space<vmem>> -> memref<160xi32, #tpu.memory_space<vmem>>
      %dma_start3A_252 = arith.constant 0 : i32
      %dma_start3A_253 = arith.constant 0 : i32
      %dma_start3A_254 = tpu.memref_slice %arg15[%dma_start3A_252, %dma_start3A_253] : memref<10000x64xf32, #tpu.memory_space<vmem_shared>> -> memref<10000x64xf32, #tpu.memory_space<vmem_shared>>
      tpu.enqueue_indirect_dma source(%dma_start3A_248 : memref<160x64xf32, #tpu.memory_space<vmem>>) target(%dma_start3A_254 : memref<10000x64xf32, #tpu.memory_space<vmem_shared>>) offsets(%dma_start3A_251 : memref<160xi32, #tpu.memory_space<vmem>>) semaphore(%arg19 : memref<!tpu.dma_semaphore, #tpu.memory_space<semaphore_mem>>) {add = true}
      %run_scoped3A_255 = arith.constant 0 : i32
      "tpu.region"() ({
        %run_scoped3A_324 = tpu.sem_alloc : memref<!tpu.dma_semaphore, #tpu.memory_space<semaphore_mem>>
        %dma_start3A_325 = arith.constant 0 : i32
        %dma_start3A_326 = tpu.memref_slice %arg12[%run_scoped3A_255, %dma_start3A_325] : memref<2x160xi32, #tpu.memory_space<vmem>> -> memref<1x160xi32, #tpu.memory_space<vmem>>
        %dma_start3A_327 = tpu.memref_squeeze %dma_start3A_326 : memref<1x160xi32, #tpu.memory_space<vmem>> -> memref<160xi32, #tpu.memory_space<vmem>>
        %dma_start3A_328 = arith.constant 0 : i32
        %dma_start3A_329 = arith.constant 0 : i32
        %dma_start3A_330 = tpu.memref_slice %arg16[%dma_start3A_328, %dma_start3A_329] : memref<10000x16xf32, #tpu.memory_space<vmem_shared>> -> memref<10000x16xf32, #tpu.memory_space<vmem_shared>>
        tpu.enqueue_indirect_dma source(%arg14 : memref<160x16xf32, #tpu.memory_space<vmem>>) target(%dma_start3A_330 : memref<10000x16xf32, #tpu.memory_space<vmem_shared>>) offsets(%dma_start3A_327 : memref<160xi32, #tpu.memory_space<vmem>>) semaphore(%run_scoped3A_324 : memref<!tpu.dma_semaphore, #tpu.memory_space<semaphore_mem>>) {add = true}
        %dma_wait3A_331 = arith.constant 0 : i32
        %dma_wait3A_332 = tpu.memref_slice %arg12[%run_scoped3A_255, %dma_wait3A_331] : memref<2x160xi32, #tpu.memory_space<vmem>> -> memref<1x160xi32, #tpu.memory_space<vmem>>
        %dma_wait3A_333 = tpu.memref_squeeze %dma_wait3A_332 : memref<1x160xi32, #tpu.memory_space<vmem>> -> memref<160xi32, #tpu.memory_space<vmem>>
        %dma_wait3A_334 = arith.constant 0 : i32
        %dma_wait3A_335 = arith.constant 0 : i32
        %dma_wait3A_336 = tpu.memref_slice %arg16[%dma_wait3A_334, %dma_wait3A_335] : memref<10000x16xf32, #tpu.memory_space<vmem_shared>> -> memref<10000x16xf32, #tpu.memory_space<vmem_shared>>
        tpu.wait_indirect_dma semaphore(%run_scoped3A_324 : memref<!tpu.dma_semaphore, #tpu.memory_space<semaphore_mem>>) src(%arg14 : memref<160x16xf32, #tpu.memory_space<vmem>>) dst(%dma_wait3A_336 : memref<10000x16xf32, #tpu.memory_space<vmem_shared>>)
        tpu.yield
      }) : () -> ()
      %dma_wait3A_256 = arith.constant 0 : i32
      %dma_wait3A_257 = arith.constant 0 : i32
      %dma_wait3A_258 = arith.constant 0 : i32
      %dma_wait3A_259 = arith.constant 0 : i32
      %dma_wait3A_260 = tpu.memref_slice %arg13[%dma_wait3A_256, %dma_wait3A_258, %dma_wait3A_259] : memref<2x160x64xf32, #tpu.memory_space<vmem>> -> memref<1x160x64xf32, #tpu.memory_space<vmem>>
      %dma_wait3A_261 = tpu.memref_squeeze %dma_wait3A_260 : memref<1x160x64xf32, #tpu.memory_space<vmem>> -> memref<160x64xf32, #tpu.memory_space<vmem>>
      %dma_wait3A_262 = arith.constant 0 : i32
      %dma_wait3A_263 = tpu.memref_slice %arg12[%dma_wait3A_257, %dma_wait3A_262] : memref<2x160xi32, #tpu.memory_space<vmem>> -> memref<1x160xi32, #tpu.memory_space<vmem>>
      %dma_wait3A_264 = tpu.memref_squeeze %dma_wait3A_263 : memref<1x160xi32, #tpu.memory_space<vmem>> -> memref<160xi32, #tpu.memory_space<vmem>>
      %dma_wait3A_265 = arith.constant 0 : i32
      %dma_wait3A_266 = arith.constant 0 : i32
      %dma_wait3A_267 = tpu.memref_slice %arg15[%dma_wait3A_265, %dma_wait3A_266] : memref<10000x64xf32, #tpu.memory_space<vmem_shared>> -> memref<10000x64xf32, #tpu.memory_space<vmem_shared>>
      tpu.wait_indirect_dma semaphore(%arg19 : memref<!tpu.dma_semaphore, #tpu.memory_space<semaphore_mem>>) src(%dma_wait3A_261 : memref<160x64xf32, #tpu.memory_space<vmem>>) dst(%dma_wait3A_267 : memref<10000x64xf32, #tpu.memory_space<vmem_shared>>)
      %mul3A_268 = arith.constant 2 : i32
      %mul3A_269 = arith.muli %scan3A_211, %mul3A_268 : i32
      %add3A_270 = arith.constant 1 : i32
      %add3A_271 = arith.addi %mul3A_269, %add3A_270 : i32
      %dma_wait3A_272 = arith.constant 1 : i32
      %dma_wait3A_273 = arith.constant 1 : i32
      %dma_wait3A_274 = arith.constant 0 : i32
      %dma_wait3A_275 = arith.constant 0 : i32
      %dma_wait3A_276 = tpu.memref_slice %arg13[%dma_wait3A_273, %dma_wait3A_274, %dma_wait3A_275] : memref<2x160x64xf32, #tpu.memory_space<vmem>> -> memref<1x160x64xf32, #tpu.memory_space<vmem>>
      %dma_wait3A_277 = tpu.memref_squeeze %dma_wait3A_276 : memref<1x160x64xf32, #tpu.memory_space<vmem>> -> memref<160x64xf32, #tpu.memory_space<vmem>>
      %dma_wait3A_278 = arith.constant 0 : i32
      %dma_wait3A_279 = tpu.memref_slice %arg11[%dma_wait3A_272, %dma_wait3A_278] : memref<2x160xi32, #tpu.memory_space<vmem>> -> memref<1x160xi32, #tpu.memory_space<vmem>>
      %dma_wait3A_280 = tpu.memref_squeeze %dma_wait3A_279 : memref<1x160xi32, #tpu.memory_space<vmem>> -> memref<160xi32, #tpu.memory_space<vmem>>
      %dma_wait3A_281 = arith.constant 0 : i32
      %dma_wait3A_282 = arith.constant 0 : i32
      %dma_wait3A_283 = tpu.memref_slice %arg2[%dma_wait3A_281, %dma_wait3A_282] : memref<20000x64xf32, #tpu.memory_space<hbm>> -> memref<20000x64xf32, #tpu.memory_space<hbm>>
      tpu.wait_indirect_dma semaphore(%arg18 : memref<!tpu.dma_semaphore, #tpu.memory_space<semaphore_mem>>) src(%dma_wait3A_283 : memref<20000x64xf32, #tpu.memory_space<hbm>>) dst(%dma_wait3A_277 : memref<160x64xf32, #tpu.memory_space<vmem>>)
      %add3A_284 = arith.constant 1 : i32
      %add3A_285 = arith.addi %add3A_271, %add3A_284 : i32
      %lt3A_286 = arith.constant 125 : i32
      %lt3A_287 = arith.cmpi slt, %add3A_285, %lt3A_286 : i32
      %convert_element_type3A_288 = arith.extui %lt3A_287 : i1 to i32
      %cond3A_289 = arith.constant 0 : i32
      %cond3A_290 = arith.cmpi ne, %convert_element_type3A_288, %cond3A_289 : i32
      scf.if %cond3A_290 {
        %add3A_324 = arith.constant 1 : i32
        %add3A_325 = arith.addi %add3A_271, %add3A_324 : i32
        %mul3A_326 = arith.constant 160 : i32
        %mul3A_327 = arith.muli %add3A_325, %mul3A_326 : i32
        %add3A_328 = arith.addi %mul3A_0, %mul3A_327 : i32
        %run_scoped3A_329 = arith.constant 0 : i32
        "tpu.region"() ({
          %run_scoped3A_446 = tpu.sem_alloc : memref<!tpu.dma_semaphore, #tpu.memory_space<semaphore_mem>>
          %dma_start3A_447 = arith.constant 0 : i32
          %dma_start3A_448 = tpu.memref_slice %arg11[%run_scoped3A_329, %dma_start3A_447] : memref<2x160xi32, #tpu.memory_space<vmem>> -> memref<1x160xi32, #tpu.memory_space<vmem>>
          %dma_start3A_449 = tpu.memref_squeeze %dma_start3A_448 : memref<1x160xi32, #tpu.memory_space<vmem>> -> memref<160xi32, #tpu.memory_space<vmem>>
          %dma_start3A_450 = tpu.memref_slice %arg5[%add3A_328] : memref<320000xi32, #tpu.memory_space<hbm>> -> memref<160xi32, #tpu.memory_space<hbm>>
          %dma_start3A_451 = arith.constant 0 : i32
          %dma_start3A_452 = tpu.memref_slice %arg11[%run_scoped3A_329, %dma_start3A_451] : memref<2x160xi32, #tpu.memory_space<vmem>> -> memref<1x160xi32, #tpu.memory_space<vmem>>
          %dma_start3A_453 = tpu.memref_squeeze %dma_start3A_452 : memref<1x160xi32, #tpu.memory_space<vmem>> -> memref<160xi32, #tpu.memory_space<vmem>>
          %dma_start3A_454 = tpu.memref_slice %arg5[%add3A_328] : memref<320000xi32, #tpu.memory_space<hbm>> -> memref<160xi32, #tpu.memory_space<hbm>>
          tpu.enqueue_dma source(%dma_start3A_454 : memref<160xi32, #tpu.memory_space<hbm>>) target(%dma_start3A_453 : memref<160xi32, #tpu.memory_space<vmem>>) target_semaphore(%run_scoped3A_446 : memref<!tpu.dma_semaphore, #tpu.memory_space<semaphore_mem>>)
          %dma_wait3A_455 = arith.constant 0 : i32
          %dma_wait3A_456 = tpu.memref_slice %arg11[%run_scoped3A_329, %dma_wait3A_455] : memref<2x160xi32, #tpu.memory_space<vmem>> -> memref<1x160xi32, #tpu.memory_space<vmem>>
          %dma_wait3A_457 = tpu.memref_squeeze %dma_wait3A_456 : memref<1x160xi32, #tpu.memory_space<vmem>> -> memref<160xi32, #tpu.memory_space<vmem>>
          %dma_wait3A_458 = tpu.memref_slice %arg5[%add3A_328] : memref<320000xi32, #tpu.memory_space<hbm>> -> memref<160xi32, #tpu.memory_space<hbm>>
          %dma_wait3A_459 = arith.constant 0 : i32
          %dma_wait3A_460 = tpu.memref_slice %arg11[%run_scoped3A_329, %dma_wait3A_459] : memref<2x160xi32, #tpu.memory_space<vmem>> -> memref<1x160xi32, #tpu.memory_space<vmem>>
          %dma_wait3A_461 = tpu.memref_squeeze %dma_wait3A_460 : memref<1x160xi32, #tpu.memory_space<vmem>> -> memref<160xi32, #tpu.memory_space<vmem>>
          %dma_wait3A_462 = tpu.memref_slice %arg5[%add3A_328] : memref<320000xi32, #tpu.memory_space<hbm>> -> memref<160xi32, #tpu.memory_space<hbm>>
          tpu.wait_dma2 semaphore(%run_scoped3A_446 : memref<!tpu.dma_semaphore, #tpu.memory_space<semaphore_mem>>) src(%dma_wait3A_462 : memref<160xi32, #tpu.memory_space<hbm>>) dst(%dma_wait3A_461 : memref<160xi32, #tpu.memory_space<vmem>>)
          tpu.yield
        }) : () -> ()
        %mul3A_330 = arith.constant 160 : i32
        %mul3A_331 = arith.muli %add3A_325, %mul3A_330 : i32
        %add3A_332 = arith.addi %mul3A_0, %mul3A_331 : i32
        %run_scoped3A_333 = arith.constant 0 : i32
        "tpu.region"() ({
          %run_scoped3A_446 = tpu.sem_alloc : memref<!tpu.dma_semaphore, #tpu.memory_space<semaphore_mem>>
          %dma_start3A_447 = arith.constant 0 : i32
          %dma_start3A_448 = tpu.memref_slice %arg12[%run_scoped3A_333, %dma_start3A_447] : memref<2x160xi32, #tpu.memory_space<vmem>> -> memref<1x160xi32, #tpu.memory_space<vmem>>
          %dma_start3A_449 = tpu.memref_squeeze %dma_start3A_448 : memref<1x160xi32, #tpu.memory_space<vmem>> -> memref<160xi32, #tpu.memory_space<vmem>>
          %dma_start3A_450 = tpu.memref_slice %arg6[%add3A_332] : memref<320000xi32, #tpu.memory_space<hbm>> -> memref<160xi32, #tpu.memory_space<hbm>>
          %dma_start3A_451 = arith.constant 0 : i32
          %dma_start3A_452 = tpu.memref_slice %arg12[%run_scoped3A_333, %dma_start3A_451] : memref<2x160xi32, #tpu.memory_space<vmem>> -> memref<1x160xi32, #tpu.memory_space<vmem>>
          %dma_start3A_453 = tpu.memref_squeeze %dma_start3A_452 : memref<1x160xi32, #tpu.memory_space<vmem>> -> memref<160xi32, #tpu.memory_space<vmem>>
          %dma_start3A_454 = tpu.memref_slice %arg6[%add3A_332] : memref<320000xi32, #tpu.memory_space<hbm>> -> memref<160xi32, #tpu.memory_space<hbm>>
          tpu.enqueue_dma source(%dma_start3A_454 : memref<160xi32, #tpu.memory_space<hbm>>) target(%dma_start3A_453 : memref<160xi32, #tpu.memory_space<vmem>>) target_semaphore(%run_scoped3A_446 : memref<!tpu.dma_semaphore, #tpu.memory_space<semaphore_mem>>)
          %dma_wait3A_455 = arith.constant 0 : i32
          %dma_wait3A_456 = tpu.memref_slice %arg12[%run_scoped3A_333, %dma_wait3A_455] : memref<2x160xi32, #tpu.memory_space<vmem>> -> memref<1x160xi32, #tpu.memory_space<vmem>>
          %dma_wait3A_457 = tpu.memref_squeeze %dma_wait3A_456 : memref<1x160xi32, #tpu.memory_space<vmem>> -> memref<160xi32, #tpu.memory_space<vmem>>
          %dma_wait3A_458 = tpu.memref_slice %arg6[%add3A_332] : memref<320000xi32, #tpu.memory_space<hbm>> -> memref<160xi32, #tpu.memory_space<hbm>>
          %dma_wait3A_459 = arith.constant 0 : i32
          %dma_wait3A_460 = tpu.memref_slice %arg12[%run_scoped3A_333, %dma_wait3A_459] : memref<2x160xi32, #tpu.memory_space<vmem>> -> memref<1x160xi32, #tpu.memory_space<vmem>>
          %dma_wait3A_461 = tpu.memref_squeeze %dma_wait3A_460 : memref<1x160xi32, #tpu.memory_space<vmem>> -> memref<160xi32, #tpu.memory_space<vmem>>
          %dma_wait3A_462 = tpu.memref_slice %arg6[%add3A_332] : memref<320000xi32, #tpu.memory_space<hbm>> -> memref<160xi32, #tpu.memory_space<hbm>>
          tpu.wait_dma2 semaphore(%run_scoped3A_446 : memref<!tpu.dma_semaphore, #tpu.memory_space<semaphore_mem>>) src(%dma_wait3A_462 : memref<160xi32, #tpu.memory_space<hbm>>) dst(%dma_wait3A_461 : memref<160xi32, #tpu.memory_space<vmem>>)
          tpu.yield
        }) : () -> ()
        %get3A_334 = arith.constant 0 : i32
        %get3A_335 = arith.index_cast %get3A_334 : i32 to index
        %get3A_336 = arith.constant 0 : index
        %get3A_337 = tpu.vector_load %arg11[%get3A_335, %get3A_336] {strides = array<i32>} : memref<2x160xi32, #tpu.memory_space<vmem>>, vector<16xi32>,
        %add3A_338 = vector.broadcast %mul3A_10 : i32 to vector<16xi32>
        %add3A_339 = arith.addi %get3A_337, %add3A_338 : vector<16xi32>
        %swap3A_340 = arith.constant 0 : i32
        %swap3A_341 = arith.index_cast %swap3A_340 : i32 to index
        %swap3A_342 = arith.constant 0 : index
        %swap3A_343 = tpu.vector_load %arg11[%swap3A_341, %swap3A_342] {strides = array<i32>} : memref<2x160xi32, #tpu.memory_space<vmem>>, vector<16xi32>,
        tpu.vector_store %arg11[%swap3A_341, %swap3A_342], %add3A_339 {strides = array<i32>} : memref<2x160xi32, #tpu.memory_space<vmem>>, vector<16xi32>,
        %get3A_344 = arith.constant 0 : i32
        %get3A_345 = arith.index_cast %get3A_344 : i32 to index
        %get3A_346 = arith.constant 16 : index
        %get3A_347 = tpu.vector_load %arg11[%get3A_345, %get3A_346] {strides = array<i32>} : memref<2x160xi32, #tpu.memory_space<vmem>>, vector<16xi32>,
        %add3A_348 = vector.broadcast %mul3A_10 : i32 to vector<16xi32>
        %add3A_349 = arith.addi %get3A_347, %add3A_348 : vector<16xi32>
        %swap3A_350 = arith.constant 0 : i32
        %swap3A_351 = arith.index_cast %swap3A_350 : i32 to index
        %swap3A_352 = arith.constant 16 : index
        %swap3A_353 = tpu.vector_load %arg11[%swap3A_351, %swap3A_352] {strides = array<i32>} : memref<2x160xi32, #tpu.memory_space<vmem>>, vector<16xi32>,
        tpu.vector_store %arg11[%swap3A_351, %swap3A_352], %add3A_349 {strides = array<i32>} : memref<2x160xi32, #tpu.memory_space<vmem>>, vector<16xi32>,
        %get3A_354 = arith.constant 0 : i32
        %get3A_355 = arith.index_cast %get3A_354 : i32 to index
        %get3A_356 = arith.constant 32 : index
        %get3A_357 = tpu.vector_load %arg11[%get3A_355, %get3A_356] {strides = array<i32>} : memref<2x160xi32, #tpu.memory_space<vmem>>, vector<16xi32>,
        %add3A_358 = vector.broadcast %mul3A_10 : i32 to vector<16xi32>
        %add3A_359 = arith.addi %get3A_357, %add3A_358 : vector<16xi32>
        %swap3A_360 = arith.constant 0 : i32
        %swap3A_361 = arith.index_cast %swap3A_360 : i32 to index
        %swap3A_362 = arith.constant 32 : index
        %swap3A_363 = tpu.vector_load %arg11[%swap3A_361, %swap3A_362] {strides = array<i32>} : memref<2x160xi32, #tpu.memory_space<vmem>>, vector<16xi32>,
        tpu.vector_store %arg11[%swap3A_361, %swap3A_362], %add3A_359 {strides = array<i32>} : memref<2x160xi32, #tpu.memory_space<vmem>>, vector<16xi32>,
        %get3A_364 = arith.constant 0 : i32
        %get3A_365 = arith.index_cast %get3A_364 : i32 to index
        %get3A_366 = arith.constant 48 : index
        %get3A_367 = tpu.vector_load %arg11[%get3A_365, %get3A_366] {strides = array<i32>} : memref<2x160xi32, #tpu.memory_space<vmem>>, vector<16xi32>,
        %add3A_368 = vector.broadcast %mul3A_10 : i32 to vector<16xi32>
        %add3A_369 = arith.addi %get3A_367, %add3A_368 : vector<16xi32>
        %swap3A_370 = arith.constant 0 : i32
        %swap3A_371 = arith.index_cast %swap3A_370 : i32 to index
        %swap3A_372 = arith.constant 48 : index
        %swap3A_373 = tpu.vector_load %arg11[%swap3A_371, %swap3A_372] {strides = array<i32>} : memref<2x160xi32, #tpu.memory_space<vmem>>, vector<16xi32>,
        tpu.vector_store %arg11[%swap3A_371, %swap3A_372], %add3A_369 {strides = array<i32>} : memref<2x160xi32, #tpu.memory_space<vmem>>, vector<16xi32>,
        %get3A_374 = arith.constant 0 : i32
        %get3A_375 = arith.index_cast %get3A_374 : i32 to index
        %get3A_376 = arith.constant 64 : index
        %get3A_377 = tpu.vector_load %arg11[%get3A_375, %get3A_376] {strides = array<i32>} : memref<2x160xi32, #tpu.memory_space<vmem>>, vector<16xi32>,
        %add3A_378 = vector.broadcast %mul3A_10 : i32 to vector<16xi32>
        %add3A_379 = arith.addi %get3A_377, %add3A_378 : vector<16xi32>
        %swap3A_380 = arith.constant 0 : i32
        %swap3A_381 = arith.index_cast %swap3A_380 : i32 to index
        %swap3A_382 = arith.constant 64 : index
        %swap3A_383 = tpu.vector_load %arg11[%swap3A_381, %swap3A_382] {strides = array<i32>} : memref<2x160xi32, #tpu.memory_space<vmem>>, vector<16xi32>,
        tpu.vector_store %arg11[%swap3A_381, %swap3A_382], %add3A_379 {strides = array<i32>} : memref<2x160xi32, #tpu.memory_space<vmem>>, vector<16xi32>,
        %get3A_384 = arith.constant 0 : i32
        %get3A_385 = arith.index_cast %get3A_384 : i32 to index
        %get3A_386 = arith.constant 80 : index
        %get3A_387 = tpu.vector_load %arg11[%get3A_385, %get3A_386] {strides = array<i32>} : memref<2x160xi32, #tpu.memory_space<vmem>>, vector<16xi32>,
        %add3A_388 = vector.broadcast %mul3A_10 : i32 to vector<16xi32>
        %add3A_389 = arith.addi %get3A_387, %add3A_388 : vector<16xi32>
        %swap3A_390 = arith.constant 0 : i32
        %swap3A_391 = arith.index_cast %swap3A_390 : i32 to index
        %swap3A_392 = arith.constant 80 : index
        %swap3A_393 = tpu.vector_load %arg11[%swap3A_391, %swap3A_392] {strides = array<i32>} : memref<2x160xi32, #tpu.memory_space<vmem>>, vector<16xi32>,
        tpu.vector_store %arg11[%swap3A_391, %swap3A_392], %add3A_389 {strides = array<i32>} : memref<2x160xi32, #tpu.memory_space<vmem>>, vector<16xi32>,
        %get3A_394 = arith.constant 0 : i32
        %get3A_395 = arith.index_cast %get3A_394 : i32 to index
        %get3A_396 = arith.constant 96 : index
        %get3A_397 = tpu.vector_load %arg11[%get3A_395, %get3A_396] {strides = array<i32>} : memref<2x160xi32, #tpu.memory_space<vmem>>, vector<16xi32>,
        %add3A_398 = vector.broadcast %mul3A_10 : i32 to vector<16xi32>
        %add3A_399 = arith.addi %get3A_397, %add3A_398 : vector<16xi32>
        %swap3A_400 = arith.constant 0 : i32
        %swap3A_401 = arith.index_cast %swap3A_400 : i32 to index
        %swap3A_402 = arith.constant 96 : index
        %swap3A_403 = tpu.vector_load %arg11[%swap3A_401, %swap3A_402] {strides = array<i32>} : memref<2x160xi32, #tpu.memory_space<vmem>>, vector<16xi32>,
        tpu.vector_store %arg11[%swap3A_401, %swap3A_402], %add3A_399 {strides = array<i32>} : memref<2x160xi32, #tpu.memory_space<vmem>>, vector<16xi32>,
        %get3A_404 = arith.constant 0 : i32
        %get3A_405 = arith.index_cast %get3A_404 : i32 to index
        %get3A_406 = arith.constant 112 : index
        %get3A_407 = tpu.vector_load %arg11[%get3A_405, %get3A_406] {strides = array<i32>} : memref<2x160xi32, #tpu.memory_space<vmem>>, vector<16xi32>,
        %add3A_408 = vector.broadcast %mul3A_10 : i32 to vector<16xi32>
        %add3A_409 = arith.addi %get3A_407, %add3A_408 : vector<16xi32>
        %swap3A_410 = arith.constant 0 : i32
        %swap3A_411 = arith.index_cast %swap3A_410 : i32 to index
        %swap3A_412 = arith.constant 112 : index
        %swap3A_413 = tpu.vector_load %arg11[%swap3A_411, %swap3A_412] {strides = array<i32>} : memref<2x160xi32, #tpu.memory_space<vmem>>, vector<16xi32>,
        tpu.vector_store %arg11[%swap3A_411, %swap3A_412], %add3A_409 {strides = array<i32>} : memref<2x160xi32, #tpu.memory_space<vmem>>, vector<16xi32>,
        %get3A_414 = arith.constant 0 : i32
        %get3A_415 = arith.index_cast %get3A_414 : i32 to index
        %get3A_416 = arith.constant 128 : index
        %get3A_417 = tpu.vector_load %arg11[%get3A_415, %get3A_416] {strides = array<i32>} : memref<2x160xi32, #tpu.memory_space<vmem>>, vector<16xi32>,
        %add3A_418 = vector.broadcast %mul3A_10 : i32 to vector<16xi32>
        %add3A_419 = arith.addi %get3A_417, %add3A_418 : vector<16xi32>
        %swap3A_420 = arith.constant 0 : i32
        %swap3A_421 = arith.index_cast %swap3A_420 : i32 to index
        %swap3A_422 = arith.constant 128 : index
        %swap3A_423 = tpu.vector_load %arg11[%swap3A_421, %swap3A_422] {strides = array<i32>} : memref<2x160xi32, #tpu.memory_space<vmem>>, vector<16xi32>,
        tpu.vector_store %arg11[%swap3A_421, %swap3A_422], %add3A_419 {strides = array<i32>} : memref<2x160xi32, #tpu.memory_space<vmem>>, vector<16xi32>,
        %get3A_424 = arith.constant 0 : i32
        %get3A_425 = arith.index_cast %get3A_424 : i32 to index
        %get3A_426 = arith.constant 144 : index
        %get3A_427 = tpu.vector_load %arg11[%get3A_425, %get3A_426] {strides = array<i32>} : memref<2x160xi32, #tpu.memory_space<vmem>>, vector<16xi32>,
        %add3A_428 = vector.broadcast %mul3A_10 : i32 to vector<16xi32>
        %add3A_429 = arith.addi %get3A_427, %add3A_428 : vector<16xi32>
        %swap3A_430 = arith.constant 0 : i32
        %swap3A_431 = arith.index_cast %swap3A_430 : i32 to index
        %swap3A_432 = arith.constant 144 : index
        %swap3A_433 = tpu.vector_load %arg11[%swap3A_431, %swap3A_432] {strides = array<i32>} : memref<2x160xi32, #tpu.memory_space<vmem>>, vector<16xi32>,
        tpu.vector_store %arg11[%swap3A_431, %swap3A_432], %add3A_429 {strides = array<i32>} : memref<2x160xi32, #tpu.memory_space<vmem>>, vector<16xi32>,
        %dma_start3A_434 = arith.constant 0 : i32
        %dma_start3A_435 = arith.constant 0 : i32
        %dma_start3A_436 = arith.constant 0 : i32
        %dma_start3A_437 = arith.constant 0 : i32
        %dma_start3A_438 = tpu.memref_slice %arg13[%dma_start3A_435, %dma_start3A_436, %dma_start3A_437] : memref<2x160x64xf32, #tpu.memory_space<vmem>> -> memref<1x160x64xf32, #tpu.memory_space<vmem>>
        %dma_start3A_439 = tpu.memref_squeeze %dma_start3A_438 : memref<1x160x64xf32, #tpu.memory_space<vmem>> -> memref<160x64xf32, #tpu.memory_space<vmem>>
        %dma_start3A_440 = arith.constant 0 : i32
        %dma_start3A_441 = tpu.memref_slice %arg11[%dma_start3A_434, %dma_start3A_440] : memref<2x160xi32, #tpu.memory_space<vmem>> -> memref<1x160xi32, #tpu.memory_space<vmem>>
        %dma_start3A_442 = tpu.memref_squeeze %dma_start3A_441 : memref<1x160xi32, #tpu.memory_space<vmem>> -> memref<160xi32, #tpu.memory_space<vmem>>
        %dma_start3A_443 = arith.constant 0 : i32
        %dma_start3A_444 = arith.constant 0 : i32
        %dma_start3A_445 = tpu.memref_slice %arg2[%dma_start3A_443, %dma_start3A_444] : memref<20000x64xf32, #tpu.memory_space<hbm>> -> memref<20000x64xf32, #tpu.memory_space<hbm>>
        tpu.enqueue_indirect_dma source(%dma_start3A_445 : memref<20000x64xf32, #tpu.memory_space<hbm>>) target(%dma_start3A_439 : memref<160x64xf32, #tpu.memory_space<vmem>>) offsets(%dma_start3A_442 : memref<160xi32, #tpu.memory_space<vmem>>) semaphore(%arg17 : memref<!tpu.dma_semaphore, #tpu.memory_space<semaphore_mem>>)
      } else {
      }
      %scan3A_291 = arith.constant 0 : i32
      %scan3A_292 = arith.constant 0 : i32
      %scan3A_293 = arith.constant 10 : i32
      %scan3A_294 = arith.addi %scan3A_292, %scan3A_293 : i32
      %scan3A_295 = arith.constant 1 : i32
      %scan3A_296 = scf.for %scan3A_324 = %scan3A_292 to %scan3A_294 step %scan3A_295 iter_args(%scan3A_325 = %scan3A_291) -> (i32)  : i32 {
        %mul3A_326 = arith.constant 16 : i32
        %mul3A_327 = arith.muli %scan3A_324, %mul3A_326 : i32
        %get3A_328 = arith.constant 1 : i32
        %get3A_329 = arith.index_cast %get3A_328 : i32 to index
        %get3A_330 = arith.index_cast %mul3A_327 : i32 to index
        %get3A_331 = tpu.vector_load %arg11[%get3A_329, %get3A_330] {strides = array<i32>} : memref<2x160xi32, #tpu.memory_space<vmem>>, vector<16xi32>,
        %get3A_332 = arith.constant 1 : i32
        %get3A_333 = arith.index_cast %get3A_332 : i32 to index
        %get3A_334 = arith.index_cast %mul3A_327 : i32 to index
        %get3A_335 = tpu.vector_load %arg12[%get3A_333, %get3A_334] {strides = array<i32>} : memref<2x160xi32, #tpu.memory_space<vmem>>, vector<16xi32>,
        %mul3A_336 = arith.constant 2 : i32
        %mul3A_337 = vector.broadcast %mul3A_336 : i32 to vector<16xi32>
        %mul3A_338 = arith.muli %get3A_331, %mul3A_337 : vector<16xi32>
        %sub3A = vector.broadcast %mul3A_36 : i32 to vector<16xi32>
        %sub3A_339 = arith.subi %mul3A_338, %sub3A : vector<16xi32>
        %mul3A_340 = arith.constant 2 : i32
        %mul3A_341 = vector.broadcast %mul3A_340 : i32 to vector<16xi32>
        %mul3A_342 = arith.muli %get3A_335, %mul3A_341 : vector<16xi32>
        %add3A_343 = arith.constant 0 : i32
        %add3A_344 = vector.broadcast %add3A_343 : i32 to vector<16xi32>
        %add3A_345 = arith.addi %sub3A_339, %add3A_344 : vector<16xi32>
        %gather3A = tpu.vector_load_idx %arg9[%add3A_345] : memref<20000xf32, #tpu.memory_space<vmem>>[vector<16xi32>], vector<16xf32>,
        %add3A_346 = arith.constant 0 : i32
        %add3A_347 = vector.broadcast %add3A_346 : i32 to vector<16xi32>
        %add3A_348 = arith.addi %mul3A_342, %add3A_347 : vector<16xi32>
        %gather3A_349 = tpu.vector_load_idx %arg10[%add3A_348] : memref<20000xf32, #tpu.memory_space<vmem>>[vector<16xi32>], vector<16xf32>,
        %add3A_350 = arith.addf %gather3A, %gather3A_349 : vector<16xf32>
        %ge3A = arith.constant 0.000000e+00 : f32
        %ge3A_351 = vector.broadcast %ge3A : f32 to vector<16xf32>
        %ge3A_352 = arith.cmpf oge, %add3A_350, %ge3A_351 : vector<16xf32>
        %mul3A_353 = arith.constant 2.000000e-01 : f32
        %mul3A_354 = vector.broadcast %mul3A_353 : f32 to vector<16xf32>
        %mul3A_355 = arith.mulf %mul3A_354, %add3A_350 : vector<16xf32>
        %select_n3A = arith.select %ge3A_352, %add3A_350, %mul3A_355 : vector<16xi1>, vector<16xf32>
        %exp3A = math.exp %select_n3A : vector<16xf32>
        %add3A_356 = vector.broadcast %mul3A_327 : i32 to vector<16xi32>
        %add3A_357 = arith.addi %add3A_356, %iota3A : vector<16xi32>
        %broadcast_in_dim3A_358 = arith.constant 0 : i32
        %broadcast_in_dim3A_359 = vector.broadcast %broadcast_in_dim3A_358 : i32 to vector<16xi32>
        tpu.vector_store_idx %arg14[%add3A_357, %broadcast_in_dim3A_359], %exp3A : memref<160x16xf32, #tpu.memory_space<vmem>>[vector<16xi32>, vector<16xi32>], vector<16xf32>,
        %add3A_360 = arith.constant 1 : i32
        %add3A_361 = vector.broadcast %add3A_360 : i32 to vector<16xi32>
        %add3A_362 = arith.addi %sub3A_339, %add3A_361 : vector<16xi32>
        %gather3A_363 = tpu.vector_load_idx %arg9[%add3A_362] : memref<20000xf32, #tpu.memory_space<vmem>>[vector<16xi32>], vector<16xf32>,
        %add3A_364 = arith.constant 1 : i32
        %add3A_365 = vector.broadcast %add3A_364 : i32 to vector<16xi32>
        %add3A_366 = arith.addi %mul3A_342, %add3A_365 : vector<16xi32>
        %gather3A_367 = tpu.vector_load_idx %arg10[%add3A_366] : memref<20000xf32, #tpu.memory_space<vmem>>[vector<16xi32>], vector<16xf32>,
        %add3A_368 = arith.addf %gather3A_363, %gather3A_367 : vector<16xf32>
        %ge3A_369 = arith.constant 0.000000e+00 : f32
        %ge3A_370 = vector.broadcast %ge3A_369 : f32 to vector<16xf32>
        %ge3A_371 = arith.cmpf oge, %add3A_368, %ge3A_370 : vector<16xf32>
        %mul3A_372 = arith.constant 2.000000e-01 : f32
        %mul3A_373 = vector.broadcast %mul3A_372 : f32 to vector<16xf32>
        %mul3A_374 = arith.mulf %mul3A_373, %add3A_368 : vector<16xf32>
        %select_n3A_375 = arith.select %ge3A_371, %add3A_368, %mul3A_374 : vector<16xi1>, vector<16xf32>
        %exp3A_376 = math.exp %select_n3A_375 : vector<16xf32>
        %add3A_377 = vector.broadcast %mul3A_327 : i32 to vector<16xi32>
        %add3A_378 = arith.addi %add3A_377, %iota3A : vector<16xi32>
        %broadcast_in_dim3A_379 = arith.constant 1 : i32
        %broadcast_in_dim3A_380 = vector.broadcast %broadcast_in_dim3A_379 : i32 to vector<16xi32>
        tpu.vector_store_idx %arg14[%add3A_378, %broadcast_in_dim3A_380], %exp3A_376 : memref<160x16xf32, #tpu.memory_space<vmem>>[vector<16xi32>, vector<16xi32>], vector<16xf32>,
        %add3A_381 = arith.constant 0 : i32
        %add3A_382 = arith.addi %mul3A_327, %add3A_381 : i32
        %slice3A = vector.extract_strided_slice %exp3A {offsets = [0], sizes = [1], strides = [1]} : vector<16xf32> to vector<1xf32>
        %squeeze3A = vector.extract %slice3A[0] : f32 from vector<1xf32>
        %broadcast_in_dim3A_383 = vector.broadcast %squeeze3A : f32 to vector<16xf32>
        %slice3A_384 = vector.extract_strided_slice %exp3A_376 {offsets = [0], sizes = [1], strides = [1]} : vector<16xf32> to vector<1xf32>
        %squeeze3A_385 = vector.extract %slice3A_384[0] : f32 from vector<1xf32>
        %broadcast_in_dim3A_386 = vector.broadcast %squeeze3A_385 : f32 to vector<16xf32>
        %get3A_387 = arith.constant 1 : i32
        %get3A_388 = arith.index_cast %get3A_387 : i32 to index
        %get3A_389 = arith.index_cast %add3A_382 : i32 to index
        %get3A_390 = arith.constant 0 : index
        %get3A_391 = tpu.vector_load %arg13[%get3A_388, %get3A_389, %get3A_390] {strides = array<i32>} : memref<2x160x64xf32, #tpu.memory_space<vmem>>, vector<16xf32>,
        %mul3A_392 = arith.mulf %get3A_391, %broadcast_in_dim3A_383 : vector<16xf32>
        %swap3A_393 = arith.constant 1 : i32
        %swap3A_394 = arith.index_cast %swap3A_393 : i32 to index
        %swap3A_395 = arith.index_cast %add3A_382 : i32 to index
        %swap3A_396 = arith.constant 0 : index
        %swap3A_397 = tpu.vector_load %arg13[%swap3A_394, %swap3A_395, %swap3A_396] {strides = array<i32>} : memref<2x160x64xf32, #tpu.memory_space<vmem>>, vector<16xf32>,
        tpu.vector_store %arg13[%swap3A_394, %swap3A_395, %swap3A_396], %mul3A_392 {strides = array<i32>} : memref<2x160x64xf32, #tpu.memory_space<vmem>>, vector<16xf32>,
        %get3A_398 = arith.constant 1 : i32
        %get3A_399 = arith.index_cast %get3A_398 : i32 to index
        %get3A_400 = arith.index_cast %add3A_382 : i32 to index
        %get3A_401 = arith.constant 16 : index
        %get3A_402 = tpu.vector_load %arg13[%get3A_399, %get3A_400, %get3A_401] {strides = array<i32>} : memref<2x160x64xf32, #tpu.memory_space<vmem>>, vector<16xf32>,
        %mul3A_403 = arith.mulf %get3A_402, %broadcast_in_dim3A_383 : vector<16xf32>
        %swap3A_404 = arith.constant 1 : i32
        %swap3A_405 = arith.index_cast %swap3A_404 : i32 to index
        %swap3A_406 = arith.index_cast %add3A_382 : i32 to index
        %swap3A_407 = arith.constant 16 : index
        %swap3A_408 = tpu.vector_load %arg13[%swap3A_405, %swap3A_406, %swap3A_407] {strides = array<i32>} : memref<2x160x64xf32, #tpu.memory_space<vmem>>, vector<16xf32>,
        tpu.vector_store %arg13[%swap3A_405, %swap3A_406, %swap3A_407], %mul3A_403 {strides = array<i32>} : memref<2x160x64xf32, #tpu.memory_space<vmem>>, vector<16xf32>,
        %get3A_409 = arith.constant 1 : i32
        %get3A_410 = arith.index_cast %get3A_409 : i32 to index
        %get3A_411 = arith.index_cast %add3A_382 : i32 to index
        %get3A_412 = arith.constant 32 : index
        %get3A_413 = tpu.vector_load %arg13[%get3A_410, %get3A_411, %get3A_412] {strides = array<i32>} : memref<2x160x64xf32, #tpu.memory_space<vmem>>, vector<16xf32>,
        %mul3A_414 = arith.mulf %get3A_413, %broadcast_in_dim3A_386 : vector<16xf32>
        %swap3A_415 = arith.constant 1 : i32
        %swap3A_416 = arith.index_cast %swap3A_415 : i32 to index
        %swap3A_417 = arith.index_cast %add3A_382 : i32 to index
        %swap3A_418 = arith.constant 32 : index
        %swap3A_419 = tpu.vector_load %arg13[%swap3A_416, %swap3A_417, %swap3A_418] {strides = array<i32>} : memref<2x160x64xf32, #tpu.memory_space<vmem>>, vector<16xf32>,
        tpu.vector_store %arg13[%swap3A_416, %swap3A_417, %swap3A_418], %mul3A_414 {strides = array<i32>} : memref<2x160x64xf32, #tpu.memory_space<vmem>>, vector<16xf32>,
        %get3A_420 = arith.constant 1 : i32
        %get3A_421 = arith.index_cast %get3A_420 : i32 to index
        %get3A_422 = arith.index_cast %add3A_382 : i32 to index
        %get3A_423 = arith.constant 48 : index
        %get3A_424 = tpu.vector_load %arg13[%get3A_421, %get3A_422, %get3A_423] {strides = array<i32>} : memref<2x160x64xf32, #tpu.memory_space<vmem>>, vector<16xf32>,
        %mul3A_425 = arith.mulf %get3A_424, %broadcast_in_dim3A_386 : vector<16xf32>
        %swap3A_426 = arith.constant 1 : i32
        %swap3A_427 = arith.index_cast %swap3A_426 : i32 to index
        %swap3A_428 = arith.index_cast %add3A_382 : i32 to index
        %swap3A_429 = arith.constant 48 : index
        %swap3A_430 = tpu.vector_load %arg13[%swap3A_427, %swap3A_428, %swap3A_429] {strides = array<i32>} : memref<2x160x64xf32, #tpu.memory_space<vmem>>, vector<16xf32>,
        tpu.vector_store %arg13[%swap3A_427, %swap3A_428, %swap3A_429], %mul3A_425 {strides = array<i32>} : memref<2x160x64xf32, #tpu.memory_space<vmem>>, vector<16xf32>,
        %add3A_431 = arith.constant 1 : i32
        %add3A_432 = arith.addi %mul3A_327, %add3A_431 : i32
        %slice3A_433 = vector.extract_strided_slice %exp3A {offsets = [1], sizes = [1], strides = [1]} : vector<16xf32> to vector<1xf32>
        %squeeze3A_434 = vector.extract %slice3A_433[0] : f32 from vector<1xf32>
        %broadcast_in_dim3A_435 = vector.broadcast %squeeze3A_434 : f32 to vector<16xf32>
        %slice3A_436 = vector.extract_strided_slice %exp3A_376 {offsets = [1], sizes = [1], strides = [1]} : vector<16xf32> to vector<1xf32>
        %squeeze3A_437 = vector.extract %slice3A_436[0] : f32 from vector<1xf32>
        %broadcast_in_dim3A_438 = vector.broadcast %squeeze3A_437 : f32 to vector<16xf32>
        %get3A_439 = arith.constant 1 : i32
        %get3A_440 = arith.index_cast %get3A_439 : i32 to index
        %get3A_441 = arith.index_cast %add3A_432 : i32 to index
        %get3A_442 = arith.constant 0 : index
        %get3A_443 = tpu.vector_load %arg13[%get3A_440, %get3A_441, %get3A_442] {strides = array<i32>} : memref<2x160x64xf32, #tpu.memory_space<vmem>>, vector<16xf32>,
        %mul3A_444 = arith.mulf %get3A_443, %broadcast_in_dim3A_435 : vector<16xf32>
        %swap3A_445 = arith.constant 1 : i32
        %swap3A_446 = arith.index_cast %swap3A_445 : i32 to index
        %swap3A_447 = arith.index_cast %add3A_432 : i32 to index
        %swap3A_448 = arith.constant 0 : index
        %swap3A_449 = tpu.vector_load %arg13[%swap3A_446, %swap3A_447, %swap3A_448] {strides = array<i32>} : memref<2x160x64xf32, #tpu.memory_space<vmem>>, vector<16xf32>,
        tpu.vector_store %arg13[%swap3A_446, %swap3A_447, %swap3A_448], %mul3A_444 {strides = array<i32>} : memref<2x160x64xf32, #tpu.memory_space<vmem>>, vector<16xf32>,
        %get3A_450 = arith.constant 1 : i32
        %get3A_451 = arith.index_cast %get3A_450 : i32 to index
        %get3A_452 = arith.index_cast %add3A_432 : i32 to index
        %get3A_453 = arith.constant 16 : index
        %get3A_454 = tpu.vector_load %arg13[%get3A_451, %get3A_452, %get3A_453] {strides = array<i32>} : memref<2x160x64xf32, #tpu.memory_space<vmem>>, vector<16xf32>,
        %mul3A_455 = arith.mulf %get3A_454, %broadcast_in_dim3A_435 : vector<16xf32>
        %swap3A_456 = arith.constant 1 : i32
        %swap3A_457 = arith.index_cast %swap3A_456 : i32 to index
        %swap3A_458 = arith.index_cast %add3A_432 : i32 to index
        %swap3A_459 = arith.constant 16 : index
        %swap3A_460 = tpu.vector_load %arg13[%swap3A_457, %swap3A_458, %swap3A_459] {strides = array<i32>} : memref<2x160x64xf32, #tpu.memory_space<vmem>>, vector<16xf32>,
        tpu.vector_store %arg13[%swap3A_457, %swap3A_458, %swap3A_459], %mul3A_455 {strides = array<i32>} : memref<2x160x64xf32, #tpu.memory_space<vmem>>, vector<16xf32>,
        %get3A_461 = arith.constant 1 : i32
        %get3A_462 = arith.index_cast %get3A_461 : i32 to index
        %get3A_463 = arith.index_cast %add3A_432 : i32 to index
        %get3A_464 = arith.constant 32 : index
        %get3A_465 = tpu.vector_load %arg13[%get3A_462, %get3A_463, %get3A_464] {strides = array<i32>} : memref<2x160x64xf32, #tpu.memory_space<vmem>>, vector<16xf32>,
        %mul3A_466 = arith.mulf %get3A_465, %broadcast_in_dim3A_438 : vector<16xf32>
        %swap3A_467 = arith.constant 1 : i32
        %swap3A_468 = arith.index_cast %swap3A_467 : i32 to index
        %swap3A_469 = arith.index_cast %add3A_432 : i32 to index
        %swap3A_470 = arith.constant 32 : index
        %swap3A_471 = tpu.vector_load %arg13[%swap3A_468, %swap3A_469, %swap3A_470] {strides = array<i32>} : memref<2x160x64xf32, #tpu.memory_space<vmem>>, vector<16xf32>,
        tpu.vector_store %arg13[%swap3A_468, %swap3A_469, %swap3A_470], %mul3A_466 {strides = array<i32>} : memref<2x160x64xf32, #tpu.memory_space<vmem>>, vector<16xf32>,
        %get3A_472 = arith.constant 1 : i32
        %get3A_473 = arith.index_cast %get3A_472 : i32 to index
        %get3A_474 = arith.index_cast %add3A_432 : i32 to index
        %get3A_475 = arith.constant 48 : index
        %get3A_476 = tpu.vector_load %arg13[%get3A_473, %get3A_474, %get3A_475] {strides = array<i32>} : memref<2x160x64xf32, #tpu.memory_space<vmem>>, vector<16xf32>,
        %mul3A_477 = arith.mulf %get3A_476, %broadcast_in_dim3A_438 : vector<16xf32>
        %swap3A_478 = arith.constant 1 : i32
        %swap3A_479 = arith.index_cast %swap3A_478 : i32 to index
        %swap3A_480 = arith.index_cast %add3A_432 : i32 to index
        %swap3A_481 = arith.constant 48 : index
        %swap3A_482 = tpu.vector_load %arg13[%swap3A_479, %swap3A_480, %swap3A_481] {strides = array<i32>} : memref<2x160x64xf32, #tpu.memory_space<vmem>>, vector<16xf32>,
        tpu.vector_store %arg13[%swap3A_479, %swap3A_480, %swap3A_481], %mul3A_477 {strides = array<i32>} : memref<2x160x64xf32, #tpu.memory_space<vmem>>, vector<16xf32>,
        %add3A_483 = arith.constant 2 : i32
        %add3A_484 = arith.addi %mul3A_327, %add3A_483 : i32
        %slice3A_485 = vector.extract_strided_slice %exp3A {offsets = [2], sizes = [1], strides = [1]} : vector<16xf32> to vector<1xf32>
        %squeeze3A_486 = vector.extract %slice3A_485[0] : f32 from vector<1xf32>
        %broadcast_in_dim3A_487 = vector.broadcast %squeeze3A_486 : f32 to vector<16xf32>
        %slice3A_488 = vector.extract_strided_slice %exp3A_376 {offsets = [2], sizes = [1], strides = [1]} : vector<16xf32> to vector<1xf32>
        %squeeze3A_489 = vector.extract %slice3A_488[0] : f32 from vector<1xf32>
        %broadcast_in_dim3A_490 = vector.broadcast %squeeze3A_489 : f32 to vector<16xf32>
        %get3A_491 = arith.constant 1 : i32
        %get3A_492 = arith.index_cast %get3A_491 : i32 to index
        %get3A_493 = arith.index_cast %add3A_484 : i32 to index
        %get3A_494 = arith.constant 0 : index
        %get3A_495 = tpu.vector_load %arg13[%get3A_492, %get3A_493, %get3A_494] {strides = array<i32>} : memref<2x160x64xf32, #tpu.memory_space<vmem>>, vector<16xf32>,
        %mul3A_496 = arith.mulf %get3A_495, %broadcast_in_dim3A_487 : vector<16xf32>
        %swap3A_497 = arith.constant 1 : i32
        %swap3A_498 = arith.index_cast %swap3A_497 : i32 to index
        %swap3A_499 = arith.index_cast %add3A_484 : i32 to index
        %swap3A_500 = arith.constant 0 : index
        %swap3A_501 = tpu.vector_load %arg13[%swap3A_498, %swap3A_499, %swap3A_500] {strides = array<i32>} : memref<2x160x64xf32, #tpu.memory_space<vmem>>, vector<16xf32>,
        tpu.vector_store %arg13[%swap3A_498, %swap3A_499, %swap3A_500], %mul3A_496 {strides = array<i32>} : memref<2x160x64xf32, #tpu.memory_space<vmem>>, vector<16xf32>,
        %get3A_502 = arith.constant 1 : i32
        %get3A_503 = arith.index_cast %get3A_502 : i32 to index
        %get3A_504 = arith.index_cast %add3A_484 : i32 to index
        %get3A_505 = arith.constant 16 : index
        %get3A_506 = tpu.vector_load %arg13[%get3A_503, %get3A_504, %get3A_505] {strides = array<i32>} : memref<2x160x64xf32, #tpu.memory_space<vmem>>, vector<16xf32>,
        %mul3A_507 = arith.mulf %get3A_506, %broadcast_in_dim3A_487 : vector<16xf32>
        %swap3A_508 = arith.constant 1 : i32
        %swap3A_509 = arith.index_cast %swap3A_508 : i32 to index
        %swap3A_510 = arith.index_cast %add3A_484 : i32 to index
        %swap3A_511 = arith.constant 16 : index
        %swap3A_512 = tpu.vector_load %arg13[%swap3A_509, %swap3A_510, %swap3A_511] {strides = array<i32>} : memref<2x160x64xf32, #tpu.memory_space<vmem>>, vector<16xf32>,
        tpu.vector_store %arg13[%swap3A_509, %swap3A_510, %swap3A_511], %mul3A_507 {strides = array<i32>} : memref<2x160x64xf32, #tpu.memory_space<vmem>>, vector<16xf32>,
        %get3A_513 = arith.constant 1 : i32
        %get3A_514 = arith.index_cast %get3A_513 : i32 to index
        %get3A_515 = arith.index_cast %add3A_484 : i32 to index
        %get3A_516 = arith.constant 32 : index
        %get3A_517 = tpu.vector_load %arg13[%get3A_514, %get3A_515, %get3A_516] {strides = array<i32>} : memref<2x160x64xf32, #tpu.memory_space<vmem>>, vector<16xf32>,
        %mul3A_518 = arith.mulf %get3A_517, %broadcast_in_dim3A_490 : vector<16xf32>
        %swap3A_519 = arith.constant 1 : i32
        %swap3A_520 = arith.index_cast %swap3A_519 : i32 to index
        %swap3A_521 = arith.index_cast %add3A_484 : i32 to index
        %swap3A_522 = arith.constant 32 : index
        %swap3A_523 = tpu.vector_load %arg13[%swap3A_520, %swap3A_521, %swap3A_522] {strides = array<i32>} : memref<2x160x64xf32, #tpu.memory_space<vmem>>, vector<16xf32>,
        tpu.vector_store %arg13[%swap3A_520, %swap3A_521, %swap3A_522], %mul3A_518 {strides = array<i32>} : memref<2x160x64xf32, #tpu.memory_space<vmem>>, vector<16xf32>,
        %get3A_524 = arith.constant 1 : i32
        %get3A_525 = arith.index_cast %get3A_524 : i32 to index
        %get3A_526 = arith.index_cast %add3A_484 : i32 to index
        %get3A_527 = arith.constant 48 : index
        %get3A_528 = tpu.vector_load %arg13[%get3A_525, %get3A_526, %get3A_527] {strides = array<i32>} : memref<2x160x64xf32, #tpu.memory_space<vmem>>, vector<16xf32>,
        %mul3A_529 = arith.mulf %get3A_528, %broadcast_in_dim3A_490 : vector<16xf32>
        %swap3A_530 = arith.constant 1 : i32
        %swap3A_531 = arith.index_cast %swap3A_530 : i32 to index
        %swap3A_532 = arith.index_cast %add3A_484 : i32 to index
        %swap3A_533 = arith.constant 48 : index
        %swap3A_534 = tpu.vector_load %arg13[%swap3A_531, %swap3A_532, %swap3A_533] {strides = array<i32>} : memref<2x160x64xf32, #tpu.memory_space<vmem>>, vector<16xf32>,
        tpu.vector_store %arg13[%swap3A_531, %swap3A_532, %swap3A_533], %mul3A_529 {strides = array<i32>} : memref<2x160x64xf32, #tpu.memory_space<vmem>>, vector<16xf32>,
        %add3A_535 = arith.constant 3 : i32
        %add3A_536 = arith.addi %mul3A_327, %add3A_535 : i32
        %slice3A_537 = vector.extract_strided_slice %exp3A {offsets = [3], sizes = [1], strides = [1]} : vector<16xf32> to vector<1xf32>
        %squeeze3A_538 = vector.extract %slice3A_537[0] : f32 from vector<1xf32>
        %broadcast_in_dim3A_539 = vector.broadcast %squeeze3A_538 : f32 to vector<16xf32>
        %slice3A_540 = vector.extract_strided_slice %exp3A_376 {offsets = [3], sizes = [1], strides = [1]} : vector<16xf32> to vector<1xf32>
        %squeeze3A_541 = vector.extract %slice3A_540[0] : f32 from vector<1xf32>
        %broadcast_in_dim3A_542 = vector.broadcast %squeeze3A_541 : f32 to vector<16xf32>
        %get3A_543 = arith.constant 1 : i32
        %get3A_544 = arith.index_cast %get3A_543 : i32 to index
        %get3A_545 = arith.index_cast %add3A_536 : i32 to index
        %get3A_546 = arith.constant 0 : index
        %get3A_547 = tpu.vector_load %arg13[%get3A_544, %get3A_545, %get3A_546] {strides = array<i32>} : memref<2x160x64xf32, #tpu.memory_space<vmem>>, vector<16xf32>,
        %mul3A_548 = arith.mulf %get3A_547, %broadcast_in_dim3A_539 : vector<16xf32>
        %swap3A_549 = arith.constant 1 : i32
        %swap3A_550 = arith.index_cast %swap3A_549 : i32 to index
        %swap3A_551 = arith.index_cast %add3A_536 : i32 to index
        %swap3A_552 = arith.constant 0 : index
        %swap3A_553 = tpu.vector_load %arg13[%swap3A_550, %swap3A_551, %swap3A_552] {strides = array<i32>} : memref<2x160x64xf32, #tpu.memory_space<vmem>>, vector<16xf32>,
        tpu.vector_store %arg13[%swap3A_550, %swap3A_551, %swap3A_552], %mul3A_548 {strides = array<i32>} : memref<2x160x64xf32, #tpu.memory_space<vmem>>, vector<16xf32>,
        %get3A_554 = arith.constant 1 : i32
        %get3A_555 = arith.index_cast %get3A_554 : i32 to index
        %get3A_556 = arith.index_cast %add3A_536 : i32 to index
        %get3A_557 = arith.constant 16 : index
        %get3A_558 = tpu.vector_load %arg13[%get3A_555, %get3A_556, %get3A_557] {strides = array<i32>} : memref<2x160x64xf32, #tpu.memory_space<vmem>>, vector<16xf32>,
        %mul3A_559 = arith.mulf %get3A_558, %broadcast_in_dim3A_539 : vector<16xf32>
        %swap3A_560 = arith.constant 1 : i32
        %swap3A_561 = arith.index_cast %swap3A_560 : i32 to index
        %swap3A_562 = arith.index_cast %add3A_536 : i32 to index
        %swap3A_563 = arith.constant 16 : index
        %swap3A_564 = tpu.vector_load %arg13[%swap3A_561, %swap3A_562, %swap3A_563] {strides = array<i32>} : memref<2x160x64xf32, #tpu.memory_space<vmem>>, vector<16xf32>,
        tpu.vector_store %arg13[%swap3A_561, %swap3A_562, %swap3A_563], %mul3A_559 {strides = array<i32>} : memref<2x160x64xf32, #tpu.memory_space<vmem>>, vector<16xf32>,
        %get3A_565 = arith.constant 1 : i32
        %get3A_566 = arith.index_cast %get3A_565 : i32 to index
        %get3A_567 = arith.index_cast %add3A_536 : i32 to index
        %get3A_568 = arith.constant 32 : index
        %get3A_569 = tpu.vector_load %arg13[%get3A_566, %get3A_567, %get3A_568] {strides = array<i32>} : memref<2x160x64xf32, #tpu.memory_space<vmem>>, vector<16xf32>,
        %mul3A_570 = arith.mulf %get3A_569, %broadcast_in_dim3A_542 : vector<16xf32>
        %swap3A_571 = arith.constant 1 : i32
        %swap3A_572 = arith.index_cast %swap3A_571 : i32 to index
        %swap3A_573 = arith.index_cast %add3A_536 : i32 to index
        %swap3A_574 = arith.constant 32 : index
        %swap3A_575 = tpu.vector_load %arg13[%swap3A_572, %swap3A_573, %swap3A_574] {strides = array<i32>} : memref<2x160x64xf32, #tpu.memory_space<vmem>>, vector<16xf32>,
        tpu.vector_store %arg13[%swap3A_572, %swap3A_573, %swap3A_574], %mul3A_570 {strides = array<i32>} : memref<2x160x64xf32, #tpu.memory_space<vmem>>, vector<16xf32>,
        %get3A_576 = arith.constant 1 : i32
        %get3A_577 = arith.index_cast %get3A_576 : i32 to index
        %get3A_578 = arith.index_cast %add3A_536 : i32 to index
        %get3A_579 = arith.constant 48 : index
        %get3A_580 = tpu.vector_load %arg13[%get3A_577, %get3A_578, %get3A_579] {strides = array<i32>} : memref<2x160x64xf32, #tpu.memory_space<vmem>>, vector<16xf32>,
        %mul3A_581 = arith.mulf %get3A_580, %broadcast_in_dim3A_542 : vector<16xf32>
        %swap3A_582 = arith.constant 1 : i32
        %swap3A_583 = arith.index_cast %swap3A_582 : i32 to index
        %swap3A_584 = arith.index_cast %add3A_536 : i32 to index
        %swap3A_585 = arith.constant 48 : index
        %swap3A_586 = tpu.vector_load %arg13[%swap3A_583, %swap3A_584, %swap3A_585] {strides = array<i32>} : memref<2x160x64xf32, #tpu.memory_space<vmem>>, vector<16xf32>,
        tpu.vector_store %arg13[%swap3A_583, %swap3A_584, %swap3A_585], %mul3A_581 {strides = array<i32>} : memref<2x160x64xf32, #tpu.memory_space<vmem>>, vector<16xf32>,
        %add3A_587 = arith.constant 4 : i32
        %add3A_588 = arith.addi %mul3A_327, %add3A_587 : i32
        %slice3A_589 = vector.extract_strided_slice %exp3A {offsets = [4], sizes = [1], strides = [1]} : vector<16xf32> to vector<1xf32>
        %squeeze3A_590 = vector.extract %slice3A_589[0] : f32 from vector<1xf32>
        %broadcast_in_dim3A_591 = vector.broadcast %squeeze3A_590 : f32 to vector<16xf32>
        %slice3A_592 = vector.extract_strided_slice %exp3A_376 {offsets = [4], sizes = [1], strides = [1]} : vector<16xf32> to vector<1xf32>
        %squeeze3A_593 = vector.extract %slice3A_592[0] : f32 from vector<1xf32>
        %broadcast_in_dim3A_594 = vector.broadcast %squeeze3A_593 : f32 to vector<16xf32>
        %get3A_595 = arith.constant 1 : i32
        %get3A_596 = arith.index_cast %get3A_595 : i32 to index
        %get3A_597 = arith.index_cast %add3A_588 : i32 to index
        %get3A_598 = arith.constant 0 : index
        %get3A_599 = tpu.vector_load %arg13[%get3A_596, %get3A_597, %get3A_598] {strides = array<i32>} : memref<2x160x64xf32, #tpu.memory_space<vmem>>, vector<16xf32>,
        %mul3A_600 = arith.mulf %get3A_599, %broadcast_in_dim3A_591 : vector<16xf32>
        %swap3A_601 = arith.constant 1 : i32
        %swap3A_602 = arith.index_cast %swap3A_601 : i32 to index
        %swap3A_603 = arith.index_cast %add3A_588 : i32 to index
        %swap3A_604 = arith.constant 0 : index
        %swap3A_605 = tpu.vector_load %arg13[%swap3A_602, %swap3A_603, %swap3A_604] {strides = array<i32>} : memref<2x160x64xf32, #tpu.memory_space<vmem>>, vector<16xf32>,
        tpu.vector_store %arg13[%swap3A_602, %swap3A_603, %swap3A_604], %mul3A_600 {strides = array<i32>} : memref<2x160x64xf32, #tpu.memory_space<vmem>>, vector<16xf32>,
        %get3A_606 = arith.constant 1 : i32
        %get3A_607 = arith.index_cast %get3A_606 : i32 to index
        %get3A_608 = arith.index_cast %add3A_588 : i32 to index
        %get3A_609 = arith.constant 16 : index
        %get3A_610 = tpu.vector_load %arg13[%get3A_607, %get3A_608, %get3A_609] {strides = array<i32>} : memref<2x160x64xf32, #tpu.memory_space<vmem>>, vector<16xf32>,
        %mul3A_611 = arith.mulf %get3A_610, %broadcast_in_dim3A_591 : vector<16xf32>
        %swap3A_612 = arith.constant 1 : i32
        %swap3A_613 = arith.index_cast %swap3A_612 : i32 to index
        %swap3A_614 = arith.index_cast %add3A_588 : i32 to index
        %swap3A_615 = arith.constant 16 : index
        %swap3A_616 = tpu.vector_load %arg13[%swap3A_613, %swap3A_614, %swap3A_615] {strides = array<i32>} : memref<2x160x64xf32, #tpu.memory_space<vmem>>, vector<16xf32>,
        tpu.vector_store %arg13[%swap3A_613, %swap3A_614, %swap3A_615], %mul3A_611 {strides = array<i32>} : memref<2x160x64xf32, #tpu.memory_space<vmem>>, vector<16xf32>,
        %get3A_617 = arith.constant 1 : i32
        %get3A_618 = arith.index_cast %get3A_617 : i32 to index
        %get3A_619 = arith.index_cast %add3A_588 : i32 to index
        %get3A_620 = arith.constant 32 : index
        %get3A_621 = tpu.vector_load %arg13[%get3A_618, %get3A_619, %get3A_620] {strides = array<i32>} : memref<2x160x64xf32, #tpu.memory_space<vmem>>, vector<16xf32>,
        %mul3A_622 = arith.mulf %get3A_621, %broadcast_in_dim3A_594 : vector<16xf32>
        %swap3A_623 = arith.constant 1 : i32
        %swap3A_624 = arith.index_cast %swap3A_623 : i32 to index
        %swap3A_625 = arith.index_cast %add3A_588 : i32 to index
        %swap3A_626 = arith.constant 32 : index
        %swap3A_627 = tpu.vector_load %arg13[%swap3A_624, %swap3A_625, %swap3A_626] {strides = array<i32>} : memref<2x160x64xf32, #tpu.memory_space<vmem>>, vector<16xf32>,
        tpu.vector_store %arg13[%swap3A_624, %swap3A_625, %swap3A_626], %mul3A_622 {strides = array<i32>} : memref<2x160x64xf32, #tpu.memory_space<vmem>>, vector<16xf32>,
        %get3A_628 = arith.constant 1 : i32
        %get3A_629 = arith.index_cast %get3A_628 : i32 to index
        %get3A_630 = arith.index_cast %add3A_588 : i32 to index
        %get3A_631 = arith.constant 48 : index
        %get3A_632 = tpu.vector_load %arg13[%get3A_629, %get3A_630, %get3A_631] {strides = array<i32>} : memref<2x160x64xf32, #tpu.memory_space<vmem>>, vector<16xf32>,
        %mul3A_633 = arith.mulf %get3A_632, %broadcast_in_dim3A_594 : vector<16xf32>
        %swap3A_634 = arith.constant 1 : i32
        %swap3A_635 = arith.index_cast %swap3A_634 : i32 to index
        %swap3A_636 = arith.index_cast %add3A_588 : i32 to index
        %swap3A_637 = arith.constant 48 : index
        %swap3A_638 = tpu.vector_load %arg13[%swap3A_635, %swap3A_636, %swap3A_637] {strides = array<i32>} : memref<2x160x64xf32, #tpu.memory_space<vmem>>, vector<16xf32>,
        tpu.vector_store %arg13[%swap3A_635, %swap3A_636, %swap3A_637], %mul3A_633 {strides = array<i32>} : memref<2x160x64xf32, #tpu.memory_space<vmem>>, vector<16xf32>,
        %add3A_639 = arith.constant 5 : i32
        %add3A_640 = arith.addi %mul3A_327, %add3A_639 : i32
        %slice3A_641 = vector.extract_strided_slice %exp3A {offsets = [5], sizes = [1], strides = [1]} : vector<16xf32> to vector<1xf32>
        %squeeze3A_642 = vector.extract %slice3A_641[0] : f32 from vector<1xf32>
        %broadcast_in_dim3A_643 = vector.broadcast %squeeze3A_642 : f32 to vector<16xf32>
        %slice3A_644 = vector.extract_strided_slice %exp3A_376 {offsets = [5], sizes = [1], strides = [1]} : vector<16xf32> to vector<1xf32>
        %squeeze3A_645 = vector.extract %slice3A_644[0] : f32 from vector<1xf32>
        %broadcast_in_dim3A_646 = vector.broadcast %squeeze3A_645 : f32 to vector<16xf32>
        %get3A_647 = arith.constant 1 : i32
        %get3A_648 = arith.index_cast %get3A_647 : i32 to index
        %get3A_649 = arith.index_cast %add3A_640 : i32 to index
        %get3A_650 = arith.constant 0 : index
        %get3A_651 = tpu.vector_load %arg13[%get3A_648, %get3A_649, %get3A_650] {strides = array<i32>} : memref<2x160x64xf32, #tpu.memory_space<vmem>>, vector<16xf32>,
        %mul3A_652 = arith.mulf %get3A_651, %broadcast_in_dim3A_643 : vector<16xf32>
        %swap3A_653 = arith.constant 1 : i32
        %swap3A_654 = arith.index_cast %swap3A_653 : i32 to index
        %swap3A_655 = arith.index_cast %add3A_640 : i32 to index
        %swap3A_656 = arith.constant 0 : index
        %swap3A_657 = tpu.vector_load %arg13[%swap3A_654, %swap3A_655, %swap3A_656] {strides = array<i32>} : memref<2x160x64xf32, #tpu.memory_space<vmem>>, vector<16xf32>,
        tpu.vector_store %arg13[%swap3A_654, %swap3A_655, %swap3A_656], %mul3A_652 {strides = array<i32>} : memref<2x160x64xf32, #tpu.memory_space<vmem>>, vector<16xf32>,
        %get3A_658 = arith.constant 1 : i32
        %get3A_659 = arith.index_cast %get3A_658 : i32 to index
        %get3A_660 = arith.index_cast %add3A_640 : i32 to index
        %get3A_661 = arith.constant 16 : index
        %get3A_662 = tpu.vector_load %arg13[%get3A_659, %get3A_660, %get3A_661] {strides = array<i32>} : memref<2x160x64xf32, #tpu.memory_space<vmem>>, vector<16xf32>,
        %mul3A_663 = arith.mulf %get3A_662, %broadcast_in_dim3A_643 : vector<16xf32>
        %swap3A_664 = arith.constant 1 : i32
        %swap3A_665 = arith.index_cast %swap3A_664 : i32 to index
        %swap3A_666 = arith.index_cast %add3A_640 : i32 to index
        %swap3A_667 = arith.constant 16 : index
        %swap3A_668 = tpu.vector_load %arg13[%swap3A_665, %swap3A_666, %swap3A_667] {strides = array<i32>} : memref<2x160x64xf32, #tpu.memory_space<vmem>>, vector<16xf32>,
        tpu.vector_store %arg13[%swap3A_665, %swap3A_666, %swap3A_667], %mul3A_663 {strides = array<i32>} : memref<2x160x64xf32, #tpu.memory_space<vmem>>, vector<16xf32>,
        %get3A_669 = arith.constant 1 : i32
        %get3A_670 = arith.index_cast %get3A_669 : i32 to index
        %get3A_671 = arith.index_cast %add3A_640 : i32 to index
        %get3A_672 = arith.constant 32 : index
        %get3A_673 = tpu.vector_load %arg13[%get3A_670, %get3A_671, %get3A_672] {strides = array<i32>} : memref<2x160x64xf32, #tpu.memory_space<vmem>>, vector<16xf32>,
        %mul3A_674 = arith.mulf %get3A_673, %broadcast_in_dim3A_646 : vector<16xf32>
        %swap3A_675 = arith.constant 1 : i32
        %swap3A_676 = arith.index_cast %swap3A_675 : i32 to index
        %swap3A_677 = arith.index_cast %add3A_640 : i32 to index
        %swap3A_678 = arith.constant 32 : index
        %swap3A_679 = tpu.vector_load %arg13[%swap3A_676, %swap3A_677, %swap3A_678] {strides = array<i32>} : memref<2x160x64xf32, #tpu.memory_space<vmem>>, vector<16xf32>,
        tpu.vector_store %arg13[%swap3A_676, %swap3A_677, %swap3A_678], %mul3A_674 {strides = array<i32>} : memref<2x160x64xf32, #tpu.memory_space<vmem>>, vector<16xf32>,
        %get3A_680 = arith.constant 1 : i32
        %get3A_681 = arith.index_cast %get3A_680 : i32 to index
        %get3A_682 = arith.index_cast %add3A_640 : i32 to index
        %get3A_683 = arith.constant 48 : index
        %get3A_684 = tpu.vector_load %arg13[%get3A_681, %get3A_682, %get3A_683] {strides = array<i32>} : memref<2x160x64xf32, #tpu.memory_space<vmem>>, vector<16xf32>,
        %mul3A_685 = arith.mulf %get3A_684, %broadcast_in_dim3A_646 : vector<16xf32>
        %swap3A_686 = arith.constant 1 : i32
        %swap3A_687 = arith.index_cast %swap3A_686 : i32 to index
        %swap3A_688 = arith.index_cast %add3A_640 : i32 to index
        %swap3A_689 = arith.constant 48 : index
        %swap3A_690 = tpu.vector_load %arg13[%swap3A_687, %swap3A_688, %swap3A_689] {strides = array<i32>} : memref<2x160x64xf32, #tpu.memory_space<vmem>>, vector<16xf32>,
        tpu.vector_store %arg13[%swap3A_687, %swap3A_688, %swap3A_689], %mul3A_685 {strides = array<i32>} : memref<2x160x64xf32, #tpu.memory_space<vmem>>, vector<16xf32>,
        %add3A_691 = arith.constant 6 : i32
        %add3A_692 = arith.addi %mul3A_327, %add3A_691 : i32
        %slice3A_693 = vector.extract_strided_slice %exp3A {offsets = [6], sizes = [1], strides = [1]} : vector<16xf32> to vector<1xf32>
        %squeeze3A_694 = vector.extract %slice3A_693[0] : f32 from vector<1xf32>
        %broadcast_in_dim3A_695 = vector.broadcast %squeeze3A_694 : f32 to vector<16xf32>
        %slice3A_696 = vector.extract_strided_slice %exp3A_376 {offsets = [6], sizes = [1], strides = [1]} : vector<16xf32> to vector<1xf32>
        %squeeze3A_697 = vector.extract %slice3A_696[0] : f32 from vector<1xf32>
        %broadcast_in_dim3A_698 = vector.broadcast %squeeze3A_697 : f32 to vector<16xf32>
        %get3A_699 = arith.constant 1 : i32
        %get3A_700 = arith.index_cast %get3A_699 : i32 to index
        %get3A_701 = arith.index_cast %add3A_692 : i32 to index
        %get3A_702 = arith.constant 0 : index
        %get3A_703 = tpu.vector_load %arg13[%get3A_700, %get3A_701, %get3A_702] {strides = array<i32>} : memref<2x160x64xf32, #tpu.memory_space<vmem>>, vector<16xf32>,
        %mul3A_704 = arith.mulf %get3A_703, %broadcast_in_dim3A_695 : vector<16xf32>
        %swap3A_705 = arith.constant 1 : i32
        %swap3A_706 = arith.index_cast %swap3A_705 : i32 to index
        %swap3A_707 = arith.index_cast %add3A_692 : i32 to index
        %swap3A_708 = arith.constant 0 : index
        %swap3A_709 = tpu.vector_load %arg13[%swap3A_706, %swap3A_707, %swap3A_708] {strides = array<i32>} : memref<2x160x64xf32, #tpu.memory_space<vmem>>, vector<16xf32>,
        tpu.vector_store %arg13[%swap3A_706, %swap3A_707, %swap3A_708], %mul3A_704 {strides = array<i32>} : memref<2x160x64xf32, #tpu.memory_space<vmem>>, vector<16xf32>,
        %get3A_710 = arith.constant 1 : i32
        %get3A_711 = arith.index_cast %get3A_710 : i32 to index
        %get3A_712 = arith.index_cast %add3A_692 : i32 to index
        %get3A_713 = arith.constant 16 : index
        %get3A_714 = tpu.vector_load %arg13[%get3A_711, %get3A_712, %get3A_713] {strides = array<i32>} : memref<2x160x64xf32, #tpu.memory_space<vmem>>, vector<16xf32>,
        %mul3A_715 = arith.mulf %get3A_714, %broadcast_in_dim3A_695 : vector<16xf32>
        %swap3A_716 = arith.constant 1 : i32
        %swap3A_717 = arith.index_cast %swap3A_716 : i32 to index
        %swap3A_718 = arith.index_cast %add3A_692 : i32 to index
        %swap3A_719 = arith.constant 16 : index
        %swap3A_720 = tpu.vector_load %arg13[%swap3A_717, %swap3A_718, %swap3A_719] {strides = array<i32>} : memref<2x160x64xf32, #tpu.memory_space<vmem>>, vector<16xf32>,
        tpu.vector_store %arg13[%swap3A_717, %swap3A_718, %swap3A_719], %mul3A_715 {strides = array<i32>} : memref<2x160x64xf32, #tpu.memory_space<vmem>>, vector<16xf32>,
        %get3A_721 = arith.constant 1 : i32
        %get3A_722 = arith.index_cast %get3A_721 : i32 to index
        %get3A_723 = arith.index_cast %add3A_692 : i32 to index
        %get3A_724 = arith.constant 32 : index
        %get3A_725 = tpu.vector_load %arg13[%get3A_722, %get3A_723, %get3A_724] {strides = array<i32>} : memref<2x160x64xf32, #tpu.memory_space<vmem>>, vector<16xf32>,
        %mul3A_726 = arith.mulf %get3A_725, %broadcast_in_dim3A_698 : vector<16xf32>
        %swap3A_727 = arith.constant 1 : i32
        %swap3A_728 = arith.index_cast %swap3A_727 : i32 to index
        %swap3A_729 = arith.index_cast %add3A_692 : i32 to index
        %swap3A_730 = arith.constant 32 : index
        %swap3A_731 = tpu.vector_load %arg13[%swap3A_728, %swap3A_729, %swap3A_730] {strides = array<i32>} : memref<2x160x64xf32, #tpu.memory_space<vmem>>, vector<16xf32>,
        tpu.vector_store %arg13[%swap3A_728, %swap3A_729, %swap3A_730], %mul3A_726 {strides = array<i32>} : memref<2x160x64xf32, #tpu.memory_space<vmem>>, vector<16xf32>,
        %get3A_732 = arith.constant 1 : i32
        %get3A_733 = arith.index_cast %get3A_732 : i32 to index
        %get3A_734 = arith.index_cast %add3A_692 : i32 to index
        %get3A_735 = arith.constant 48 : index
        %get3A_736 = tpu.vector_load %arg13[%get3A_733, %get3A_734, %get3A_735] {strides = array<i32>} : memref<2x160x64xf32, #tpu.memory_space<vmem>>, vector<16xf32>,
        %mul3A_737 = arith.mulf %get3A_736, %broadcast_in_dim3A_698 : vector<16xf32>
        %swap3A_738 = arith.constant 1 : i32
        %swap3A_739 = arith.index_cast %swap3A_738 : i32 to index
        %swap3A_740 = arith.index_cast %add3A_692 : i32 to index
        %swap3A_741 = arith.constant 48 : index
        %swap3A_742 = tpu.vector_load %arg13[%swap3A_739, %swap3A_740, %swap3A_741] {strides = array<i32>} : memref<2x160x64xf32, #tpu.memory_space<vmem>>, vector<16xf32>,
        tpu.vector_store %arg13[%swap3A_739, %swap3A_740, %swap3A_741], %mul3A_737 {strides = array<i32>} : memref<2x160x64xf32, #tpu.memory_space<vmem>>, vector<16xf32>,
        %add3A_743 = arith.constant 7 : i32
        %add3A_744 = arith.addi %mul3A_327, %add3A_743 : i32
        %slice3A_745 = vector.extract_strided_slice %exp3A {offsets = [7], sizes = [1], strides = [1]} : vector<16xf32> to vector<1xf32>
        %squeeze3A_746 = vector.extract %slice3A_745[0] : f32 from vector<1xf32>
        %broadcast_in_dim3A_747 = vector.broadcast %squeeze3A_746 : f32 to vector<16xf32>
        %slice3A_748 = vector.extract_strided_slice %exp3A_376 {offsets = [7], sizes = [1], strides = [1]} : vector<16xf32> to vector<1xf32>
        %squeeze3A_749 = vector.extract %slice3A_748[0] : f32 from vector<1xf32>
        %broadcast_in_dim3A_750 = vector.broadcast %squeeze3A_749 : f32 to vector<16xf32>
        %get3A_751 = arith.constant 1 : i32
        %get3A_752 = arith.index_cast %get3A_751 : i32 to index
        %get3A_753 = arith.index_cast %add3A_744 : i32 to index
        %get3A_754 = arith.constant 0 : index
        %get3A_755 = tpu.vector_load %arg13[%get3A_752, %get3A_753, %get3A_754] {strides = array<i32>} : memref<2x160x64xf32, #tpu.memory_space<vmem>>, vector<16xf32>,
        %mul3A_756 = arith.mulf %get3A_755, %broadcast_in_dim3A_747 : vector<16xf32>
        %swap3A_757 = arith.constant 1 : i32
        %swap3A_758 = arith.index_cast %swap3A_757 : i32 to index
        %swap3A_759 = arith.index_cast %add3A_744 : i32 to index
        %swap3A_760 = arith.constant 0 : index
        %swap3A_761 = tpu.vector_load %arg13[%swap3A_758, %swap3A_759, %swap3A_760] {strides = array<i32>} : memref<2x160x64xf32, #tpu.memory_space<vmem>>, vector<16xf32>,
        tpu.vector_store %arg13[%swap3A_758, %swap3A_759, %swap3A_760], %mul3A_756 {strides = array<i32>} : memref<2x160x64xf32, #tpu.memory_space<vmem>>, vector<16xf32>,
        %get3A_762 = arith.constant 1 : i32
        %get3A_763 = arith.index_cast %get3A_762 : i32 to index
        %get3A_764 = arith.index_cast %add3A_744 : i32 to index
        %get3A_765 = arith.constant 16 : index
        %get3A_766 = tpu.vector_load %arg13[%get3A_763, %get3A_764, %get3A_765] {strides = array<i32>} : memref<2x160x64xf32, #tpu.memory_space<vmem>>, vector<16xf32>,
        %mul3A_767 = arith.mulf %get3A_766, %broadcast_in_dim3A_747 : vector<16xf32>
        %swap3A_768 = arith.constant 1 : i32
        %swap3A_769 = arith.index_cast %swap3A_768 : i32 to index
        %swap3A_770 = arith.index_cast %add3A_744 : i32 to index
        %swap3A_771 = arith.constant 16 : index
        %swap3A_772 = tpu.vector_load %arg13[%swap3A_769, %swap3A_770, %swap3A_771] {strides = array<i32>} : memref<2x160x64xf32, #tpu.memory_space<vmem>>, vector<16xf32>,
        tpu.vector_store %arg13[%swap3A_769, %swap3A_770, %swap3A_771], %mul3A_767 {strides = array<i32>} : memref<2x160x64xf32, #tpu.memory_space<vmem>>, vector<16xf32>,
        %get3A_773 = arith.constant 1 : i32
        %get3A_774 = arith.index_cast %get3A_773 : i32 to index
        %get3A_775 = arith.index_cast %add3A_744 : i32 to index
        %get3A_776 = arith.constant 32 : index
        %get3A_777 = tpu.vector_load %arg13[%get3A_774, %get3A_775, %get3A_776] {strides = array<i32>} : memref<2x160x64xf32, #tpu.memory_space<vmem>>, vector<16xf32>,
        %mul3A_778 = arith.mulf %get3A_777, %broadcast_in_dim3A_750 : vector<16xf32>
        %swap3A_779 = arith.constant 1 : i32
        %swap3A_780 = arith.index_cast %swap3A_779 : i32 to index
        %swap3A_781 = arith.index_cast %add3A_744 : i32 to index
        %swap3A_782 = arith.constant 32 : index
        %swap3A_783 = tpu.vector_load %arg13[%swap3A_780, %swap3A_781, %swap3A_782] {strides = array<i32>} : memref<2x160x64xf32, #tpu.memory_space<vmem>>, vector<16xf32>,
        tpu.vector_store %arg13[%swap3A_780, %swap3A_781, %swap3A_782], %mul3A_778 {strides = array<i32>} : memref<2x160x64xf32, #tpu.memory_space<vmem>>, vector<16xf32>,
        %get3A_784 = arith.constant 1 : i32
        %get3A_785 = arith.index_cast %get3A_784 : i32 to index
        %get3A_786 = arith.index_cast %add3A_744 : i32 to index
        %get3A_787 = arith.constant 48 : index
        %get3A_788 = tpu.vector_load %arg13[%get3A_785, %get3A_786, %get3A_787] {strides = array<i32>} : memref<2x160x64xf32, #tpu.memory_space<vmem>>, vector<16xf32>,
        %mul3A_789 = arith.mulf %get3A_788, %broadcast_in_dim3A_750 : vector<16xf32>
        %swap3A_790 = arith.constant 1 : i32
        %swap3A_791 = arith.index_cast %swap3A_790 : i32 to index
        %swap3A_792 = arith.index_cast %add3A_744 : i32 to index
        %swap3A_793 = arith.constant 48 : index
        %swap3A_794 = tpu.vector_load %arg13[%swap3A_791, %swap3A_792, %swap3A_793] {strides = array<i32>} : memref<2x160x64xf32, #tpu.memory_space<vmem>>, vector<16xf32>,
        tpu.vector_store %arg13[%swap3A_791, %swap3A_792, %swap3A_793], %mul3A_789 {strides = array<i32>} : memref<2x160x64xf32, #tpu.memory_space<vmem>>, vector<16xf32>,
        %add3A_795 = arith.constant 8 : i32
        %add3A_796 = arith.addi %mul3A_327, %add3A_795 : i32
        %slice3A_797 = vector.extract_strided_slice %exp3A {offsets = [8], sizes = [1], strides = [1]} : vector<16xf32> to vector<1xf32>
        %squeeze3A_798 = vector.extract %slice3A_797[0] : f32 from vector<1xf32>
        %broadcast_in_dim3A_799 = vector.broadcast %squeeze3A_798 : f32 to vector<16xf32>
        %slice3A_800 = vector.extract_strided_slice %exp3A_376 {offsets = [8], sizes = [1], strides = [1]} : vector<16xf32> to vector<1xf32>
        %squeeze3A_801 = vector.extract %slice3A_800[0] : f32 from vector<1xf32>
        %broadcast_in_dim3A_802 = vector.broadcast %squeeze3A_801 : f32 to vector<16xf32>
        %get3A_803 = arith.constant 1 : i32
        %get3A_804 = arith.index_cast %get3A_803 : i32 to index
        %get3A_805 = arith.index_cast %add3A_796 : i32 to index
        %get3A_806 = arith.constant 0 : index
        %get3A_807 = tpu.vector_load %arg13[%get3A_804, %get3A_805, %get3A_806] {strides = array<i32>} : memref<2x160x64xf32, #tpu.memory_space<vmem>>, vector<16xf32>,
        %mul3A_808 = arith.mulf %get3A_807, %broadcast_in_dim3A_799 : vector<16xf32>
        %swap3A_809 = arith.constant 1 : i32
        %swap3A_810 = arith.index_cast %swap3A_809 : i32 to index
        %swap3A_811 = arith.index_cast %add3A_796 : i32 to index
        %swap3A_812 = arith.constant 0 : index
        %swap3A_813 = tpu.vector_load %arg13[%swap3A_810, %swap3A_811, %swap3A_812] {strides = array<i32>} : memref<2x160x64xf32, #tpu.memory_space<vmem>>, vector<16xf32>,
        tpu.vector_store %arg13[%swap3A_810, %swap3A_811, %swap3A_812], %mul3A_808 {strides = array<i32>} : memref<2x160x64xf32, #tpu.memory_space<vmem>>, vector<16xf32>,
        %get3A_814 = arith.constant 1 : i32
        %get3A_815 = arith.index_cast %get3A_814 : i32 to index
        %get3A_816 = arith.index_cast %add3A_796 : i32 to index
        %get3A_817 = arith.constant 16 : index
        %get3A_818 = tpu.vector_load %arg13[%get3A_815, %get3A_816, %get3A_817] {strides = array<i32>} : memref<2x160x64xf32, #tpu.memory_space<vmem>>, vector<16xf32>,
        %mul3A_819 = arith.mulf %get3A_818, %broadcast_in_dim3A_799 : vector<16xf32>
        %swap3A_820 = arith.constant 1 : i32
        %swap3A_821 = arith.index_cast %swap3A_820 : i32 to index
        %swap3A_822 = arith.index_cast %add3A_796 : i32 to index
        %swap3A_823 = arith.constant 16 : index
        %swap3A_824 = tpu.vector_load %arg13[%swap3A_821, %swap3A_822, %swap3A_823] {strides = array<i32>} : memref<2x160x64xf32, #tpu.memory_space<vmem>>, vector<16xf32>,
        tpu.vector_store %arg13[%swap3A_821, %swap3A_822, %swap3A_823], %mul3A_819 {strides = array<i32>} : memref<2x160x64xf32, #tpu.memory_space<vmem>>, vector<16xf32>,
        %get3A_825 = arith.constant 1 : i32
        %get3A_826 = arith.index_cast %get3A_825 : i32 to index
        %get3A_827 = arith.index_cast %add3A_796 : i32 to index
        %get3A_828 = arith.constant 32 : index
        %get3A_829 = tpu.vector_load %arg13[%get3A_826, %get3A_827, %get3A_828] {strides = array<i32>} : memref<2x160x64xf32, #tpu.memory_space<vmem>>, vector<16xf32>,
        %mul3A_830 = arith.mulf %get3A_829, %broadcast_in_dim3A_802 : vector<16xf32>
        %swap3A_831 = arith.constant 1 : i32
        %swap3A_832 = arith.index_cast %swap3A_831 : i32 to index
        %swap3A_833 = arith.index_cast %add3A_796 : i32 to index
        %swap3A_834 = arith.constant 32 : index
        %swap3A_835 = tpu.vector_load %arg13[%swap3A_832, %swap3A_833, %swap3A_834] {strides = array<i32>} : memref<2x160x64xf32, #tpu.memory_space<vmem>>, vector<16xf32>,
        tpu.vector_store %arg13[%swap3A_832, %swap3A_833, %swap3A_834], %mul3A_830 {strides = array<i32>} : memref<2x160x64xf32, #tpu.memory_space<vmem>>, vector<16xf32>,
        %get3A_836 = arith.constant 1 : i32
        %get3A_837 = arith.index_cast %get3A_836 : i32 to index
        %get3A_838 = arith.index_cast %add3A_796 : i32 to index
        %get3A_839 = arith.constant 48 : index
        %get3A_840 = tpu.vector_load %arg13[%get3A_837, %get3A_838, %get3A_839] {strides = array<i32>} : memref<2x160x64xf32, #tpu.memory_space<vmem>>, vector<16xf32>,
        %mul3A_841 = arith.mulf %get3A_840, %broadcast_in_dim3A_802 : vector<16xf32>
        %swap3A_842 = arith.constant 1 : i32
        %swap3A_843 = arith.index_cast %swap3A_842 : i32 to index
        %swap3A_844 = arith.index_cast %add3A_796 : i32 to index
        %swap3A_845 = arith.constant 48 : index
        %swap3A_846 = tpu.vector_load %arg13[%swap3A_843, %swap3A_844, %swap3A_845] {strides = array<i32>} : memref<2x160x64xf32, #tpu.memory_space<vmem>>, vector<16xf32>,
        tpu.vector_store %arg13[%swap3A_843, %swap3A_844, %swap3A_845], %mul3A_841 {strides = array<i32>} : memref<2x160x64xf32, #tpu.memory_space<vmem>>, vector<16xf32>,
        %add3A_847 = arith.constant 9 : i32
        %add3A_848 = arith.addi %mul3A_327, %add3A_847 : i32
        %slice3A_849 = vector.extract_strided_slice %exp3A {offsets = [9], sizes = [1], strides = [1]} : vector<16xf32> to vector<1xf32>
        %squeeze3A_850 = vector.extract %slice3A_849[0] : f32 from vector<1xf32>
        %broadcast_in_dim3A_851 = vector.broadcast %squeeze3A_850 : f32 to vector<16xf32>
        %slice3A_852 = vector.extract_strided_slice %exp3A_376 {offsets = [9], sizes = [1], strides = [1]} : vector<16xf32> to vector<1xf32>
        %squeeze3A_853 = vector.extract %slice3A_852[0] : f32 from vector<1xf32>
        %broadcast_in_dim3A_854 = vector.broadcast %squeeze3A_853 : f32 to vector<16xf32>
        %get3A_855 = arith.constant 1 : i32
        %get3A_856 = arith.index_cast %get3A_855 : i32 to index
        %get3A_857 = arith.index_cast %add3A_848 : i32 to index
        %get3A_858 = arith.constant 0 : index
        %get3A_859 = tpu.vector_load %arg13[%get3A_856, %get3A_857, %get3A_858] {strides = array<i32>} : memref<2x160x64xf32, #tpu.memory_space<vmem>>, vector<16xf32>,
        %mul3A_860 = arith.mulf %get3A_859, %broadcast_in_dim3A_851 : vector<16xf32>
        %swap3A_861 = arith.constant 1 : i32
        %swap3A_862 = arith.index_cast %swap3A_861 : i32 to index
        %swap3A_863 = arith.index_cast %add3A_848 : i32 to index
        %swap3A_864 = arith.constant 0 : index
        %swap3A_865 = tpu.vector_load %arg13[%swap3A_862, %swap3A_863, %swap3A_864] {strides = array<i32>} : memref<2x160x64xf32, #tpu.memory_space<vmem>>, vector<16xf32>,
        tpu.vector_store %arg13[%swap3A_862, %swap3A_863, %swap3A_864], %mul3A_860 {strides = array<i32>} : memref<2x160x64xf32, #tpu.memory_space<vmem>>, vector<16xf32>,
        %get3A_866 = arith.constant 1 : i32
        %get3A_867 = arith.index_cast %get3A_866 : i32 to index
        %get3A_868 = arith.index_cast %add3A_848 : i32 to index
        %get3A_869 = arith.constant 16 : index
        %get3A_870 = tpu.vector_load %arg13[%get3A_867, %get3A_868, %get3A_869] {strides = array<i32>} : memref<2x160x64xf32, #tpu.memory_space<vmem>>, vector<16xf32>,
        %mul3A_871 = arith.mulf %get3A_870, %broadcast_in_dim3A_851 : vector<16xf32>
        %swap3A_872 = arith.constant 1 : i32
        %swap3A_873 = arith.index_cast %swap3A_872 : i32 to index
        %swap3A_874 = arith.index_cast %add3A_848 : i32 to index
        %swap3A_875 = arith.constant 16 : index
        %swap3A_876 = tpu.vector_load %arg13[%swap3A_873, %swap3A_874, %swap3A_875] {strides = array<i32>} : memref<2x160x64xf32, #tpu.memory_space<vmem>>, vector<16xf32>,
        tpu.vector_store %arg13[%swap3A_873, %swap3A_874, %swap3A_875], %mul3A_871 {strides = array<i32>} : memref<2x160x64xf32, #tpu.memory_space<vmem>>, vector<16xf32>,
        %get3A_877 = arith.constant 1 : i32
        %get3A_878 = arith.index_cast %get3A_877 : i32 to index
        %get3A_879 = arith.index_cast %add3A_848 : i32 to index
        %get3A_880 = arith.constant 32 : index
        %get3A_881 = tpu.vector_load %arg13[%get3A_878, %get3A_879, %get3A_880] {strides = array<i32>} : memref<2x160x64xf32, #tpu.memory_space<vmem>>, vector<16xf32>,
        %mul3A_882 = arith.mulf %get3A_881, %broadcast_in_dim3A_854 : vector<16xf32>
        %swap3A_883 = arith.constant 1 : i32
        %swap3A_884 = arith.index_cast %swap3A_883 : i32 to index
        %swap3A_885 = arith.index_cast %add3A_848 : i32 to index
        %swap3A_886 = arith.constant 32 : index
        %swap3A_887 = tpu.vector_load %arg13[%swap3A_884, %swap3A_885, %swap3A_886] {strides = array<i32>} : memref<2x160x64xf32, #tpu.memory_space<vmem>>, vector<16xf32>,
        tpu.vector_store %arg13[%swap3A_884, %swap3A_885, %swap3A_886], %mul3A_882 {strides = array<i32>} : memref<2x160x64xf32, #tpu.memory_space<vmem>>, vector<16xf32>,
        %get3A_888 = arith.constant 1 : i32
        %get3A_889 = arith.index_cast %get3A_888 : i32 to index
        %get3A_890 = arith.index_cast %add3A_848 : i32 to index
        %get3A_891 = arith.constant 48 : index
        %get3A_892 = tpu.vector_load %arg13[%get3A_889, %get3A_890, %get3A_891] {strides = array<i32>} : memref<2x160x64xf32, #tpu.memory_space<vmem>>, vector<16xf32>,
        %mul3A_893 = arith.mulf %get3A_892, %broadcast_in_dim3A_854 : vector<16xf32>
        %swap3A_894 = arith.constant 1 : i32
        %swap3A_895 = arith.index_cast %swap3A_894 : i32 to index
        %swap3A_896 = arith.index_cast %add3A_848 : i32 to index
        %swap3A_897 = arith.constant 48 : index
        %swap3A_898 = tpu.vector_load %arg13[%swap3A_895, %swap3A_896, %swap3A_897] {strides = array<i32>} : memref<2x160x64xf32, #tpu.memory_space<vmem>>, vector<16xf32>,
        tpu.vector_store %arg13[%swap3A_895, %swap3A_896, %swap3A_897], %mul3A_893 {strides = array<i32>} : memref<2x160x64xf32, #tpu.memory_space<vmem>>, vector<16xf32>,
        %add3A_899 = arith.constant 10 : i32
        %add3A_900 = arith.addi %mul3A_327, %add3A_899 : i32
        %slice3A_901 = vector.extract_strided_slice %exp3A {offsets = [10], sizes = [1], strides = [1]} : vector<16xf32> to vector<1xf32>
        %squeeze3A_902 = vector.extract %slice3A_901[0] : f32 from vector<1xf32>
        %broadcast_in_dim3A_903 = vector.broadcast %squeeze3A_902 : f32 to vector<16xf32>
        %slice3A_904 = vector.extract_strided_slice %exp3A_376 {offsets = [10], sizes = [1], strides = [1]} : vector<16xf32> to vector<1xf32>
        %squeeze3A_905 = vector.extract %slice3A_904[0] : f32 from vector<1xf32>
        %broadcast_in_dim3A_906 = vector.broadcast %squeeze3A_905 : f32 to vector<16xf32>
        %get3A_907 = arith.constant 1 : i32
        %get3A_908 = arith.index_cast %get3A_907 : i32 to index
        %get3A_909 = arith.index_cast %add3A_900 : i32 to index
        %get3A_910 = arith.constant 0 : index
        %get3A_911 = tpu.vector_load %arg13[%get3A_908, %get3A_909, %get3A_910] {strides = array<i32>} : memref<2x160x64xf32, #tpu.memory_space<vmem>>, vector<16xf32>,
        %mul3A_912 = arith.mulf %get3A_911, %broadcast_in_dim3A_903 : vector<16xf32>
        %swap3A_913 = arith.constant 1 : i32
        %swap3A_914 = arith.index_cast %swap3A_913 : i32 to index
        %swap3A_915 = arith.index_cast %add3A_900 : i32 to index
        %swap3A_916 = arith.constant 0 : index
        %swap3A_917 = tpu.vector_load %arg13[%swap3A_914, %swap3A_915, %swap3A_916] {strides = array<i32>} : memref<2x160x64xf32, #tpu.memory_space<vmem>>, vector<16xf32>,
        tpu.vector_store %arg13[%swap3A_914, %swap3A_915, %swap3A_916], %mul3A_912 {strides = array<i32>} : memref<2x160x64xf32, #tpu.memory_space<vmem>>, vector<16xf32>,
        %get3A_918 = arith.constant 1 : i32
        %get3A_919 = arith.index_cast %get3A_918 : i32 to index
        %get3A_920 = arith.index_cast %add3A_900 : i32 to index
        %get3A_921 = arith.constant 16 : index
        %get3A_922 = tpu.vector_load %arg13[%get3A_919, %get3A_920, %get3A_921] {strides = array<i32>} : memref<2x160x64xf32, #tpu.memory_space<vmem>>, vector<16xf32>,
        %mul3A_923 = arith.mulf %get3A_922, %broadcast_in_dim3A_903 : vector<16xf32>
        %swap3A_924 = arith.constant 1 : i32
        %swap3A_925 = arith.index_cast %swap3A_924 : i32 to index
        %swap3A_926 = arith.index_cast %add3A_900 : i32 to index
        %swap3A_927 = arith.constant 16 : index
        %swap3A_928 = tpu.vector_load %arg13[%swap3A_925, %swap3A_926, %swap3A_927] {strides = array<i32>} : memref<2x160x64xf32, #tpu.memory_space<vmem>>, vector<16xf32>,
        tpu.vector_store %arg13[%swap3A_925, %swap3A_926, %swap3A_927], %mul3A_923 {strides = array<i32>} : memref<2x160x64xf32, #tpu.memory_space<vmem>>, vector<16xf32>,
        %get3A_929 = arith.constant 1 : i32
        %get3A_930 = arith.index_cast %get3A_929 : i32 to index
        %get3A_931 = arith.index_cast %add3A_900 : i32 to index
        %get3A_932 = arith.constant 32 : index
        %get3A_933 = tpu.vector_load %arg13[%get3A_930, %get3A_931, %get3A_932] {strides = array<i32>} : memref<2x160x64xf32, #tpu.memory_space<vmem>>, vector<16xf32>,
        %mul3A_934 = arith.mulf %get3A_933, %broadcast_in_dim3A_906 : vector<16xf32>
        %swap3A_935 = arith.constant 1 : i32
        %swap3A_936 = arith.index_cast %swap3A_935 : i32 to index
        %swap3A_937 = arith.index_cast %add3A_900 : i32 to index
        %swap3A_938 = arith.constant 32 : index
        %swap3A_939 = tpu.vector_load %arg13[%swap3A_936, %swap3A_937, %swap3A_938] {strides = array<i32>} : memref<2x160x64xf32, #tpu.memory_space<vmem>>, vector<16xf32>,
        tpu.vector_store %arg13[%swap3A_936, %swap3A_937, %swap3A_938], %mul3A_934 {strides = array<i32>} : memref<2x160x64xf32, #tpu.memory_space<vmem>>, vector<16xf32>,
        %get3A_940 = arith.constant 1 : i32
        %get3A_941 = arith.index_cast %get3A_940 : i32 to index
        %get3A_942 = arith.index_cast %add3A_900 : i32 to index
        %get3A_943 = arith.constant 48 : index
        %get3A_944 = tpu.vector_load %arg13[%get3A_941, %get3A_942, %get3A_943] {strides = array<i32>} : memref<2x160x64xf32, #tpu.memory_space<vmem>>, vector<16xf32>,
        %mul3A_945 = arith.mulf %get3A_944, %broadcast_in_dim3A_906 : vector<16xf32>
        %swap3A_946 = arith.constant 1 : i32
        %swap3A_947 = arith.index_cast %swap3A_946 : i32 to index
        %swap3A_948 = arith.index_cast %add3A_900 : i32 to index
        %swap3A_949 = arith.constant 48 : index
        %swap3A_950 = tpu.vector_load %arg13[%swap3A_947, %swap3A_948, %swap3A_949] {strides = array<i32>} : memref<2x160x64xf32, #tpu.memory_space<vmem>>, vector<16xf32>,
        tpu.vector_store %arg13[%swap3A_947, %swap3A_948, %swap3A_949], %mul3A_945 {strides = array<i32>} : memref<2x160x64xf32, #tpu.memory_space<vmem>>, vector<16xf32>,
        %add3A_951 = arith.constant 11 : i32
        %add3A_952 = arith.addi %mul3A_327, %add3A_951 : i32
        %slice3A_953 = vector.extract_strided_slice %exp3A {offsets = [11], sizes = [1], strides = [1]} : vector<16xf32> to vector<1xf32>
        %squeeze3A_954 = vector.extract %slice3A_953[0] : f32 from vector<1xf32>
        %broadcast_in_dim3A_955 = vector.broadcast %squeeze3A_954 : f32 to vector<16xf32>
        %slice3A_956 = vector.extract_strided_slice %exp3A_376 {offsets = [11], sizes = [1], strides = [1]} : vector<16xf32> to vector<1xf32>
        %squeeze3A_957 = vector.extract %slice3A_956[0] : f32 from vector<1xf32>
        %broadcast_in_dim3A_958 = vector.broadcast %squeeze3A_957 : f32 to vector<16xf32>
        %get3A_959 = arith.constant 1 : i32
        %get3A_960 = arith.index_cast %get3A_959 : i32 to index
        %get3A_961 = arith.index_cast %add3A_952 : i32 to index
        %get3A_962 = arith.constant 0 : index
        %get3A_963 = tpu.vector_load %arg13[%get3A_960, %get3A_961, %get3A_962] {strides = array<i32>} : memref<2x160x64xf32, #tpu.memory_space<vmem>>, vector<16xf32>,
        %mul3A_964 = arith.mulf %get3A_963, %broadcast_in_dim3A_955 : vector<16xf32>
        %swap3A_965 = arith.constant 1 : i32
        %swap3A_966 = arith.index_cast %swap3A_965 : i32 to index
        %swap3A_967 = arith.index_cast %add3A_952 : i32 to index
        %swap3A_968 = arith.constant 0 : index
        %swap3A_969 = tpu.vector_load %arg13[%swap3A_966, %swap3A_967, %swap3A_968] {strides = array<i32>} : memref<2x160x64xf32, #tpu.memory_space<vmem>>, vector<16xf32>,
        tpu.vector_store %arg13[%swap3A_966, %swap3A_967, %swap3A_968], %mul3A_964 {strides = array<i32>} : memref<2x160x64xf32, #tpu.memory_space<vmem>>, vector<16xf32>,
        %get3A_970 = arith.constant 1 : i32
        %get3A_971 = arith.index_cast %get3A_970 : i32 to index
        %get3A_972 = arith.index_cast %add3A_952 : i32 to index
        %get3A_973 = arith.constant 16 : index
        %get3A_974 = tpu.vector_load %arg13[%get3A_971, %get3A_972, %get3A_973] {strides = array<i32>} : memref<2x160x64xf32, #tpu.memory_space<vmem>>, vector<16xf32>,
        %mul3A_975 = arith.mulf %get3A_974, %broadcast_in_dim3A_955 : vector<16xf32>
        %swap3A_976 = arith.constant 1 : i32
        %swap3A_977 = arith.index_cast %swap3A_976 : i32 to index
        %swap3A_978 = arith.index_cast %add3A_952 : i32 to index
        %swap3A_979 = arith.constant 16 : index
        %swap3A_980 = tpu.vector_load %arg13[%swap3A_977, %swap3A_978, %swap3A_979] {strides = array<i32>} : memref<2x160x64xf32, #tpu.memory_space<vmem>>, vector<16xf32>,
        tpu.vector_store %arg13[%swap3A_977, %swap3A_978, %swap3A_979], %mul3A_975 {strides = array<i32>} : memref<2x160x64xf32, #tpu.memory_space<vmem>>, vector<16xf32>,
        %get3A_981 = arith.constant 1 : i32
        %get3A_982 = arith.index_cast %get3A_981 : i32 to index
        %get3A_983 = arith.index_cast %add3A_952 : i32 to index
        %get3A_984 = arith.constant 32 : index
        %get3A_985 = tpu.vector_load %arg13[%get3A_982, %get3A_983, %get3A_984] {strides = array<i32>} : memref<2x160x64xf32, #tpu.memory_space<vmem>>, vector<16xf32>,
        %mul3A_986 = arith.mulf %get3A_985, %broadcast_in_dim3A_958 : vector<16xf32>
        %swap3A_987 = arith.constant 1 : i32
        %swap3A_988 = arith.index_cast %swap3A_987 : i32 to index
        %swap3A_989 = arith.index_cast %add3A_952 : i32 to index
        %swap3A_990 = arith.constant 32 : index
        %swap3A_991 = tpu.vector_load %arg13[%swap3A_988, %swap3A_989, %swap3A_990] {strides = array<i32>} : memref<2x160x64xf32, #tpu.memory_space<vmem>>, vector<16xf32>,
        tpu.vector_store %arg13[%swap3A_988, %swap3A_989, %swap3A_990], %mul3A_986 {strides = array<i32>} : memref<2x160x64xf32, #tpu.memory_space<vmem>>, vector<16xf32>,
        %get3A_992 = arith.constant 1 : i32
        %get3A_993 = arith.index_cast %get3A_992 : i32 to index
        %get3A_994 = arith.index_cast %add3A_952 : i32 to index
        %get3A_995 = arith.constant 48 : index
        %get3A_996 = tpu.vector_load %arg13[%get3A_993, %get3A_994, %get3A_995] {strides = array<i32>} : memref<2x160x64xf32, #tpu.memory_space<vmem>>, vector<16xf32>,
        %mul3A_997 = arith.mulf %get3A_996, %broadcast_in_dim3A_958 : vector<16xf32>
        %swap3A_998 = arith.constant 1 : i32
        %swap3A_999 = arith.index_cast %swap3A_998 : i32 to index
        %swap3A_1000 = arith.index_cast %add3A_952 : i32 to index
        %swap3A_1001 = arith.constant 48 : index
        %swap3A_1002 = tpu.vector_load %arg13[%swap3A_999, %swap3A_1000, %swap3A_1001] {strides = array<i32>} : memref<2x160x64xf32, #tpu.memory_space<vmem>>, vector<16xf32>,
        tpu.vector_store %arg13[%swap3A_999, %swap3A_1000, %swap3A_1001], %mul3A_997 {strides = array<i32>} : memref<2x160x64xf32, #tpu.memory_space<vmem>>, vector<16xf32>,
        %add3A_1003 = arith.constant 12 : i32
        %add3A_1004 = arith.addi %mul3A_327, %add3A_1003 : i32
        %slice3A_1005 = vector.extract_strided_slice %exp3A {offsets = [12], sizes = [1], strides = [1]} : vector<16xf32> to vector<1xf32>
        %squeeze3A_1006 = vector.extract %slice3A_1005[0] : f32 from vector<1xf32>
        %broadcast_in_dim3A_1007 = vector.broadcast %squeeze3A_1006 : f32 to vector<16xf32>
        %slice3A_1008 = vector.extract_strided_slice %exp3A_376 {offsets = [12], sizes = [1], strides = [1]} : vector<16xf32> to vector<1xf32>
        %squeeze3A_1009 = vector.extract %slice3A_1008[0] : f32 from vector<1xf32>
        %broadcast_in_dim3A_1010 = vector.broadcast %squeeze3A_1009 : f32 to vector<16xf32>
        %get3A_1011 = arith.constant 1 : i32
        %get3A_1012 = arith.index_cast %get3A_1011 : i32 to index
        %get3A_1013 = arith.index_cast %add3A_1004 : i32 to index
        %get3A_1014 = arith.constant 0 : index
        %get3A_1015 = tpu.vector_load %arg13[%get3A_1012, %get3A_1013, %get3A_1014] {strides = array<i32>} : memref<2x160x64xf32, #tpu.memory_space<vmem>>, vector<16xf32>,
        %mul3A_1016 = arith.mulf %get3A_1015, %broadcast_in_dim3A_1007 : vector<16xf32>
        %swap3A_1017 = arith.constant 1 : i32
        %swap3A_1018 = arith.index_cast %swap3A_1017 : i32 to index
        %swap3A_1019 = arith.index_cast %add3A_1004 : i32 to index
        %swap3A_1020 = arith.constant 0 : index
        %swap3A_1021 = tpu.vector_load %arg13[%swap3A_1018, %swap3A_1019, %swap3A_1020] {strides = array<i32>} : memref<2x160x64xf32, #tpu.memory_space<vmem>>, vector<16xf32>,
        tpu.vector_store %arg13[%swap3A_1018, %swap3A_1019, %swap3A_1020], %mul3A_1016 {strides = array<i32>} : memref<2x160x64xf32, #tpu.memory_space<vmem>>, vector<16xf32>,
        %get3A_1022 = arith.constant 1 : i32
        %get3A_1023 = arith.index_cast %get3A_1022 : i32 to index
        %get3A_1024 = arith.index_cast %add3A_1004 : i32 to index
        %get3A_1025 = arith.constant 16 : index
        %get3A_1026 = tpu.vector_load %arg13[%get3A_1023, %get3A_1024, %get3A_1025] {strides = array<i32>} : memref<2x160x64xf32, #tpu.memory_space<vmem>>, vector<16xf32>,
        %mul3A_1027 = arith.mulf %get3A_1026, %broadcast_in_dim3A_1007 : vector<16xf32>
        %swap3A_1028 = arith.constant 1 : i32
        %swap3A_1029 = arith.index_cast %swap3A_1028 : i32 to index
        %swap3A_1030 = arith.index_cast %add3A_1004 : i32 to index
        %swap3A_1031 = arith.constant 16 : index
        %swap3A_1032 = tpu.vector_load %arg13[%swap3A_1029, %swap3A_1030, %swap3A_1031] {strides = array<i32>} : memref<2x160x64xf32, #tpu.memory_space<vmem>>, vector<16xf32>,
        tpu.vector_store %arg13[%swap3A_1029, %swap3A_1030, %swap3A_1031], %mul3A_1027 {strides = array<i32>} : memref<2x160x64xf32, #tpu.memory_space<vmem>>, vector<16xf32>,
        %get3A_1033 = arith.constant 1 : i32
        %get3A_1034 = arith.index_cast %get3A_1033 : i32 to index
        %get3A_1035 = arith.index_cast %add3A_1004 : i32 to index
        %get3A_1036 = arith.constant 32 : index
        %get3A_1037 = tpu.vector_load %arg13[%get3A_1034, %get3A_1035, %get3A_1036] {strides = array<i32>} : memref<2x160x64xf32, #tpu.memory_space<vmem>>, vector<16xf32>,
        %mul3A_1038 = arith.mulf %get3A_1037, %broadcast_in_dim3A_1010 : vector<16xf32>
        %swap3A_1039 = arith.constant 1 : i32
        %swap3A_1040 = arith.index_cast %swap3A_1039 : i32 to index
        %swap3A_1041 = arith.index_cast %add3A_1004 : i32 to index
        %swap3A_1042 = arith.constant 32 : index
        %swap3A_1043 = tpu.vector_load %arg13[%swap3A_1040, %swap3A_1041, %swap3A_1042] {strides = array<i32>} : memref<2x160x64xf32, #tpu.memory_space<vmem>>, vector<16xf32>,
        tpu.vector_store %arg13[%swap3A_1040, %swap3A_1041, %swap3A_1042], %mul3A_1038 {strides = array<i32>} : memref<2x160x64xf32, #tpu.memory_space<vmem>>, vector<16xf32>,
        %get3A_1044 = arith.constant 1 : i32
        %get3A_1045 = arith.index_cast %get3A_1044 : i32 to index
        %get3A_1046 = arith.index_cast %add3A_1004 : i32 to index
        %get3A_1047 = arith.constant 48 : index
        %get3A_1048 = tpu.vector_load %arg13[%get3A_1045, %get3A_1046, %get3A_1047] {strides = array<i32>} : memref<2x160x64xf32, #tpu.memory_space<vmem>>, vector<16xf32>,
        %mul3A_1049 = arith.mulf %get3A_1048, %broadcast_in_dim3A_1010 : vector<16xf32>
        %swap3A_1050 = arith.constant 1 : i32
        %swap3A_1051 = arith.index_cast %swap3A_1050 : i32 to index
        %swap3A_1052 = arith.index_cast %add3A_1004 : i32 to index
        %swap3A_1053 = arith.constant 48 : index
        %swap3A_1054 = tpu.vector_load %arg13[%swap3A_1051, %swap3A_1052, %swap3A_1053] {strides = array<i32>} : memref<2x160x64xf32, #tpu.memory_space<vmem>>, vector<16xf32>,
        tpu.vector_store %arg13[%swap3A_1051, %swap3A_1052, %swap3A_1053], %mul3A_1049 {strides = array<i32>} : memref<2x160x64xf32, #tpu.memory_space<vmem>>, vector<16xf32>,
        %add3A_1055 = arith.constant 13 : i32
        %add3A_1056 = arith.addi %mul3A_327, %add3A_1055 : i32
        %slice3A_1057 = vector.extract_strided_slice %exp3A {offsets = [13], sizes = [1], strides = [1]} : vector<16xf32> to vector<1xf32>
        %squeeze3A_1058 = vector.extract %slice3A_1057[0] : f32 from vector<1xf32>
        %broadcast_in_dim3A_1059 = vector.broadcast %squeeze3A_1058 : f32 to vector<16xf32>
        %slice3A_1060 = vector.extract_strided_slice %exp3A_376 {offsets = [13], sizes = [1], strides = [1]} : vector<16xf32> to vector<1xf32>
        %squeeze3A_1061 = vector.extract %slice3A_1060[0] : f32 from vector<1xf32>
        %broadcast_in_dim3A_1062 = vector.broadcast %squeeze3A_1061 : f32 to vector<16xf32>
        %get3A_1063 = arith.constant 1 : i32
        %get3A_1064 = arith.index_cast %get3A_1063 : i32 to index
        %get3A_1065 = arith.index_cast %add3A_1056 : i32 to index
        %get3A_1066 = arith.constant 0 : index
        %get3A_1067 = tpu.vector_load %arg13[%get3A_1064, %get3A_1065, %get3A_1066] {strides = array<i32>} : memref<2x160x64xf32, #tpu.memory_space<vmem>>, vector<16xf32>,
        %mul3A_1068 = arith.mulf %get3A_1067, %broadcast_in_dim3A_1059 : vector<16xf32>
        %swap3A_1069 = arith.constant 1 : i32
        %swap3A_1070 = arith.index_cast %swap3A_1069 : i32 to index
        %swap3A_1071 = arith.index_cast %add3A_1056 : i32 to index
        %swap3A_1072 = arith.constant 0 : index
        %swap3A_1073 = tpu.vector_load %arg13[%swap3A_1070, %swap3A_1071, %swap3A_1072] {strides = array<i32>} : memref<2x160x64xf32, #tpu.memory_space<vmem>>, vector<16xf32>,
        tpu.vector_store %arg13[%swap3A_1070, %swap3A_1071, %swap3A_1072], %mul3A_1068 {strides = array<i32>} : memref<2x160x64xf32, #tpu.memory_space<vmem>>, vector<16xf32>,
        %get3A_1074 = arith.constant 1 : i32
        %get3A_1075 = arith.index_cast %get3A_1074 : i32 to index
        %get3A_1076 = arith.index_cast %add3A_1056 : i32 to index
        %get3A_1077 = arith.constant 16 : index
        %get3A_1078 = tpu.vector_load %arg13[%get3A_1075, %get3A_1076, %get3A_1077] {strides = array<i32>} : memref<2x160x64xf32, #tpu.memory_space<vmem>>, vector<16xf32>,
        %mul3A_1079 = arith.mulf %get3A_1078, %broadcast_in_dim3A_1059 : vector<16xf32>
        %swap3A_1080 = arith.constant 1 : i32
        %swap3A_1081 = arith.index_cast %swap3A_1080 : i32 to index
        %swap3A_1082 = arith.index_cast %add3A_1056 : i32 to index
        %swap3A_1083 = arith.constant 16 : index
        %swap3A_1084 = tpu.vector_load %arg13[%swap3A_1081, %swap3A_1082, %swap3A_1083] {strides = array<i32>} : memref<2x160x64xf32, #tpu.memory_space<vmem>>, vector<16xf32>,
        tpu.vector_store %arg13[%swap3A_1081, %swap3A_1082, %swap3A_1083], %mul3A_1079 {strides = array<i32>} : memref<2x160x64xf32, #tpu.memory_space<vmem>>, vector<16xf32>,
        %get3A_1085 = arith.constant 1 : i32
        %get3A_1086 = arith.index_cast %get3A_1085 : i32 to index
        %get3A_1087 = arith.index_cast %add3A_1056 : i32 to index
        %get3A_1088 = arith.constant 32 : index
        %get3A_1089 = tpu.vector_load %arg13[%get3A_1086, %get3A_1087, %get3A_1088] {strides = array<i32>} : memref<2x160x64xf32, #tpu.memory_space<vmem>>, vector<16xf32>,
        %mul3A_1090 = arith.mulf %get3A_1089, %broadcast_in_dim3A_1062 : vector<16xf32>
        %swap3A_1091 = arith.constant 1 : i32
        %swap3A_1092 = arith.index_cast %swap3A_1091 : i32 to index
        %swap3A_1093 = arith.index_cast %add3A_1056 : i32 to index
        %swap3A_1094 = arith.constant 32 : index
        %swap3A_1095 = tpu.vector_load %arg13[%swap3A_1092, %swap3A_1093, %swap3A_1094] {strides = array<i32>} : memref<2x160x64xf32, #tpu.memory_space<vmem>>, vector<16xf32>,
        tpu.vector_store %arg13[%swap3A_1092, %swap3A_1093, %swap3A_1094], %mul3A_1090 {strides = array<i32>} : memref<2x160x64xf32, #tpu.memory_space<vmem>>, vector<16xf32>,
        %get3A_1096 = arith.constant 1 : i32
        %get3A_1097 = arith.index_cast %get3A_1096 : i32 to index
        %get3A_1098 = arith.index_cast %add3A_1056 : i32 to index
        %get3A_1099 = arith.constant 48 : index
        %get3A_1100 = tpu.vector_load %arg13[%get3A_1097, %get3A_1098, %get3A_1099] {strides = array<i32>} : memref<2x160x64xf32, #tpu.memory_space<vmem>>, vector<16xf32>,
        %mul3A_1101 = arith.mulf %get3A_1100, %broadcast_in_dim3A_1062 : vector<16xf32>
        %swap3A_1102 = arith.constant 1 : i32
        %swap3A_1103 = arith.index_cast %swap3A_1102 : i32 to index
        %swap3A_1104 = arith.index_cast %add3A_1056 : i32 to index
        %swap3A_1105 = arith.constant 48 : index
        %swap3A_1106 = tpu.vector_load %arg13[%swap3A_1103, %swap3A_1104, %swap3A_1105] {strides = array<i32>} : memref<2x160x64xf32, #tpu.memory_space<vmem>>, vector<16xf32>,
        tpu.vector_store %arg13[%swap3A_1103, %swap3A_1104, %swap3A_1105], %mul3A_1101 {strides = array<i32>} : memref<2x160x64xf32, #tpu.memory_space<vmem>>, vector<16xf32>,
        %add3A_1107 = arith.constant 14 : i32
        %add3A_1108 = arith.addi %mul3A_327, %add3A_1107 : i32
        %slice3A_1109 = vector.extract_strided_slice %exp3A {offsets = [14], sizes = [1], strides = [1]} : vector<16xf32> to vector<1xf32>
        %squeeze3A_1110 = vector.extract %slice3A_1109[0] : f32 from vector<1xf32>
        %broadcast_in_dim3A_1111 = vector.broadcast %squeeze3A_1110 : f32 to vector<16xf32>
        %slice3A_1112 = vector.extract_strided_slice %exp3A_376 {offsets = [14], sizes = [1], strides = [1]} : vector<16xf32> to vector<1xf32>
        %squeeze3A_1113 = vector.extract %slice3A_1112[0] : f32 from vector<1xf32>
        %broadcast_in_dim3A_1114 = vector.broadcast %squeeze3A_1113 : f32 to vector<16xf32>
        %get3A_1115 = arith.constant 1 : i32
        %get3A_1116 = arith.index_cast %get3A_1115 : i32 to index
        %get3A_1117 = arith.index_cast %add3A_1108 : i32 to index
        %get3A_1118 = arith.constant 0 : index
        %get3A_1119 = tpu.vector_load %arg13[%get3A_1116, %get3A_1117, %get3A_1118] {strides = array<i32>} : memref<2x160x64xf32, #tpu.memory_space<vmem>>, vector<16xf32>,
        %mul3A_1120 = arith.mulf %get3A_1119, %broadcast_in_dim3A_1111 : vector<16xf32>
        %swap3A_1121 = arith.constant 1 : i32
        %swap3A_1122 = arith.index_cast %swap3A_1121 : i32 to index
        %swap3A_1123 = arith.index_cast %add3A_1108 : i32 to index
        %swap3A_1124 = arith.constant 0 : index
        %swap3A_1125 = tpu.vector_load %arg13[%swap3A_1122, %swap3A_1123, %swap3A_1124] {strides = array<i32>} : memref<2x160x64xf32, #tpu.memory_space<vmem>>, vector<16xf32>,
        tpu.vector_store %arg13[%swap3A_1122, %swap3A_1123, %swap3A_1124], %mul3A_1120 {strides = array<i32>} : memref<2x160x64xf32, #tpu.memory_space<vmem>>, vector<16xf32>,
        %get3A_1126 = arith.constant 1 : i32
        %get3A_1127 = arith.index_cast %get3A_1126 : i32 to index
        %get3A_1128 = arith.index_cast %add3A_1108 : i32 to index
        %get3A_1129 = arith.constant 16 : index
        %get3A_1130 = tpu.vector_load %arg13[%get3A_1127, %get3A_1128, %get3A_1129] {strides = array<i32>} : memref<2x160x64xf32, #tpu.memory_space<vmem>>, vector<16xf32>,
        %mul3A_1131 = arith.mulf %get3A_1130, %broadcast_in_dim3A_1111 : vector<16xf32>
        %swap3A_1132 = arith.constant 1 : i32
        %swap3A_1133 = arith.index_cast %swap3A_1132 : i32 to index
        %swap3A_1134 = arith.index_cast %add3A_1108 : i32 to index
        %swap3A_1135 = arith.constant 16 : index
        %swap3A_1136 = tpu.vector_load %arg13[%swap3A_1133, %swap3A_1134, %swap3A_1135] {strides = array<i32>} : memref<2x160x64xf32, #tpu.memory_space<vmem>>, vector<16xf32>,
        tpu.vector_store %arg13[%swap3A_1133, %swap3A_1134, %swap3A_1135], %mul3A_1131 {strides = array<i32>} : memref<2x160x64xf32, #tpu.memory_space<vmem>>, vector<16xf32>,
        %get3A_1137 = arith.constant 1 : i32
        %get3A_1138 = arith.index_cast %get3A_1137 : i32 to index
        %get3A_1139 = arith.index_cast %add3A_1108 : i32 to index
        %get3A_1140 = arith.constant 32 : index
        %get3A_1141 = tpu.vector_load %arg13[%get3A_1138, %get3A_1139, %get3A_1140] {strides = array<i32>} : memref<2x160x64xf32, #tpu.memory_space<vmem>>, vector<16xf32>,
        %mul3A_1142 = arith.mulf %get3A_1141, %broadcast_in_dim3A_1114 : vector<16xf32>
        %swap3A_1143 = arith.constant 1 : i32
        %swap3A_1144 = arith.index_cast %swap3A_1143 : i32 to index
        %swap3A_1145 = arith.index_cast %add3A_1108 : i32 to index
        %swap3A_1146 = arith.constant 32 : index
        %swap3A_1147 = tpu.vector_load %arg13[%swap3A_1144, %swap3A_1145, %swap3A_1146] {strides = array<i32>} : memref<2x160x64xf32, #tpu.memory_space<vmem>>, vector<16xf32>,
        tpu.vector_store %arg13[%swap3A_1144, %swap3A_1145, %swap3A_1146], %mul3A_1142 {strides = array<i32>} : memref<2x160x64xf32, #tpu.memory_space<vmem>>, vector<16xf32>,
        %get3A_1148 = arith.constant 1 : i32
        %get3A_1149 = arith.index_cast %get3A_1148 : i32 to index
        %get3A_1150 = arith.index_cast %add3A_1108 : i32 to index
        %get3A_1151 = arith.constant 48 : index
        %get3A_1152 = tpu.vector_load %arg13[%get3A_1149, %get3A_1150, %get3A_1151] {strides = array<i32>} : memref<2x160x64xf32, #tpu.memory_space<vmem>>, vector<16xf32>,
        %mul3A_1153 = arith.mulf %get3A_1152, %broadcast_in_dim3A_1114 : vector<16xf32>
        %swap3A_1154 = arith.constant 1 : i32
        %swap3A_1155 = arith.index_cast %swap3A_1154 : i32 to index
        %swap3A_1156 = arith.index_cast %add3A_1108 : i32 to index
        %swap3A_1157 = arith.constant 48 : index
        %swap3A_1158 = tpu.vector_load %arg13[%swap3A_1155, %swap3A_1156, %swap3A_1157] {strides = array<i32>} : memref<2x160x64xf32, #tpu.memory_space<vmem>>, vector<16xf32>,
        tpu.vector_store %arg13[%swap3A_1155, %swap3A_1156, %swap3A_1157], %mul3A_1153 {strides = array<i32>} : memref<2x160x64xf32, #tpu.memory_space<vmem>>, vector<16xf32>,
        %add3A_1159 = arith.constant 15 : i32
        %add3A_1160 = arith.addi %mul3A_327, %add3A_1159 : i32
        %slice3A_1161 = vector.extract_strided_slice %exp3A {offsets = [15], sizes = [1], strides = [1]} : vector<16xf32> to vector<1xf32>
        %squeeze3A_1162 = vector.extract %slice3A_1161[0] : f32 from vector<1xf32>
        %broadcast_in_dim3A_1163 = vector.broadcast %squeeze3A_1162 : f32 to vector<16xf32>
        %slice3A_1164 = vector.extract_strided_slice %exp3A_376 {offsets = [15], sizes = [1], strides = [1]} : vector<16xf32> to vector<1xf32>
        %squeeze3A_1165 = vector.extract %slice3A_1164[0] : f32 from vector<1xf32>
        %broadcast_in_dim3A_1166 = vector.broadcast %squeeze3A_1165 : f32 to vector<16xf32>
        %get3A_1167 = arith.constant 1 : i32
        %get3A_1168 = arith.index_cast %get3A_1167 : i32 to index
        %get3A_1169 = arith.index_cast %add3A_1160 : i32 to index
        %get3A_1170 = arith.constant 0 : index
        %get3A_1171 = tpu.vector_load %arg13[%get3A_1168, %get3A_1169, %get3A_1170] {strides = array<i32>} : memref<2x160x64xf32, #tpu.memory_space<vmem>>, vector<16xf32>,
        %mul3A_1172 = arith.mulf %get3A_1171, %broadcast_in_dim3A_1163 : vector<16xf32>
        %swap3A_1173 = arith.constant 1 : i32
        %swap3A_1174 = arith.index_cast %swap3A_1173 : i32 to index
        %swap3A_1175 = arith.index_cast %add3A_1160 : i32 to index
        %swap3A_1176 = arith.constant 0 : index
        %swap3A_1177 = tpu.vector_load %arg13[%swap3A_1174, %swap3A_1175, %swap3A_1176] {strides = array<i32>} : memref<2x160x64xf32, #tpu.memory_space<vmem>>, vector<16xf32>,
        tpu.vector_store %arg13[%swap3A_1174, %swap3A_1175, %swap3A_1176], %mul3A_1172 {strides = array<i32>} : memref<2x160x64xf32, #tpu.memory_space<vmem>>, vector<16xf32>,
        %get3A_1178 = arith.constant 1 : i32
        %get3A_1179 = arith.index_cast %get3A_1178 : i32 to index
        %get3A_1180 = arith.index_cast %add3A_1160 : i32 to index
        %get3A_1181 = arith.constant 16 : index
        %get3A_1182 = tpu.vector_load %arg13[%get3A_1179, %get3A_1180, %get3A_1181] {strides = array<i32>} : memref<2x160x64xf32, #tpu.memory_space<vmem>>, vector<16xf32>,
        %mul3A_1183 = arith.mulf %get3A_1182, %broadcast_in_dim3A_1163 : vector<16xf32>
        %swap3A_1184 = arith.constant 1 : i32
        %swap3A_1185 = arith.index_cast %swap3A_1184 : i32 to index
        %swap3A_1186 = arith.index_cast %add3A_1160 : i32 to index
        %swap3A_1187 = arith.constant 16 : index
        %swap3A_1188 = tpu.vector_load %arg13[%swap3A_1185, %swap3A_1186, %swap3A_1187] {strides = array<i32>} : memref<2x160x64xf32, #tpu.memory_space<vmem>>, vector<16xf32>,
        tpu.vector_store %arg13[%swap3A_1185, %swap3A_1186, %swap3A_1187], %mul3A_1183 {strides = array<i32>} : memref<2x160x64xf32, #tpu.memory_space<vmem>>, vector<16xf32>,
        %get3A_1189 = arith.constant 1 : i32
        %get3A_1190 = arith.index_cast %get3A_1189 : i32 to index
        %get3A_1191 = arith.index_cast %add3A_1160 : i32 to index
        %get3A_1192 = arith.constant 32 : index
        %get3A_1193 = tpu.vector_load %arg13[%get3A_1190, %get3A_1191, %get3A_1192] {strides = array<i32>} : memref<2x160x64xf32, #tpu.memory_space<vmem>>, vector<16xf32>,
        %mul3A_1194 = arith.mulf %get3A_1193, %broadcast_in_dim3A_1166 : vector<16xf32>
        %swap3A_1195 = arith.constant 1 : i32
        %swap3A_1196 = arith.index_cast %swap3A_1195 : i32 to index
        %swap3A_1197 = arith.index_cast %add3A_1160 : i32 to index
        %swap3A_1198 = arith.constant 32 : index
        %swap3A_1199 = tpu.vector_load %arg13[%swap3A_1196, %swap3A_1197, %swap3A_1198] {strides = array<i32>} : memref<2x160x64xf32, #tpu.memory_space<vmem>>, vector<16xf32>,
        tpu.vector_store %arg13[%swap3A_1196, %swap3A_1197, %swap3A_1198], %mul3A_1194 {strides = array<i32>} : memref<2x160x64xf32, #tpu.memory_space<vmem>>, vector<16xf32>,
        %get3A_1200 = arith.constant 1 : i32
        %get3A_1201 = arith.index_cast %get3A_1200 : i32 to index
        %get3A_1202 = arith.index_cast %add3A_1160 : i32 to index
        %get3A_1203 = arith.constant 48 : index
        %get3A_1204 = tpu.vector_load %arg13[%get3A_1201, %get3A_1202, %get3A_1203] {strides = array<i32>} : memref<2x160x64xf32, #tpu.memory_space<vmem>>, vector<16xf32>,
        %mul3A_1205 = arith.mulf %get3A_1204, %broadcast_in_dim3A_1166 : vector<16xf32>
        %swap3A_1206 = arith.constant 1 : i32
        %swap3A_1207 = arith.index_cast %swap3A_1206 : i32 to index
        %swap3A_1208 = arith.index_cast %add3A_1160 : i32 to index
        %swap3A_1209 = arith.constant 48 : index
        %swap3A_1210 = tpu.vector_load %arg13[%swap3A_1207, %swap3A_1208, %swap3A_1209] {strides = array<i32>} : memref<2x160x64xf32, #tpu.memory_space<vmem>>, vector<16xf32>,
        tpu.vector_store %arg13[%swap3A_1207, %swap3A_1208, %swap3A_1209], %mul3A_1205 {strides = array<i32>} : memref<2x160x64xf32, #tpu.memory_space<vmem>>, vector<16xf32>,
        %scan3A_1211 = arith.constant 0 : i32
        scf.yield %scan3A_1211 : i32
      }
      %scan3A_297 = arith.constant 10 : i32
      %dma_start3A_298 = arith.constant 1 : i32
      %dma_start3A_299 = arith.constant 1 : i32
      %dma_start3A_300 = arith.constant 0 : i32
      %dma_start3A_301 = arith.constant 0 : i32
      %dma_start3A_302 = tpu.memref_slice %arg13[%dma_start3A_298, %dma_start3A_300, %dma_start3A_301] : memref<2x160x64xf32, #tpu.memory_space<vmem>> -> memref<1x160x64xf32, #tpu.memory_space<vmem>>
      %dma_start3A_303 = tpu.memref_squeeze %dma_start3A_302 : memref<1x160x64xf32, #tpu.memory_space<vmem>> -> memref<160x64xf32, #tpu.memory_space<vmem>>
      %dma_start3A_304 = arith.constant 0 : i32
      %dma_start3A_305 = tpu.memref_slice %arg12[%dma_start3A_299, %dma_start3A_304] : memref<2x160xi32, #tpu.memory_space<vmem>> -> memref<1x160xi32, #tpu.memory_space<vmem>>
      %dma_start3A_306 = tpu.memref_squeeze %dma_start3A_305 : memref<1x160xi32, #tpu.memory_space<vmem>> -> memref<160xi32, #tpu.memory_space<vmem>>
      %dma_start3A_307 = arith.constant 0 : i32
      %dma_start3A_308 = arith.constant 0 : i32
      %dma_start3A_309 = tpu.memref_slice %arg15[%dma_start3A_307, %dma_start3A_308] : memref<10000x64xf32, #tpu.memory_space<vmem_shared>> -> memref<10000x64xf32, #tpu.memory_space<vmem_shared>>
      tpu.enqueue_indirect_dma source(%dma_start3A_303 : memref<160x64xf32, #tpu.memory_space<vmem>>) target(%dma_start3A_309 : memref<10000x64xf32, #tpu.memory_space<vmem_shared>>) offsets(%dma_start3A_306 : memref<160xi32, #tpu.memory_space<vmem>>) semaphore(%arg19 : memref<!tpu.dma_semaphore, #tpu.memory_space<semaphore_mem>>) {add = true}
      %run_scoped3A_310 = arith.constant 1 : i32
      "tpu.region"() ({
        %run_scoped3A_324 = tpu.sem_alloc : memref<!tpu.dma_semaphore, #tpu.memory_space<semaphore_mem>>
        %dma_start3A_325 = arith.constant 0 : i32
        %dma_start3A_326 = tpu.memref_slice %arg12[%run_scoped3A_310, %dma_start3A_325] : memref<2x160xi32, #tpu.memory_space<vmem>> -> memref<1x160xi32, #tpu.memory_space<vmem>>
        %dma_start3A_327 = tpu.memref_squeeze %dma_start3A_326 : memref<1x160xi32, #tpu.memory_space<vmem>> -> memref<160xi32, #tpu.memory_space<vmem>>
        %dma_start3A_328 = arith.constant 0 : i32
        %dma_start3A_329 = arith.constant 0 : i32
        %dma_start3A_330 = tpu.memref_slice %arg16[%dma_start3A_328, %dma_start3A_329] : memref<10000x16xf32, #tpu.memory_space<vmem_shared>> -> memref<10000x16xf32, #tpu.memory_space<vmem_shared>>
        tpu.enqueue_indirect_dma source(%arg14 : memref<160x16xf32, #tpu.memory_space<vmem>>) target(%dma_start3A_330 : memref<10000x16xf32, #tpu.memory_space<vmem_shared>>) offsets(%dma_start3A_327 : memref<160xi32, #tpu.memory_space<vmem>>) semaphore(%run_scoped3A_324 : memref<!tpu.dma_semaphore, #tpu.memory_space<semaphore_mem>>) {add = true}
        %dma_wait3A_331 = arith.constant 0 : i32
        %dma_wait3A_332 = tpu.memref_slice %arg12[%run_scoped3A_310, %dma_wait3A_331] : memref<2x160xi32, #tpu.memory_space<vmem>> -> memref<1x160xi32, #tpu.memory_space<vmem>>
        %dma_wait3A_333 = tpu.memref_squeeze %dma_wait3A_332 : memref<1x160xi32, #tpu.memory_space<vmem>> -> memref<160xi32, #tpu.memory_space<vmem>>
        %dma_wait3A_334 = arith.constant 0 : i32
        %dma_wait3A_335 = arith.constant 0 : i32
        %dma_wait3A_336 = tpu.memref_slice %arg16[%dma_wait3A_334, %dma_wait3A_335] : memref<10000x16xf32, #tpu.memory_space<vmem_shared>> -> memref<10000x16xf32, #tpu.memory_space<vmem_shared>>
        tpu.wait_indirect_dma semaphore(%run_scoped3A_324 : memref<!tpu.dma_semaphore, #tpu.memory_space<semaphore_mem>>) src(%arg14 : memref<160x16xf32, #tpu.memory_space<vmem>>) dst(%dma_wait3A_336 : memref<10000x16xf32, #tpu.memory_space<vmem_shared>>)
        tpu.yield
      }) : () -> ()
      %dma_wait3A_311 = arith.constant 1 : i32
      %dma_wait3A_312 = arith.constant 1 : i32
      %dma_wait3A_313 = arith.constant 0 : i32
      %dma_wait3A_314 = arith.constant 0 : i32
      %dma_wait3A_315 = tpu.memref_slice %arg13[%dma_wait3A_311, %dma_wait3A_313, %dma_wait3A_314] : memref<2x160x64xf32, #tpu.memory_space<vmem>> -> memref<1x160x64xf32, #tpu.memory_space<vmem>>
      %dma_wait3A_316 = tpu.memref_squeeze %dma_wait3A_315 : memref<1x160x64xf32, #tpu.memory_space<vmem>> -> memref<160x64xf32, #tpu.memory_space<vmem>>
      %dma_wait3A_317 = arith.constant 0 : i32
      %dma_wait3A_318 = tpu.memref_slice %arg12[%dma_wait3A_312, %dma_wait3A_317] : memref<2x160xi32, #tpu.memory_space<vmem>> -> memref<1x160xi32, #tpu.memory_space<vmem>>
      %dma_wait3A_319 = tpu.memref_squeeze %dma_wait3A_318 : memref<1x160xi32, #tpu.memory_space<vmem>> -> memref<160xi32, #tpu.memory_space<vmem>>
      %dma_wait3A_320 = arith.constant 0 : i32
      %dma_wait3A_321 = arith.constant 0 : i32
      %dma_wait3A_322 = tpu.memref_slice %arg15[%dma_wait3A_320, %dma_wait3A_321] : memref<10000x64xf32, #tpu.memory_space<vmem_shared>> -> memref<10000x64xf32, #tpu.memory_space<vmem_shared>>
      tpu.wait_indirect_dma semaphore(%arg19 : memref<!tpu.dma_semaphore, #tpu.memory_space<semaphore_mem>>) src(%dma_wait3A_316 : memref<160x64xf32, #tpu.memory_space<vmem>>) dst(%dma_wait3A_322 : memref<10000x64xf32, #tpu.memory_space<vmem_shared>>)
      %scan3A_323 = arith.constant 0 : i32
      scf.yield %scan3A_323 : i32
    }
    %scan3A_156 = arith.constant 62 : i32
    %dma_wait3A = arith.constant 0 : i32
    %dma_wait3A_157 = arith.constant 0 : i32
    %dma_wait3A_158 = arith.constant 0 : i32
    %dma_wait3A_159 = arith.constant 0 : i32
    %dma_wait3A_160 = tpu.memref_slice %arg13[%dma_wait3A_157, %dma_wait3A_158, %dma_wait3A_159] : memref<2x160x64xf32, #tpu.memory_space<vmem>> -> memref<1x160x64xf32, #tpu.memory_space<vmem>>
    %dma_wait3A_161 = tpu.memref_squeeze %dma_wait3A_160 : memref<1x160x64xf32, #tpu.memory_space<vmem>> -> memref<160x64xf32, #tpu.memory_space<vmem>>
    %dma_wait3A_162 = arith.constant 0 : i32
    %dma_wait3A_163 = tpu.memref_slice %arg11[%dma_wait3A, %dma_wait3A_162] : memref<2x160xi32, #tpu.memory_space<vmem>> -> memref<1x160xi32, #tpu.memory_space<vmem>>
    %dma_wait3A_164 = tpu.memref_squeeze %dma_wait3A_163 : memref<1x160xi32, #tpu.memory_space<vmem>> -> memref<160xi32, #tpu.memory_space<vmem>>
    %dma_wait3A_165 = arith.constant 0 : i32
    %dma_wait3A_166 = arith.constant 0 : i32
    %dma_wait3A_167 = tpu.memref_slice %arg2[%dma_wait3A_165, %dma_wait3A_166] : memref<20000x64xf32, #tpu.memory_space<hbm>> -> memref<20000x64xf32, #tpu.memory_space<hbm>>
    tpu.wait_indirect_dma semaphore(%arg17 : memref<!tpu.dma_semaphore, #tpu.memory_space<semaphore_mem>>) src(%dma_wait3A_167 : memref<20000x64xf32, #tpu.memory_space<hbm>>) dst(%dma_wait3A_161 : memref<160x64xf32, #tpu.memory_space<vmem>>)
    %scan3A_168 = arith.constant 0 : i32
    %scan3A_169 = arith.constant 0 : i32
    %scan3A_170 = arith.constant 10 : i32
    %scan3A_171 = arith.addi %scan3A_169, %scan3A_170 : i32
    %scan3A_172 = arith.constant 1 : i32
    %scan3A_173 = scf.for %scan3A_211 = %scan3A_169 to %scan3A_171 step %scan3A_172 iter_args(%scan3A_212 = %scan3A_168) -> (i32)  : i32 {
      %mul3A_213 = arith.constant 16 : i32
      %mul3A_214 = arith.muli %scan3A_211, %mul3A_213 : i32
      %get3A_215 = arith.constant 0 : i32
      %get3A_216 = arith.index_cast %get3A_215 : i32 to index
      %get3A_217 = arith.index_cast %mul3A_214 : i32 to index
      %get3A_218 = tpu.vector_load %arg11[%get3A_216, %get3A_217] {strides = array<i32>} : memref<2x160xi32, #tpu.memory_space<vmem>>, vector<16xi32>,
      %get3A_219 = arith.constant 0 : i32
      %get3A_220 = arith.index_cast %get3A_219 : i32 to index
      %get3A_221 = arith.index_cast %mul3A_214 : i32 to index
      %get3A_222 = tpu.vector_load %arg12[%get3A_220, %get3A_221] {strides = array<i32>} : memref<2x160xi32, #tpu.memory_space<vmem>>, vector<16xi32>,
      %mul3A_223 = arith.constant 2 : i32
      %mul3A_224 = vector.broadcast %mul3A_223 : i32 to vector<16xi32>
      %mul3A_225 = arith.muli %get3A_218, %mul3A_224 : vector<16xi32>
      %sub3A = vector.broadcast %mul3A_36 : i32 to vector<16xi32>
      %sub3A_226 = arith.subi %mul3A_225, %sub3A : vector<16xi32>
      %mul3A_227 = arith.constant 2 : i32
      %mul3A_228 = vector.broadcast %mul3A_227 : i32 to vector<16xi32>
      %mul3A_229 = arith.muli %get3A_222, %mul3A_228 : vector<16xi32>
      %add3A_230 = arith.constant 0 : i32
      %add3A_231 = vector.broadcast %add3A_230 : i32 to vector<16xi32>
      %add3A_232 = arith.addi %sub3A_226, %add3A_231 : vector<16xi32>
      %gather3A = tpu.vector_load_idx %arg9[%add3A_232] : memref<20000xf32, #tpu.memory_space<vmem>>[vector<16xi32>], vector<16xf32>,
      %add3A_233 = arith.constant 0 : i32
      %add3A_234 = vector.broadcast %add3A_233 : i32 to vector<16xi32>
      %add3A_235 = arith.addi %mul3A_229, %add3A_234 : vector<16xi32>
      %gather3A_236 = tpu.vector_load_idx %arg10[%add3A_235] : memref<20000xf32, #tpu.memory_space<vmem>>[vector<16xi32>], vector<16xf32>,
      %add3A_237 = arith.addf %gather3A, %gather3A_236 : vector<16xf32>
      %ge3A = arith.constant 0.000000e+00 : f32
      %ge3A_238 = vector.broadcast %ge3A : f32 to vector<16xf32>
      %ge3A_239 = arith.cmpf oge, %add3A_237, %ge3A_238 : vector<16xf32>
      %mul3A_240 = arith.constant 2.000000e-01 : f32
      %mul3A_241 = vector.broadcast %mul3A_240 : f32 to vector<16xf32>
      %mul3A_242 = arith.mulf %mul3A_241, %add3A_237 : vector<16xf32>
      %select_n3A = arith.select %ge3A_239, %add3A_237, %mul3A_242 : vector<16xi1>, vector<16xf32>
      %exp3A = math.exp %select_n3A : vector<16xf32>
      %add3A_243 = vector.broadcast %mul3A_214 : i32 to vector<16xi32>
      %add3A_244 = arith.addi %add3A_243, %iota3A : vector<16xi32>
      %broadcast_in_dim3A_245 = arith.constant 0 : i32
      %broadcast_in_dim3A_246 = vector.broadcast %broadcast_in_dim3A_245 : i32 to vector<16xi32>
      tpu.vector_store_idx %arg14[%add3A_244, %broadcast_in_dim3A_246], %exp3A : memref<160x16xf32, #tpu.memory_space<vmem>>[vector<16xi32>, vector<16xi32>], vector<16xf32>,
      %add3A_247 = arith.constant 1 : i32
      %add3A_248 = vector.broadcast %add3A_247 : i32 to vector<16xi32>
      %add3A_249 = arith.addi %sub3A_226, %add3A_248 : vector<16xi32>
      %gather3A_250 = tpu.vector_load_idx %arg9[%add3A_249] : memref<20000xf32, #tpu.memory_space<vmem>>[vector<16xi32>], vector<16xf32>,
      %add3A_251 = arith.constant 1 : i32
      %add3A_252 = vector.broadcast %add3A_251 : i32 to vector<16xi32>
      %add3A_253 = arith.addi %mul3A_229, %add3A_252 : vector<16xi32>
      %gather3A_254 = tpu.vector_load_idx %arg10[%add3A_253] : memref<20000xf32, #tpu.memory_space<vmem>>[vector<16xi32>], vector<16xf32>,
      %add3A_255 = arith.addf %gather3A_250, %gather3A_254 : vector<16xf32>
      %ge3A_256 = arith.constant 0.000000e+00 : f32
      %ge3A_257 = vector.broadcast %ge3A_256 : f32 to vector<16xf32>
      %ge3A_258 = arith.cmpf oge, %add3A_255, %ge3A_257 : vector<16xf32>
      %mul3A_259 = arith.constant 2.000000e-01 : f32
      %mul3A_260 = vector.broadcast %mul3A_259 : f32 to vector<16xf32>
      %mul3A_261 = arith.mulf %mul3A_260, %add3A_255 : vector<16xf32>
      %select_n3A_262 = arith.select %ge3A_258, %add3A_255, %mul3A_261 : vector<16xi1>, vector<16xf32>
      %exp3A_263 = math.exp %select_n3A_262 : vector<16xf32>
      %add3A_264 = vector.broadcast %mul3A_214 : i32 to vector<16xi32>
      %add3A_265 = arith.addi %add3A_264, %iota3A : vector<16xi32>
      %broadcast_in_dim3A_266 = arith.constant 1 : i32
      %broadcast_in_dim3A_267 = vector.broadcast %broadcast_in_dim3A_266 : i32 to vector<16xi32>
      tpu.vector_store_idx %arg14[%add3A_265, %broadcast_in_dim3A_267], %exp3A_263 : memref<160x16xf32, #tpu.memory_space<vmem>>[vector<16xi32>, vector<16xi32>], vector<16xf32>,
      %add3A_268 = arith.constant 0 : i32
      %add3A_269 = arith.addi %mul3A_214, %add3A_268 : i32
      %slice3A = vector.extract_strided_slice %exp3A {offsets = [0], sizes = [1], strides = [1]} : vector<16xf32> to vector<1xf32>
      %squeeze3A = vector.extract %slice3A[0] : f32 from vector<1xf32>
      %broadcast_in_dim3A_270 = vector.broadcast %squeeze3A : f32 to vector<16xf32>
      %slice3A_271 = vector.extract_strided_slice %exp3A_263 {offsets = [0], sizes = [1], strides = [1]} : vector<16xf32> to vector<1xf32>
      %squeeze3A_272 = vector.extract %slice3A_271[0] : f32 from vector<1xf32>
      %broadcast_in_dim3A_273 = vector.broadcast %squeeze3A_272 : f32 to vector<16xf32>
      %get3A_274 = arith.constant 0 : i32
      %get3A_275 = arith.index_cast %get3A_274 : i32 to index
      %get3A_276 = arith.index_cast %add3A_269 : i32 to index
      %get3A_277 = arith.constant 0 : index
      %get3A_278 = tpu.vector_load %arg13[%get3A_275, %get3A_276, %get3A_277] {strides = array<i32>} : memref<2x160x64xf32, #tpu.memory_space<vmem>>, vector<16xf32>,
      %mul3A_279 = arith.mulf %get3A_278, %broadcast_in_dim3A_270 : vector<16xf32>
      %swap3A_280 = arith.constant 0 : i32
      %swap3A_281 = arith.index_cast %swap3A_280 : i32 to index
      %swap3A_282 = arith.index_cast %add3A_269 : i32 to index
      %swap3A_283 = arith.constant 0 : index
      %swap3A_284 = tpu.vector_load %arg13[%swap3A_281, %swap3A_282, %swap3A_283] {strides = array<i32>} : memref<2x160x64xf32, #tpu.memory_space<vmem>>, vector<16xf32>,
      tpu.vector_store %arg13[%swap3A_281, %swap3A_282, %swap3A_283], %mul3A_279 {strides = array<i32>} : memref<2x160x64xf32, #tpu.memory_space<vmem>>, vector<16xf32>,
      %get3A_285 = arith.constant 0 : i32
      %get3A_286 = arith.index_cast %get3A_285 : i32 to index
      %get3A_287 = arith.index_cast %add3A_269 : i32 to index
      %get3A_288 = arith.constant 16 : index
      %get3A_289 = tpu.vector_load %arg13[%get3A_286, %get3A_287, %get3A_288] {strides = array<i32>} : memref<2x160x64xf32, #tpu.memory_space<vmem>>, vector<16xf32>,
      %mul3A_290 = arith.mulf %get3A_289, %broadcast_in_dim3A_270 : vector<16xf32>
      %swap3A_291 = arith.constant 0 : i32
      %swap3A_292 = arith.index_cast %swap3A_291 : i32 to index
      %swap3A_293 = arith.index_cast %add3A_269 : i32 to index
      %swap3A_294 = arith.constant 16 : index
      %swap3A_295 = tpu.vector_load %arg13[%swap3A_292, %swap3A_293, %swap3A_294] {strides = array<i32>} : memref<2x160x64xf32, #tpu.memory_space<vmem>>, vector<16xf32>,
      tpu.vector_store %arg13[%swap3A_292, %swap3A_293, %swap3A_294], %mul3A_290 {strides = array<i32>} : memref<2x160x64xf32, #tpu.memory_space<vmem>>, vector<16xf32>,
      %get3A_296 = arith.constant 0 : i32
      %get3A_297 = arith.index_cast %get3A_296 : i32 to index
      %get3A_298 = arith.index_cast %add3A_269 : i32 to index
      %get3A_299 = arith.constant 32 : index
      %get3A_300 = tpu.vector_load %arg13[%get3A_297, %get3A_298, %get3A_299] {strides = array<i32>} : memref<2x160x64xf32, #tpu.memory_space<vmem>>, vector<16xf32>,
      %mul3A_301 = arith.mulf %get3A_300, %broadcast_in_dim3A_273 : vector<16xf32>
      %swap3A_302 = arith.constant 0 : i32
      %swap3A_303 = arith.index_cast %swap3A_302 : i32 to index
      %swap3A_304 = arith.index_cast %add3A_269 : i32 to index
      %swap3A_305 = arith.constant 32 : index
      %swap3A_306 = tpu.vector_load %arg13[%swap3A_303, %swap3A_304, %swap3A_305] {strides = array<i32>} : memref<2x160x64xf32, #tpu.memory_space<vmem>>, vector<16xf32>,
      tpu.vector_store %arg13[%swap3A_303, %swap3A_304, %swap3A_305], %mul3A_301 {strides = array<i32>} : memref<2x160x64xf32, #tpu.memory_space<vmem>>, vector<16xf32>,
      %get3A_307 = arith.constant 0 : i32
      %get3A_308 = arith.index_cast %get3A_307 : i32 to index
      %get3A_309 = arith.index_cast %add3A_269 : i32 to index
      %get3A_310 = arith.constant 48 : index
      %get3A_311 = tpu.vector_load %arg13[%get3A_308, %get3A_309, %get3A_310] {strides = array<i32>} : memref<2x160x64xf32, #tpu.memory_space<vmem>>, vector<16xf32>,
      %mul3A_312 = arith.mulf %get3A_311, %broadcast_in_dim3A_273 : vector<16xf32>
      %swap3A_313 = arith.constant 0 : i32
      %swap3A_314 = arith.index_cast %swap3A_313 : i32 to index
      %swap3A_315 = arith.index_cast %add3A_269 : i32 to index
      %swap3A_316 = arith.constant 48 : index
      %swap3A_317 = tpu.vector_load %arg13[%swap3A_314, %swap3A_315, %swap3A_316] {strides = array<i32>} : memref<2x160x64xf32, #tpu.memory_space<vmem>>, vector<16xf32>,
      tpu.vector_store %arg13[%swap3A_314, %swap3A_315, %swap3A_316], %mul3A_312 {strides = array<i32>} : memref<2x160x64xf32, #tpu.memory_space<vmem>>, vector<16xf32>,
      %add3A_318 = arith.constant 1 : i32
      %add3A_319 = arith.addi %mul3A_214, %add3A_318 : i32
      %slice3A_320 = vector.extract_strided_slice %exp3A {offsets = [1], sizes = [1], strides = [1]} : vector<16xf32> to vector<1xf32>
      %squeeze3A_321 = vector.extract %slice3A_320[0] : f32 from vector<1xf32>
      %broadcast_in_dim3A_322 = vector.broadcast %squeeze3A_321 : f32 to vector<16xf32>
      %slice3A_323 = vector.extract_strided_slice %exp3A_263 {offsets = [1], sizes = [1], strides = [1]} : vector<16xf32> to vector<1xf32>
      %squeeze3A_324 = vector.extract %slice3A_323[0] : f32 from vector<1xf32>
      %broadcast_in_dim3A_325 = vector.broadcast %squeeze3A_324 : f32 to vector<16xf32>
      %get3A_326 = arith.constant 0 : i32
      %get3A_327 = arith.index_cast %get3A_326 : i32 to index
      %get3A_328 = arith.index_cast %add3A_319 : i32 to index
      %get3A_329 = arith.constant 0 : index
      %get3A_330 = tpu.vector_load %arg13[%get3A_327, %get3A_328, %get3A_329] {strides = array<i32>} : memref<2x160x64xf32, #tpu.memory_space<vmem>>, vector<16xf32>,
      %mul3A_331 = arith.mulf %get3A_330, %broadcast_in_dim3A_322 : vector<16xf32>
      %swap3A_332 = arith.constant 0 : i32
      %swap3A_333 = arith.index_cast %swap3A_332 : i32 to index
      %swap3A_334 = arith.index_cast %add3A_319 : i32 to index
      %swap3A_335 = arith.constant 0 : index
      %swap3A_336 = tpu.vector_load %arg13[%swap3A_333, %swap3A_334, %swap3A_335] {strides = array<i32>} : memref<2x160x64xf32, #tpu.memory_space<vmem>>, vector<16xf32>,
      tpu.vector_store %arg13[%swap3A_333, %swap3A_334, %swap3A_335], %mul3A_331 {strides = array<i32>} : memref<2x160x64xf32, #tpu.memory_space<vmem>>, vector<16xf32>,
      %get3A_337 = arith.constant 0 : i32
      %get3A_338 = arith.index_cast %get3A_337 : i32 to index
      %get3A_339 = arith.index_cast %add3A_319 : i32 to index
      %get3A_340 = arith.constant 16 : index
      %get3A_341 = tpu.vector_load %arg13[%get3A_338, %get3A_339, %get3A_340] {strides = array<i32>} : memref<2x160x64xf32, #tpu.memory_space<vmem>>, vector<16xf32>,
      %mul3A_342 = arith.mulf %get3A_341, %broadcast_in_dim3A_322 : vector<16xf32>
      %swap3A_343 = arith.constant 0 : i32
      %swap3A_344 = arith.index_cast %swap3A_343 : i32 to index
      %swap3A_345 = arith.index_cast %add3A_319 : i32 to index
      %swap3A_346 = arith.constant 16 : index
      %swap3A_347 = tpu.vector_load %arg13[%swap3A_344, %swap3A_345, %swap3A_346] {strides = array<i32>} : memref<2x160x64xf32, #tpu.memory_space<vmem>>, vector<16xf32>,
      tpu.vector_store %arg13[%swap3A_344, %swap3A_345, %swap3A_346], %mul3A_342 {strides = array<i32>} : memref<2x160x64xf32, #tpu.memory_space<vmem>>, vector<16xf32>,
      %get3A_348 = arith.constant 0 : i32
      %get3A_349 = arith.index_cast %get3A_348 : i32 to index
      %get3A_350 = arith.index_cast %add3A_319 : i32 to index
      %get3A_351 = arith.constant 32 : index
      %get3A_352 = tpu.vector_load %arg13[%get3A_349, %get3A_350, %get3A_351] {strides = array<i32>} : memref<2x160x64xf32, #tpu.memory_space<vmem>>, vector<16xf32>,
      %mul3A_353 = arith.mulf %get3A_352, %broadcast_in_dim3A_325 : vector<16xf32>
      %swap3A_354 = arith.constant 0 : i32
      %swap3A_355 = arith.index_cast %swap3A_354 : i32 to index
      %swap3A_356 = arith.index_cast %add3A_319 : i32 to index
      %swap3A_357 = arith.constant 32 : index
      %swap3A_358 = tpu.vector_load %arg13[%swap3A_355, %swap3A_356, %swap3A_357] {strides = array<i32>} : memref<2x160x64xf32, #tpu.memory_space<vmem>>, vector<16xf32>,
      tpu.vector_store %arg13[%swap3A_355, %swap3A_356, %swap3A_357], %mul3A_353 {strides = array<i32>} : memref<2x160x64xf32, #tpu.memory_space<vmem>>, vector<16xf32>,
      %get3A_359 = arith.constant 0 : i32
      %get3A_360 = arith.index_cast %get3A_359 : i32 to index
      %get3A_361 = arith.index_cast %add3A_319 : i32 to index
      %get3A_362 = arith.constant 48 : index
      %get3A_363 = tpu.vector_load %arg13[%get3A_360, %get3A_361, %get3A_362] {strides = array<i32>} : memref<2x160x64xf32, #tpu.memory_space<vmem>>, vector<16xf32>,
      %mul3A_364 = arith.mulf %get3A_363, %broadcast_in_dim3A_325 : vector<16xf32>
      %swap3A_365 = arith.constant 0 : i32
      %swap3A_366 = arith.index_cast %swap3A_365 : i32 to index
      %swap3A_367 = arith.index_cast %add3A_319 : i32 to index
      %swap3A_368 = arith.constant 48 : index
      %swap3A_369 = tpu.vector_load %arg13[%swap3A_366, %swap3A_367, %swap3A_368] {strides = array<i32>} : memref<2x160x64xf32, #tpu.memory_space<vmem>>, vector<16xf32>,
      tpu.vector_store %arg13[%swap3A_366, %swap3A_367, %swap3A_368], %mul3A_364 {strides = array<i32>} : memref<2x160x64xf32, #tpu.memory_space<vmem>>, vector<16xf32>,
      %add3A_370 = arith.constant 2 : i32
      %add3A_371 = arith.addi %mul3A_214, %add3A_370 : i32
      %slice3A_372 = vector.extract_strided_slice %exp3A {offsets = [2], sizes = [1], strides = [1]} : vector<16xf32> to vector<1xf32>
      %squeeze3A_373 = vector.extract %slice3A_372[0] : f32 from vector<1xf32>
      %broadcast_in_dim3A_374 = vector.broadcast %squeeze3A_373 : f32 to vector<16xf32>
      %slice3A_375 = vector.extract_strided_slice %exp3A_263 {offsets = [2], sizes = [1], strides = [1]} : vector<16xf32> to vector<1xf32>
      %squeeze3A_376 = vector.extract %slice3A_375[0] : f32 from vector<1xf32>
      %broadcast_in_dim3A_377 = vector.broadcast %squeeze3A_376 : f32 to vector<16xf32>
      %get3A_378 = arith.constant 0 : i32
      %get3A_379 = arith.index_cast %get3A_378 : i32 to index
      %get3A_380 = arith.index_cast %add3A_371 : i32 to index
      %get3A_381 = arith.constant 0 : index
      %get3A_382 = tpu.vector_load %arg13[%get3A_379, %get3A_380, %get3A_381] {strides = array<i32>} : memref<2x160x64xf32, #tpu.memory_space<vmem>>, vector<16xf32>,
      %mul3A_383 = arith.mulf %get3A_382, %broadcast_in_dim3A_374 : vector<16xf32>
      %swap3A_384 = arith.constant 0 : i32
      %swap3A_385 = arith.index_cast %swap3A_384 : i32 to index
      %swap3A_386 = arith.index_cast %add3A_371 : i32 to index
      %swap3A_387 = arith.constant 0 : index
      %swap3A_388 = tpu.vector_load %arg13[%swap3A_385, %swap3A_386, %swap3A_387] {strides = array<i32>} : memref<2x160x64xf32, #tpu.memory_space<vmem>>, vector<16xf32>,
      tpu.vector_store %arg13[%swap3A_385, %swap3A_386, %swap3A_387], %mul3A_383 {strides = array<i32>} : memref<2x160x64xf32, #tpu.memory_space<vmem>>, vector<16xf32>,
      %get3A_389 = arith.constant 0 : i32
      %get3A_390 = arith.index_cast %get3A_389 : i32 to index
      %get3A_391 = arith.index_cast %add3A_371 : i32 to index
      %get3A_392 = arith.constant 16 : index
      %get3A_393 = tpu.vector_load %arg13[%get3A_390, %get3A_391, %get3A_392] {strides = array<i32>} : memref<2x160x64xf32, #tpu.memory_space<vmem>>, vector<16xf32>,
      %mul3A_394 = arith.mulf %get3A_393, %broadcast_in_dim3A_374 : vector<16xf32>
      %swap3A_395 = arith.constant 0 : i32
      %swap3A_396 = arith.index_cast %swap3A_395 : i32 to index
      %swap3A_397 = arith.index_cast %add3A_371 : i32 to index
      %swap3A_398 = arith.constant 16 : index
      %swap3A_399 = tpu.vector_load %arg13[%swap3A_396, %swap3A_397, %swap3A_398] {strides = array<i32>} : memref<2x160x64xf32, #tpu.memory_space<vmem>>, vector<16xf32>,
      tpu.vector_store %arg13[%swap3A_396, %swap3A_397, %swap3A_398], %mul3A_394 {strides = array<i32>} : memref<2x160x64xf32, #tpu.memory_space<vmem>>, vector<16xf32>,
      %get3A_400 = arith.constant 0 : i32
      %get3A_401 = arith.index_cast %get3A_400 : i32 to index
      %get3A_402 = arith.index_cast %add3A_371 : i32 to index
      %get3A_403 = arith.constant 32 : index
      %get3A_404 = tpu.vector_load %arg13[%get3A_401, %get3A_402, %get3A_403] {strides = array<i32>} : memref<2x160x64xf32, #tpu.memory_space<vmem>>, vector<16xf32>,
      %mul3A_405 = arith.mulf %get3A_404, %broadcast_in_dim3A_377 : vector<16xf32>
      %swap3A_406 = arith.constant 0 : i32
      %swap3A_407 = arith.index_cast %swap3A_406 : i32 to index
      %swap3A_408 = arith.index_cast %add3A_371 : i32 to index
      %swap3A_409 = arith.constant 32 : index
      %swap3A_410 = tpu.vector_load %arg13[%swap3A_407, %swap3A_408, %swap3A_409] {strides = array<i32>} : memref<2x160x64xf32, #tpu.memory_space<vmem>>, vector<16xf32>,
      tpu.vector_store %arg13[%swap3A_407, %swap3A_408, %swap3A_409], %mul3A_405 {strides = array<i32>} : memref<2x160x64xf32, #tpu.memory_space<vmem>>, vector<16xf32>,
      %get3A_411 = arith.constant 0 : i32
      %get3A_412 = arith.index_cast %get3A_411 : i32 to index
      %get3A_413 = arith.index_cast %add3A_371 : i32 to index
      %get3A_414 = arith.constant 48 : index
      %get3A_415 = tpu.vector_load %arg13[%get3A_412, %get3A_413, %get3A_414] {strides = array<i32>} : memref<2x160x64xf32, #tpu.memory_space<vmem>>, vector<16xf32>,
      %mul3A_416 = arith.mulf %get3A_415, %broadcast_in_dim3A_377 : vector<16xf32>
      %swap3A_417 = arith.constant 0 : i32
      %swap3A_418 = arith.index_cast %swap3A_417 : i32 to index
      %swap3A_419 = arith.index_cast %add3A_371 : i32 to index
      %swap3A_420 = arith.constant 48 : index
      %swap3A_421 = tpu.vector_load %arg13[%swap3A_418, %swap3A_419, %swap3A_420] {strides = array<i32>} : memref<2x160x64xf32, #tpu.memory_space<vmem>>, vector<16xf32>,
      tpu.vector_store %arg13[%swap3A_418, %swap3A_419, %swap3A_420], %mul3A_416 {strides = array<i32>} : memref<2x160x64xf32, #tpu.memory_space<vmem>>, vector<16xf32>,
      %add3A_422 = arith.constant 3 : i32
      %add3A_423 = arith.addi %mul3A_214, %add3A_422 : i32
      %slice3A_424 = vector.extract_strided_slice %exp3A {offsets = [3], sizes = [1], strides = [1]} : vector<16xf32> to vector<1xf32>
      %squeeze3A_425 = vector.extract %slice3A_424[0] : f32 from vector<1xf32>
      %broadcast_in_dim3A_426 = vector.broadcast %squeeze3A_425 : f32 to vector<16xf32>
      %slice3A_427 = vector.extract_strided_slice %exp3A_263 {offsets = [3], sizes = [1], strides = [1]} : vector<16xf32> to vector<1xf32>
      %squeeze3A_428 = vector.extract %slice3A_427[0] : f32 from vector<1xf32>
      %broadcast_in_dim3A_429 = vector.broadcast %squeeze3A_428 : f32 to vector<16xf32>
      %get3A_430 = arith.constant 0 : i32
      %get3A_431 = arith.index_cast %get3A_430 : i32 to index
      %get3A_432 = arith.index_cast %add3A_423 : i32 to index
      %get3A_433 = arith.constant 0 : index
      %get3A_434 = tpu.vector_load %arg13[%get3A_431, %get3A_432, %get3A_433] {strides = array<i32>} : memref<2x160x64xf32, #tpu.memory_space<vmem>>, vector<16xf32>,
      %mul3A_435 = arith.mulf %get3A_434, %broadcast_in_dim3A_426 : vector<16xf32>
      %swap3A_436 = arith.constant 0 : i32
      %swap3A_437 = arith.index_cast %swap3A_436 : i32 to index
      %swap3A_438 = arith.index_cast %add3A_423 : i32 to index
      %swap3A_439 = arith.constant 0 : index
      %swap3A_440 = tpu.vector_load %arg13[%swap3A_437, %swap3A_438, %swap3A_439] {strides = array<i32>} : memref<2x160x64xf32, #tpu.memory_space<vmem>>, vector<16xf32>,
      tpu.vector_store %arg13[%swap3A_437, %swap3A_438, %swap3A_439], %mul3A_435 {strides = array<i32>} : memref<2x160x64xf32, #tpu.memory_space<vmem>>, vector<16xf32>,
      %get3A_441 = arith.constant 0 : i32
      %get3A_442 = arith.index_cast %get3A_441 : i32 to index
      %get3A_443 = arith.index_cast %add3A_423 : i32 to index
      %get3A_444 = arith.constant 16 : index
      %get3A_445 = tpu.vector_load %arg13[%get3A_442, %get3A_443, %get3A_444] {strides = array<i32>} : memref<2x160x64xf32, #tpu.memory_space<vmem>>, vector<16xf32>,
      %mul3A_446 = arith.mulf %get3A_445, %broadcast_in_dim3A_426 : vector<16xf32>
      %swap3A_447 = arith.constant 0 : i32
      %swap3A_448 = arith.index_cast %swap3A_447 : i32 to index
      %swap3A_449 = arith.index_cast %add3A_423 : i32 to index
      %swap3A_450 = arith.constant 16 : index
      %swap3A_451 = tpu.vector_load %arg13[%swap3A_448, %swap3A_449, %swap3A_450] {strides = array<i32>} : memref<2x160x64xf32, #tpu.memory_space<vmem>>, vector<16xf32>,
      tpu.vector_store %arg13[%swap3A_448, %swap3A_449, %swap3A_450], %mul3A_446 {strides = array<i32>} : memref<2x160x64xf32, #tpu.memory_space<vmem>>, vector<16xf32>,
      %get3A_452 = arith.constant 0 : i32
      %get3A_453 = arith.index_cast %get3A_452 : i32 to index
      %get3A_454 = arith.index_cast %add3A_423 : i32 to index
      %get3A_455 = arith.constant 32 : index
      %get3A_456 = tpu.vector_load %arg13[%get3A_453, %get3A_454, %get3A_455] {strides = array<i32>} : memref<2x160x64xf32, #tpu.memory_space<vmem>>, vector<16xf32>,
      %mul3A_457 = arith.mulf %get3A_456, %broadcast_in_dim3A_429 : vector<16xf32>
      %swap3A_458 = arith.constant 0 : i32
      %swap3A_459 = arith.index_cast %swap3A_458 : i32 to index
      %swap3A_460 = arith.index_cast %add3A_423 : i32 to index
      %swap3A_461 = arith.constant 32 : index
      %swap3A_462 = tpu.vector_load %arg13[%swap3A_459, %swap3A_460, %swap3A_461] {strides = array<i32>} : memref<2x160x64xf32, #tpu.memory_space<vmem>>, vector<16xf32>,
      tpu.vector_store %arg13[%swap3A_459, %swap3A_460, %swap3A_461], %mul3A_457 {strides = array<i32>} : memref<2x160x64xf32, #tpu.memory_space<vmem>>, vector<16xf32>,
      %get3A_463 = arith.constant 0 : i32
      %get3A_464 = arith.index_cast %get3A_463 : i32 to index
      %get3A_465 = arith.index_cast %add3A_423 : i32 to index
      %get3A_466 = arith.constant 48 : index
      %get3A_467 = tpu.vector_load %arg13[%get3A_464, %get3A_465, %get3A_466] {strides = array<i32>} : memref<2x160x64xf32, #tpu.memory_space<vmem>>, vector<16xf32>,
      %mul3A_468 = arith.mulf %get3A_467, %broadcast_in_dim3A_429 : vector<16xf32>
      %swap3A_469 = arith.constant 0 : i32
      %swap3A_470 = arith.index_cast %swap3A_469 : i32 to index
      %swap3A_471 = arith.index_cast %add3A_423 : i32 to index
      %swap3A_472 = arith.constant 48 : index
      %swap3A_473 = tpu.vector_load %arg13[%swap3A_470, %swap3A_471, %swap3A_472] {strides = array<i32>} : memref<2x160x64xf32, #tpu.memory_space<vmem>>, vector<16xf32>,
      tpu.vector_store %arg13[%swap3A_470, %swap3A_471, %swap3A_472], %mul3A_468 {strides = array<i32>} : memref<2x160x64xf32, #tpu.memory_space<vmem>>, vector<16xf32>,
      %add3A_474 = arith.constant 4 : i32
      %add3A_475 = arith.addi %mul3A_214, %add3A_474 : i32
      %slice3A_476 = vector.extract_strided_slice %exp3A {offsets = [4], sizes = [1], strides = [1]} : vector<16xf32> to vector<1xf32>
      %squeeze3A_477 = vector.extract %slice3A_476[0] : f32 from vector<1xf32>
      %broadcast_in_dim3A_478 = vector.broadcast %squeeze3A_477 : f32 to vector<16xf32>
      %slice3A_479 = vector.extract_strided_slice %exp3A_263 {offsets = [4], sizes = [1], strides = [1]} : vector<16xf32> to vector<1xf32>
      %squeeze3A_480 = vector.extract %slice3A_479[0] : f32 from vector<1xf32>
      %broadcast_in_dim3A_481 = vector.broadcast %squeeze3A_480 : f32 to vector<16xf32>
      %get3A_482 = arith.constant 0 : i32
      %get3A_483 = arith.index_cast %get3A_482 : i32 to index
      %get3A_484 = arith.index_cast %add3A_475 : i32 to index
      %get3A_485 = arith.constant 0 : index
      %get3A_486 = tpu.vector_load %arg13[%get3A_483, %get3A_484, %get3A_485] {strides = array<i32>} : memref<2x160x64xf32, #tpu.memory_space<vmem>>, vector<16xf32>,
      %mul3A_487 = arith.mulf %get3A_486, %broadcast_in_dim3A_478 : vector<16xf32>
      %swap3A_488 = arith.constant 0 : i32
      %swap3A_489 = arith.index_cast %swap3A_488 : i32 to index
      %swap3A_490 = arith.index_cast %add3A_475 : i32 to index
      %swap3A_491 = arith.constant 0 : index
      %swap3A_492 = tpu.vector_load %arg13[%swap3A_489, %swap3A_490, %swap3A_491] {strides = array<i32>} : memref<2x160x64xf32, #tpu.memory_space<vmem>>, vector<16xf32>,
      tpu.vector_store %arg13[%swap3A_489, %swap3A_490, %swap3A_491], %mul3A_487 {strides = array<i32>} : memref<2x160x64xf32, #tpu.memory_space<vmem>>, vector<16xf32>,
      %get3A_493 = arith.constant 0 : i32
      %get3A_494 = arith.index_cast %get3A_493 : i32 to index
      %get3A_495 = arith.index_cast %add3A_475 : i32 to index
      %get3A_496 = arith.constant 16 : index
      %get3A_497 = tpu.vector_load %arg13[%get3A_494, %get3A_495, %get3A_496] {strides = array<i32>} : memref<2x160x64xf32, #tpu.memory_space<vmem>>, vector<16xf32>,
      %mul3A_498 = arith.mulf %get3A_497, %broadcast_in_dim3A_478 : vector<16xf32>
      %swap3A_499 = arith.constant 0 : i32
      %swap3A_500 = arith.index_cast %swap3A_499 : i32 to index
      %swap3A_501 = arith.index_cast %add3A_475 : i32 to index
      %swap3A_502 = arith.constant 16 : index
      %swap3A_503 = tpu.vector_load %arg13[%swap3A_500, %swap3A_501, %swap3A_502] {strides = array<i32>} : memref<2x160x64xf32, #tpu.memory_space<vmem>>, vector<16xf32>,
      tpu.vector_store %arg13[%swap3A_500, %swap3A_501, %swap3A_502], %mul3A_498 {strides = array<i32>} : memref<2x160x64xf32, #tpu.memory_space<vmem>>, vector<16xf32>,
      %get3A_504 = arith.constant 0 : i32
      %get3A_505 = arith.index_cast %get3A_504 : i32 to index
      %get3A_506 = arith.index_cast %add3A_475 : i32 to index
      %get3A_507 = arith.constant 32 : index
      %get3A_508 = tpu.vector_load %arg13[%get3A_505, %get3A_506, %get3A_507] {strides = array<i32>} : memref<2x160x64xf32, #tpu.memory_space<vmem>>, vector<16xf32>,
      %mul3A_509 = arith.mulf %get3A_508, %broadcast_in_dim3A_481 : vector<16xf32>
      %swap3A_510 = arith.constant 0 : i32
      %swap3A_511 = arith.index_cast %swap3A_510 : i32 to index
      %swap3A_512 = arith.index_cast %add3A_475 : i32 to index
      %swap3A_513 = arith.constant 32 : index
      %swap3A_514 = tpu.vector_load %arg13[%swap3A_511, %swap3A_512, %swap3A_513] {strides = array<i32>} : memref<2x160x64xf32, #tpu.memory_space<vmem>>, vector<16xf32>,
      tpu.vector_store %arg13[%swap3A_511, %swap3A_512, %swap3A_513], %mul3A_509 {strides = array<i32>} : memref<2x160x64xf32, #tpu.memory_space<vmem>>, vector<16xf32>,
      %get3A_515 = arith.constant 0 : i32
      %get3A_516 = arith.index_cast %get3A_515 : i32 to index
      %get3A_517 = arith.index_cast %add3A_475 : i32 to index
      %get3A_518 = arith.constant 48 : index
      %get3A_519 = tpu.vector_load %arg13[%get3A_516, %get3A_517, %get3A_518] {strides = array<i32>} : memref<2x160x64xf32, #tpu.memory_space<vmem>>, vector<16xf32>,
      %mul3A_520 = arith.mulf %get3A_519, %broadcast_in_dim3A_481 : vector<16xf32>
      %swap3A_521 = arith.constant 0 : i32
      %swap3A_522 = arith.index_cast %swap3A_521 : i32 to index
      %swap3A_523 = arith.index_cast %add3A_475 : i32 to index
      %swap3A_524 = arith.constant 48 : index
      %swap3A_525 = tpu.vector_load %arg13[%swap3A_522, %swap3A_523, %swap3A_524] {strides = array<i32>} : memref<2x160x64xf32, #tpu.memory_space<vmem>>, vector<16xf32>,
      tpu.vector_store %arg13[%swap3A_522, %swap3A_523, %swap3A_524], %mul3A_520 {strides = array<i32>} : memref<2x160x64xf32, #tpu.memory_space<vmem>>, vector<16xf32>,
      %add3A_526 = arith.constant 5 : i32
      %add3A_527 = arith.addi %mul3A_214, %add3A_526 : i32
      %slice3A_528 = vector.extract_strided_slice %exp3A {offsets = [5], sizes = [1], strides = [1]} : vector<16xf32> to vector<1xf32>
      %squeeze3A_529 = vector.extract %slice3A_528[0] : f32 from vector<1xf32>
      %broadcast_in_dim3A_530 = vector.broadcast %squeeze3A_529 : f32 to vector<16xf32>
      %slice3A_531 = vector.extract_strided_slice %exp3A_263 {offsets = [5], sizes = [1], strides = [1]} : vector<16xf32> to vector<1xf32>
      %squeeze3A_532 = vector.extract %slice3A_531[0] : f32 from vector<1xf32>
      %broadcast_in_dim3A_533 = vector.broadcast %squeeze3A_532 : f32 to vector<16xf32>
      %get3A_534 = arith.constant 0 : i32
      %get3A_535 = arith.index_cast %get3A_534 : i32 to index
      %get3A_536 = arith.index_cast %add3A_527 : i32 to index
      %get3A_537 = arith.constant 0 : index
      %get3A_538 = tpu.vector_load %arg13[%get3A_535, %get3A_536, %get3A_537] {strides = array<i32>} : memref<2x160x64xf32, #tpu.memory_space<vmem>>, vector<16xf32>,
      %mul3A_539 = arith.mulf %get3A_538, %broadcast_in_dim3A_530 : vector<16xf32>
      %swap3A_540 = arith.constant 0 : i32
      %swap3A_541 = arith.index_cast %swap3A_540 : i32 to index
      %swap3A_542 = arith.index_cast %add3A_527 : i32 to index
      %swap3A_543 = arith.constant 0 : index
      %swap3A_544 = tpu.vector_load %arg13[%swap3A_541, %swap3A_542, %swap3A_543] {strides = array<i32>} : memref<2x160x64xf32, #tpu.memory_space<vmem>>, vector<16xf32>,
      tpu.vector_store %arg13[%swap3A_541, %swap3A_542, %swap3A_543], %mul3A_539 {strides = array<i32>} : memref<2x160x64xf32, #tpu.memory_space<vmem>>, vector<16xf32>,
      %get3A_545 = arith.constant 0 : i32
      %get3A_546 = arith.index_cast %get3A_545 : i32 to index
      %get3A_547 = arith.index_cast %add3A_527 : i32 to index
      %get3A_548 = arith.constant 16 : index
      %get3A_549 = tpu.vector_load %arg13[%get3A_546, %get3A_547, %get3A_548] {strides = array<i32>} : memref<2x160x64xf32, #tpu.memory_space<vmem>>, vector<16xf32>,
      %mul3A_550 = arith.mulf %get3A_549, %broadcast_in_dim3A_530 : vector<16xf32>
      %swap3A_551 = arith.constant 0 : i32
      %swap3A_552 = arith.index_cast %swap3A_551 : i32 to index
      %swap3A_553 = arith.index_cast %add3A_527 : i32 to index
      %swap3A_554 = arith.constant 16 : index
      %swap3A_555 = tpu.vector_load %arg13[%swap3A_552, %swap3A_553, %swap3A_554] {strides = array<i32>} : memref<2x160x64xf32, #tpu.memory_space<vmem>>, vector<16xf32>,
      tpu.vector_store %arg13[%swap3A_552, %swap3A_553, %swap3A_554], %mul3A_550 {strides = array<i32>} : memref<2x160x64xf32, #tpu.memory_space<vmem>>, vector<16xf32>,
      %get3A_556 = arith.constant 0 : i32
      %get3A_557 = arith.index_cast %get3A_556 : i32 to index
      %get3A_558 = arith.index_cast %add3A_527 : i32 to index
      %get3A_559 = arith.constant 32 : index
      %get3A_560 = tpu.vector_load %arg13[%get3A_557, %get3A_558, %get3A_559] {strides = array<i32>} : memref<2x160x64xf32, #tpu.memory_space<vmem>>, vector<16xf32>,
      %mul3A_561 = arith.mulf %get3A_560, %broadcast_in_dim3A_533 : vector<16xf32>
      %swap3A_562 = arith.constant 0 : i32
      %swap3A_563 = arith.index_cast %swap3A_562 : i32 to index
      %swap3A_564 = arith.index_cast %add3A_527 : i32 to index
      %swap3A_565 = arith.constant 32 : index
      %swap3A_566 = tpu.vector_load %arg13[%swap3A_563, %swap3A_564, %swap3A_565] {strides = array<i32>} : memref<2x160x64xf32, #tpu.memory_space<vmem>>, vector<16xf32>,
      tpu.vector_store %arg13[%swap3A_563, %swap3A_564, %swap3A_565], %mul3A_561 {strides = array<i32>} : memref<2x160x64xf32, #tpu.memory_space<vmem>>, vector<16xf32>,
      %get3A_567 = arith.constant 0 : i32
      %get3A_568 = arith.index_cast %get3A_567 : i32 to index
      %get3A_569 = arith.index_cast %add3A_527 : i32 to index
      %get3A_570 = arith.constant 48 : index
      %get3A_571 = tpu.vector_load %arg13[%get3A_568, %get3A_569, %get3A_570] {strides = array<i32>} : memref<2x160x64xf32, #tpu.memory_space<vmem>>, vector<16xf32>,
      %mul3A_572 = arith.mulf %get3A_571, %broadcast_in_dim3A_533 : vector<16xf32>
      %swap3A_573 = arith.constant 0 : i32
      %swap3A_574 = arith.index_cast %swap3A_573 : i32 to index
      %swap3A_575 = arith.index_cast %add3A_527 : i32 to index
      %swap3A_576 = arith.constant 48 : index
      %swap3A_577 = tpu.vector_load %arg13[%swap3A_574, %swap3A_575, %swap3A_576] {strides = array<i32>} : memref<2x160x64xf32, #tpu.memory_space<vmem>>, vector<16xf32>,
      tpu.vector_store %arg13[%swap3A_574, %swap3A_575, %swap3A_576], %mul3A_572 {strides = array<i32>} : memref<2x160x64xf32, #tpu.memory_space<vmem>>, vector<16xf32>,
      %add3A_578 = arith.constant 6 : i32
      %add3A_579 = arith.addi %mul3A_214, %add3A_578 : i32
      %slice3A_580 = vector.extract_strided_slice %exp3A {offsets = [6], sizes = [1], strides = [1]} : vector<16xf32> to vector<1xf32>
      %squeeze3A_581 = vector.extract %slice3A_580[0] : f32 from vector<1xf32>
      %broadcast_in_dim3A_582 = vector.broadcast %squeeze3A_581 : f32 to vector<16xf32>
      %slice3A_583 = vector.extract_strided_slice %exp3A_263 {offsets = [6], sizes = [1], strides = [1]} : vector<16xf32> to vector<1xf32>
      %squeeze3A_584 = vector.extract %slice3A_583[0] : f32 from vector<1xf32>
      %broadcast_in_dim3A_585 = vector.broadcast %squeeze3A_584 : f32 to vector<16xf32>
      %get3A_586 = arith.constant 0 : i32
      %get3A_587 = arith.index_cast %get3A_586 : i32 to index
      %get3A_588 = arith.index_cast %add3A_579 : i32 to index
      %get3A_589 = arith.constant 0 : index
      %get3A_590 = tpu.vector_load %arg13[%get3A_587, %get3A_588, %get3A_589] {strides = array<i32>} : memref<2x160x64xf32, #tpu.memory_space<vmem>>, vector<16xf32>,
      %mul3A_591 = arith.mulf %get3A_590, %broadcast_in_dim3A_582 : vector<16xf32>
      %swap3A_592 = arith.constant 0 : i32
      %swap3A_593 = arith.index_cast %swap3A_592 : i32 to index
      %swap3A_594 = arith.index_cast %add3A_579 : i32 to index
      %swap3A_595 = arith.constant 0 : index
      %swap3A_596 = tpu.vector_load %arg13[%swap3A_593, %swap3A_594, %swap3A_595] {strides = array<i32>} : memref<2x160x64xf32, #tpu.memory_space<vmem>>, vector<16xf32>,
      tpu.vector_store %arg13[%swap3A_593, %swap3A_594, %swap3A_595], %mul3A_591 {strides = array<i32>} : memref<2x160x64xf32, #tpu.memory_space<vmem>>, vector<16xf32>,
      %get3A_597 = arith.constant 0 : i32
      %get3A_598 = arith.index_cast %get3A_597 : i32 to index
      %get3A_599 = arith.index_cast %add3A_579 : i32 to index
      %get3A_600 = arith.constant 16 : index
      %get3A_601 = tpu.vector_load %arg13[%get3A_598, %get3A_599, %get3A_600] {strides = array<i32>} : memref<2x160x64xf32, #tpu.memory_space<vmem>>, vector<16xf32>,
      %mul3A_602 = arith.mulf %get3A_601, %broadcast_in_dim3A_582 : vector<16xf32>
      %swap3A_603 = arith.constant 0 : i32
      %swap3A_604 = arith.index_cast %swap3A_603 : i32 to index
      %swap3A_605 = arith.index_cast %add3A_579 : i32 to index
      %swap3A_606 = arith.constant 16 : index
      %swap3A_607 = tpu.vector_load %arg13[%swap3A_604, %swap3A_605, %swap3A_606] {strides = array<i32>} : memref<2x160x64xf32, #tpu.memory_space<vmem>>, vector<16xf32>,
      tpu.vector_store %arg13[%swap3A_604, %swap3A_605, %swap3A_606], %mul3A_602 {strides = array<i32>} : memref<2x160x64xf32, #tpu.memory_space<vmem>>, vector<16xf32>,
      %get3A_608 = arith.constant 0 : i32
      %get3A_609 = arith.index_cast %get3A_608 : i32 to index
      %get3A_610 = arith.index_cast %add3A_579 : i32 to index
      %get3A_611 = arith.constant 32 : index
      %get3A_612 = tpu.vector_load %arg13[%get3A_609, %get3A_610, %get3A_611] {strides = array<i32>} : memref<2x160x64xf32, #tpu.memory_space<vmem>>, vector<16xf32>,
      %mul3A_613 = arith.mulf %get3A_612, %broadcast_in_dim3A_585 : vector<16xf32>
      %swap3A_614 = arith.constant 0 : i32
      %swap3A_615 = arith.index_cast %swap3A_614 : i32 to index
      %swap3A_616 = arith.index_cast %add3A_579 : i32 to index
      %swap3A_617 = arith.constant 32 : index
      %swap3A_618 = tpu.vector_load %arg13[%swap3A_615, %swap3A_616, %swap3A_617] {strides = array<i32>} : memref<2x160x64xf32, #tpu.memory_space<vmem>>, vector<16xf32>,
      tpu.vector_store %arg13[%swap3A_615, %swap3A_616, %swap3A_617], %mul3A_613 {strides = array<i32>} : memref<2x160x64xf32, #tpu.memory_space<vmem>>, vector<16xf32>,
      %get3A_619 = arith.constant 0 : i32
      %get3A_620 = arith.index_cast %get3A_619 : i32 to index
      %get3A_621 = arith.index_cast %add3A_579 : i32 to index
      %get3A_622 = arith.constant 48 : index
      %get3A_623 = tpu.vector_load %arg13[%get3A_620, %get3A_621, %get3A_622] {strides = array<i32>} : memref<2x160x64xf32, #tpu.memory_space<vmem>>, vector<16xf32>,
      %mul3A_624 = arith.mulf %get3A_623, %broadcast_in_dim3A_585 : vector<16xf32>
      %swap3A_625 = arith.constant 0 : i32
      %swap3A_626 = arith.index_cast %swap3A_625 : i32 to index
      %swap3A_627 = arith.index_cast %add3A_579 : i32 to index
      %swap3A_628 = arith.constant 48 : index
      %swap3A_629 = tpu.vector_load %arg13[%swap3A_626, %swap3A_627, %swap3A_628] {strides = array<i32>} : memref<2x160x64xf32, #tpu.memory_space<vmem>>, vector<16xf32>,
      tpu.vector_store %arg13[%swap3A_626, %swap3A_627, %swap3A_628], %mul3A_624 {strides = array<i32>} : memref<2x160x64xf32, #tpu.memory_space<vmem>>, vector<16xf32>,
      %add3A_630 = arith.constant 7 : i32
      %add3A_631 = arith.addi %mul3A_214, %add3A_630 : i32
      %slice3A_632 = vector.extract_strided_slice %exp3A {offsets = [7], sizes = [1], strides = [1]} : vector<16xf32> to vector<1xf32>
      %squeeze3A_633 = vector.extract %slice3A_632[0] : f32 from vector<1xf32>
      %broadcast_in_dim3A_634 = vector.broadcast %squeeze3A_633 : f32 to vector<16xf32>
      %slice3A_635 = vector.extract_strided_slice %exp3A_263 {offsets = [7], sizes = [1], strides = [1]} : vector<16xf32> to vector<1xf32>
      %squeeze3A_636 = vector.extract %slice3A_635[0] : f32 from vector<1xf32>
      %broadcast_in_dim3A_637 = vector.broadcast %squeeze3A_636 : f32 to vector<16xf32>
      %get3A_638 = arith.constant 0 : i32
      %get3A_639 = arith.index_cast %get3A_638 : i32 to index
      %get3A_640 = arith.index_cast %add3A_631 : i32 to index
      %get3A_641 = arith.constant 0 : index
      %get3A_642 = tpu.vector_load %arg13[%get3A_639, %get3A_640, %get3A_641] {strides = array<i32>} : memref<2x160x64xf32, #tpu.memory_space<vmem>>, vector<16xf32>,
      %mul3A_643 = arith.mulf %get3A_642, %broadcast_in_dim3A_634 : vector<16xf32>
      %swap3A_644 = arith.constant 0 : i32
      %swap3A_645 = arith.index_cast %swap3A_644 : i32 to index
      %swap3A_646 = arith.index_cast %add3A_631 : i32 to index
      %swap3A_647 = arith.constant 0 : index
      %swap3A_648 = tpu.vector_load %arg13[%swap3A_645, %swap3A_646, %swap3A_647] {strides = array<i32>} : memref<2x160x64xf32, #tpu.memory_space<vmem>>, vector<16xf32>,
      tpu.vector_store %arg13[%swap3A_645, %swap3A_646, %swap3A_647], %mul3A_643 {strides = array<i32>} : memref<2x160x64xf32, #tpu.memory_space<vmem>>, vector<16xf32>,
      %get3A_649 = arith.constant 0 : i32
      %get3A_650 = arith.index_cast %get3A_649 : i32 to index
      %get3A_651 = arith.index_cast %add3A_631 : i32 to index
      %get3A_652 = arith.constant 16 : index
      %get3A_653 = tpu.vector_load %arg13[%get3A_650, %get3A_651, %get3A_652] {strides = array<i32>} : memref<2x160x64xf32, #tpu.memory_space<vmem>>, vector<16xf32>,
      %mul3A_654 = arith.mulf %get3A_653, %broadcast_in_dim3A_634 : vector<16xf32>
      %swap3A_655 = arith.constant 0 : i32
      %swap3A_656 = arith.index_cast %swap3A_655 : i32 to index
      %swap3A_657 = arith.index_cast %add3A_631 : i32 to index
      %swap3A_658 = arith.constant 16 : index
      %swap3A_659 = tpu.vector_load %arg13[%swap3A_656, %swap3A_657, %swap3A_658] {strides = array<i32>} : memref<2x160x64xf32, #tpu.memory_space<vmem>>, vector<16xf32>,
      tpu.vector_store %arg13[%swap3A_656, %swap3A_657, %swap3A_658], %mul3A_654 {strides = array<i32>} : memref<2x160x64xf32, #tpu.memory_space<vmem>>, vector<16xf32>,
      %get3A_660 = arith.constant 0 : i32
      %get3A_661 = arith.index_cast %get3A_660 : i32 to index
      %get3A_662 = arith.index_cast %add3A_631 : i32 to index
      %get3A_663 = arith.constant 32 : index
      %get3A_664 = tpu.vector_load %arg13[%get3A_661, %get3A_662, %get3A_663] {strides = array<i32>} : memref<2x160x64xf32, #tpu.memory_space<vmem>>, vector<16xf32>,
      %mul3A_665 = arith.mulf %get3A_664, %broadcast_in_dim3A_637 : vector<16xf32>
      %swap3A_666 = arith.constant 0 : i32
      %swap3A_667 = arith.index_cast %swap3A_666 : i32 to index
      %swap3A_668 = arith.index_cast %add3A_631 : i32 to index
      %swap3A_669 = arith.constant 32 : index
      %swap3A_670 = tpu.vector_load %arg13[%swap3A_667, %swap3A_668, %swap3A_669] {strides = array<i32>} : memref<2x160x64xf32, #tpu.memory_space<vmem>>, vector<16xf32>,
      tpu.vector_store %arg13[%swap3A_667, %swap3A_668, %swap3A_669], %mul3A_665 {strides = array<i32>} : memref<2x160x64xf32, #tpu.memory_space<vmem>>, vector<16xf32>,
      %get3A_671 = arith.constant 0 : i32
      %get3A_672 = arith.index_cast %get3A_671 : i32 to index
      %get3A_673 = arith.index_cast %add3A_631 : i32 to index
      %get3A_674 = arith.constant 48 : index
      %get3A_675 = tpu.vector_load %arg13[%get3A_672, %get3A_673, %get3A_674] {strides = array<i32>} : memref<2x160x64xf32, #tpu.memory_space<vmem>>, vector<16xf32>,
      %mul3A_676 = arith.mulf %get3A_675, %broadcast_in_dim3A_637 : vector<16xf32>
      %swap3A_677 = arith.constant 0 : i32
      %swap3A_678 = arith.index_cast %swap3A_677 : i32 to index
      %swap3A_679 = arith.index_cast %add3A_631 : i32 to index
      %swap3A_680 = arith.constant 48 : index
      %swap3A_681 = tpu.vector_load %arg13[%swap3A_678, %swap3A_679, %swap3A_680] {strides = array<i32>} : memref<2x160x64xf32, #tpu.memory_space<vmem>>, vector<16xf32>,
      tpu.vector_store %arg13[%swap3A_678, %swap3A_679, %swap3A_680], %mul3A_676 {strides = array<i32>} : memref<2x160x64xf32, #tpu.memory_space<vmem>>, vector<16xf32>,
      %add3A_682 = arith.constant 8 : i32
      %add3A_683 = arith.addi %mul3A_214, %add3A_682 : i32
      %slice3A_684 = vector.extract_strided_slice %exp3A {offsets = [8], sizes = [1], strides = [1]} : vector<16xf32> to vector<1xf32>
      %squeeze3A_685 = vector.extract %slice3A_684[0] : f32 from vector<1xf32>
      %broadcast_in_dim3A_686 = vector.broadcast %squeeze3A_685 : f32 to vector<16xf32>
      %slice3A_687 = vector.extract_strided_slice %exp3A_263 {offsets = [8], sizes = [1], strides = [1]} : vector<16xf32> to vector<1xf32>
      %squeeze3A_688 = vector.extract %slice3A_687[0] : f32 from vector<1xf32>
      %broadcast_in_dim3A_689 = vector.broadcast %squeeze3A_688 : f32 to vector<16xf32>
      %get3A_690 = arith.constant 0 : i32
      %get3A_691 = arith.index_cast %get3A_690 : i32 to index
      %get3A_692 = arith.index_cast %add3A_683 : i32 to index
      %get3A_693 = arith.constant 0 : index
      %get3A_694 = tpu.vector_load %arg13[%get3A_691, %get3A_692, %get3A_693] {strides = array<i32>} : memref<2x160x64xf32, #tpu.memory_space<vmem>>, vector<16xf32>,
      %mul3A_695 = arith.mulf %get3A_694, %broadcast_in_dim3A_686 : vector<16xf32>
      %swap3A_696 = arith.constant 0 : i32
      %swap3A_697 = arith.index_cast %swap3A_696 : i32 to index
      %swap3A_698 = arith.index_cast %add3A_683 : i32 to index
      %swap3A_699 = arith.constant 0 : index
      %swap3A_700 = tpu.vector_load %arg13[%swap3A_697, %swap3A_698, %swap3A_699] {strides = array<i32>} : memref<2x160x64xf32, #tpu.memory_space<vmem>>, vector<16xf32>,
      tpu.vector_store %arg13[%swap3A_697, %swap3A_698, %swap3A_699], %mul3A_695 {strides = array<i32>} : memref<2x160x64xf32, #tpu.memory_space<vmem>>, vector<16xf32>,
      %get3A_701 = arith.constant 0 : i32
      %get3A_702 = arith.index_cast %get3A_701 : i32 to index
      %get3A_703 = arith.index_cast %add3A_683 : i32 to index
      %get3A_704 = arith.constant 16 : index
      %get3A_705 = tpu.vector_load %arg13[%get3A_702, %get3A_703, %get3A_704] {strides = array<i32>} : memref<2x160x64xf32, #tpu.memory_space<vmem>>, vector<16xf32>,
      %mul3A_706 = arith.mulf %get3A_705, %broadcast_in_dim3A_686 : vector<16xf32>
      %swap3A_707 = arith.constant 0 : i32
      %swap3A_708 = arith.index_cast %swap3A_707 : i32 to index
      %swap3A_709 = arith.index_cast %add3A_683 : i32 to index
      %swap3A_710 = arith.constant 16 : index
      %swap3A_711 = tpu.vector_load %arg13[%swap3A_708, %swap3A_709, %swap3A_710] {strides = array<i32>} : memref<2x160x64xf32, #tpu.memory_space<vmem>>, vector<16xf32>,
      tpu.vector_store %arg13[%swap3A_708, %swap3A_709, %swap3A_710], %mul3A_706 {strides = array<i32>} : memref<2x160x64xf32, #tpu.memory_space<vmem>>, vector<16xf32>,
      %get3A_712 = arith.constant 0 : i32
      %get3A_713 = arith.index_cast %get3A_712 : i32 to index
      %get3A_714 = arith.index_cast %add3A_683 : i32 to index
      %get3A_715 = arith.constant 32 : index
      %get3A_716 = tpu.vector_load %arg13[%get3A_713, %get3A_714, %get3A_715] {strides = array<i32>} : memref<2x160x64xf32, #tpu.memory_space<vmem>>, vector<16xf32>,
      %mul3A_717 = arith.mulf %get3A_716, %broadcast_in_dim3A_689 : vector<16xf32>
      %swap3A_718 = arith.constant 0 : i32
      %swap3A_719 = arith.index_cast %swap3A_718 : i32 to index
      %swap3A_720 = arith.index_cast %add3A_683 : i32 to index
      %swap3A_721 = arith.constant 32 : index
      %swap3A_722 = tpu.vector_load %arg13[%swap3A_719, %swap3A_720, %swap3A_721] {strides = array<i32>} : memref<2x160x64xf32, #tpu.memory_space<vmem>>, vector<16xf32>,
      tpu.vector_store %arg13[%swap3A_719, %swap3A_720, %swap3A_721], %mul3A_717 {strides = array<i32>} : memref<2x160x64xf32, #tpu.memory_space<vmem>>, vector<16xf32>,
      %get3A_723 = arith.constant 0 : i32
      %get3A_724 = arith.index_cast %get3A_723 : i32 to index
      %get3A_725 = arith.index_cast %add3A_683 : i32 to index
      %get3A_726 = arith.constant 48 : index
      %get3A_727 = tpu.vector_load %arg13[%get3A_724, %get3A_725, %get3A_726] {strides = array<i32>} : memref<2x160x64xf32, #tpu.memory_space<vmem>>, vector<16xf32>,
      %mul3A_728 = arith.mulf %get3A_727, %broadcast_in_dim3A_689 : vector<16xf32>
      %swap3A_729 = arith.constant 0 : i32
      %swap3A_730 = arith.index_cast %swap3A_729 : i32 to index
      %swap3A_731 = arith.index_cast %add3A_683 : i32 to index
      %swap3A_732 = arith.constant 48 : index
      %swap3A_733 = tpu.vector_load %arg13[%swap3A_730, %swap3A_731, %swap3A_732] {strides = array<i32>} : memref<2x160x64xf32, #tpu.memory_space<vmem>>, vector<16xf32>,
      tpu.vector_store %arg13[%swap3A_730, %swap3A_731, %swap3A_732], %mul3A_728 {strides = array<i32>} : memref<2x160x64xf32, #tpu.memory_space<vmem>>, vector<16xf32>,
      %add3A_734 = arith.constant 9 : i32
      %add3A_735 = arith.addi %mul3A_214, %add3A_734 : i32
      %slice3A_736 = vector.extract_strided_slice %exp3A {offsets = [9], sizes = [1], strides = [1]} : vector<16xf32> to vector<1xf32>
      %squeeze3A_737 = vector.extract %slice3A_736[0] : f32 from vector<1xf32>
      %broadcast_in_dim3A_738 = vector.broadcast %squeeze3A_737 : f32 to vector<16xf32>
      %slice3A_739 = vector.extract_strided_slice %exp3A_263 {offsets = [9], sizes = [1], strides = [1]} : vector<16xf32> to vector<1xf32>
      %squeeze3A_740 = vector.extract %slice3A_739[0] : f32 from vector<1xf32>
      %broadcast_in_dim3A_741 = vector.broadcast %squeeze3A_740 : f32 to vector<16xf32>
      %get3A_742 = arith.constant 0 : i32
      %get3A_743 = arith.index_cast %get3A_742 : i32 to index
      %get3A_744 = arith.index_cast %add3A_735 : i32 to index
      %get3A_745 = arith.constant 0 : index
      %get3A_746 = tpu.vector_load %arg13[%get3A_743, %get3A_744, %get3A_745] {strides = array<i32>} : memref<2x160x64xf32, #tpu.memory_space<vmem>>, vector<16xf32>,
      %mul3A_747 = arith.mulf %get3A_746, %broadcast_in_dim3A_738 : vector<16xf32>
      %swap3A_748 = arith.constant 0 : i32
      %swap3A_749 = arith.index_cast %swap3A_748 : i32 to index
      %swap3A_750 = arith.index_cast %add3A_735 : i32 to index
      %swap3A_751 = arith.constant 0 : index
      %swap3A_752 = tpu.vector_load %arg13[%swap3A_749, %swap3A_750, %swap3A_751] {strides = array<i32>} : memref<2x160x64xf32, #tpu.memory_space<vmem>>, vector<16xf32>,
      tpu.vector_store %arg13[%swap3A_749, %swap3A_750, %swap3A_751], %mul3A_747 {strides = array<i32>} : memref<2x160x64xf32, #tpu.memory_space<vmem>>, vector<16xf32>,
      %get3A_753 = arith.constant 0 : i32
      %get3A_754 = arith.index_cast %get3A_753 : i32 to index
      %get3A_755 = arith.index_cast %add3A_735 : i32 to index
      %get3A_756 = arith.constant 16 : index
      %get3A_757 = tpu.vector_load %arg13[%get3A_754, %get3A_755, %get3A_756] {strides = array<i32>} : memref<2x160x64xf32, #tpu.memory_space<vmem>>, vector<16xf32>,
      %mul3A_758 = arith.mulf %get3A_757, %broadcast_in_dim3A_738 : vector<16xf32>
      %swap3A_759 = arith.constant 0 : i32
      %swap3A_760 = arith.index_cast %swap3A_759 : i32 to index
      %swap3A_761 = arith.index_cast %add3A_735 : i32 to index
      %swap3A_762 = arith.constant 16 : index
      %swap3A_763 = tpu.vector_load %arg13[%swap3A_760, %swap3A_761, %swap3A_762] {strides = array<i32>} : memref<2x160x64xf32, #tpu.memory_space<vmem>>, vector<16xf32>,
      tpu.vector_store %arg13[%swap3A_760, %swap3A_761, %swap3A_762], %mul3A_758 {strides = array<i32>} : memref<2x160x64xf32, #tpu.memory_space<vmem>>, vector<16xf32>,
      %get3A_764 = arith.constant 0 : i32
      %get3A_765 = arith.index_cast %get3A_764 : i32 to index
      %get3A_766 = arith.index_cast %add3A_735 : i32 to index
      %get3A_767 = arith.constant 32 : index
      %get3A_768 = tpu.vector_load %arg13[%get3A_765, %get3A_766, %get3A_767] {strides = array<i32>} : memref<2x160x64xf32, #tpu.memory_space<vmem>>, vector<16xf32>,
      %mul3A_769 = arith.mulf %get3A_768, %broadcast_in_dim3A_741 : vector<16xf32>
      %swap3A_770 = arith.constant 0 : i32
      %swap3A_771 = arith.index_cast %swap3A_770 : i32 to index
      %swap3A_772 = arith.index_cast %add3A_735 : i32 to index
      %swap3A_773 = arith.constant 32 : index
      %swap3A_774 = tpu.vector_load %arg13[%swap3A_771, %swap3A_772, %swap3A_773] {strides = array<i32>} : memref<2x160x64xf32, #tpu.memory_space<vmem>>, vector<16xf32>,
      tpu.vector_store %arg13[%swap3A_771, %swap3A_772, %swap3A_773], %mul3A_769 {strides = array<i32>} : memref<2x160x64xf32, #tpu.memory_space<vmem>>, vector<16xf32>,
      %get3A_775 = arith.constant 0 : i32
      %get3A_776 = arith.index_cast %get3A_775 : i32 to index
      %get3A_777 = arith.index_cast %add3A_735 : i32 to index
      %get3A_778 = arith.constant 48 : index
      %get3A_779 = tpu.vector_load %arg13[%get3A_776, %get3A_777, %get3A_778] {strides = array<i32>} : memref<2x160x64xf32, #tpu.memory_space<vmem>>, vector<16xf32>,
      %mul3A_780 = arith.mulf %get3A_779, %broadcast_in_dim3A_741 : vector<16xf32>
      %swap3A_781 = arith.constant 0 : i32
      %swap3A_782 = arith.index_cast %swap3A_781 : i32 to index
      %swap3A_783 = arith.index_cast %add3A_735 : i32 to index
      %swap3A_784 = arith.constant 48 : index
      %swap3A_785 = tpu.vector_load %arg13[%swap3A_782, %swap3A_783, %swap3A_784] {strides = array<i32>} : memref<2x160x64xf32, #tpu.memory_space<vmem>>, vector<16xf32>,
      tpu.vector_store %arg13[%swap3A_782, %swap3A_783, %swap3A_784], %mul3A_780 {strides = array<i32>} : memref<2x160x64xf32, #tpu.memory_space<vmem>>, vector<16xf32>,
      %add3A_786 = arith.constant 10 : i32
      %add3A_787 = arith.addi %mul3A_214, %add3A_786 : i32
      %slice3A_788 = vector.extract_strided_slice %exp3A {offsets = [10], sizes = [1], strides = [1]} : vector<16xf32> to vector<1xf32>
      %squeeze3A_789 = vector.extract %slice3A_788[0] : f32 from vector<1xf32>
      %broadcast_in_dim3A_790 = vector.broadcast %squeeze3A_789 : f32 to vector<16xf32>
      %slice3A_791 = vector.extract_strided_slice %exp3A_263 {offsets = [10], sizes = [1], strides = [1]} : vector<16xf32> to vector<1xf32>
      %squeeze3A_792 = vector.extract %slice3A_791[0] : f32 from vector<1xf32>
      %broadcast_in_dim3A_793 = vector.broadcast %squeeze3A_792 : f32 to vector<16xf32>
      %get3A_794 = arith.constant 0 : i32
      %get3A_795 = arith.index_cast %get3A_794 : i32 to index
      %get3A_796 = arith.index_cast %add3A_787 : i32 to index
      %get3A_797 = arith.constant 0 : index
      %get3A_798 = tpu.vector_load %arg13[%get3A_795, %get3A_796, %get3A_797] {strides = array<i32>} : memref<2x160x64xf32, #tpu.memory_space<vmem>>, vector<16xf32>,
      %mul3A_799 = arith.mulf %get3A_798, %broadcast_in_dim3A_790 : vector<16xf32>
      %swap3A_800 = arith.constant 0 : i32
      %swap3A_801 = arith.index_cast %swap3A_800 : i32 to index
      %swap3A_802 = arith.index_cast %add3A_787 : i32 to index
      %swap3A_803 = arith.constant 0 : index
      %swap3A_804 = tpu.vector_load %arg13[%swap3A_801, %swap3A_802, %swap3A_803] {strides = array<i32>} : memref<2x160x64xf32, #tpu.memory_space<vmem>>, vector<16xf32>,
      tpu.vector_store %arg13[%swap3A_801, %swap3A_802, %swap3A_803], %mul3A_799 {strides = array<i32>} : memref<2x160x64xf32, #tpu.memory_space<vmem>>, vector<16xf32>,
      %get3A_805 = arith.constant 0 : i32
      %get3A_806 = arith.index_cast %get3A_805 : i32 to index
      %get3A_807 = arith.index_cast %add3A_787 : i32 to index
      %get3A_808 = arith.constant 16 : index
      %get3A_809 = tpu.vector_load %arg13[%get3A_806, %get3A_807, %get3A_808] {strides = array<i32>} : memref<2x160x64xf32, #tpu.memory_space<vmem>>, vector<16xf32>,
      %mul3A_810 = arith.mulf %get3A_809, %broadcast_in_dim3A_790 : vector<16xf32>
      %swap3A_811 = arith.constant 0 : i32
      %swap3A_812 = arith.index_cast %swap3A_811 : i32 to index
      %swap3A_813 = arith.index_cast %add3A_787 : i32 to index
      %swap3A_814 = arith.constant 16 : index
      %swap3A_815 = tpu.vector_load %arg13[%swap3A_812, %swap3A_813, %swap3A_814] {strides = array<i32>} : memref<2x160x64xf32, #tpu.memory_space<vmem>>, vector<16xf32>,
      tpu.vector_store %arg13[%swap3A_812, %swap3A_813, %swap3A_814], %mul3A_810 {strides = array<i32>} : memref<2x160x64xf32, #tpu.memory_space<vmem>>, vector<16xf32>,
      %get3A_816 = arith.constant 0 : i32
      %get3A_817 = arith.index_cast %get3A_816 : i32 to index
      %get3A_818 = arith.index_cast %add3A_787 : i32 to index
      %get3A_819 = arith.constant 32 : index
      %get3A_820 = tpu.vector_load %arg13[%get3A_817, %get3A_818, %get3A_819] {strides = array<i32>} : memref<2x160x64xf32, #tpu.memory_space<vmem>>, vector<16xf32>,
      %mul3A_821 = arith.mulf %get3A_820, %broadcast_in_dim3A_793 : vector<16xf32>
      %swap3A_822 = arith.constant 0 : i32
      %swap3A_823 = arith.index_cast %swap3A_822 : i32 to index
      %swap3A_824 = arith.index_cast %add3A_787 : i32 to index
      %swap3A_825 = arith.constant 32 : index
      %swap3A_826 = tpu.vector_load %arg13[%swap3A_823, %swap3A_824, %swap3A_825] {strides = array<i32>} : memref<2x160x64xf32, #tpu.memory_space<vmem>>, vector<16xf32>,
      tpu.vector_store %arg13[%swap3A_823, %swap3A_824, %swap3A_825], %mul3A_821 {strides = array<i32>} : memref<2x160x64xf32, #tpu.memory_space<vmem>>, vector<16xf32>,
      %get3A_827 = arith.constant 0 : i32
      %get3A_828 = arith.index_cast %get3A_827 : i32 to index
      %get3A_829 = arith.index_cast %add3A_787 : i32 to index
      %get3A_830 = arith.constant 48 : index
      %get3A_831 = tpu.vector_load %arg13[%get3A_828, %get3A_829, %get3A_830] {strides = array<i32>} : memref<2x160x64xf32, #tpu.memory_space<vmem>>, vector<16xf32>,
      %mul3A_832 = arith.mulf %get3A_831, %broadcast_in_dim3A_793 : vector<16xf32>
      %swap3A_833 = arith.constant 0 : i32
      %swap3A_834 = arith.index_cast %swap3A_833 : i32 to index
      %swap3A_835 = arith.index_cast %add3A_787 : i32 to index
      %swap3A_836 = arith.constant 48 : index
      %swap3A_837 = tpu.vector_load %arg13[%swap3A_834, %swap3A_835, %swap3A_836] {strides = array<i32>} : memref<2x160x64xf32, #tpu.memory_space<vmem>>, vector<16xf32>,
      tpu.vector_store %arg13[%swap3A_834, %swap3A_835, %swap3A_836], %mul3A_832 {strides = array<i32>} : memref<2x160x64xf32, #tpu.memory_space<vmem>>, vector<16xf32>,
      %add3A_838 = arith.constant 11 : i32
      %add3A_839 = arith.addi %mul3A_214, %add3A_838 : i32
      %slice3A_840 = vector.extract_strided_slice %exp3A {offsets = [11], sizes = [1], strides = [1]} : vector<16xf32> to vector<1xf32>
      %squeeze3A_841 = vector.extract %slice3A_840[0] : f32 from vector<1xf32>
      %broadcast_in_dim3A_842 = vector.broadcast %squeeze3A_841 : f32 to vector<16xf32>
      %slice3A_843 = vector.extract_strided_slice %exp3A_263 {offsets = [11], sizes = [1], strides = [1]} : vector<16xf32> to vector<1xf32>
      %squeeze3A_844 = vector.extract %slice3A_843[0] : f32 from vector<1xf32>
      %broadcast_in_dim3A_845 = vector.broadcast %squeeze3A_844 : f32 to vector<16xf32>
      %get3A_846 = arith.constant 0 : i32
      %get3A_847 = arith.index_cast %get3A_846 : i32 to index
      %get3A_848 = arith.index_cast %add3A_839 : i32 to index
      %get3A_849 = arith.constant 0 : index
      %get3A_850 = tpu.vector_load %arg13[%get3A_847, %get3A_848, %get3A_849] {strides = array<i32>} : memref<2x160x64xf32, #tpu.memory_space<vmem>>, vector<16xf32>,
      %mul3A_851 = arith.mulf %get3A_850, %broadcast_in_dim3A_842 : vector<16xf32>
      %swap3A_852 = arith.constant 0 : i32
      %swap3A_853 = arith.index_cast %swap3A_852 : i32 to index
      %swap3A_854 = arith.index_cast %add3A_839 : i32 to index
      %swap3A_855 = arith.constant 0 : index
      %swap3A_856 = tpu.vector_load %arg13[%swap3A_853, %swap3A_854, %swap3A_855] {strides = array<i32>} : memref<2x160x64xf32, #tpu.memory_space<vmem>>, vector<16xf32>,
      tpu.vector_store %arg13[%swap3A_853, %swap3A_854, %swap3A_855], %mul3A_851 {strides = array<i32>} : memref<2x160x64xf32, #tpu.memory_space<vmem>>, vector<16xf32>,
      %get3A_857 = arith.constant 0 : i32
      %get3A_858 = arith.index_cast %get3A_857 : i32 to index
      %get3A_859 = arith.index_cast %add3A_839 : i32 to index
      %get3A_860 = arith.constant 16 : index
      %get3A_861 = tpu.vector_load %arg13[%get3A_858, %get3A_859, %get3A_860] {strides = array<i32>} : memref<2x160x64xf32, #tpu.memory_space<vmem>>, vector<16xf32>,
      %mul3A_862 = arith.mulf %get3A_861, %broadcast_in_dim3A_842 : vector<16xf32>
      %swap3A_863 = arith.constant 0 : i32
      %swap3A_864 = arith.index_cast %swap3A_863 : i32 to index
      %swap3A_865 = arith.index_cast %add3A_839 : i32 to index
      %swap3A_866 = arith.constant 16 : index
      %swap3A_867 = tpu.vector_load %arg13[%swap3A_864, %swap3A_865, %swap3A_866] {strides = array<i32>} : memref<2x160x64xf32, #tpu.memory_space<vmem>>, vector<16xf32>,
      tpu.vector_store %arg13[%swap3A_864, %swap3A_865, %swap3A_866], %mul3A_862 {strides = array<i32>} : memref<2x160x64xf32, #tpu.memory_space<vmem>>, vector<16xf32>,
      %get3A_868 = arith.constant 0 : i32
      %get3A_869 = arith.index_cast %get3A_868 : i32 to index
      %get3A_870 = arith.index_cast %add3A_839 : i32 to index
      %get3A_871 = arith.constant 32 : index
      %get3A_872 = tpu.vector_load %arg13[%get3A_869, %get3A_870, %get3A_871] {strides = array<i32>} : memref<2x160x64xf32, #tpu.memory_space<vmem>>, vector<16xf32>,
      %mul3A_873 = arith.mulf %get3A_872, %broadcast_in_dim3A_845 : vector<16xf32>
      %swap3A_874 = arith.constant 0 : i32
      %swap3A_875 = arith.index_cast %swap3A_874 : i32 to index
      %swap3A_876 = arith.index_cast %add3A_839 : i32 to index
      %swap3A_877 = arith.constant 32 : index
      %swap3A_878 = tpu.vector_load %arg13[%swap3A_875, %swap3A_876, %swap3A_877] {strides = array<i32>} : memref<2x160x64xf32, #tpu.memory_space<vmem>>, vector<16xf32>,
      tpu.vector_store %arg13[%swap3A_875, %swap3A_876, %swap3A_877], %mul3A_873 {strides = array<i32>} : memref<2x160x64xf32, #tpu.memory_space<vmem>>, vector<16xf32>,
      %get3A_879 = arith.constant 0 : i32
      %get3A_880 = arith.index_cast %get3A_879 : i32 to index
      %get3A_881 = arith.index_cast %add3A_839 : i32 to index
      %get3A_882 = arith.constant 48 : index
      %get3A_883 = tpu.vector_load %arg13[%get3A_880, %get3A_881, %get3A_882] {strides = array<i32>} : memref<2x160x64xf32, #tpu.memory_space<vmem>>, vector<16xf32>,
      %mul3A_884 = arith.mulf %get3A_883, %broadcast_in_dim3A_845 : vector<16xf32>
      %swap3A_885 = arith.constant 0 : i32
      %swap3A_886 = arith.index_cast %swap3A_885 : i32 to index
      %swap3A_887 = arith.index_cast %add3A_839 : i32 to index
      %swap3A_888 = arith.constant 48 : index
      %swap3A_889 = tpu.vector_load %arg13[%swap3A_886, %swap3A_887, %swap3A_888] {strides = array<i32>} : memref<2x160x64xf32, #tpu.memory_space<vmem>>, vector<16xf32>,
      tpu.vector_store %arg13[%swap3A_886, %swap3A_887, %swap3A_888], %mul3A_884 {strides = array<i32>} : memref<2x160x64xf32, #tpu.memory_space<vmem>>, vector<16xf32>,
      %add3A_890 = arith.constant 12 : i32
      %add3A_891 = arith.addi %mul3A_214, %add3A_890 : i32
      %slice3A_892 = vector.extract_strided_slice %exp3A {offsets = [12], sizes = [1], strides = [1]} : vector<16xf32> to vector<1xf32>
      %squeeze3A_893 = vector.extract %slice3A_892[0] : f32 from vector<1xf32>
      %broadcast_in_dim3A_894 = vector.broadcast %squeeze3A_893 : f32 to vector<16xf32>
      %slice3A_895 = vector.extract_strided_slice %exp3A_263 {offsets = [12], sizes = [1], strides = [1]} : vector<16xf32> to vector<1xf32>
      %squeeze3A_896 = vector.extract %slice3A_895[0] : f32 from vector<1xf32>
      %broadcast_in_dim3A_897 = vector.broadcast %squeeze3A_896 : f32 to vector<16xf32>
      %get3A_898 = arith.constant 0 : i32
      %get3A_899 = arith.index_cast %get3A_898 : i32 to index
      %get3A_900 = arith.index_cast %add3A_891 : i32 to index
      %get3A_901 = arith.constant 0 : index
      %get3A_902 = tpu.vector_load %arg13[%get3A_899, %get3A_900, %get3A_901] {strides = array<i32>} : memref<2x160x64xf32, #tpu.memory_space<vmem>>, vector<16xf32>,
      %mul3A_903 = arith.mulf %get3A_902, %broadcast_in_dim3A_894 : vector<16xf32>
      %swap3A_904 = arith.constant 0 : i32
      %swap3A_905 = arith.index_cast %swap3A_904 : i32 to index
      %swap3A_906 = arith.index_cast %add3A_891 : i32 to index
      %swap3A_907 = arith.constant 0 : index
      %swap3A_908 = tpu.vector_load %arg13[%swap3A_905, %swap3A_906, %swap3A_907] {strides = array<i32>} : memref<2x160x64xf32, #tpu.memory_space<vmem>>, vector<16xf32>,
      tpu.vector_store %arg13[%swap3A_905, %swap3A_906, %swap3A_907], %mul3A_903 {strides = array<i32>} : memref<2x160x64xf32, #tpu.memory_space<vmem>>, vector<16xf32>,
      %get3A_909 = arith.constant 0 : i32
      %get3A_910 = arith.index_cast %get3A_909 : i32 to index
      %get3A_911 = arith.index_cast %add3A_891 : i32 to index
      %get3A_912 = arith.constant 16 : index
      %get3A_913 = tpu.vector_load %arg13[%get3A_910, %get3A_911, %get3A_912] {strides = array<i32>} : memref<2x160x64xf32, #tpu.memory_space<vmem>>, vector<16xf32>,
      %mul3A_914 = arith.mulf %get3A_913, %broadcast_in_dim3A_894 : vector<16xf32>
      %swap3A_915 = arith.constant 0 : i32
      %swap3A_916 = arith.index_cast %swap3A_915 : i32 to index
      %swap3A_917 = arith.index_cast %add3A_891 : i32 to index
      %swap3A_918 = arith.constant 16 : index
      %swap3A_919 = tpu.vector_load %arg13[%swap3A_916, %swap3A_917, %swap3A_918] {strides = array<i32>} : memref<2x160x64xf32, #tpu.memory_space<vmem>>, vector<16xf32>,
      tpu.vector_store %arg13[%swap3A_916, %swap3A_917, %swap3A_918], %mul3A_914 {strides = array<i32>} : memref<2x160x64xf32, #tpu.memory_space<vmem>>, vector<16xf32>,
      %get3A_920 = arith.constant 0 : i32
      %get3A_921 = arith.index_cast %get3A_920 : i32 to index
      %get3A_922 = arith.index_cast %add3A_891 : i32 to index
      %get3A_923 = arith.constant 32 : index
      %get3A_924 = tpu.vector_load %arg13[%get3A_921, %get3A_922, %get3A_923] {strides = array<i32>} : memref<2x160x64xf32, #tpu.memory_space<vmem>>, vector<16xf32>,
      %mul3A_925 = arith.mulf %get3A_924, %broadcast_in_dim3A_897 : vector<16xf32>
      %swap3A_926 = arith.constant 0 : i32
      %swap3A_927 = arith.index_cast %swap3A_926 : i32 to index
      %swap3A_928 = arith.index_cast %add3A_891 : i32 to index
      %swap3A_929 = arith.constant 32 : index
      %swap3A_930 = tpu.vector_load %arg13[%swap3A_927, %swap3A_928, %swap3A_929] {strides = array<i32>} : memref<2x160x64xf32, #tpu.memory_space<vmem>>, vector<16xf32>,
      tpu.vector_store %arg13[%swap3A_927, %swap3A_928, %swap3A_929], %mul3A_925 {strides = array<i32>} : memref<2x160x64xf32, #tpu.memory_space<vmem>>, vector<16xf32>,
      %get3A_931 = arith.constant 0 : i32
      %get3A_932 = arith.index_cast %get3A_931 : i32 to index
      %get3A_933 = arith.index_cast %add3A_891 : i32 to index
      %get3A_934 = arith.constant 48 : index
      %get3A_935 = tpu.vector_load %arg13[%get3A_932, %get3A_933, %get3A_934] {strides = array<i32>} : memref<2x160x64xf32, #tpu.memory_space<vmem>>, vector<16xf32>,
      %mul3A_936 = arith.mulf %get3A_935, %broadcast_in_dim3A_897 : vector<16xf32>
      %swap3A_937 = arith.constant 0 : i32
      %swap3A_938 = arith.index_cast %swap3A_937 : i32 to index
      %swap3A_939 = arith.index_cast %add3A_891 : i32 to index
      %swap3A_940 = arith.constant 48 : index
      %swap3A_941 = tpu.vector_load %arg13[%swap3A_938, %swap3A_939, %swap3A_940] {strides = array<i32>} : memref<2x160x64xf32, #tpu.memory_space<vmem>>, vector<16xf32>,
      tpu.vector_store %arg13[%swap3A_938, %swap3A_939, %swap3A_940], %mul3A_936 {strides = array<i32>} : memref<2x160x64xf32, #tpu.memory_space<vmem>>, vector<16xf32>,
      %add3A_942 = arith.constant 13 : i32
      %add3A_943 = arith.addi %mul3A_214, %add3A_942 : i32
      %slice3A_944 = vector.extract_strided_slice %exp3A {offsets = [13], sizes = [1], strides = [1]} : vector<16xf32> to vector<1xf32>
      %squeeze3A_945 = vector.extract %slice3A_944[0] : f32 from vector<1xf32>
      %broadcast_in_dim3A_946 = vector.broadcast %squeeze3A_945 : f32 to vector<16xf32>
      %slice3A_947 = vector.extract_strided_slice %exp3A_263 {offsets = [13], sizes = [1], strides = [1]} : vector<16xf32> to vector<1xf32>
      %squeeze3A_948 = vector.extract %slice3A_947[0] : f32 from vector<1xf32>
      %broadcast_in_dim3A_949 = vector.broadcast %squeeze3A_948 : f32 to vector<16xf32>
      %get3A_950 = arith.constant 0 : i32
      %get3A_951 = arith.index_cast %get3A_950 : i32 to index
      %get3A_952 = arith.index_cast %add3A_943 : i32 to index
      %get3A_953 = arith.constant 0 : index
      %get3A_954 = tpu.vector_load %arg13[%get3A_951, %get3A_952, %get3A_953] {strides = array<i32>} : memref<2x160x64xf32, #tpu.memory_space<vmem>>, vector<16xf32>,
      %mul3A_955 = arith.mulf %get3A_954, %broadcast_in_dim3A_946 : vector<16xf32>
      %swap3A_956 = arith.constant 0 : i32
      %swap3A_957 = arith.index_cast %swap3A_956 : i32 to index
      %swap3A_958 = arith.index_cast %add3A_943 : i32 to index
      %swap3A_959 = arith.constant 0 : index
      %swap3A_960 = tpu.vector_load %arg13[%swap3A_957, %swap3A_958, %swap3A_959] {strides = array<i32>} : memref<2x160x64xf32, #tpu.memory_space<vmem>>, vector<16xf32>,
      tpu.vector_store %arg13[%swap3A_957, %swap3A_958, %swap3A_959], %mul3A_955 {strides = array<i32>} : memref<2x160x64xf32, #tpu.memory_space<vmem>>, vector<16xf32>,
      %get3A_961 = arith.constant 0 : i32
      %get3A_962 = arith.index_cast %get3A_961 : i32 to index
      %get3A_963 = arith.index_cast %add3A_943 : i32 to index
      %get3A_964 = arith.constant 16 : index
      %get3A_965 = tpu.vector_load %arg13[%get3A_962, %get3A_963, %get3A_964] {strides = array<i32>} : memref<2x160x64xf32, #tpu.memory_space<vmem>>, vector<16xf32>,
      %mul3A_966 = arith.mulf %get3A_965, %broadcast_in_dim3A_946 : vector<16xf32>
      %swap3A_967 = arith.constant 0 : i32
      %swap3A_968 = arith.index_cast %swap3A_967 : i32 to index
      %swap3A_969 = arith.index_cast %add3A_943 : i32 to index
      %swap3A_970 = arith.constant 16 : index
      %swap3A_971 = tpu.vector_load %arg13[%swap3A_968, %swap3A_969, %swap3A_970] {strides = array<i32>} : memref<2x160x64xf32, #tpu.memory_space<vmem>>, vector<16xf32>,
      tpu.vector_store %arg13[%swap3A_968, %swap3A_969, %swap3A_970], %mul3A_966 {strides = array<i32>} : memref<2x160x64xf32, #tpu.memory_space<vmem>>, vector<16xf32>,
      %get3A_972 = arith.constant 0 : i32
      %get3A_973 = arith.index_cast %get3A_972 : i32 to index
      %get3A_974 = arith.index_cast %add3A_943 : i32 to index
      %get3A_975 = arith.constant 32 : index
      %get3A_976 = tpu.vector_load %arg13[%get3A_973, %get3A_974, %get3A_975] {strides = array<i32>} : memref<2x160x64xf32, #tpu.memory_space<vmem>>, vector<16xf32>,
      %mul3A_977 = arith.mulf %get3A_976, %broadcast_in_dim3A_949 : vector<16xf32>
      %swap3A_978 = arith.constant 0 : i32
      %swap3A_979 = arith.index_cast %swap3A_978 : i32 to index
      %swap3A_980 = arith.index_cast %add3A_943 : i32 to index
      %swap3A_981 = arith.constant 32 : index
      %swap3A_982 = tpu.vector_load %arg13[%swap3A_979, %swap3A_980, %swap3A_981] {strides = array<i32>} : memref<2x160x64xf32, #tpu.memory_space<vmem>>, vector<16xf32>,
      tpu.vector_store %arg13[%swap3A_979, %swap3A_980, %swap3A_981], %mul3A_977 {strides = array<i32>} : memref<2x160x64xf32, #tpu.memory_space<vmem>>, vector<16xf32>,
      %get3A_983 = arith.constant 0 : i32
      %get3A_984 = arith.index_cast %get3A_983 : i32 to index
      %get3A_985 = arith.index_cast %add3A_943 : i32 to index
      %get3A_986 = arith.constant 48 : index
      %get3A_987 = tpu.vector_load %arg13[%get3A_984, %get3A_985, %get3A_986] {strides = array<i32>} : memref<2x160x64xf32, #tpu.memory_space<vmem>>, vector<16xf32>,
      %mul3A_988 = arith.mulf %get3A_987, %broadcast_in_dim3A_949 : vector<16xf32>
      %swap3A_989 = arith.constant 0 : i32
      %swap3A_990 = arith.index_cast %swap3A_989 : i32 to index
      %swap3A_991 = arith.index_cast %add3A_943 : i32 to index
      %swap3A_992 = arith.constant 48 : index
      %swap3A_993 = tpu.vector_load %arg13[%swap3A_990, %swap3A_991, %swap3A_992] {strides = array<i32>} : memref<2x160x64xf32, #tpu.memory_space<vmem>>, vector<16xf32>,
      tpu.vector_store %arg13[%swap3A_990, %swap3A_991, %swap3A_992], %mul3A_988 {strides = array<i32>} : memref<2x160x64xf32, #tpu.memory_space<vmem>>, vector<16xf32>,
      %add3A_994 = arith.constant 14 : i32
      %add3A_995 = arith.addi %mul3A_214, %add3A_994 : i32
      %slice3A_996 = vector.extract_strided_slice %exp3A {offsets = [14], sizes = [1], strides = [1]} : vector<16xf32> to vector<1xf32>
      %squeeze3A_997 = vector.extract %slice3A_996[0] : f32 from vector<1xf32>
      %broadcast_in_dim3A_998 = vector.broadcast %squeeze3A_997 : f32 to vector<16xf32>
      %slice3A_999 = vector.extract_strided_slice %exp3A_263 {offsets = [14], sizes = [1], strides = [1]} : vector<16xf32> to vector<1xf32>
      %squeeze3A_1000 = vector.extract %slice3A_999[0] : f32 from vector<1xf32>
      %broadcast_in_dim3A_1001 = vector.broadcast %squeeze3A_1000 : f32 to vector<16xf32>
      %get3A_1002 = arith.constant 0 : i32
      %get3A_1003 = arith.index_cast %get3A_1002 : i32 to index
      %get3A_1004 = arith.index_cast %add3A_995 : i32 to index
      %get3A_1005 = arith.constant 0 : index
      %get3A_1006 = tpu.vector_load %arg13[%get3A_1003, %get3A_1004, %get3A_1005] {strides = array<i32>} : memref<2x160x64xf32, #tpu.memory_space<vmem>>, vector<16xf32>,
      %mul3A_1007 = arith.mulf %get3A_1006, %broadcast_in_dim3A_998 : vector<16xf32>
      %swap3A_1008 = arith.constant 0 : i32
      %swap3A_1009 = arith.index_cast %swap3A_1008 : i32 to index
      %swap3A_1010 = arith.index_cast %add3A_995 : i32 to index
      %swap3A_1011 = arith.constant 0 : index
      %swap3A_1012 = tpu.vector_load %arg13[%swap3A_1009, %swap3A_1010, %swap3A_1011] {strides = array<i32>} : memref<2x160x64xf32, #tpu.memory_space<vmem>>, vector<16xf32>,
      tpu.vector_store %arg13[%swap3A_1009, %swap3A_1010, %swap3A_1011], %mul3A_1007 {strides = array<i32>} : memref<2x160x64xf32, #tpu.memory_space<vmem>>, vector<16xf32>,
      %get3A_1013 = arith.constant 0 : i32
      %get3A_1014 = arith.index_cast %get3A_1013 : i32 to index
      %get3A_1015 = arith.index_cast %add3A_995 : i32 to index
      %get3A_1016 = arith.constant 16 : index
      %get3A_1017 = tpu.vector_load %arg13[%get3A_1014, %get3A_1015, %get3A_1016] {strides = array<i32>} : memref<2x160x64xf32, #tpu.memory_space<vmem>>, vector<16xf32>,
      %mul3A_1018 = arith.mulf %get3A_1017, %broadcast_in_dim3A_998 : vector<16xf32>
      %swap3A_1019 = arith.constant 0 : i32
      %swap3A_1020 = arith.index_cast %swap3A_1019 : i32 to index
      %swap3A_1021 = arith.index_cast %add3A_995 : i32 to index
      %swap3A_1022 = arith.constant 16 : index
      %swap3A_1023 = tpu.vector_load %arg13[%swap3A_1020, %swap3A_1021, %swap3A_1022] {strides = array<i32>} : memref<2x160x64xf32, #tpu.memory_space<vmem>>, vector<16xf32>,
      tpu.vector_store %arg13[%swap3A_1020, %swap3A_1021, %swap3A_1022], %mul3A_1018 {strides = array<i32>} : memref<2x160x64xf32, #tpu.memory_space<vmem>>, vector<16xf32>,
      %get3A_1024 = arith.constant 0 : i32
      %get3A_1025 = arith.index_cast %get3A_1024 : i32 to index
      %get3A_1026 = arith.index_cast %add3A_995 : i32 to index
      %get3A_1027 = arith.constant 32 : index
      %get3A_1028 = tpu.vector_load %arg13[%get3A_1025, %get3A_1026, %get3A_1027] {strides = array<i32>} : memref<2x160x64xf32, #tpu.memory_space<vmem>>, vector<16xf32>,
      %mul3A_1029 = arith.mulf %get3A_1028, %broadcast_in_dim3A_1001 : vector<16xf32>
      %swap3A_1030 = arith.constant 0 : i32
      %swap3A_1031 = arith.index_cast %swap3A_1030 : i32 to index
      %swap3A_1032 = arith.index_cast %add3A_995 : i32 to index
      %swap3A_1033 = arith.constant 32 : index
      %swap3A_1034 = tpu.vector_load %arg13[%swap3A_1031, %swap3A_1032, %swap3A_1033] {strides = array<i32>} : memref<2x160x64xf32, #tpu.memory_space<vmem>>, vector<16xf32>,
      tpu.vector_store %arg13[%swap3A_1031, %swap3A_1032, %swap3A_1033], %mul3A_1029 {strides = array<i32>} : memref<2x160x64xf32, #tpu.memory_space<vmem>>, vector<16xf32>,
      %get3A_1035 = arith.constant 0 : i32
      %get3A_1036 = arith.index_cast %get3A_1035 : i32 to index
      %get3A_1037 = arith.index_cast %add3A_995 : i32 to index
      %get3A_1038 = arith.constant 48 : index
      %get3A_1039 = tpu.vector_load %arg13[%get3A_1036, %get3A_1037, %get3A_1038] {strides = array<i32>} : memref<2x160x64xf32, #tpu.memory_space<vmem>>, vector<16xf32>,
      %mul3A_1040 = arith.mulf %get3A_1039, %broadcast_in_dim3A_1001 : vector<16xf32>
      %swap3A_1041 = arith.constant 0 : i32
      %swap3A_1042 = arith.index_cast %swap3A_1041 : i32 to index
      %swap3A_1043 = arith.index_cast %add3A_995 : i32 to index
      %swap3A_1044 = arith.constant 48 : index
      %swap3A_1045 = tpu.vector_load %arg13[%swap3A_1042, %swap3A_1043, %swap3A_1044] {strides = array<i32>} : memref<2x160x64xf32, #tpu.memory_space<vmem>>, vector<16xf32>,
      tpu.vector_store %arg13[%swap3A_1042, %swap3A_1043, %swap3A_1044], %mul3A_1040 {strides = array<i32>} : memref<2x160x64xf32, #tpu.memory_space<vmem>>, vector<16xf32>,
      %add3A_1046 = arith.constant 15 : i32
      %add3A_1047 = arith.addi %mul3A_214, %add3A_1046 : i32
      %slice3A_1048 = vector.extract_strided_slice %exp3A {offsets = [15], sizes = [1], strides = [1]} : vector<16xf32> to vector<1xf32>
      %squeeze3A_1049 = vector.extract %slice3A_1048[0] : f32 from vector<1xf32>
      %broadcast_in_dim3A_1050 = vector.broadcast %squeeze3A_1049 : f32 to vector<16xf32>
      %slice3A_1051 = vector.extract_strided_slice %exp3A_263 {offsets = [15], sizes = [1], strides = [1]} : vector<16xf32> to vector<1xf32>
      %squeeze3A_1052 = vector.extract %slice3A_1051[0] : f32 from vector<1xf32>
      %broadcast_in_dim3A_1053 = vector.broadcast %squeeze3A_1052 : f32 to vector<16xf32>
      %get3A_1054 = arith.constant 0 : i32
      %get3A_1055 = arith.index_cast %get3A_1054 : i32 to index
      %get3A_1056 = arith.index_cast %add3A_1047 : i32 to index
      %get3A_1057 = arith.constant 0 : index
      %get3A_1058 = tpu.vector_load %arg13[%get3A_1055, %get3A_1056, %get3A_1057] {strides = array<i32>} : memref<2x160x64xf32, #tpu.memory_space<vmem>>, vector<16xf32>,
      %mul3A_1059 = arith.mulf %get3A_1058, %broadcast_in_dim3A_1050 : vector<16xf32>
      %swap3A_1060 = arith.constant 0 : i32
      %swap3A_1061 = arith.index_cast %swap3A_1060 : i32 to index
      %swap3A_1062 = arith.index_cast %add3A_1047 : i32 to index
      %swap3A_1063 = arith.constant 0 : index
      %swap3A_1064 = tpu.vector_load %arg13[%swap3A_1061, %swap3A_1062, %swap3A_1063] {strides = array<i32>} : memref<2x160x64xf32, #tpu.memory_space<vmem>>, vector<16xf32>,
      tpu.vector_store %arg13[%swap3A_1061, %swap3A_1062, %swap3A_1063], %mul3A_1059 {strides = array<i32>} : memref<2x160x64xf32, #tpu.memory_space<vmem>>, vector<16xf32>,
      %get3A_1065 = arith.constant 0 : i32
      %get3A_1066 = arith.index_cast %get3A_1065 : i32 to index
      %get3A_1067 = arith.index_cast %add3A_1047 : i32 to index
      %get3A_1068 = arith.constant 16 : index
      %get3A_1069 = tpu.vector_load %arg13[%get3A_1066, %get3A_1067, %get3A_1068] {strides = array<i32>} : memref<2x160x64xf32, #tpu.memory_space<vmem>>, vector<16xf32>,
      %mul3A_1070 = arith.mulf %get3A_1069, %broadcast_in_dim3A_1050 : vector<16xf32>
      %swap3A_1071 = arith.constant 0 : i32
      %swap3A_1072 = arith.index_cast %swap3A_1071 : i32 to index
      %swap3A_1073 = arith.index_cast %add3A_1047 : i32 to index
      %swap3A_1074 = arith.constant 16 : index
      %swap3A_1075 = tpu.vector_load %arg13[%swap3A_1072, %swap3A_1073, %swap3A_1074] {strides = array<i32>} : memref<2x160x64xf32, #tpu.memory_space<vmem>>, vector<16xf32>,
      tpu.vector_store %arg13[%swap3A_1072, %swap3A_1073, %swap3A_1074], %mul3A_1070 {strides = array<i32>} : memref<2x160x64xf32, #tpu.memory_space<vmem>>, vector<16xf32>,
      %get3A_1076 = arith.constant 0 : i32
      %get3A_1077 = arith.index_cast %get3A_1076 : i32 to index
      %get3A_1078 = arith.index_cast %add3A_1047 : i32 to index
      %get3A_1079 = arith.constant 32 : index
      %get3A_1080 = tpu.vector_load %arg13[%get3A_1077, %get3A_1078, %get3A_1079] {strides = array<i32>} : memref<2x160x64xf32, #tpu.memory_space<vmem>>, vector<16xf32>,
      %mul3A_1081 = arith.mulf %get3A_1080, %broadcast_in_dim3A_1053 : vector<16xf32>
      %swap3A_1082 = arith.constant 0 : i32
      %swap3A_1083 = arith.index_cast %swap3A_1082 : i32 to index
      %swap3A_1084 = arith.index_cast %add3A_1047 : i32 to index
      %swap3A_1085 = arith.constant 32 : index
      %swap3A_1086 = tpu.vector_load %arg13[%swap3A_1083, %swap3A_1084, %swap3A_1085] {strides = array<i32>} : memref<2x160x64xf32, #tpu.memory_space<vmem>>, vector<16xf32>,
      tpu.vector_store %arg13[%swap3A_1083, %swap3A_1084, %swap3A_1085], %mul3A_1081 {strides = array<i32>} : memref<2x160x64xf32, #tpu.memory_space<vmem>>, vector<16xf32>,
      %get3A_1087 = arith.constant 0 : i32
      %get3A_1088 = arith.index_cast %get3A_1087 : i32 to index
      %get3A_1089 = arith.index_cast %add3A_1047 : i32 to index
      %get3A_1090 = arith.constant 48 : index
      %get3A_1091 = tpu.vector_load %arg13[%get3A_1088, %get3A_1089, %get3A_1090] {strides = array<i32>} : memref<2x160x64xf32, #tpu.memory_space<vmem>>, vector<16xf32>,
      %mul3A_1092 = arith.mulf %get3A_1091, %broadcast_in_dim3A_1053 : vector<16xf32>
      %swap3A_1093 = arith.constant 0 : i32
      %swap3A_1094 = arith.index_cast %swap3A_1093 : i32 to index
      %swap3A_1095 = arith.index_cast %add3A_1047 : i32 to index
      %swap3A_1096 = arith.constant 48 : index
      %swap3A_1097 = tpu.vector_load %arg13[%swap3A_1094, %swap3A_1095, %swap3A_1096] {strides = array<i32>} : memref<2x160x64xf32, #tpu.memory_space<vmem>>, vector<16xf32>,
      tpu.vector_store %arg13[%swap3A_1094, %swap3A_1095, %swap3A_1096], %mul3A_1092 {strides = array<i32>} : memref<2x160x64xf32, #tpu.memory_space<vmem>>, vector<16xf32>,
      %scan3A_1098 = arith.constant 0 : i32
      scf.yield %scan3A_1098 : i32
    }
    %scan3A_174 = arith.constant 10 : i32
    %dma_start3A_175 = arith.constant 0 : i32
    %dma_start3A_176 = arith.constant 0 : i32
    %dma_start3A_177 = arith.constant 0 : i32
    %dma_start3A_178 = arith.constant 0 : i32
    %dma_start3A_179 = tpu.memref_slice %arg13[%dma_start3A_175, %dma_start3A_177, %dma_start3A_178] : memref<2x160x64xf32, #tpu.memory_space<vmem>> -> memref<1x160x64xf32, #tpu.memory_space<vmem>>
    %dma_start3A_180 = tpu.memref_squeeze %dma_start3A_179 : memref<1x160x64xf32, #tpu.memory_space<vmem>> -> memref<160x64xf32, #tpu.memory_space<vmem>>
    %dma_start3A_181 = arith.constant 0 : i32
    %dma_start3A_182 = tpu.memref_slice %arg12[%dma_start3A_176, %dma_start3A_181] : memref<2x160xi32, #tpu.memory_space<vmem>> -> memref<1x160xi32, #tpu.memory_space<vmem>>
    %dma_start3A_183 = tpu.memref_squeeze %dma_start3A_182 : memref<1x160xi32, #tpu.memory_space<vmem>> -> memref<160xi32, #tpu.memory_space<vmem>>
    %dma_start3A_184 = arith.constant 0 : i32
    %dma_start3A_185 = arith.constant 0 : i32
    %dma_start3A_186 = tpu.memref_slice %arg15[%dma_start3A_184, %dma_start3A_185] : memref<10000x64xf32, #tpu.memory_space<vmem_shared>> -> memref<10000x64xf32, #tpu.memory_space<vmem_shared>>
    tpu.enqueue_indirect_dma source(%dma_start3A_180 : memref<160x64xf32, #tpu.memory_space<vmem>>) target(%dma_start3A_186 : memref<10000x64xf32, #tpu.memory_space<vmem_shared>>) offsets(%dma_start3A_183 : memref<160xi32, #tpu.memory_space<vmem>>) semaphore(%arg19 : memref<!tpu.dma_semaphore, #tpu.memory_space<semaphore_mem>>) {add = true}
    %run_scoped3A_187 = arith.constant 0 : i32
    "tpu.region"() ({
      %run_scoped3A_211 = tpu.sem_alloc : memref<!tpu.dma_semaphore, #tpu.memory_space<semaphore_mem>>
      %dma_start3A_212 = arith.constant 0 : i32
      %dma_start3A_213 = tpu.memref_slice %arg12[%run_scoped3A_187, %dma_start3A_212] : memref<2x160xi32, #tpu.memory_space<vmem>> -> memref<1x160xi32, #tpu.memory_space<vmem>>
      %dma_start3A_214 = tpu.memref_squeeze %dma_start3A_213 : memref<1x160xi32, #tpu.memory_space<vmem>> -> memref<160xi32, #tpu.memory_space<vmem>>
      %dma_start3A_215 = arith.constant 0 : i32
      %dma_start3A_216 = arith.constant 0 : i32
      %dma_start3A_217 = tpu.memref_slice %arg16[%dma_start3A_215, %dma_start3A_216] : memref<10000x16xf32, #tpu.memory_space<vmem_shared>> -> memref<10000x16xf32, #tpu.memory_space<vmem_shared>>
      tpu.enqueue_indirect_dma source(%arg14 : memref<160x16xf32, #tpu.memory_space<vmem>>) target(%dma_start3A_217 : memref<10000x16xf32, #tpu.memory_space<vmem_shared>>) offsets(%dma_start3A_214 : memref<160xi32, #tpu.memory_space<vmem>>) semaphore(%run_scoped3A_211 : memref<!tpu.dma_semaphore, #tpu.memory_space<semaphore_mem>>) {add = true}
      %dma_wait3A_218 = arith.constant 0 : i32
      %dma_wait3A_219 = tpu.memref_slice %arg12[%run_scoped3A_187, %dma_wait3A_218] : memref<2x160xi32, #tpu.memory_space<vmem>> -> memref<1x160xi32, #tpu.memory_space<vmem>>
      %dma_wait3A_220 = tpu.memref_squeeze %dma_wait3A_219 : memref<1x160xi32, #tpu.memory_space<vmem>> -> memref<160xi32, #tpu.memory_space<vmem>>
      %dma_wait3A_221 = arith.constant 0 : i32
      %dma_wait3A_222 = arith.constant 0 : i32
      %dma_wait3A_223 = tpu.memref_slice %arg16[%dma_wait3A_221, %dma_wait3A_222] : memref<10000x16xf32, #tpu.memory_space<vmem_shared>> -> memref<10000x16xf32, #tpu.memory_space<vmem_shared>>
      tpu.wait_indirect_dma semaphore(%run_scoped3A_211 : memref<!tpu.dma_semaphore, #tpu.memory_space<semaphore_mem>>) src(%arg14 : memref<160x16xf32, #tpu.memory_space<vmem>>) dst(%dma_wait3A_223 : memref<10000x16xf32, #tpu.memory_space<vmem_shared>>)
      tpu.yield
    }) : () -> ()
    %dma_wait3A_188 = arith.constant 0 : i32
    %dma_wait3A_189 = arith.constant 0 : i32
    %dma_wait3A_190 = arith.constant 0 : i32
    %dma_wait3A_191 = arith.constant 0 : i32
    %dma_wait3A_192 = tpu.memref_slice %arg13[%dma_wait3A_188, %dma_wait3A_190, %dma_wait3A_191] : memref<2x160x64xf32, #tpu.memory_space<vmem>> -> memref<1x160x64xf32, #tpu.memory_space<vmem>>
    %dma_wait3A_193 = tpu.memref_squeeze %dma_wait3A_192 : memref<1x160x64xf32, #tpu.memory_space<vmem>> -> memref<160x64xf32, #tpu.memory_space<vmem>>
    %dma_wait3A_194 = arith.constant 0 : i32
    %dma_wait3A_195 = tpu.memref_slice %arg12[%dma_wait3A_189, %dma_wait3A_194] : memref<2x160xi32, #tpu.memory_space<vmem>> -> memref<1x160xi32, #tpu.memory_space<vmem>>
    %dma_wait3A_196 = tpu.memref_squeeze %dma_wait3A_195 : memref<1x160xi32, #tpu.memory_space<vmem>> -> memref<160xi32, #tpu.memory_space<vmem>>
    %dma_wait3A_197 = arith.constant 0 : i32
    %dma_wait3A_198 = arith.constant 0 : i32
    %dma_wait3A_199 = tpu.memref_slice %arg15[%dma_wait3A_197, %dma_wait3A_198] : memref<10000x64xf32, #tpu.memory_space<vmem_shared>> -> memref<10000x64xf32, #tpu.memory_space<vmem_shared>>
    tpu.wait_indirect_dma semaphore(%arg19 : memref<!tpu.dma_semaphore, #tpu.memory_space<semaphore_mem>>) src(%dma_wait3A_193 : memref<160x64xf32, #tpu.memory_space<vmem>>) dst(%dma_wait3A_199 : memref<10000x64xf32, #tpu.memory_space<vmem_shared>>)
    %barrier3A_200 = arith.constant 0 : index
    tpu.barrier barrier_id(%barrier3A_200)
    %lt3A_201 = arith.constant 15 : i32
    %lt3A_202 = arith.cmpi slt, %arg1, %lt3A_201 : i32
    %convert_element_type3A_203 = arith.extui %lt3A_202 : i1 to i32
    %cond3A_204 = arith.constant 0 : i32
    %cond3A_205 = arith.cmpi ne, %convert_element_type3A_203, %cond3A_204 : i32
    scf.if %cond3A_205 {
      %scan3A_211 = arith.constant 0 : i32
      %scan3A_212 = arith.constant 0 : i32
      %scan3A_213 = arith.constant 13 : i32
      %scan3A_214 = arith.addi %scan3A_212, %scan3A_213 : i32
      %scan3A_215 = arith.constant 1 : i32
      %scan3A_216 = scf.for %scan3A_218 = %scan3A_212 to %scan3A_214 step %scan3A_215 iter_args(%scan3A_219 = %scan3A_211) -> (i32)  : i32 {
        %mul3A_220 = arith.constant 48 : i32
        %mul3A_221 = arith.muli %scan3A_218, %mul3A_220 : i32
        %add3A_222 = arith.addi %mul3A_26, %mul3A_221 : i32
        %run_scoped3A_223 = arith.constant 0 : i32
        "tpu.region"() ({
          %run_scoped3A_226 = tpu.sem_alloc : memref<!tpu.dma_semaphore, #tpu.memory_space<semaphore_mem>>
          %dma_start3A_227 = arith.constant 0 : i32
          %dma_start3A_228 = arith.constant 0 : i32
          %dma_start3A_229 = tpu.memref_slice %arg13[%run_scoped3A_223, %dma_start3A_227, %dma_start3A_228] : memref<2x160x64xf32, #tpu.memory_space<vmem>> -> memref<1x48x64xf32, #tpu.memory_space<vmem>>
          %dma_start3A_230 = tpu.memref_squeeze %dma_start3A_229 : memref<1x48x64xf32, #tpu.memory_space<vmem>> -> memref<48x64xf32, #tpu.memory_space<vmem>>
          %dma_start3A_231 = arith.constant 0 : i32
          %dma_start3A_232 = tpu.memref_slice %arg15[%add3A_222, %dma_start3A_231] : memref<10000x64xf32, #tpu.memory_space<vmem_shared>> -> memref<48x64xf32, #tpu.memory_space<vmem_shared>>
          %dma_start3A_233 = arith.constant 0 : i32
          %dma_start3A_234 = arith.constant 0 : i32
          %dma_start3A_235 = tpu.memref_slice %arg13[%run_scoped3A_223, %dma_start3A_233, %dma_start3A_234] : memref<2x160x64xf32, #tpu.memory_space<vmem>> -> memref<1x48x64xf32, #tpu.memory_space<vmem>>
          %dma_start3A_236 = tpu.memref_squeeze %dma_start3A_235 : memref<1x48x64xf32, #tpu.memory_space<vmem>> -> memref<48x64xf32, #tpu.memory_space<vmem>>
          %dma_start3A_237 = arith.constant 0 : i32
          %dma_start3A_238 = tpu.memref_slice %arg15[%add3A_222, %dma_start3A_237] : memref<10000x64xf32, #tpu.memory_space<vmem_shared>> -> memref<48x64xf32, #tpu.memory_space<vmem_shared>>
          tpu.enqueue_dma source(%dma_start3A_238 : memref<48x64xf32, #tpu.memory_space<vmem_shared>>) target(%dma_start3A_236 : memref<48x64xf32, #tpu.memory_space<vmem>>) target_semaphore(%run_scoped3A_226 : memref<!tpu.dma_semaphore, #tpu.memory_space<semaphore_mem>>)
          %dma_wait3A_239 = arith.constant 0 : i32
          %dma_wait3A_240 = arith.constant 0 : i32
          %dma_wait3A_241 = tpu.memref_slice %arg13[%run_scoped3A_223, %dma_wait3A_239, %dma_wait3A_240] : memref<2x160x64xf32, #tpu.memory_space<vmem>> -> memref<1x48x64xf32, #tpu.memory_space<vmem>>
          %dma_wait3A_242 = tpu.memref_squeeze %dma_wait3A_241 : memref<1x48x64xf32, #tpu.memory_space<vmem>> -> memref<48x64xf32, #tpu.memory_space<vmem>>
          %dma_wait3A_243 = arith.constant 0 : i32
          %dma_wait3A_244 = tpu.memref_slice %arg15[%add3A_222, %dma_wait3A_243] : memref<10000x64xf32, #tpu.memory_space<vmem_shared>> -> memref<48x64xf32, #tpu.memory_space<vmem_shared>>
          %dma_wait3A_245 = arith.constant 0 : i32
          %dma_wait3A_246 = arith.constant 0 : i32
          %dma_wait3A_247 = tpu.memref_slice %arg13[%run_scoped3A_223, %dma_wait3A_245, %dma_wait3A_246] : memref<2x160x64xf32, #tpu.memory_space<vmem>> -> memref<1x48x64xf32, #tpu.memory_space<vmem>>
          %dma_wait3A_248 = tpu.memref_squeeze %dma_wait3A_247 : memref<1x48x64xf32, #tpu.memory_space<vmem>> -> memref<48x64xf32, #tpu.memory_space<vmem>>
          %dma_wait3A_249 = arith.constant 0 : i32
          %dma_wait3A_250 = tpu.memref_slice %arg15[%add3A_222, %dma_wait3A_249] : memref<10000x64xf32, #tpu.memory_space<vmem_shared>> -> memref<48x64xf32, #tpu.memory_space<vmem_shared>>
          tpu.wait_dma2 semaphore(%run_scoped3A_226 : memref<!tpu.dma_semaphore, #tpu.memory_space<semaphore_mem>>) src(%dma_wait3A_250 : memref<48x64xf32, #tpu.memory_space<vmem_shared>>) dst(%dma_wait3A_248 : memref<48x64xf32, #tpu.memory_space<vmem>>)
          tpu.yield
        }) : () -> ()
        %run_scoped3A_224 = arith.constant 0 : i32
        "tpu.region"() ({
          %run_scoped3A_226 = tpu.sem_alloc : memref<!tpu.dma_semaphore, #tpu.memory_space<semaphore_mem>>
          %dma_start3A_227 = arith.constant 0 : i32
          %dma_start3A_228 = arith.constant 0 : i32
          %dma_start3A_229 = tpu.memref_slice %arg13[%run_scoped3A_224, %dma_start3A_227, %dma_start3A_228] : memref<2x160x64xf32, #tpu.memory_space<vmem>> -> memref<1x48x64xf32, #tpu.memory_space<vmem>>
          %dma_start3A_230 = tpu.memref_squeeze %dma_start3A_229 : memref<1x48x64xf32, #tpu.memory_space<vmem>> -> memref<48x64xf32, #tpu.memory_space<vmem>>
          %dma_start3A_231 = arith.constant 0 : i32
          %dma_start3A_232 = tpu.memref_slice %arg7[%arg0, %add3A_222, %dma_start3A_231] : memref<2x10000x64xf32, #tpu.memory_space<hbm>> -> memref<1x48x64xf32, #tpu.memory_space<hbm>>
          %dma_start3A_233 = tpu.memref_squeeze %dma_start3A_232 : memref<1x48x64xf32, #tpu.memory_space<hbm>> -> memref<48x64xf32, #tpu.memory_space<hbm>>
          %dma_start3A_234 = arith.constant 0 : i32
          %dma_start3A_235 = tpu.memref_slice %arg7[%arg0, %add3A_222, %dma_start3A_234] : memref<2x10000x64xf32, #tpu.memory_space<hbm>> -> memref<1x48x64xf32, #tpu.memory_space<hbm>>
          %dma_start3A_236 = tpu.memref_squeeze %dma_start3A_235 : memref<1x48x64xf32, #tpu.memory_space<hbm>> -> memref<48x64xf32, #tpu.memory_space<hbm>>
          %dma_start3A_237 = arith.constant 0 : i32
          %dma_start3A_238 = arith.constant 0 : i32
          %dma_start3A_239 = tpu.memref_slice %arg13[%run_scoped3A_224, %dma_start3A_237, %dma_start3A_238] : memref<2x160x64xf32, #tpu.memory_space<vmem>> -> memref<1x48x64xf32, #tpu.memory_space<vmem>>
          %dma_start3A_240 = tpu.memref_squeeze %dma_start3A_239 : memref<1x48x64xf32, #tpu.memory_space<vmem>> -> memref<48x64xf32, #tpu.memory_space<vmem>>
          tpu.enqueue_dma source(%dma_start3A_240 : memref<48x64xf32, #tpu.memory_space<vmem>>) target(%dma_start3A_236 : memref<48x64xf32, #tpu.memory_space<hbm>>) target_semaphore(%run_scoped3A_226 : memref<!tpu.dma_semaphore, #tpu.memory_space<semaphore_mem>>)
          %dma_wait3A_241 = arith.constant 0 : i32
          %dma_wait3A_242 = arith.constant 0 : i32
          %dma_wait3A_243 = tpu.memref_slice %arg13[%run_scoped3A_224, %dma_wait3A_241, %dma_wait3A_242] : memref<2x160x64xf32, #tpu.memory_space<vmem>> -> memref<1x48x64xf32, #tpu.memory_space<vmem>>
          %dma_wait3A_244 = tpu.memref_squeeze %dma_wait3A_243 : memref<1x48x64xf32, #tpu.memory_space<vmem>> -> memref<48x64xf32, #tpu.memory_space<vmem>>
          %dma_wait3A_245 = arith.constant 0 : i32
          %dma_wait3A_246 = tpu.memref_slice %arg7[%arg0, %add3A_222, %dma_wait3A_245] : memref<2x10000x64xf32, #tpu.memory_space<hbm>> -> memref<1x48x64xf32, #tpu.memory_space<hbm>>
          %dma_wait3A_247 = tpu.memref_squeeze %dma_wait3A_246 : memref<1x48x64xf32, #tpu.memory_space<hbm>> -> memref<48x64xf32, #tpu.memory_space<hbm>>
          %dma_wait3A_248 = arith.constant 0 : i32
          %dma_wait3A_249 = tpu.memref_slice %arg7[%arg0, %add3A_222, %dma_wait3A_248] : memref<2x10000x64xf32, #tpu.memory_space<hbm>> -> memref<1x48x64xf32, #tpu.memory_space<hbm>>
          %dma_wait3A_250 = tpu.memref_squeeze %dma_wait3A_249 : memref<1x48x64xf32, #tpu.memory_space<hbm>> -> memref<48x64xf32, #tpu.memory_space<hbm>>
          %dma_wait3A_251 = arith.constant 0 : i32
          %dma_wait3A_252 = arith.constant 0 : i32
          %dma_wait3A_253 = tpu.memref_slice %arg13[%run_scoped3A_224, %dma_wait3A_251, %dma_wait3A_252] : memref<2x160x64xf32, #tpu.memory_space<vmem>> -> memref<1x48x64xf32, #tpu.memory_space<vmem>>
          %dma_wait3A_254 = tpu.memref_squeeze %dma_wait3A_253 : memref<1x48x64xf32, #tpu.memory_space<vmem>> -> memref<48x64xf32, #tpu.memory_space<vmem>>
          tpu.wait_dma2 semaphore(%run_scoped3A_226 : memref<!tpu.dma_semaphore, #tpu.memory_space<semaphore_mem>>) src(%dma_wait3A_254 : memref<48x64xf32, #tpu.memory_space<vmem>>) dst(%dma_wait3A_250 : memref<48x64xf32, #tpu.memory_space<hbm>>)
          tpu.yield
        }) : () -> ()
        "tpu.region"() ({
          %run_scoped3A_226 = tpu.sem_alloc : memref<!tpu.dma_semaphore, #tpu.memory_space<semaphore_mem>>
          %dma_start3A_227 = arith.constant 0 : i32
          %dma_start3A_228 = arith.constant 0 : i32
          %dma_start3A_229 = tpu.memref_slice %arg14[%dma_start3A_227, %dma_start3A_228] : memref<160x16xf32, #tpu.memory_space<vmem>> -> memref<48x16xf32, #tpu.memory_space<vmem>>
          %dma_start3A_230 = arith.constant 0 : i32
          %dma_start3A_231 = tpu.memref_slice %arg16[%add3A_222, %dma_start3A_230] : memref<10000x16xf32, #tpu.memory_space<vmem_shared>> -> memref<48x16xf32, #tpu.memory_space<vmem_shared>>
          %dma_start3A_232 = arith.constant 0 : i32
          %dma_start3A_233 = arith.constant 0 : i32
          %dma_start3A_234 = tpu.memref_slice %arg14[%dma_start3A_232, %dma_start3A_233] : memref<160x16xf32, #tpu.memory_space<vmem>> -> memref<48x16xf32, #tpu.memory_space<vmem>>
          %dma_start3A_235 = arith.constant 0 : i32
          %dma_start3A_236 = tpu.memref_slice %arg16[%add3A_222, %dma_start3A_235] : memref<10000x16xf32, #tpu.memory_space<vmem_shared>> -> memref<48x16xf32, #tpu.memory_space<vmem_shared>>
          tpu.enqueue_dma source(%dma_start3A_236 : memref<48x16xf32, #tpu.memory_space<vmem_shared>>) target(%dma_start3A_234 : memref<48x16xf32, #tpu.memory_space<vmem>>) target_semaphore(%run_scoped3A_226 : memref<!tpu.dma_semaphore, #tpu.memory_space<semaphore_mem>>)
          %dma_wait3A_237 = arith.constant 0 : i32
          %dma_wait3A_238 = arith.constant 0 : i32
          %dma_wait3A_239 = tpu.memref_slice %arg14[%dma_wait3A_237, %dma_wait3A_238] : memref<160x16xf32, #tpu.memory_space<vmem>> -> memref<48x16xf32, #tpu.memory_space<vmem>>
          %dma_wait3A_240 = arith.constant 0 : i32
          %dma_wait3A_241 = tpu.memref_slice %arg16[%add3A_222, %dma_wait3A_240] : memref<10000x16xf32, #tpu.memory_space<vmem_shared>> -> memref<48x16xf32, #tpu.memory_space<vmem_shared>>
          %dma_wait3A_242 = arith.constant 0 : i32
          %dma_wait3A_243 = arith.constant 0 : i32
          %dma_wait3A_244 = tpu.memref_slice %arg14[%dma_wait3A_242, %dma_wait3A_243] : memref<160x16xf32, #tpu.memory_space<vmem>> -> memref<48x16xf32, #tpu.memory_space<vmem>>
          %dma_wait3A_245 = arith.constant 0 : i32
          %dma_wait3A_246 = tpu.memref_slice %arg16[%add3A_222, %dma_wait3A_245] : memref<10000x16xf32, #tpu.memory_space<vmem_shared>> -> memref<48x16xf32, #tpu.memory_space<vmem_shared>>
          tpu.wait_dma2 semaphore(%run_scoped3A_226 : memref<!tpu.dma_semaphore, #tpu.memory_space<semaphore_mem>>) src(%dma_wait3A_246 : memref<48x16xf32, #tpu.memory_space<vmem_shared>>) dst(%dma_wait3A_244 : memref<48x16xf32, #tpu.memory_space<vmem>>)
          tpu.yield
        }) : () -> ()
        "tpu.region"() ({
          %run_scoped3A_226 = tpu.sem_alloc : memref<!tpu.dma_semaphore, #tpu.memory_space<semaphore_mem>>
          %dma_start3A_227 = arith.constant 0 : i32
          %dma_start3A_228 = arith.constant 0 : i32
          %dma_start3A_229 = tpu.memref_slice %arg14[%dma_start3A_227, %dma_start3A_228] : memref<160x16xf32, #tpu.memory_space<vmem>> -> memref<48x16xf32, #tpu.memory_space<vmem>>
          %dma_start3A_230 = arith.constant 0 : i32
          %dma_start3A_231 = tpu.memref_slice %arg8[%arg0, %add3A_222, %dma_start3A_230] : memref<2x10000x16xf32, #tpu.memory_space<hbm>> -> memref<1x48x16xf32, #tpu.memory_space<hbm>>
          %dma_start3A_232 = tpu.memref_squeeze %dma_start3A_231 : memref<1x48x16xf32, #tpu.memory_space<hbm>> -> memref<48x16xf32, #tpu.memory_space<hbm>>
          %dma_start3A_233 = arith.constant 0 : i32
          %dma_start3A_234 = tpu.memref_slice %arg8[%arg0, %add3A_222, %dma_start3A_233] : memref<2x10000x16xf32, #tpu.memory_space<hbm>> -> memref<1x48x16xf32, #tpu.memory_space<hbm>>
          %dma_start3A_235 = tpu.memref_squeeze %dma_start3A_234 : memref<1x48x16xf32, #tpu.memory_space<hbm>> -> memref<48x16xf32, #tpu.memory_space<hbm>>
          %dma_start3A_236 = arith.constant 0 : i32
          %dma_start3A_237 = arith.constant 0 : i32
          %dma_start3A_238 = tpu.memref_slice %arg14[%dma_start3A_236, %dma_start3A_237] : memref<160x16xf32, #tpu.memory_space<vmem>> -> memref<48x16xf32, #tpu.memory_space<vmem>>
          tpu.enqueue_dma source(%dma_start3A_238 : memref<48x16xf32, #tpu.memory_space<vmem>>) target(%dma_start3A_235 : memref<48x16xf32, #tpu.memory_space<hbm>>) target_semaphore(%run_scoped3A_226 : memref<!tpu.dma_semaphore, #tpu.memory_space<semaphore_mem>>)
          %dma_wait3A_239 = arith.constant 0 : i32
          %dma_wait3A_240 = arith.constant 0 : i32
          %dma_wait3A_241 = tpu.memref_slice %arg14[%dma_wait3A_239, %dma_wait3A_240] : memref<160x16xf32, #tpu.memory_space<vmem>> -> memref<48x16xf32, #tpu.memory_space<vmem>>
          %dma_wait3A_242 = arith.constant 0 : i32
          %dma_wait3A_243 = tpu.memref_slice %arg8[%arg0, %add3A_222, %dma_wait3A_242] : memref<2x10000x16xf32, #tpu.memory_space<hbm>> -> memref<1x48x16xf32, #tpu.memory_space<hbm>>
          %dma_wait3A_244 = tpu.memref_squeeze %dma_wait3A_243 : memref<1x48x16xf32, #tpu.memory_space<hbm>> -> memref<48x16xf32, #tpu.memory_space<hbm>>
          %dma_wait3A_245 = arith.constant 0 : i32
          %dma_wait3A_246 = tpu.memref_slice %arg8[%arg0, %add3A_222, %dma_wait3A_245] : memref<2x10000x16xf32, #tpu.memory_space<hbm>> -> memref<1x48x16xf32, #tpu.memory_space<hbm>>
          %dma_wait3A_247 = tpu.memref_squeeze %dma_wait3A_246 : memref<1x48x16xf32, #tpu.memory_space<hbm>> -> memref<48x16xf32, #tpu.memory_space<hbm>>
          %dma_wait3A_248 = arith.constant 0 : i32
          %dma_wait3A_249 = arith.constant 0 : i32
          %dma_wait3A_250 = tpu.memref_slice %arg14[%dma_wait3A_248, %dma_wait3A_249] : memref<160x16xf32, #tpu.memory_space<vmem>> -> memref<48x16xf32, #tpu.memory_space<vmem>>
          tpu.wait_dma2 semaphore(%run_scoped3A_226 : memref<!tpu.dma_semaphore, #tpu.memory_space<semaphore_mem>>) src(%dma_wait3A_250 : memref<48x16xf32, #tpu.memory_space<vmem>>) dst(%dma_wait3A_247 : memref<48x16xf32, #tpu.memory_space<hbm>>)
          tpu.yield
        }) : () -> ()
        %scan3A_225 = arith.constant 0 : i32
        scf.yield %scan3A_225 : i32
      }
      %scan3A_217 = arith.constant 13 : i32
    } else {
    }
    %eq3A_206 = arith.constant 15 : i32
    %eq3A_207 = arith.cmpi eq, %arg1, %eq3A_206 : i32
    %convert_element_type3A_208 = arith.extui %eq3A_207 : i1 to i32
    %cond3A_209 = arith.constant 0 : i32
    %cond3A_210 = arith.cmpi ne, %convert_element_type3A_208, %cond3A_209 : i32
    scf.if %cond3A_210 {
      %scan3A_211 = arith.constant 0 : i32
      %scan3A_212 = arith.constant 0 : i32
      %scan3A_213 = arith.constant 8 : i32
      %scan3A_214 = arith.addi %scan3A_212, %scan3A_213 : i32
      %scan3A_215 = arith.constant 1 : i32
      %scan3A_216 = scf.for %scan3A_218 = %scan3A_212 to %scan3A_214 step %scan3A_215 iter_args(%scan3A_219 = %scan3A_211) -> (i32)  : i32 {
        %mul3A_220 = arith.constant 80 : i32
        %mul3A_221 = arith.muli %scan3A_218, %mul3A_220 : i32
        %add3A_222 = arith.addi %mul3A_26, %mul3A_221 : i32
        %run_scoped3A_223 = arith.constant 0 : i32
        "tpu.region"() ({
          %run_scoped3A_226 = tpu.sem_alloc : memref<!tpu.dma_semaphore, #tpu.memory_space<semaphore_mem>>
          %dma_start3A_227 = arith.constant 0 : i32
          %dma_start3A_228 = arith.constant 0 : i32
          %dma_start3A_229 = tpu.memref_slice %arg13[%run_scoped3A_223, %dma_start3A_227, %dma_start3A_228] : memref<2x160x64xf32, #tpu.memory_space<vmem>> -> memref<1x80x64xf32, #tpu.memory_space<vmem>>
          %dma_start3A_230 = tpu.memref_squeeze %dma_start3A_229 : memref<1x80x64xf32, #tpu.memory_space<vmem>> -> memref<80x64xf32, #tpu.memory_space<vmem>>
          %dma_start3A_231 = arith.constant 0 : i32
          %dma_start3A_232 = tpu.memref_slice %arg15[%add3A_222, %dma_start3A_231] : memref<10000x64xf32, #tpu.memory_space<vmem_shared>> -> memref<80x64xf32, #tpu.memory_space<vmem_shared>>
          %dma_start3A_233 = arith.constant 0 : i32
          %dma_start3A_234 = arith.constant 0 : i32
          %dma_start3A_235 = tpu.memref_slice %arg13[%run_scoped3A_223, %dma_start3A_233, %dma_start3A_234] : memref<2x160x64xf32, #tpu.memory_space<vmem>> -> memref<1x80x64xf32, #tpu.memory_space<vmem>>
          %dma_start3A_236 = tpu.memref_squeeze %dma_start3A_235 : memref<1x80x64xf32, #tpu.memory_space<vmem>> -> memref<80x64xf32, #tpu.memory_space<vmem>>
          %dma_start3A_237 = arith.constant 0 : i32
          %dma_start3A_238 = tpu.memref_slice %arg15[%add3A_222, %dma_start3A_237] : memref<10000x64xf32, #tpu.memory_space<vmem_shared>> -> memref<80x64xf32, #tpu.memory_space<vmem_shared>>
          tpu.enqueue_dma source(%dma_start3A_238 : memref<80x64xf32, #tpu.memory_space<vmem_shared>>) target(%dma_start3A_236 : memref<80x64xf32, #tpu.memory_space<vmem>>) target_semaphore(%run_scoped3A_226 : memref<!tpu.dma_semaphore, #tpu.memory_space<semaphore_mem>>)
          %dma_wait3A_239 = arith.constant 0 : i32
          %dma_wait3A_240 = arith.constant 0 : i32
          %dma_wait3A_241 = tpu.memref_slice %arg13[%run_scoped3A_223, %dma_wait3A_239, %dma_wait3A_240] : memref<2x160x64xf32, #tpu.memory_space<vmem>> -> memref<1x80x64xf32, #tpu.memory_space<vmem>>
          %dma_wait3A_242 = tpu.memref_squeeze %dma_wait3A_241 : memref<1x80x64xf32, #tpu.memory_space<vmem>> -> memref<80x64xf32, #tpu.memory_space<vmem>>
          %dma_wait3A_243 = arith.constant 0 : i32
          %dma_wait3A_244 = tpu.memref_slice %arg15[%add3A_222, %dma_wait3A_243] : memref<10000x64xf32, #tpu.memory_space<vmem_shared>> -> memref<80x64xf32, #tpu.memory_space<vmem_shared>>
          %dma_wait3A_245 = arith.constant 0 : i32
          %dma_wait3A_246 = arith.constant 0 : i32
          %dma_wait3A_247 = tpu.memref_slice %arg13[%run_scoped3A_223, %dma_wait3A_245, %dma_wait3A_246] : memref<2x160x64xf32, #tpu.memory_space<vmem>> -> memref<1x80x64xf32, #tpu.memory_space<vmem>>
          %dma_wait3A_248 = tpu.memref_squeeze %dma_wait3A_247 : memref<1x80x64xf32, #tpu.memory_space<vmem>> -> memref<80x64xf32, #tpu.memory_space<vmem>>
          %dma_wait3A_249 = arith.constant 0 : i32
          %dma_wait3A_250 = tpu.memref_slice %arg15[%add3A_222, %dma_wait3A_249] : memref<10000x64xf32, #tpu.memory_space<vmem_shared>> -> memref<80x64xf32, #tpu.memory_space<vmem_shared>>
          tpu.wait_dma2 semaphore(%run_scoped3A_226 : memref<!tpu.dma_semaphore, #tpu.memory_space<semaphore_mem>>) src(%dma_wait3A_250 : memref<80x64xf32, #tpu.memory_space<vmem_shared>>) dst(%dma_wait3A_248 : memref<80x64xf32, #tpu.memory_space<vmem>>)
          tpu.yield
        }) : () -> ()
        %run_scoped3A_224 = arith.constant 0 : i32
        "tpu.region"() ({
          %run_scoped3A_226 = tpu.sem_alloc : memref<!tpu.dma_semaphore, #tpu.memory_space<semaphore_mem>>
          %dma_start3A_227 = arith.constant 0 : i32
          %dma_start3A_228 = arith.constant 0 : i32
          %dma_start3A_229 = tpu.memref_slice %arg13[%run_scoped3A_224, %dma_start3A_227, %dma_start3A_228] : memref<2x160x64xf32, #tpu.memory_space<vmem>> -> memref<1x80x64xf32, #tpu.memory_space<vmem>>
          %dma_start3A_230 = tpu.memref_squeeze %dma_start3A_229 : memref<1x80x64xf32, #tpu.memory_space<vmem>> -> memref<80x64xf32, #tpu.memory_space<vmem>>
          %dma_start3A_231 = arith.constant 0 : i32
          %dma_start3A_232 = tpu.memref_slice %arg7[%arg0, %add3A_222, %dma_start3A_231] : memref<2x10000x64xf32, #tpu.memory_space<hbm>> -> memref<1x80x64xf32, #tpu.memory_space<hbm>>
          %dma_start3A_233 = tpu.memref_squeeze %dma_start3A_232 : memref<1x80x64xf32, #tpu.memory_space<hbm>> -> memref<80x64xf32, #tpu.memory_space<hbm>>
          %dma_start3A_234 = arith.constant 0 : i32
          %dma_start3A_235 = tpu.memref_slice %arg7[%arg0, %add3A_222, %dma_start3A_234] : memref<2x10000x64xf32, #tpu.memory_space<hbm>> -> memref<1x80x64xf32, #tpu.memory_space<hbm>>
          %dma_start3A_236 = tpu.memref_squeeze %dma_start3A_235 : memref<1x80x64xf32, #tpu.memory_space<hbm>> -> memref<80x64xf32, #tpu.memory_space<hbm>>
          %dma_start3A_237 = arith.constant 0 : i32
          %dma_start3A_238 = arith.constant 0 : i32
          %dma_start3A_239 = tpu.memref_slice %arg13[%run_scoped3A_224, %dma_start3A_237, %dma_start3A_238] : memref<2x160x64xf32, #tpu.memory_space<vmem>> -> memref<1x80x64xf32, #tpu.memory_space<vmem>>
          %dma_start3A_240 = tpu.memref_squeeze %dma_start3A_239 : memref<1x80x64xf32, #tpu.memory_space<vmem>> -> memref<80x64xf32, #tpu.memory_space<vmem>>
          tpu.enqueue_dma source(%dma_start3A_240 : memref<80x64xf32, #tpu.memory_space<vmem>>) target(%dma_start3A_236 : memref<80x64xf32, #tpu.memory_space<hbm>>) target_semaphore(%run_scoped3A_226 : memref<!tpu.dma_semaphore, #tpu.memory_space<semaphore_mem>>)
          %dma_wait3A_241 = arith.constant 0 : i32
          %dma_wait3A_242 = arith.constant 0 : i32
          %dma_wait3A_243 = tpu.memref_slice %arg13[%run_scoped3A_224, %dma_wait3A_241, %dma_wait3A_242] : memref<2x160x64xf32, #tpu.memory_space<vmem>> -> memref<1x80x64xf32, #tpu.memory_space<vmem>>
          %dma_wait3A_244 = tpu.memref_squeeze %dma_wait3A_243 : memref<1x80x64xf32, #tpu.memory_space<vmem>> -> memref<80x64xf32, #tpu.memory_space<vmem>>
          %dma_wait3A_245 = arith.constant 0 : i32
          %dma_wait3A_246 = tpu.memref_slice %arg7[%arg0, %add3A_222, %dma_wait3A_245] : memref<2x10000x64xf32, #tpu.memory_space<hbm>> -> memref<1x80x64xf32, #tpu.memory_space<hbm>>
          %dma_wait3A_247 = tpu.memref_squeeze %dma_wait3A_246 : memref<1x80x64xf32, #tpu.memory_space<hbm>> -> memref<80x64xf32, #tpu.memory_space<hbm>>
          %dma_wait3A_248 = arith.constant 0 : i32
          %dma_wait3A_249 = tpu.memref_slice %arg7[%arg0, %add3A_222, %dma_wait3A_248] : memref<2x10000x64xf32, #tpu.memory_space<hbm>> -> memref<1x80x64xf32, #tpu.memory_space<hbm>>
          %dma_wait3A_250 = tpu.memref_squeeze %dma_wait3A_249 : memref<1x80x64xf32, #tpu.memory_space<hbm>> -> memref<80x64xf32, #tpu.memory_space<hbm>>
          %dma_wait3A_251 = arith.constant 0 : i32
          %dma_wait3A_252 = arith.constant 0 : i32
          %dma_wait3A_253 = tpu.memref_slice %arg13[%run_scoped3A_224, %dma_wait3A_251, %dma_wait3A_252] : memref<2x160x64xf32, #tpu.memory_space<vmem>> -> memref<1x80x64xf32, #tpu.memory_space<vmem>>
          %dma_wait3A_254 = tpu.memref_squeeze %dma_wait3A_253 : memref<1x80x64xf32, #tpu.memory_space<vmem>> -> memref<80x64xf32, #tpu.memory_space<vmem>>
          tpu.wait_dma2 semaphore(%run_scoped3A_226 : memref<!tpu.dma_semaphore, #tpu.memory_space<semaphore_mem>>) src(%dma_wait3A_254 : memref<80x64xf32, #tpu.memory_space<vmem>>) dst(%dma_wait3A_250 : memref<80x64xf32, #tpu.memory_space<hbm>>)
          tpu.yield
        }) : () -> ()
        "tpu.region"() ({
          %run_scoped3A_226 = tpu.sem_alloc : memref<!tpu.dma_semaphore, #tpu.memory_space<semaphore_mem>>
          %dma_start3A_227 = arith.constant 0 : i32
          %dma_start3A_228 = arith.constant 0 : i32
          %dma_start3A_229 = tpu.memref_slice %arg14[%dma_start3A_227, %dma_start3A_228] : memref<160x16xf32, #tpu.memory_space<vmem>> -> memref<80x16xf32, #tpu.memory_space<vmem>>
          %dma_start3A_230 = arith.constant 0 : i32
          %dma_start3A_231 = tpu.memref_slice %arg16[%add3A_222, %dma_start3A_230] : memref<10000x16xf32, #tpu.memory_space<vmem_shared>> -> memref<80x16xf32, #tpu.memory_space<vmem_shared>>
          %dma_start3A_232 = arith.constant 0 : i32
          %dma_start3A_233 = arith.constant 0 : i32
          %dma_start3A_234 = tpu.memref_slice %arg14[%dma_start3A_232, %dma_start3A_233] : memref<160x16xf32, #tpu.memory_space<vmem>> -> memref<80x16xf32, #tpu.memory_space<vmem>>
          %dma_start3A_235 = arith.constant 0 : i32
          %dma_start3A_236 = tpu.memref_slice %arg16[%add3A_222, %dma_start3A_235] : memref<10000x16xf32, #tpu.memory_space<vmem_shared>> -> memref<80x16xf32, #tpu.memory_space<vmem_shared>>
          tpu.enqueue_dma source(%dma_start3A_236 : memref<80x16xf32, #tpu.memory_space<vmem_shared>>) target(%dma_start3A_234 : memref<80x16xf32, #tpu.memory_space<vmem>>) target_semaphore(%run_scoped3A_226 : memref<!tpu.dma_semaphore, #tpu.memory_space<semaphore_mem>>)
          %dma_wait3A_237 = arith.constant 0 : i32
          %dma_wait3A_238 = arith.constant 0 : i32
          %dma_wait3A_239 = tpu.memref_slice %arg14[%dma_wait3A_237, %dma_wait3A_238] : memref<160x16xf32, #tpu.memory_space<vmem>> -> memref<80x16xf32, #tpu.memory_space<vmem>>
          %dma_wait3A_240 = arith.constant 0 : i32
          %dma_wait3A_241 = tpu.memref_slice %arg16[%add3A_222, %dma_wait3A_240] : memref<10000x16xf32, #tpu.memory_space<vmem_shared>> -> memref<80x16xf32, #tpu.memory_space<vmem_shared>>
          %dma_wait3A_242 = arith.constant 0 : i32
          %dma_wait3A_243 = arith.constant 0 : i32
          %dma_wait3A_244 = tpu.memref_slice %arg14[%dma_wait3A_242, %dma_wait3A_243] : memref<160x16xf32, #tpu.memory_space<vmem>> -> memref<80x16xf32, #tpu.memory_space<vmem>>
          %dma_wait3A_245 = arith.constant 0 : i32
          %dma_wait3A_246 = tpu.memref_slice %arg16[%add3A_222, %dma_wait3A_245] : memref<10000x16xf32, #tpu.memory_space<vmem_shared>> -> memref<80x16xf32, #tpu.memory_space<vmem_shared>>
          tpu.wait_dma2 semaphore(%run_scoped3A_226 : memref<!tpu.dma_semaphore, #tpu.memory_space<semaphore_mem>>) src(%dma_wait3A_246 : memref<80x16xf32, #tpu.memory_space<vmem_shared>>) dst(%dma_wait3A_244 : memref<80x16xf32, #tpu.memory_space<vmem>>)
          tpu.yield
        }) : () -> ()
        "tpu.region"() ({
          %run_scoped3A_226 = tpu.sem_alloc : memref<!tpu.dma_semaphore, #tpu.memory_space<semaphore_mem>>
          %dma_start3A_227 = arith.constant 0 : i32
          %dma_start3A_228 = arith.constant 0 : i32
          %dma_start3A_229 = tpu.memref_slice %arg14[%dma_start3A_227, %dma_start3A_228] : memref<160x16xf32, #tpu.memory_space<vmem>> -> memref<80x16xf32, #tpu.memory_space<vmem>>
          %dma_start3A_230 = arith.constant 0 : i32
          %dma_start3A_231 = tpu.memref_slice %arg8[%arg0, %add3A_222, %dma_start3A_230] : memref<2x10000x16xf32, #tpu.memory_space<hbm>> -> memref<1x80x16xf32, #tpu.memory_space<hbm>>
          %dma_start3A_232 = tpu.memref_squeeze %dma_start3A_231 : memref<1x80x16xf32, #tpu.memory_space<hbm>> -> memref<80x16xf32, #tpu.memory_space<hbm>>
          %dma_start3A_233 = arith.constant 0 : i32
          %dma_start3A_234 = tpu.memref_slice %arg8[%arg0, %add3A_222, %dma_start3A_233] : memref<2x10000x16xf32, #tpu.memory_space<hbm>> -> memref<1x80x16xf32, #tpu.memory_space<hbm>>
          %dma_start3A_235 = tpu.memref_squeeze %dma_start3A_234 : memref<1x80x16xf32, #tpu.memory_space<hbm>> -> memref<80x16xf32, #tpu.memory_space<hbm>>
          %dma_start3A_236 = arith.constant 0 : i32
          %dma_start3A_237 = arith.constant 0 : i32
          %dma_start3A_238 = tpu.memref_slice %arg14[%dma_start3A_236, %dma_start3A_237] : memref<160x16xf32, #tpu.memory_space<vmem>> -> memref<80x16xf32, #tpu.memory_space<vmem>>
          tpu.enqueue_dma source(%dma_start3A_238 : memref<80x16xf32, #tpu.memory_space<vmem>>) target(%dma_start3A_235 : memref<80x16xf32, #tpu.memory_space<hbm>>) target_semaphore(%run_scoped3A_226 : memref<!tpu.dma_semaphore, #tpu.memory_space<semaphore_mem>>)
          %dma_wait3A_239 = arith.constant 0 : i32
          %dma_wait3A_240 = arith.constant 0 : i32
          %dma_wait3A_241 = tpu.memref_slice %arg14[%dma_wait3A_239, %dma_wait3A_240] : memref<160x16xf32, #tpu.memory_space<vmem>> -> memref<80x16xf32, #tpu.memory_space<vmem>>
          %dma_wait3A_242 = arith.constant 0 : i32
          %dma_wait3A_243 = tpu.memref_slice %arg8[%arg0, %add3A_222, %dma_wait3A_242] : memref<2x10000x16xf32, #tpu.memory_space<hbm>> -> memref<1x80x16xf32, #tpu.memory_space<hbm>>
          %dma_wait3A_244 = tpu.memref_squeeze %dma_wait3A_243 : memref<1x80x16xf32, #tpu.memory_space<hbm>> -> memref<80x16xf32, #tpu.memory_space<hbm>>
          %dma_wait3A_245 = arith.constant 0 : i32
          %dma_wait3A_246 = tpu.memref_slice %arg8[%arg0, %add3A_222, %dma_wait3A_245] : memref<2x10000x16xf32, #tpu.memory_space<hbm>> -> memref<1x80x16xf32, #tpu.memory_space<hbm>>
          %dma_wait3A_247 = tpu.memref_squeeze %dma_wait3A_246 : memref<1x80x16xf32, #tpu.memory_space<hbm>> -> memref<80x16xf32, #tpu.memory_space<hbm>>
          %dma_wait3A_248 = arith.constant 0 : i32
          %dma_wait3A_249 = arith.constant 0 : i32
          %dma_wait3A_250 = tpu.memref_slice %arg14[%dma_wait3A_248, %dma_wait3A_249] : memref<160x16xf32, #tpu.memory_space<vmem>> -> memref<80x16xf32, #tpu.memory_space<vmem>>
          tpu.wait_dma2 semaphore(%run_scoped3A_226 : memref<!tpu.dma_semaphore, #tpu.memory_space<semaphore_mem>>) src(%dma_wait3A_250 : memref<80x16xf32, #tpu.memory_space<vmem>>) dst(%dma_wait3A_247 : memref<80x16xf32, #tpu.memory_space<hbm>>)
          tpu.yield
        }) : () -> ()
        %scan3A_225 = arith.constant 0 : i32
        scf.yield %scan3A_225 : i32
      }
      %scan3A_217 = arith.constant 8 : i32
    } else {
    }
    return
  }
}

module attributes {stable_mosaic.version = 14 : i64} {
  func.func @_proj_body(%arg0: i32, %arg1: memref<2000x128xf32, #tpu.memory_space<vmem>>, %arg2: memref<128x128xf32, #tpu.memory_space<vmem>>, %arg3: memref<2000x128xf32, #tpu.memory_space<vmem>>) attributes {dimension_semantics = [#tpu.dimension_semantics<arbitrary>], iteration_bounds = array<i64: 5>, scalar_prefetch = 0 : i64, scratch_operands = 0 : i64, tpu.core_type = #tpu.core_type<tc>, window_params = [{transform_indices = @transform_0, window_bounds = array<i64: 2000, 128>}, {pipeline_mode = #tpu.pipeline_mode<synchronous>, transform_indices = @transform_1, window_bounds = array<i64: 128, 128>}, {transform_indices = @transform_2, window_bounds = array<i64: 2000, 128>}]} {
    %get3A = arith.constant 0 : index
    %get3A_0 = arith.constant 0 : index
    %get3A_1 = vector.load %arg1[%get3A, %get3A_0] : memref<2000x128xf32, #tpu.memory_space<vmem>>, vector<2000x128xf32>
    %get3A_2 = arith.constant 0 : index
    %get3A_3 = arith.constant 0 : index
    %get3A_4 = vector.load %arg2[%get3A_2, %get3A_3] : memref<128x128xf32, #tpu.memory_space<vmem>>, vector<128x128xf32>
    %dot_general3A = arith.constant dense<0.000000e+00> : vector<2000x128xf32>
    %dot_general3A_5 = tpu.matmul %get3A_1, %get3A_4, %dot_general3A {dimension_numbers = #tpu.dot_dimension_numbers<[1], [0], [0], [1], [0, 0, 1, 1], [], []>, precision = #tpu.contract_precision<fp32>, transpose_lhs_hint = false} : vector<2000x128xf32>, vector<128x128xf32>, vector<2000x128xf32> -> vector<2000x128xf32>
    %swap3A = arith.constant 0 : index
    %swap3A_6 = arith.constant 0 : index
    %swap3A_7 = vector.load %arg3[%swap3A, %swap3A_6] : memref<2000x128xf32, #tpu.memory_space<vmem>>, vector<2000x128xf32>
    tpu.vector_store %arg3[%swap3A, %swap3A_6], %dot_general3A_5 {strides = array<i32>} : memref<2000x128xf32, #tpu.memory_space<vmem>>, vector<2000x128xf32>,
    return
  }
  func.func @transform_0(%arg0: i32) -> (i32, i32) {
    %c0_i32 = arith.constant 0 : i32
    %c0_i32_0 = arith.constant 0 : i32
    return %arg0, %c0_i32 : i32, i32
  }
  func.func @transform_1(%arg0: i32) -> (i32, i32) {
    %c0_i32 = arith.constant 0 : i32
    %c0_i32_0 = arith.constant 0 : i32
    %c0_i32_1 = arith.constant 0 : i32
    return %c0_i32, %c0_i32_0 : i32, i32
  }
  func.func @transform_2(%arg0: i32) -> (i32, i32) {
    %c0_i32 = arith.constant 0 : i32
    %c0_i32_0 = arith.constant 0 : i32
    return %arg0, %c0_i32 : i32, i32
  }
}

module attributes {stable_mosaic.version = 14 : i64} {
  func.func @_combine_body(%arg0: i32, %arg1: memref<2x2000x64xf32, #tpu.memory_space<vmem>>, %arg2: memref<2x2000x16xf32, #tpu.memory_space<vmem>>, %arg3: memref<4x128xf32, #tpu.memory_space<vmem>>, %arg4: memref<1x128xf32, #tpu.memory_space<vmem>>, %arg5: memref<2000x128xf32, #tpu.memory_space<vmem>>) attributes {dimension_semantics = [#tpu.dimension_semantics<arbitrary>], iteration_bounds = array<i64: 5>, scalar_prefetch = 0 : i64, scratch_operands = 0 : i64, tpu.core_type = #tpu.core_type<tc>, window_params = [{transform_indices = @transform_0, window_bounds = array<i64: 2, 2000, 64>}, {transform_indices = @transform_1, window_bounds = array<i64: 2, 2000, 16>}, {pipeline_mode = #tpu.pipeline_mode<synchronous>, transform_indices = @transform_2, window_bounds = array<i64: 4, 128>}, {pipeline_mode = #tpu.pipeline_mode<synchronous>, transform_indices = @transform_3, window_bounds = array<i64: 1, 128>}, {transform_indices = @transform_4, window_bounds = array<i64: 2000, 128>}]} {
    %get3A = arith.constant 0 : index
    %get3A_0 = arith.constant 0 : index
    %get3A_1 = arith.constant 0 : index
    %get3A_2 = vector.load %arg1[%get3A, %get3A_0, %get3A_1] : memref<2x2000x64xf32, #tpu.memory_space<vmem>>, vector<1x2000x64xf32>
    %get3A_3 = vector.shape_cast %get3A_2 : vector<1x2000x64xf32> to vector<2000x64xf32>
    %get3A_4 = arith.constant 1 : index
    %get3A_5 = arith.constant 0 : index
    %get3A_6 = arith.constant 0 : index
    %get3A_7 = vector.load %arg1[%get3A_4, %get3A_5, %get3A_6] : memref<2x2000x64xf32, #tpu.memory_space<vmem>>, vector<1x2000x64xf32>
    %get3A_8 = vector.shape_cast %get3A_7 : vector<1x2000x64xf32> to vector<2000x64xf32>
    %concatenate3A = tpu.concatenate %get3A_3, %get3A_8 in 1 : vector<2000x64xf32>, vector<2000x64xf32> -> vector<2000x128xf32>
    %get3A_9 = arith.constant 0 : index
    %get3A_10 = arith.constant 0 : index
    %get3A_11 = arith.constant 0 : index
    %get3A_12 = vector.load %arg2[%get3A_9, %get3A_10, %get3A_11] : memref<2x2000x16xf32, #tpu.memory_space<vmem>>, vector<1x2000x2xf32>
    %get3A_13 = vector.shape_cast %get3A_12 : vector<1x2000x2xf32> to vector<2000x2xf32>
    %get3A_14 = arith.constant 1 : index
    %get3A_15 = arith.constant 0 : index
    %get3A_16 = arith.constant 0 : index
    %get3A_17 = vector.load %arg2[%get3A_14, %get3A_15, %get3A_16] : memref<2x2000x16xf32, #tpu.memory_space<vmem>>, vector<1x2000x2xf32>
    %get3A_18 = vector.shape_cast %get3A_17 : vector<1x2000x2xf32> to vector<2000x2xf32>
    %concatenate3A_19 = tpu.concatenate %get3A_13, %get3A_18 in 1 : vector<2000x2xf32>, vector<2000x2xf32> -> vector<2000x4xf32>
    %add3A = arith.constant 9.99999971E-10 : f32
    %add3A_20 = vector.broadcast %add3A : f32 to vector<2000x4xf32>
    %add3A_21 = arith.addf %concatenate3A_19, %add3A_20 : vector<2000x4xf32>
    %div3A = arith.constant 1.000000e+00 : f32
    %div3A_22 = vector.broadcast %div3A : f32 to vector<2000x4xf32>
    %div3A_23 = arith.divf %div3A_22, %add3A_21 : vector<2000x4xf32>
    %get3A_24 = arith.constant 0 : index
    %get3A_25 = arith.constant 0 : index
    %get3A_26 = vector.load %arg3[%get3A_24, %get3A_25] : memref<4x128xf32, #tpu.memory_space<vmem>>, vector<4x128xf32>
    %dot_general3A = arith.constant dense<0.000000e+00> : vector<2000x128xf32>
    %dot_general3A_27 = tpu.matmul %div3A_23, %get3A_26, %dot_general3A {dimension_numbers = #tpu.dot_dimension_numbers<[1], [0], [0], [1], [0, 0, 1, 1], [], []>, precision = #tpu.contract_precision<fp32>, transpose_lhs_hint = false} : vector<2000x4xf32>, vector<4x128xf32>, vector<2000x128xf32> -> vector<2000x128xf32>
    %mul3A = arith.mulf %concatenate3A, %dot_general3A_27 : vector<2000x128xf32>
    %get3A_28 = arith.constant 0 : index
    %get3A_29 = arith.constant 0 : index
    %get3A_30 = vector.load %arg4[%get3A_28, %get3A_29] : memref<1x128xf32, #tpu.memory_space<vmem>>, vector<1x128xf32>
    %add3A_31 = vector.broadcast %get3A_30 : vector<1x128xf32> to vector<2000x128xf32>
    %add3A_32 = arith.addf %mul3A, %add3A_31 : vector<2000x128xf32>
    %swap3A = arith.constant 0 : index
    %swap3A_33 = arith.constant 0 : index
    %swap3A_34 = vector.load %arg5[%swap3A, %swap3A_33] : memref<2000x128xf32, #tpu.memory_space<vmem>>, vector<2000x128xf32>
    tpu.vector_store %arg5[%swap3A, %swap3A_33], %add3A_32 {strides = array<i32>} : memref<2000x128xf32, #tpu.memory_space<vmem>>, vector<2000x128xf32>,
    return
  }
  func.func @transform_0(%arg0: i32) -> (i32, i32, i32) {
    %c0_i32 = arith.constant 0 : i32
    %c0_i32_0 = arith.constant 0 : i32
    %c0_i32_1 = arith.constant 0 : i32
    return %c0_i32, %arg0, %c0_i32_0 : i32, i32, i32
  }
  func.func @transform_1(%arg0: i32) -> (i32, i32, i32) {
    %c0_i32 = arith.constant 0 : i32
    %c0_i32_0 = arith.constant 0 : i32
    %c0_i32_1 = arith.constant 0 : i32
    return %c0_i32, %arg0, %c0_i32_0 : i32, i32, i32
  }
  func.func @transform_2(%arg0: i32) -> (i32, i32) {
    %c0_i32 = arith.constant 0 : i32
    %c0_i32_0 = arith.constant 0 : i32
    %c0_i32_1 = arith.constant 0 : i32
    return %c0_i32, %c0_i32_0 : i32, i32
  }
  func.func @transform_3(%arg0: i32) -> (i32, i32) {
    %c0_i32 = arith.constant 0 : i32
    %c0_i32_0 = arith.constant 0 : i32
    %c0_i32_1 = arith.constant 0 : i32
    return %c0_i32, %c0_i32_0 : i32, i32
  }
  func.func @transform_4(%arg0: i32) -> (i32, i32) {
    %c0_i32 = arith.constant 0 : i32
    %c0_i32_0 = arith.constant 0 : i32
    return %arg0, %c0_i32 : i32, i32
  }
}

</mosaic_0001>

<sc_bundles>
// kernel: kernel.5.cloned.1.call-start
scs
__scs_entry_jumppad:
0x0: {  	(pc) =	sbr.rel $0x88, $3  }
0x1: {  	(tag) =	ssettag $0x0;
	lr =	simm.s32 $0x1  }
0x2: {  	[smem:$0x3F9B] =	sst lr;
	_ =	strace $0xD0000000  }
0x3: {  	_ = 	snop  }
0x4: {  	_ = 	snop  }
0x5: {  	_ = 	snop  }
0x6: {  	_ = 	snop  }
0x7: {  	_ = 	snop  }
__scs_overlays_trampoline_lowered:
0x8: {  	[smem:$0x3FAA] =	sst s0  }
0x9: {  	[smem:$0x3FAB] =	sst s1  }
0xa: {  	[smem:$0x3FAC] =	sst s2  }
0xb: {  	[smem:$0x3FAD] =	sst s3  }
0xc: {  	[smem:$0x3FAE] =	sst s4  }
0xd: {  	[smem:$0x3FAF] =	sst s5  }
0xe: {  	[smem:$0x3FB0] =	sst s6  }
0xf: {  	[smem:$0x3FB1] =	sst s7  }
0x10: {  	[smem:$0x3FB2] =	sst s8  }
0x11: {  	[smem:$0x3FB3] =	sst s9;
	s0 =	simm.s32 @!p0 $0x0  }
0x12: {  	s1 =	sld [smem:$0x3F99];
	s0 =	simm.s32 @p0 $0x1  }
0x13: {  	[smem:$0x3FB4] =	sst s0;
	s0 =	simm.s32 @!p1 $0x0  }
0x14: {  	s2 =	sld [smem:$0x3F98];
	s0 =	simm.s32 @p1 $0x1  }
0x15: {  	[smem:$0x3FB5] =	sst s0;
	s0 =	simm.s32 @!p2 $0x0  }
0x16: {  	s3 =	sld [smem:$0x3FDB];
	s0 =	simm.s32 @p2 $0x1  }
0x17: {  	s4 =	simm.s32 $0x1BF5;
	[smem:$0x3FB7] =	sst s0  }
0x18: {  	s0 =	sld [smem:$0x3F9A];
	_ =	swait.ge [sflag:s4], $0x0  }
0x19: {  	s7 =	sld [smem:$0x3F9B]  }
0x1a: {  	s8 =	sadd.s32 $0xFFFFE003, lr  }
0x1b: {  	s9 =	sadd.s32 $0xFFFFFEF7, lr;
	s5 =	simm.s32 $0xFFFFFFFF;
	p2 =	slt.u32 s8, $0xFFFFF086  }
0x1c: {  	p1 =	slt.u32 s9, $0xF7A;
	s5 =	simm.s32 @!p2 $0x0  }
0x1d: {  	s5 =	simm.s32 @p1 $0x1;
	p0 =	seq.s32 s7, s2  }
0x1e: {  	s7 =	smul.u32 @!p0 $0xF7A, s2;
	p2 =	seq.s32 @!p0 s5, $0x0  }
0x1f: {  	s9 =	smul.u32 $0xF7A, s1;
	s8 =	simm.s32 @!p0 $0x1BF5;
	p2 =	por !p2, p0  }
0x20: {  	[sflag:s8] =	ssyncset.s32 @!p0 $0xFFFFF086;
	s6 =	sadd.s32 @!p0 s3, s7;
	s7 =	simm.s32 @!p0 $0x108  }
0x21: {  	s3 =	sadd.s32 s3, s9;
	s6 =	sadd.s32 @!p0 $0x88, s6;
	s7 =	simm.s32 @p2 $0x1082  }
0x22: {  	[simem:s7], [sflag:s8] =	dma.local @!p0 [hbm:s6], $0xF7A  }
0x23: {  	s9 =	sor.u32 $0xD0000000, s2;
	s6 =	simm.s32 $0x108;
	_ =	swait.ge @!p0 [sflag:s8], $0x0  }
0x24: {  	s3 =	sadd.s32 $0x88, s3;
	s6 =	simm.s32 @!p1 $0x1082;
	[sflag:s4] =	ssyncset.s32 $0xFFFFF086  }
0x25: {  	[simem:s6], [sflag:s4] =	dma.local [hbm:s3], $0xF7A  }
0x26: {  	[smem:$0x3F9B] =	sst s1;
	(tag) =	ssettag s2;
	_ =	strace s9  }
0x27: {  	s1 =	sld [smem:$0x3FAB]  }
0x28: {  	s2 =	sld [smem:$0x3FAC]  }
0x29: {  	s4 =	sld [smem:$0x3FAE]  }
0x2a: {  	p0 =	seq.s32 s5, $0x0;
	s5 =	sld [smem:$0x3FAF]  }
0x2b: {  	s6 =	sld [smem:$0x3FB0]  }
0x2c: {  	s7 =	sld [smem:$0x3FB1]  }
0x2d: {  	s3 =	simm.s32 $0x108;
	s8 =	sld [smem:$0x3FB2]  }
0x2e: {  	s3 =	simm.s32 @!p0 $0x1082;
	s9 =	sld [smem:$0x3FB3]  }
0x2f: {  	lr =	sadd.s32 s0, s3;
	s0 =	sld [smem:$0x3FAA]  }
0x30: {  	s3 =	sld [smem:$0x3FAD]  }
0x31: {  	[smem:$0x3FB6] =	sst s10  }
0x32: {  	s10 =	sld [smem:$0x3FB4];
	_ =	sdelay $0x3  }
0x33: {  	p0 =	seq.s32 s10, $0x1;
	s10 =	sld [smem:$0x3FB6];
	_ =	sdelay $0x3  }
0x34: {  	[smem:$0x3FB6] =	sst s10  }
0x35: {  	s10 =	sld [smem:$0x3FB5];
	_ =	sdelay $0x3  }
0x36: {  	p1 =	seq.s32 s10, $0x1;
	s10 =	sld [smem:$0x3FB6];
	_ =	sdelay $0x3  }
0x37: {  	[smem:$0x3FB6] =	sst s10  }
0x38: {  	s10 =	sld [smem:$0x3FB7]  }
0x39: {  	_ = 	snop;
	(pc) =	sbr.ind lr, $3  }
0x3a: {  	_ = 	snop  }
0x3b: {  	_ = 	snop  }
0x3c: {  	p2 =	seq.s32 s10, $0x1;
	s10 =	sld [smem:$0x3FB6]  }
0x3d: {  	_ =	shalt  }
0x3e: {  	_ =	shalt  }
0x3f: {  	_ =	shalt  }
0x40: {  	_ =	shalt  }
0x41: {  	_ =	shalt  }
0x42: {  	_ =	shalt  }
0x43: {  	_ =	shalt  }
0x44: {  	_ =	shalt  }
0x45: {  	_ =	shalt  }
0x46: {  	_ =	shalt  }
0x47: {  	_ =	shalt  }
0x48: {  	_ =	shalt  }
0x49: {  	_ =	shalt  }
0x4a: {  	_ =	shalt  }
0x4b: {  	_ =	shalt  }
0x4c: {  	_ =	shalt  }
0x4d: {  	_ =	shalt  }
0x4e: {  	_ =	shalt  }
0x4f: {  	_ =	shalt  }
0x50: {  	_ =	shalt  }
0x51: {  	_ =	shalt  }
0x52: {  	_ =	shalt  }
0x53: {  	_ =	shalt  }
0x54: {  	_ =	shalt  }
0x55: {  	_ =	shalt  }
0x56: {  	_ =	shalt  }
0x57: {  	_ =	shalt  }
0x58: {  	_ =	shalt  }
0x59: {  	_ =	shalt  }
0x5a: {  	_ =	shalt  }
0x5b: {  	_ =	shalt  }
0x5c: {  	_ =	shalt  }
0x5d: {  	_ =	shalt  }
0x5e: {  	_ =	shalt  }
0x5f: {  	_ =	shalt  }
0x60: {  	_ =	shalt  }
0x61: {  	_ =	shalt  }
0x62: {  	_ =	shalt  }
0x63: {  	_ =	shalt  }
0x64: {  	_ =	shalt  }
0x65: {  	_ =	shalt  }
0x66: {  	_ =	shalt  }
0x67: {  	_ =	shalt  }
0x68: {  	_ =	shalt  }
0x69: {  	_ =	shalt  }
0x6a: {  	_ =	shalt  }
0x6b: {  	_ =	shalt  }
0x6c: {  	_ =	shalt  }
0x6d: {  	_ =	shalt  }
0x6e: {  	_ =	shalt  }
0x6f: {  	_ =	shalt  }
0x70: {  	_ =	shalt  }
0x71: {  	_ =	shalt  }
0x72: {  	_ =	shalt  }
0x73: {  	_ =	shalt  }
0x74: {  	_ =	shalt  }
0x75: {  	_ =	shalt  }
0x76: {  	_ =	shalt  }
0x77: {  	_ =	shalt  }
0x78: {  	_ =	shalt  }
0x79: {  	_ =	shalt  }
0x7a: {  	_ =	shalt  }
0x7b: {  	_ =	shalt  }
0x7c: {  	_ =	shalt  }
0x7d: {  	_ =	shalt  }
0x7e: {  	_ =	shalt  }
0x7f: {  	_ =	shalt  }
0x80: {  	_ =	shalt  }
0x81: {  	_ =	shalt  }
0x82: {  	_ =	shalt  }
0x83: {  	_ =	shalt  }
0x84: {  	_ =	shalt  }
0x85: {  	_ =	shalt  }
0x86: {  	_ =	shalt  }
0x87: {  	_ =	shalt  }
.Lfunc_end0:
.L_simem_size_0:
called_computation_lowered:
.L_overlay_start_0:
0x88: {  	s2 =	sld [smem:$0x3FD9]  }
0x89: {  	s3 =	sld [smem:$0x3FFE];
	_ =	sdelay $0x1  }
0x8a: {  	s1 =	srdreg.scid  }
0x8b: {  	s0 =	sand.u32 $0x1, s1  }
0x8c: {  	s17 =	sshll.u32 s0, $0xA;
	s2 =	sadd.s32 s3, s2  }
0x8d: {  	s2 =	sadd.s32 s2, s17  }
0x8e: {  	[smem:$0x3FC2] =	sst s2  }
0x8f: {  	_ = 	snop  }
0x90: {  	s2 =	sld [smem:$0x3FD0];
	(tm) =	ssettm $0x1  }
0x91: {  	s18 =	sld [smem:$0x3FFB];
	_ =	sdelay $0x3  }
0x92: {  	_ =	strace s18  }
0x93: {  	s3 =	sld [smem:$0x3FFC];
	_ =	sdelay $0x3  }
0x94: {  	_ =	strace s3  }
0x95: {  	s3 =	sld [smem:$0x3FFD];
	_ =	sdelay $0x3  }
0x96: {  	_ =	strace s3  }
0x97: {  	_ =	strace $0x8FFFFFFF  }
0x98: {  	s19 =	sld [smem:$0x3FDB];
	_ =	sdelay $0x1  }
0x99: {  	s4 =	simm.s32 $_scs_section_size  }
0x9a: {  	s5 =	simm.s32 $_size__tile_overlayer_lowered;
	s6 =	simm.s32 $_tile_overlayer_lowered  }
0x9b: {  	s22 =	simm.s32 $0x1BFF;
	s21 =	sshll.u32 s6, $0x1;
	s3 =	sadd.s32 s4, s19  }
0x9c: {  	s7 =	simm.s32 $0x0;
	s20 =	sshll.u32 s5, $0x1;
	s5 =	sadd.s32 s21, s3  }
0x9d: {  	[timem:s7], [sflag:s22] =	dma.local [hbm:s5], s20  }
0x9e: {  	_ =	swait.ge [sflag:s22], s20  }
0x9f: {  	s4 =	ssub.s32 $0x0, s20;
	[sflag:s22] =	ssyncset.done $0x0  }
0xa0: {  	[sflag:s22] =	ssyncadd.s32 s4;
	_ =	sdelay $0x1  }
0xa1: {  	s23 =	simm.s32 $0x1B8B  }
0xa2: {  	_ =	swait.ge [sflag:s23], $0x1  }
0xa3: {  	[sflag:s23] =	ssyncset.done $0x0  }
0xa4: {  	s25 =	simm.s32 $0x1B8E;
	s24 =	sld [smem:$0x3FFE];
	[sflag:s23] =	ssyncadd.s32 $0xFFFFFFFF  }
0xa5: {  	s26 =	simm.s32 $execute0_lowered;
	[smem:$0x3FD2] =	sst s25  }
0xa6: {  	s5 =	sshll.u32 s26, $0x1;
	_ =	strace $0x80000046;
	[dreg:$0x1] =	wrdreg $0xFFFFFFFF  }
0xa7: {  	s28 =	simm.s32 $_size_execute0_lowered;
	s3 =	sadd.s32 s3, s5;
	[dreg:$0x0] =	wrdreg $0x0  }
0xa8: {  	s5 =	sshll.u32 s28, $0x1;
	[dreg:$0x2] =	wrdreg s3  }
0xa9: {  	[dreg:$0x3] =	wrdreg s5  }
0xaa: {  	[dreg:$0x4] =	wrdreg $0xC0  }
0xab: {  	_ =	task [dreg:s7], $0x5FFFF  }
0xac: {  	[dreg:$0x1] =	wrdreg $0xFFFFFFFF  }
0xad: {  	[dreg:$0x0] =	wrdreg $0x60  }
0xae: {  	[dreg:$0x2] =	wrdreg s2  }
0xaf: {  	[dreg:$0x3] =	wrdreg s24  }
0xb0: {  	[dreg:$0x4] =	wrdreg $0xF8C00  }
0xb1: {  	[dreg:$0x5] =	wrdreg $0x195000  }
0xb2: {  	[dreg:$0x6] =	wrdreg $0x9  }
0xb3: {  	_ =	task.clear_ibuf [dreg:s7], $0x7FFFF;
	_ =	strace $0x90000046  }
0xb4: {  	s29 =	simm.s32 $0x9;
	_ =	strace $0x80000048  }
0xb5: {  	_ =	swait.ge [sflag:s29], $0x1  }
0xb6: {  	[sflag:s29] =	ssyncadd.s32 $0xFFFFFFFF  }
0xb7: {  	_ =	strace $0x90000048  }
0xb8: {  	_ =	sfence  }
0xb9: {  	s30 =	sld [smem:$0x0];
	_ =	sdelay $0x2  }
0xba: {  	s31 =	sshll.u32 s1, $0xD;
	s1 =	sshrl.u32 s1, $0x2  }
0xbb: {  	s3 =	sand.u32 $0x4000, s31;
	s1 =	sadd.s32 s1, s30  }
0xbc: {  	s0 =	sor.u32 s3, s0;
	s1 =	sshll.u32 s1, $0x11  }
0xbd: {  	s0 =	sor.u32 s1, s0  }
0xbe: {  	s0 =	sadd.s32 $0x8F2B, s0  }
0xbf: {  	[sflag:s0] =	ssyncadd.remote.s32 $0x1  }
0xc0: {  	_ =	sfence.sel $0xFFFF  }
0xc1: {  	[dreg:$0x0] =	wrdreg $0xFFFFFFFF;
	(pc) =	sbr.abs _section_cstart, $3  }
0xc2: {  	[dreg:$0x1] =	wrdreg $0xFFFFFFFF  }
0xc3: {  	_ =	task.clear_ibuf [dreg:s7], $0x2FFFF;
	_ =	strace $0x9FFFFFFF  }
0xc4: {  	(tm) =	ssettm $0x7FFFFFFF  }
0xc5: {  	_ =	shalt  }
tec
execute0_lowered:
.L_overlay_start_1:
0x0: {  	(tag) =	ssettag $0x1  }
0x1: {  	s0 =	rddreg [dreg:$0x0]  }
0x2: {  	s1 =	rddreg [dreg:$0x1]  }
0x3: {  	s3 =	rddreg [dreg:$0x2]  }
0x4: {  	s2 =	srdreg.scid;
	s4 =	rddreg [dreg:$0x3]  }
0x5: {  	s16 =	stileid.u32;
	s5 =	simm.s32 $0x0;
	s28 =	simm.s32 $0xA0  }
0x6: {  	s29 =	simm.s32 $0x1;
	s30 =	simm.s32 $0x9CE0;
	s10 =	smul.u32 $0x9C00, s16  }
0x7: {  	s31 =	simm.s32 $0x9E20;
	s8 =	sand.u32 $0x1, s2;
	s13 =	smul.u32 $0x2700, s16  }
0x8: {  	[smem:$0x7FF] =	sst s5;
	s7 =	sadd.s32 $0xE00, s1;
	s15 =	smul.u32 $0x4E20, s16  }
0x9: {  	s20 =	sadd.s32 $0x92400, s3;
	s21 =	sadd.s32 $0x24900, s4;
	s22 =	smul.u32 $0x27000, s16  }
0xa: {  	s23 =	sadd.s32 $0x93800, s3;
	_ =	strace $0x80000047;
	[dreg:$0xa] =	wrdreg s20  }
0xb: {  	s24 =	sadd.s32 $0x24E00, s4;
	s25 =	sadd.s32 $0x94C00, s3;
	[dreg:$0xb] =	wrdreg s21  }
0xc: {  	p0 =	sne.s32 s16, $0xF;
	s2 =	smul.u32 $0x4E20, s8;
	[dreg:$0xc] =	wrdreg s23  }
0xd: {  	p1 =	seq.s32 s16, $0xF;
	s9 =	smul.u32 $0x9C400, s8;
	[dreg:$0xd] =	wrdreg s24  }
0xe: {  	s16 =	sadd.s32 $0x25800, s4;
	s11 =	smul.u32 $0x27100, s8;
	[dreg:$0xe] =	wrdreg s25  }
0xf: {  	s26 =	ssub.s32 $0x2, s8;
	[dreg:$0x13] =	wrdreg s16;
	s21 =	sadd.s32 $0x26200, s4  }
0x10: {  	s8 =	smul.u32 $0x2710, s8;
	s23 =	sadd.s32 $0x99C00, s3;
	[dreg:$0x17] =	wrdreg s21  }
0x11: {  	s24 =	sadd.s32 $0x26700, s4;
	s25 =	sadd.s32 $0x9B000, s3;
	[dreg:$0x18] =	wrdreg s23  }
0x12: {  	s16 =	simm.s32 $0x0;
	s14 =	sshrl.u32 s26, $0x1;
	[dreg:$0x19] =	wrdreg s24  }
0x13: {  	s18 =	sshrl.u32 s15, $0x3;
	[dreg:$0x1a] =	wrdreg s25;
	s24 =	simm.s32 $0xEEC0  }
0x14: {  	s25 =	simm.s32 $0x9C40;
	s6 =	sshrl.u32 s2, $0x3;
	s9 =	sadd.s32 s10, s9  }
0x15: {  	s11 =	sadd.s32 s13, s11;
	s14 =	ssub.s32 s26, s14;
	s13 =	sadd.s32 $0x140, s15  }
0x16: {  	s10 =	sshrl.u32 s10, $0x2;
	s26 =	sshrl.u32 s22, $0x2;
	v1 =	vmov s2;
	s2 =	simm.s32 $0x3  }
0x17: {  	s12 =	sadd.s32 s6, s1;
	s20 =	sadd.s32 s10, s4;
	s10 =	sadd.s32 s26, s3  }
0x18: {  	s6 =	sadd.s32 $0xAC00, s1;
	s26 =	sadd.s32 $0x26C00, s4;
	[dreg:$0xf] =	wrdreg s10  }
0x19: {  	s9 =	sshrl.u32 s9, $0x3;
	s17 =	sadd.s32 $0x14A00, s12;
	[dreg:$0x1b] =	wrdreg s26  }
0x1a: {  	s11 =	sshrl.u32 s11, $0x3;
	s12 =	sadd.s32 $0x15E00, s12;
	[dreg:$0x5] =	wrdreg s17  }
0x1b: {  	s9 =	sadd.s32 s9, s1;
	s19 =	sadd.s32 s6, s18;
	[dreg:$0x6] =	wrdreg s12  }
0x1c: {  	s1 =	sadd.s32 s11, s1;
	s11 =	smax.u32 s14, $0x1;
	[dreg:$0x7] =	wrdreg s19  }
0x1d: {  	s14 =	sadd.s32 $0x25300, s4;
	s26 =	simm.s32 $0x9D80;
	[dreg:$0x9] =	wrdreg s11  }
0x1e: {  	s12 =	sadd.s32 s7, s18;
	s22 =	sadd.s32 $0x3E400, s1;
	[dreg:$0x11] =	wrdreg s14  }
0x1f: {  	s11 =	sadd.s32 $0x17200, s9;
	s17 =	sadd.s32 $0x97400, s3;
	[dreg:$0x8] =	wrdreg s12  }
.Ltmp0:
0x20: {  	s18 =	sadd.s32 $0x25D00, s4;
	[dreg:$0x10] =	wrdreg s11;
	(pc) =	sbr.rel .LBB2_1-.Ltmp0, $4  }
0x21: {  	s19 =	sadd.s32 $0x98800, s3;
	s1 =	simm.s32 $0xC6C0;
	[dreg:$0x14] =	wrdreg s17  }
0x22: {  	s12 =	sadd.s32 $0xA0, s15;
	s15 =	sadd.s32 $0x96000, s3;
	[dreg:$0x15] =	wrdreg s18  }
0x23: {  	v3 =	vlaneseq.u32;
	[dreg:$0x16] =	wrdreg s19;
	s17 =	simm.s32 $0x4;
	s18 =	simm.s32 $0x4E20  }
0x24: {  	v2 =	vimm.f32 $0.0e+00;
	v3 =	vmul.u32 $0x10, v3;
	v0 =	vmov s8;
	s19 =	simm.s32 $0x9EC0;
	[dreg:$0x12] =	wrdreg s15;
	s15 =	simm.s32 $0x2  }
.LBB2_24:
0x25: {  	[sflag:s17] =	ssyncadd.s32 $0xFFFFFB00  }
.LBB2_25:
0x26: {  	s16 =	sadd.s32 $0x1, s16;
	s8 =	rddreg [dreg:$0x9]  }
0x27: {  	p2 =	sne.s32 s16, s8  }
.Ltmp1:
0x28: {  	_ = 	snop;
	(pc) =	sbr.rel @!p2 .LBB2_26-.Ltmp1, $1  }
0x29: {  	_ =	sdelay $0x3  }
.LBB2_1:
0x2a: {  	s8 =	rddreg [dreg:$0x5]  }
0x2b: {  	[tilespmem:s5], [sflag:$0x4] =	stream.linear.gather [hbm4b:s8+s5], $0x4E20, $0x38;
	[tilespmem:$0x1BC10] =	vst v63  }
0x2c: {  	_ =	swait.ge [sflag:s17], $0x4E20  }
0x2d: {  	[sflag:s17] =	ssyncset.done $0x0  }
0x2e: {  	s23 =	rddreg [dreg:$0x6];
	[sflag:s17] =	ssyncadd.s32 $0xFFFFB1E0  }
0x2f: {  	[tilespmem:s18], [sflag:$0x4] =	stream.linear.gather [hbm4b:s23+s5], $0x4E20, $0x38;
	[tilespmem:$0x1BC10] =	vst v63  }
0x30: {  	_ =	swait.ge [sflag:s17], $0x4E20  }
0x31: {  	[sflag:s17] =	ssyncset.done $0x0  }
0x32: {  	s8 =	simm.s32 $0x0;
	[sflag:s17] =	ssyncadd.s32 $0xFFFFB1E0  }
.LBB2_2:
0x33: {  	p2 =	sne.s32 s8, $0x9F00  }
.Ltmp2:
0x34: {  	s9 =	sshra.s32 s8, $0x2;
	(pc) =	sbr.rel @p2 .LBB2_2-.Ltmp2, $4  }
0x35: {  	[tilespmem:s9+$0x9EC0] =	vst v2  }
0x36: {  	[tilespmem:s9+$0x9ED0] =	vst v2  }
0x37: {  	[tilespmem:s9+$0x9EE0] =	vst v2  }
0x38: {  	s8 =	sadd.s32 $0x100, s8;
	[tilespmem:s9+$0x9EF0] =	vst v2  }
0x39: {  	s8 =	simm.s32 $0x40;
	s9 =	simm.s32 $0x0  }
.LBB2_4:
0x3a: {  	p2 =	sne.s32 s8, $0x27C0;
	[tilespmem:s9+$0xEEC0] =	vst v2;
	s9 =	smov.u32 s8;
	s8 =	sadd.s32 $0x40, s8  }
.Ltmp3:
0x3b: {  	(pc) =	sbr.rel @p2 .LBB2_4-.Ltmp3, $2  }
0x3c: {  	_ =	sdelay $0x2  }
0x3d: {  	s9 =	sshra.s32 s9, $0x2  }
.Ltmp4:
0x3e: {  	(pc) =	sbr.rel @p0 .LBB2_7-.Ltmp4, $2  }
0x3f: {  	_ =	sdelay $0x2  }
0x40: {  	[tilespmem:s9+$0xEEC0] =	vst v2  }
0x41: {  	s8 =	rddreg [dreg:$0xa]  }
0x42: {  	[spmem:s8] =	stream.linear.scatter [tilespmem:s19], [sflag:$0x4], $0x1400, $0x38;
	[tilespmem:$0x1BC10] =	vst v63  }
0x43: {  	_ =	swait.ge [sflag:s17], $0x1400  }
0x44: {  	[sflag:s17] =	ssyncset.done $0x0  }
0x45: {  	s14 =	rddreg [dreg:$0xb];
	[sflag:s17] =	ssyncadd.s32 $0xFFFFEC00  }
0x46: {  	[spmem:s14] =	stream.linear.scatter [tilespmem:s24], [sflag:$0x4], $0x500, $0x38;
	[tilespmem:$0x1BC10] =	vst v63  }
0x47: {  	_ =	swait.ge [sflag:s17], $0x500  }
0x48: {  	[sflag:s17] =	ssyncset.done $0x0  }
0x49: {  	s21 =	rddreg [dreg:$0xc];
	[sflag:s17] =	ssyncadd.s32 $0xFFFFFB00  }
0x4a: {  	[spmem:s21] =	stream.linear.scatter [tilespmem:s19], [sflag:$0x4], $0x1400, $0x38;
	[tilespmem:$0x1BC10] =	vst v63  }
0x4b: {  	_ =	swait.ge [sflag:s17], $0x1400  }
0x4c: {  	[sflag:s17] =	ssyncset.done $0x0  }
0x4d: {  	s23 =	rddreg [dreg:$0xd];
	[sflag:s17] =	ssyncadd.s32 $0xFFFFEC00  }
0x4e: {  	[spmem:s23] =	stream.linear.scatter [tilespmem:s24], [sflag:$0x4], $0x500, $0x38;
	[tilespmem:$0x1BC10] =	vst v63  }
0x4f: {  	_ =	swait.ge [sflag:s17], $0x500  }
0x50: {  	[sflag:s17] =	ssyncset.done $0x0  }
0x51: {  	s9 =	rddreg [dreg:$0xe];
	[sflag:s17] =	ssyncadd.s32 $0xFFFFFB00  }
0x52: {  	[spmem:s9] =	stream.linear.scatter [tilespmem:s19], [sflag:$0x4], $0x1400, $0x38;
	[tilespmem:$0x1BC10] =	vst v63  }
0x53: {  	_ =	swait.ge [sflag:s17], $0x1400  }
0x54: {  	[sflag:s17] =	ssyncset.done $0x0  }
0x55: {  	s10 =	rddreg [dreg:$0x11];
	[sflag:s17] =	ssyncadd.s32 $0xFFFFEC00  }
0x56: {  	[spmem:s10] =	stream.linear.scatter [tilespmem:s24], [sflag:$0x4], $0x500, $0x38;
	[tilespmem:$0x1BC10] =	vst v63  }
0x57: {  	_ =	swait.ge [sflag:s17], $0x500  }
0x58: {  	[sflag:s17] =	ssyncset.done $0x0  }
0x59: {  	s11 =	rddreg [dreg:$0x12];
	[sflag:s17] =	ssyncadd.s32 $0xFFFFFB00  }
0x5a: {  	[spmem:s11] =	stream.linear.scatter [tilespmem:s19], [sflag:$0x4], $0x1400, $0x38;
	[tilespmem:$0x1BC10] =	vst v63  }
0x5b: {  	_ =	swait.ge [sflag:s17], $0x1400  }
0x5c: {  	[sflag:s17] =	ssyncset.done $0x0  }
0x5d: {  	s14 =	rddreg [dreg:$0x13];
	[sflag:s17] =	ssyncadd.s32 $0xFFFFEC00  }
0x5e: {  	[spmem:s14] =	stream.linear.scatter [tilespmem:s24], [sflag:$0x4], $0x500, $0x38;
	[tilespmem:$0x1BC10] =	vst v63  }
0x5f: {  	_ =	swait.ge [sflag:s17], $0x500  }
0x60: {  	[sflag:s17] =	ssyncset.done $0x0  }
0x61: {  	s21 =	rddreg [dreg:$0x14];
	[sflag:s17] =	ssyncadd.s32 $0xFFFFFB00  }
0x62: {  	[spmem:s21] =	stream.linear.scatter [tilespmem:s19], [sflag:$0x4], $0x1400, $0x38;
	[tilespmem:$0x1BC10] =	vst v63  }
0x63: {  	_ =	swait.ge [sflag:s17], $0x1400  }
0x64: {  	[sflag:s17] =	ssyncset.done $0x0  }
0x65: {  	s23 =	rddreg [dreg:$0x15];
	[sflag:s17] =	ssyncadd.s32 $0xFFFFEC00  }
0x66: {  	[spmem:s23] =	stream.linear.scatter [tilespmem:s24], [sflag:$0x4], $0x500, $0x38;
	[tilespmem:$0x1BC10] =	vst v63  }
0x67: {  	_ =	swait.ge [sflag:s17], $0x500  }
0x68: {  	[sflag:s17] =	ssyncset.done $0x0  }
0x69: {  	s9 =	rddreg [dreg:$0x16];
	[sflag:s17] =	ssyncadd.s32 $0xFFFFFB00  }
0x6a: {  	[spmem:s9] =	stream.linear.scatter [tilespmem:s19], [sflag:$0x4], $0x1400, $0x38;
	[tilespmem:$0x1BC10] =	vst v63  }
0x6b: {  	_ =	swait.ge [sflag:s17], $0x1400  }
0x6c: {  	[sflag:s17] =	ssyncset.done $0x0  }
0x6d: {  	s10 =	rddreg [dreg:$0x17];
	[sflag:s17] =	ssyncadd.s32 $0xFFFFEC00  }
0x6e: {  	[spmem:s10] =	stream.linear.scatter [tilespmem:s24], [sflag:$0x4], $0x500, $0x38;
	[tilespmem:$0x1BC10] =	vst v63  }
0x6f: {  	_ =	swait.ge [sflag:s17], $0x500  }
0x70: {  	[sflag:s17] =	ssyncset.done $0x0  }
0x71: {  	s11 =	rddreg [dreg:$0x18];
	[sflag:s17] =	ssyncadd.s32 $0xFFFFFB00  }
0x72: {  	[spmem:s11] =	stream.linear.scatter [tilespmem:s19], [sflag:$0x4], $0x1400, $0x38;
	[tilespmem:$0x1BC10] =	vst v63  }
0x73: {  	_ =	swait.ge [sflag:s17], $0x1400  }
0x74: {  	[sflag:s17] =	ssyncset.done $0x0  }
0x75: {  	s14 =	rddreg [dreg:$0x19];
	[sflag:s17] =	ssyncadd.s32 $0xFFFFEC00  }
0x76: {  	[spmem:s14] =	stream.linear.scatter [tilespmem:s24], [sflag:$0x4], $0x500, $0x38;
	[tilespmem:$0x1BC10] =	vst v63  }
0x77: {  	_ =	swait.ge [sflag:s17], $0x500  }
0x78: {  	[sflag:s17] =	ssyncset.done $0x0  }
0x79: {  	s21 =	rddreg [dreg:$0x1a];
	[sflag:s17] =	ssyncadd.s32 $0xFFFFFB00  }
0x7a: {  	[spmem:s21] =	stream.linear.scatter [tilespmem:s19], [sflag:$0x4], $0x1400, $0x38;
	[tilespmem:$0x1BC10] =	vst v63  }
0x7b: {  	_ =	swait.ge [sflag:s17], $0x1400  }
0x7c: {  	[sflag:s17] =	ssyncset.done $0x0  }
.Ltmp5:
0x7d: {  	s23 =	rddreg [dreg:$0x1b];
	[sflag:s17] =	ssyncadd.s32 $0xFFFFEC00;
	(pc) =	sbr.rel .LBB2_10-.Ltmp5, $4  }
0x7e: {  	[spmem:s23] =	stream.linear.scatter [tilespmem:s24], [sflag:$0x4], $0x500, $0x38;
	[tilespmem:$0x1BC10] =	vst v63  }
0x7f: {  	_ =	swait.ge [sflag:s17], $0x500  }
0x80: {  	[sflag:s17] =	ssyncset.done $0x0  }
0x81: {  	[sflag:s17] =	ssyncadd.s32 $0xFFFFFB00  }
.LBB2_7:
0x82: {  	s9 =	rddreg [dreg:$0xf]  }
0x83: {  	[spmem:s9] =	stream.linear.scatter [tilespmem:s19], [sflag:$0x4], $0xC00, $0x38;
	[tilespmem:$0x1BC10] =	vst v63  }
0x84: {  	_ =	swait.ge [sflag:s17], $0xC00  }
0x85: {  	[sflag:s17] =	ssyncset.done $0x0  }
0x86: {  	s8 =	sadd.s32 $0x0, s20;
	[sflag:s17] =	ssyncadd.s32 $0xFFFFF400  }
0x87: {  	[spmem:s8] =	stream.linear.scatter [tilespmem:s24], [sflag:$0x4], $0x300, $0x38;
	[tilespmem:$0x1BC10] =	vst v63  }
0x88: {  	_ =	swait.ge [sflag:s17], $0x300  }
0x89: {  	s8 =	simm.s32 $0xC00;
	[sflag:s17] =	ssyncset.done $0x0  }
.LBB2_8:
0x8a: {  	p2 =	sne.s32 s8, $0x9000;
	[sflag:s17] =	ssyncadd.s32 $0xFFFFFD00;
	s9 =	sadd.s32 $0xC00, s9  }
0x8b: {  	[spmem:s9] =	stream.linear.scatter [tilespmem:s19], [sflag:$0x4], $0xC00, $0x38;
	[tilespmem:$0x1BC10] =	vst v63  }
0x8c: {  	s10 =	smov.u32 s8;
	s8 =	sadd.s32 $0xC00, s8;
	_ =	swait.ge [sflag:s17], $0xC00  }
.Ltmp6:
0x8d: {  	s10 =	sshra.s32 s10, $0x2;
	[sflag:s17] =	ssyncset.done $0x0;
	(pc) =	sbr.rel @p2 .LBB2_8-.Ltmp6, $4  }
0x8e: {  	s10 =	sadd.s32 s10, s20;
	[sflag:s17] =	ssyncadd.s32 $0xFFFFF400  }
0x8f: {  	[spmem:s10] =	stream.linear.scatter [tilespmem:s24], [sflag:$0x4], $0x300, $0x38;
	[tilespmem:$0x1BC10] =	vst v63  }
0x90: {  	_ =	swait.ge [sflag:s17], $0x300  }
0x91: {  	[sflag:s17] =	ssyncset.done $0x0  }
0x92: {  	[sflag:s17] =	ssyncadd.s32 $0xFFFFFD00  }
.LBB2_10:
0x93: {  	[bflag:$0x0] =	sbarrier.arrive $0xFFFF  }
0x94: {  	s8 =	simm.s32 $0x0;
	s9 =	rddreg [dreg:$0x7]  }
0x95: {  	[tilespmem:s25], [sflag:$0x4] =	stream.linear.gather [hbm4b:s9+s8], $0xA0, $0x38;
	[tilespmem:$0x1BC10] =	vst v63  }
0x96: {  	_ =	swait.ge [sflag:s17], $0xA0  }
0x97: {  	[sflag:s17] =	ssyncset.done $0x0  }
0x98: {  	s23 =	rddreg [dreg:$0x8];
	[sflag:s17] =	ssyncadd.s32 $0xFFFFFF60  }
0x99: {  	[tilespmem:s26], [sflag:$0x4] =	stream.linear.gather [hbm4b:s23+s8], $0xA0, $0x38;
	[tilespmem:$0x1BC10] =	vst v63  }
0x9a: {  	_ =	swait.ge [sflag:s17], $0xA0  }
0x9b: {  	[sflag:s17] =	ssyncset.done $0x0  }
0x9c: {  	[sflag:s17] =	ssyncadd.s32 $0xFFFFFF60  }
0x9d: {  	v4 =	vld [tilespmem:$0x9C40]  }
0x9e: {  	v5 =	vld [tilespmem:$0x9C50]  }
0x9f: {  	v6 =	vld [tilespmem:$0x9C60]  }
0xa0: {  	v7 =	vld [tilespmem:$0x9C70]  }
0xa1: {  	v8 =	vld [tilespmem:$0x9C80]  }
0xa2: {  	v9 =	vld [tilespmem:$0x9C90];
	v4 =	vadd.s32 v0, v4  }
0xa3: {  	[tilespmem:$0x9C40] =	vst v4;
	v4 =	vadd.s32 v0, v5;
	v5 =	vld [tilespmem:$0x9CA0]  }
0xa4: {  	v61 =	vld [tilespmem:$0x9CB0];
	[tilespmem:$0x9C50] =	vst v4;
	v4 =	vadd.s32 v0, v6  }
0xa5: {  	v62 =	vld [tilespmem:$0x9CC0];
	[tilespmem:$0x9C60] =	vst v4;
	v4 =	vadd.s32 v0, v7  }
0xa6: {  	v63 =	vld [tilespmem:$0x9CD0];
	[tilespmem:$0x9C70] =	vst v4;
	v4 =	vadd.s32 v0, v8  }
0xa7: {  	[tilespmem:$0x9C80] =	vst v4;
	v4 =	vadd.s32 v0, v9  }
0xa8: {  	[tilespmem:$0x9C90] =	vst v4;
	v4 =	vadd.s32 v0, v5  }
0xa9: {  	[tilespmem:$0x9CA0] =	vst v4;
	v4 =	vadd.s32 v0, v61  }
0xaa: {  	[tilespmem:$0x9CB0] =	vst v4;
	v4 =	vadd.s32 v0, v62  }
0xab: {  	[tilespmem:$0x9CC0] =	vst v4;
	v4 =	vadd.s32 v0, v63  }
0xac: {  	s9 =	simm.s32 $0x0;
	[tilespmem:$0x9CD0] =	vst v4  }
0xad: {  	[tilespmem:s19], [sflag:$0x1] =	stream.indirect.gather [hbm4b:s0+s28], $0x40, s25, s28, $0xb8;
	[tilespmem:$0x1BC10] =	vst v63  }
.LBB2_11:
0xae: {  	s10 =	smul.u32 $0x140, s9;
	_ =	sdelay $0x1  }
0xaf: {  	_ =	swait.ge [sflag:s29], $0x2800;
	s11 =	sadd.s32 s10, s12  }
0xb0: {  	[sflag:s29] =	ssyncset.done $0x0;
	s11 =	sshrl.u32 s11, $0x3  }
0xb1: {  	[sflag:s29] =	ssyncadd.s32 $0xFFFFD800;
	s14 =	sadd.s32 s6, s11  }
0xb2: {  	[tilespmem:s30], [sflag:$0x4] =	stream.linear.gather [hbm4b:s14+s8], $0xA0, $0x38;
	[tilespmem:$0x1BC10] =	vst v63  }
0xb3: {  	_ =	swait.ge [sflag:s17], $0xA0  }
0xb4: {  	[sflag:s17] =	ssyncset.done $0x0  }
0xb5: {  	s11 =	sadd.s32 s7, s11;
	[sflag:s17] =	ssyncadd.s32 $0xFFFFFF60  }
0xb6: {  	[tilespmem:s31], [sflag:$0x4] =	stream.linear.gather [hbm4b:s11+s8], $0xA0, $0x38;
	[tilespmem:$0x1BC10] =	vst v63  }
0xb7: {  	_ =	swait.ge [sflag:s17], $0xA0  }
0xb8: {  	[sflag:s17] =	ssyncset.done $0x0  }
0xb9: {  	[sflag:s17] =	ssyncadd.s32 $0xFFFFFF60  }
0xba: {  	v4 =	vld [tilespmem:$0x9CE0]  }
0xbb: {  	v5 =	vld [tilespmem:$0x9CF0]  }
0xbc: {  	v6 =	vld [tilespmem:$0x9D00]  }
0xbd: {  	v7 =	vld [tilespmem:$0x9D10]  }
0xbe: {  	v8 =	vld [tilespmem:$0x9D20]  }
0xbf: {  	v9 =	vld [tilespmem:$0x9D30];
	v4 =	vadd.s32 v0, v4  }
0xc0: {  	[tilespmem:$0x9CE0] =	vst v4;
	v4 =	vadd.s32 v0, v5;
	v5 =	vld [tilespmem:$0x9D40]  }
0xc1: {  	v61 =	vld [tilespmem:$0x9D50];
	[tilespmem:$0x9CF0] =	vst v4;
	v4 =	vadd.s32 v0, v6  }
0xc2: {  	v62 =	vld [tilespmem:$0x9D60];
	[tilespmem:$0x9D00] =	vst v4;
	v4 =	vadd.s32 v0, v7  }
0xc3: {  	v63 =	vld [tilespmem:$0x9D70];
	[tilespmem:$0x9D10] =	vst v4;
	v4 =	vadd.s32 v0, v8  }
0xc4: {  	[tilespmem:$0x9D20] =	vst v4;
	v4 =	vadd.s32 v0, v9  }
0xc5: {  	[tilespmem:$0x9D30] =	vst v4;
	v4 =	vadd.s32 v0, v5  }
0xc6: {  	[tilespmem:$0x9D40] =	vst v4;
	v4 =	vadd.s32 v0, v61  }
0xc7: {  	[tilespmem:$0x9D50] =	vst v4;
	v4 =	vadd.s32 v0, v62  }
0xc8: {  	s23 =	simm.s32 $0xA0C0;
	[tilespmem:$0x9D60] =	vst v4;
	v4 =	vadd.s32 v0, v63  }
0xc9: {  	s21 =	simm.s32 $0x0;
	s14 =	simm.s32 $0x9D80;
	s11 =	simm.s32 $0x9C40;
	[tilespmem:$0x9D70] =	vst v4  }
0xca: {  	[tilespmem:s1], [sflag:$0x2] =	stream.indirect.gather [hbm4b:s0+s28], $0x40, s30, s28, $0xb8;
	[tilespmem:$0x1BC10] =	vst v63  }
.LBB2_12:
0xcb: {  	v4 =	vld [tilespmem:s11+$0x0];
	_ =	sdelay $0x1  }
0xcc: {  	v5 =	vld [tilespmem:s14+$0x0];
	_ =	sdelay $0x2  }
0xcd: {  	v4 =	vshll.u32 v4, $0x1  }
0xce: {  	v6 =	vsub.s32 v4, v1  }
0xcf: {  	v5 =	vshll.u32 v5, $0x1;
	v4 =	vand.u32 $0x6, v4;
	v6 =	vand.u32 $0xFFFFFFF8, v6  }
0xd0: {  	v4 =	vor.u32 v4, v6;
	_ =	sdelay $0x3  }
0xd1: {  	v7 =	vld.idx.msk [tilespmem:v5+s18+$0x0], $0xffff  }
0xd2: {  	v6 =	vld.idx.msk [tilespmem:v4+s5+$0x0], $0xffff;
	_ =	sdelay $0x4  }
0xd3: {  	v6 =	vadd.f32 v7, v6;
	_ =	sdelay $0x1  }
0xd4: {  	v7 =	vmul.f32 $2.000000030e-01, v6  }
0xd5: {  	vm0 =	vge.f32 v6, $0.0e+00  }
0xd6: {  	v6 =	vsel vm0, v6, v7  }
0xd7: {  	v6 =	vmul.f32 $1.442695020e+00, v6;
	_ =	sdelay $0x1  }
0xd8: {  	(erf) = vpow2.f32 v6;
	_ =	sdelay $0x2  }
0xd9: {  	v26 =	vmov s21  }
0xda: {  	v6 =	vshll.u32 v26, $0x4  }
0xdb: {  	v6 =	vor.u32 v3, v6  }
0xdc: {  	v27 =	vor.u32 $0x1, v4  }
0xdd: {  	v5 =	vor.u32 $0x1, v5;
	_ =	sdelay $0x1  }
0xde: {  	v4 =	vpop (erf)  }
0xdf: {  	[tilespmem:v6+s24+$0x0] =	vst.idx.msk $0xffff, v4  }
0xe0: {  	v7 =	vld.idx.msk [tilespmem:v27+s5+$0x0], $0xffff  }
0xe1: {  	v5 =	vld.idx.msk [tilespmem:v5+s18+$0x0], $0xffff;
	_ =	sdelay $0x4  }
0xe2: {  	v5 =	vadd.f32 v5, v7;
	_ =	sdelay $0x1  }
0xe3: {  	v7 =	vmul.f32 $2.000000030e-01, v5  }
0xe4: {  	vm15 =	vge.f32 v5, $0.0e+00  }
0xe5: {  	v5 =	vsel vm15, v5, v7  }
0xe6: {  	v5 =	vmul.f32 $1.442695020e+00, v5;
	_ =	sdelay $0x1  }
0xe7: {  	(erf) = vpow2.f32 v5;
	_ =	sdelay $0x4  }
0xe8: {  	v6 =	vor.u32 $0x1, v6;
	_ =	sdelay $0x3  }
0xe9: {  	v5 =	vpop (erf)  }
0xea: {  	[tilespmem:v6+s24+$0x0] =	vst.idx.msk $0xffff, v5  }
0xeb: {  	v6 =	vld [tilespmem:s23+$0xFFFFFE00];
	_ =	sdelay $0x1  }
0xec: {  	v29 =	vld [tilespmem:s23+$0xFFFFFE10]  }
0xed: {  	v28 =	vbroadcast v4, $0x0  }
0xee: {  	v30 =	vld [tilespmem:s23+$0xFFFFFE20]  }
0xef: {  	v6 =	vmul.f32 v28, v6  }
0xf0: {  	v32 =	vld [tilespmem:s23+$0xFFFFFE30]  }
0xf1: {  	v31 =	vbroadcast v5, $0x0;
	[tilespmem:s23+$0xFFFFFE00] =	vst v6;
	v6 =	vmul.f32 v29, v28  }
0xf2: {  	v33 =	vld [tilespmem:s23+$0xFFFFFE40]  }
0xf3: {  	[tilespmem:s23+$0xFFFFFE10] =	vst v6;
	v6 =	vmul.f32 v31, v30  }
0xf4: {  	v35 =	vld [tilespmem:s23+$0xFFFFFE50]  }
0xf5: {  	v34 =	vbroadcast v4, $0x1;
	[tilespmem:s23+$0xFFFFFE20] =	vst v6;
	v6 =	vmul.f32 v32, v31  }
0xf6: {  	v36 =	vld [tilespmem:s23+$0xFFFFFE60]  }
0xf7: {  	[tilespmem:s23+$0xFFFFFE30] =	vst v6;
	v6 =	vmul.f32 v33, v34  }
0xf8: {  	v38 =	vld [tilespmem:s23+$0xFFFFFE70]  }
0xf9: {  	v37 =	vbroadcast v5, $0x1;
	[tilespmem:s23+$0xFFFFFE40] =	vst v6;
	v6 =	vmul.f32 v35, v34  }
0xfa: {  	v39 =	vld [tilespmem:s23+$0xFFFFFE80]  }
0xfb: {  	[tilespmem:s23+$0xFFFFFE50] =	vst v6;
	v6 =	vmul.f32 v36, v37  }
0xfc: {  	v41 =	vld [tilespmem:s23+$0xFFFFFE90]  }
0xfd: {  	v40 =	vbroadcast v4, $0x2;
	[tilespmem:s23+$0xFFFFFE60] =	vst v6;
	v6 =	vmul.f32 v38, v37  }
0xfe: {  	v42 =	vld [tilespmem:s23+$0xFFFFFEA0]  }
0xff: {  	[tilespmem:s23+$0xFFFFFE70] =	vst v6;
	v6 =	vmul.f32 v39, v40  }
0x100: {  	v44 =	vld [tilespmem:s23+$0xFFFFFEB0]  }
0x101: {  	v43 =	vbroadcast v5, $0x2;
	[tilespmem:s23+$0xFFFFFE80] =	vst v6;
	v6 =	vmul.f32 v41, v40  }
0x102: {  	v45 =	vld [tilespmem:s23+$0xFFFFFEC0]  }
0x103: {  	[tilespmem:s23+$0xFFFFFE90] =	vst v6;
	v6 =	vmul.f32 v42, v43  }
0x104: {  	v47 =	vld [tilespmem:s23+$0xFFFFFED0]  }
0x105: {  	v46 =	vbroadcast v4, $0x3;
	[tilespmem:s23+$0xFFFFFEA0] =	vst v6;
	v6 =	vmul.f32 v44, v43  }
0x106: {  	v48 =	vld [tilespmem:s23+$0xFFFFFEE0]  }
0x107: {  	[tilespmem:s23+$0xFFFFFEB0] =	vst v6;
	v6 =	vmul.f32 v45, v46  }
0x108: {  	v50 =	vld [tilespmem:s23+$0xFFFFFEF0]  }
0x109: {  	v49 =	vbroadcast v5, $0x3;
	[tilespmem:s23+$0xFFFFFEC0] =	vst v6;
	v6 =	vmul.f32 v47, v46  }
0x10a: {  	v51 =	vld [tilespmem:s23+$0xFFFFFF00]  }
0x10b: {  	[tilespmem:s23+$0xFFFFFED0] =	vst v6;
	v6 =	vmul.f32 v48, v49  }
0x10c: {  	v53 =	vld [tilespmem:s23+$0xFFFFFF10]  }
0x10d: {  	v52 =	vbroadcast v4, $0x4;
	[tilespmem:s23+$0xFFFFFEE0] =	vst v6;
	v6 =	vmul.f32 v50, v49  }
0x10e: {  	v54 =	vld [tilespmem:s23+$0xFFFFFF20]  }
0x10f: {  	[tilespmem:s23+$0xFFFFFEF0] =	vst v6;
	v6 =	vmul.f32 v51, v52  }
0x110: {  	v56 =	vld [tilespmem:s23+$0xFFFFFF30]  }
0x111: {  	v55 =	vbroadcast v5, $0x4;
	[tilespmem:s23+$0xFFFFFF00] =	vst v6;
	v6 =	vmul.f32 v53, v52  }
0x112: {  	v57 =	vld [tilespmem:s23+$0xFFFFFF40]  }
0x113: {  	[tilespmem:s23+$0xFFFFFF10] =	vst v6;
	v6 =	vmul.f32 v54, v55  }
0x114: {  	v59 =	vld [tilespmem:s23+$0xFFFFFF50]  }
0x115: {  	v58 =	vbroadcast v4, $0x5;
	[tilespmem:s23+$0xFFFFFF20] =	vst v6;
	v6 =	vmul.f32 v56, v55  }
0x116: {  	v60 =	vld [tilespmem:s23+$0xFFFFFF60]  }
0x117: {  	[tilespmem:s23+$0xFFFFFF30] =	vst v6;
	v6 =	vmul.f32 v57, v58  }
0x118: {  	v62 =	vld [tilespmem:s23+$0xFFFFFF70]  }
0x119: {  	v61 =	vbroadcast v5, $0x5;
	[tilespmem:s23+$0xFFFFFF40] =	vst v6;
	v6 =	vmul.f32 v59, v58  }
0x11a: {  	v63 =	vld [tilespmem:s23+$0xFFFFFF80]  }
0x11b: {  	[tilespmem:s23+$0xFFFFFF50] =	vst v6;
	v6 =	vmul.f32 v60, v61  }
0x11c: {  	v10 =	vld [tilespmem:s23+$0xFFFFFF90]  }
0x11d: {  	v9 =	vbroadcast v4, $0x6;
	[tilespmem:s23+$0xFFFFFF60] =	vst v6;
	v6 =	vmul.f32 v62, v61  }
0x11e: {  	v11 =	vld [tilespmem:s23+$0xFFFFFFA0]  }
0x11f: {  	[tilespmem:s23+$0xFFFFFF70] =	vst v6;
	v6 =	vmul.f32 v63, v9  }
0x120: {  	v13 =	vld [tilespmem:s23+$0xFFFFFFB0]  }
0x121: {  	v12 =	vbroadcast v5, $0x6;
	[tilespmem:s23+$0xFFFFFF80] =	vst v6;
	v6 =	vmul.f32 v10, v9  }
0x122: {  	v14 =	vld [tilespmem:s23+$0xFFFFFFC0]  }
0x123: {  	[tilespmem:s23+$0xFFFFFF90] =	vst v6;
	v6 =	vmul.f32 v11, v12  }
0x124: {  	v16 =	vld [tilespmem:s23+$0xFFFFFFD0]  }
0x125: {  	v15 =	vbroadcast v4, $0x7;
	[tilespmem:s23+$0xFFFFFFA0] =	vst v6;
	v6 =	vmul.f32 v13, v12  }
0x126: {  	v17 =	vld [tilespmem:s23+$0xFFFFFFE0]  }
0x127: {  	[tilespmem:s23+$0xFFFFFFB0] =	vst v6;
	v6 =	vmul.f32 v14, v15  }
0x128: {  	v19 =	vld [tilespmem:s23+$0xFFFFFFF0]  }
0x129: {  	v18 =	vbroadcast v5, $0x7;
	[tilespmem:s23+$0xFFFFFFC0] =	vst v6;
	v6 =	vmul.f32 v16, v15  }
0x12a: {  	v20 =	vld [tilespmem:s23+$0x0]  }
0x12b: {  	[tilespmem:s23+$0xFFFFFFD0] =	vst v6;
	v6 =	vmul.f32 v17, v18  }
0x12c: {  	v22 =	vld [tilespmem:s23+$0x10]  }
0x12d: {  	v21 =	vbroadcast v4, $0x8;
	[tilespmem:s23+$0xFFFFFFE0] =	vst v6;
	v6 =	vmul.f32 v19, v18  }
0x12e: {  	v23 =	vld [tilespmem:s23+$0x20]  }
0x12f: {  	[tilespmem:s23+$0xFFFFFFF0] =	vst v6;
	v6 =	vmul.f32 v20, v21  }
0x130: {  	v25 =	vld [tilespmem:s23+$0x30]  }
0x131: {  	v24 =	vbroadcast v5, $0x8;
	[tilespmem:s23+$0x0] =	vst v6;
	v6 =	vmul.f32 v22, v21  }
0x132: {  	v26 =	vld [tilespmem:s23+$0x40]  }
0x133: {  	[tilespmem:s23+$0x10] =	vst v6;
	v6 =	vmul.f32 v23, v24  }
0x134: {  	v28 =	vld [tilespmem:s23+$0x50]  }
0x135: {  	v27 =	vbroadcast v4, $0x9;
	[tilespmem:s23+$0x20] =	vst v6;
	v6 =	vmul.f32 v25, v24  }
0x136: {  	v29 =	vld [tilespmem:s23+$0x60]  }
0x137: {  	[tilespmem:s23+$0x30] =	vst v6;
	v6 =	vmul.f32 v26, v27  }
0x138: {  	v31 =	vld [tilespmem:s23+$0x70]  }
0x139: {  	v30 =	vbroadcast v5, $0x9;
	[tilespmem:s23+$0x40] =	vst v6;
	v6 =	vmul.f32 v28, v27  }
0x13a: {  	v32 =	vld [tilespmem:s23+$0x80]  }
0x13b: {  	[tilespmem:s23+$0x50] =	vst v6;
	v6 =	vmul.f32 v29, v30  }
0x13c: {  	v34 =	vld [tilespmem:s23+$0x90]  }
0x13d: {  	v33 =	vbroadcast v4, $0xA;
	[tilespmem:s23+$0x60] =	vst v6;
	v6 =	vmul.f32 v31, v30  }
0x13e: {  	v35 =	vld [tilespmem:s23+$0xA0]  }
0x13f: {  	[tilespmem:s23+$0x70] =	vst v6;
	v6 =	vmul.f32 v32, v33  }
0x140: {  	v37 =	vld [tilespmem:s23+$0xB0]  }
0x141: {  	v36 =	vbroadcast v5, $0xA;
	[tilespmem:s23+$0x80] =	vst v6;
	v6 =	vmul.f32 v34, v33  }
0x142: {  	v38 =	vld [tilespmem:s23+$0xC0]  }
0x143: {  	[tilespmem:s23+$0x90] =	vst v6;
	v6 =	vmul.f32 v35, v36  }
0x144: {  	v40 =	vld [tilespmem:s23+$0xD0]  }
0x145: {  	v39 =	vbroadcast v4, $0xB;
	[tilespmem:s23+$0xA0] =	vst v6;
	v6 =	vmul.f32 v37, v36  }
0x146: {  	v41 =	vld [tilespmem:s23+$0xE0]  }
0x147: {  	[tilespmem:s23+$0xB0] =	vst v6;
	v6 =	vmul.f32 v38, v39  }
0x148: {  	v43 =	vld [tilespmem:s23+$0xF0]  }
0x149: {  	v42 =	vbroadcast v5, $0xB;
	[tilespmem:s23+$0xC0] =	vst v6;
	v6 =	vmul.f32 v40, v39  }
0x14a: {  	v44 =	vld [tilespmem:s23+$0x100]  }
0x14b: {  	[tilespmem:s23+$0xD0] =	vst v6;
	v6 =	vmul.f32 v41, v42  }
0x14c: {  	v46 =	vld [tilespmem:s23+$0x110]  }
0x14d: {  	v45 =	vbroadcast v4, $0xC;
	[tilespmem:s23+$0xE0] =	vst v6;
	v6 =	vmul.f32 v43, v42  }
0x14e: {  	v47 =	vld [tilespmem:s23+$0x120]  }
0x14f: {  	[tilespmem:s23+$0xF0] =	vst v6;
	v6 =	vmul.f32 v44, v45  }
0x150: {  	v49 =	vld [tilespmem:s23+$0x130]  }
0x151: {  	v48 =	vbroadcast v5, $0xC;
	[tilespmem:s23+$0x100] =	vst v6;
	v6 =	vmul.f32 v46, v45  }
0x152: {  	v50 =	vld [tilespmem:s23+$0x140]  }
0x153: {  	[tilespmem:s23+$0x110] =	vst v6;
	v6 =	vmul.f32 v47, v48  }
0x154: {  	v52 =	vld [tilespmem:s23+$0x150]  }
0x155: {  	v51 =	vbroadcast v4, $0xD;
	[tilespmem:s23+$0x120] =	vst v6;
	v6 =	vmul.f32 v49, v48  }
0x156: {  	v53 =	vld [tilespmem:s23+$0x160]  }
0x157: {  	[tilespmem:s23+$0x130] =	vst v6;
	v6 =	vmul.f32 v50, v51  }
0x158: {  	v55 =	vld [tilespmem:s23+$0x170]  }
0x159: {  	v54 =	vbroadcast v5, $0xD;
	[tilespmem:s23+$0x140] =	vst v6;
	v6 =	vmul.f32 v52, v51  }
0x15a: {  	v56 =	vld [tilespmem:s23+$0x180]  }
0x15b: {  	[tilespmem:s23+$0x150] =	vst v6;
	v6 =	vmul.f32 v53, v54  }
0x15c: {  	v58 =	vld [tilespmem:s23+$0x190]  }
0x15d: {  	v57 =	vbroadcast v4, $0xE;
	[tilespmem:s23+$0x160] =	vst v6;
	v6 =	vmul.f32 v55, v54  }
0x15e: {  	v59 =	vld [tilespmem:s23+$0x1A0]  }
0x15f: {  	[tilespmem:s23+$0x170] =	vst v6;
	v6 =	vmul.f32 v56, v57  }
0x160: {  	v61 =	vld [tilespmem:s23+$0x1B0]  }
0x161: {  	v60 =	vbroadcast v5, $0xE;
	v62 =	vld [tilespmem:s23+$0x1C0];
	[tilespmem:s23+$0x180] =	vst v6;
	v6 =	vmul.f32 v58, v57  }
0x162: {  	v63 =	vld [tilespmem:s23+$0x1D0]  }
0x163: {  	[tilespmem:s23+$0x190] =	vst v6;
	v6 =	vmul.f32 v59, v60;
	_ =	sdelay $0x1  }
0x164: {  	v4 =	vbroadcast v4, $0xF;
	[tilespmem:s23+$0x1A0] =	vst v6;
	v6 =	vmul.f32 v61, v60;
	_ =	sdelay $0x1  }
0x165: {  	[tilespmem:s23+$0x1B0] =	vst v6;
	v6 =	vmul.f32 v62, v4;
	v4 =	vmul.f32 v63, v4;
	_ =	sdelay $0x1  }
0x166: {  	[tilespmem:s23+$0x1D0] =	vst v4;
	v4 =	vld [tilespmem:s23+$0x1E0];
	_ =	sdelay $0x2  }
0x167: {  	v5 =	vbroadcast v5, $0xF;
	_ =	sdelay $0x1  }
0x168: {  	v4 =	vmul.f32 v4, v5;
	_ =	sdelay $0x1  }
0x169: {  	[tilespmem:s23+$0x1E0] =	vst v4;
	v4 =	vld [tilespmem:s23+$0x1F0];
	_ =	sdelay $0x1  }
0x16a: {  	p2 =	sne.s32 s21, $0x90  }
.Ltmp7:
0x16b: {  	_ = 	snop;
	(pc) =	sbr.rel @p2 .LBB2_12-.Ltmp7, $4  }
0x16c: {  	_ = 	snop  }
0x16d: {  	v4 =	vmul.f32 v4, v5  }
0x16e: {  	s11 =	sadd.s32 $0x10, s11;
	[tilespmem:s23+$0x1C0] =	vst v6  }
0x16f: {  	s14 =	sadd.s32 $0x10, s14;
	s21 =	sadd.s32 $0x10, s21;
	[tilespmem:s23+$0x1F0] =	vst v4;
	s23 =	sadd.s32 $0x400, s23  }
0x170: {  	[spmem:s3] =	stream.indirect.scatter.add.f32 [tilespmem:s19], [sflag:$0x3], $0x40, s26, s28, $0xb8;
	[tilespmem:$0x1BC10] =	vst v63  }
0x171: {  	_ = 	snop  }
0x172: {  	[spmem:s4] =	stream.indirect.scatter.add.f32 [tilespmem:s24], [sflag:$0x4], $0x10, s26, s28, $0xb8;
	[tilespmem:$0x1BC10] =	vst v63  }
0x173: {  	_ =	swait.ge [sflag:s17], $0xA00  }
0x174: {  	[sflag:s17] =	ssyncset.done $0x0  }
0x175: {  	[sflag:s17] =	ssyncadd.s32 $0xFFFFF600  }
0x176: {  	_ =	swait.ge [sflag:s2], $0x2800  }
0x177: {  	[sflag:s2] =	ssyncset.done $0x0  }
0x178: {  	[sflag:s2] =	ssyncadd.s32 $0xFFFFD800  }
0x179: {  	s10 =	sadd.s32 s10, s13;
	_ =	swait.ge [sflag:s15], $0x2800  }
0x17a: {  	s11 =	sshrl.u32 s10, $0x3;
	[sflag:s15] =	ssyncset.done $0x0  }
0x17b: {  	s10 =	simm.s32 $0x0;
	s14 =	sadd.s32 s6, s11;
	[sflag:s15] =	ssyncadd.s32 $0xFFFFD800  }
0x17c: {  	[tilespmem:s25], [sflag:$0x4] =	stream.linear.gather [hbm4b:s14+s10], $0xA0, $0x38;
	[tilespmem:$0x1BC10] =	vst v63  }
0x17d: {  	_ =	swait.ge [sflag:s17], $0xA0  }
0x17e: {  	[sflag:s17] =	ssyncset.done $0x0  }
0x17f: {  	s11 =	sadd.s32 s7, s11;
	[sflag:s17] =	ssyncadd.s32 $0xFFFFFF60  }
0x180: {  	[tilespmem:s26], [sflag:$0x4] =	stream.linear.gather [hbm4b:s11+s10], $0xA0, $0x38;
	[tilespmem:$0x1BC10] =	vst v63  }
0x181: {  	_ =	swait.ge [sflag:s17], $0xA0  }
0x182: {  	[sflag:s17] =	ssyncset.done $0x0  }
0x183: {  	[sflag:s17] =	ssyncadd.s32 $0xFFFFFF60  }
0x184: {  	v4 =	vld [tilespmem:$0x9C40]  }
0x185: {  	v5 =	vld [tilespmem:$0x9C50]  }
0x186: {  	v6 =	vld [tilespmem:$0x9C60]  }
0x187: {  	v7 =	vld [tilespmem:$0x9C70]  }
0x188: {  	v8 =	vld [tilespmem:$0x9C80]  }
0x189: {  	v9 =	vld [tilespmem:$0x9C90];
	v4 =	vadd.s32 v0, v4  }
0x18a: {  	[tilespmem:$0x9C40] =	vst v4;
	v4 =	vadd.s32 v0, v5;
	v5 =	vld [tilespmem:$0x9CA0]  }
0x18b: {  	v61 =	vld [tilespmem:$0x9CB0];
	[tilespmem:$0x9C50] =	vst v4;
	v4 =	vadd.s32 v0, v6  }
0x18c: {  	v62 =	vld [tilespmem:$0x9CC0];
	[tilespmem:$0x9C60] =	vst v4;
	v4 =	vadd.s32 v0, v7  }
0x18d: {  	v63 =	vld [tilespmem:$0x9CD0];
	[tilespmem:$0x9C70] =	vst v4;
	v4 =	vadd.s32 v0, v8  }
0x18e: {  	[tilespmem:$0x9C80] =	vst v4;
	v4 =	vadd.s32 v0, v9  }
0x18f: {  	[tilespmem:$0x9C90] =	vst v4;
	v4 =	vadd.s32 v0, v5  }
0x190: {  	[tilespmem:$0x9CA0] =	vst v4;
	v4 =	vadd.s32 v0, v61  }
0x191: {  	[tilespmem:$0x9CB0] =	vst v4;
	v4 =	vadd.s32 v0, v62  }
0x192: {  	[tilespmem:$0x9CC0] =	vst v4;
	v4 =	vadd.s32 v0, v63  }
0x193: {  	s21 =	simm.s32 $0xCAB0;
	s14 =	simm.s32 $0x9E20;
	s11 =	simm.s32 $0x9CE0;
	[tilespmem:$0x9CD0] =	vst v4  }
0x194: {  	[tilespmem:s19], [sflag:$0x1] =	stream.indirect.gather [hbm4b:s0+s28], $0x40, s25, s28, $0xb8;
	[tilespmem:$0x1BC10] =	vst v63  }
.LBB2_14:
0x195: {  	v4 =	vld [tilespmem:s11+$0x0];
	_ =	sdelay $0x1  }
0x196: {  	v5 =	vld [tilespmem:s14+$0x0];
	_ =	sdelay $0x2  }
0x197: {  	v4 =	vshll.u32 v4, $0x1  }
0x198: {  	v6 =	vsub.s32 v4, v1  }
0x199: {  	v5 =	vshll.u32 v5, $0x1;
	v4 =	vand.u32 $0x6, v4;
	v6 =	vand.u32 $0xFFFFFFF8, v6  }
0x19a: {  	v4 =	vor.u32 v4, v6;
	_ =	sdelay $0x3  }
0x19b: {  	v7 =	vld.idx.msk [tilespmem:v5+s18+$0x0], $0xffff  }
0x19c: {  	v6 =	vld.idx.msk [tilespmem:v4+s5+$0x0], $0xffff;
	_ =	sdelay $0x4  }
0x19d: {  	v6 =	vadd.f32 v7, v6;
	_ =	sdelay $0x1  }
0x19e: {  	v7 =	vmul.f32 $2.000000030e-01, v6  }
0x19f: {  	vm0 =	vge.f32 v6, $0.0e+00  }
0x1a0: {  	v6 =	vsel vm0, v6, v7  }
0x1a1: {  	v6 =	vmul.f32 $1.442695020e+00, v6;
	_ =	sdelay $0x1  }
0x1a2: {  	(erf) = vpow2.f32 v6;
	_ =	sdelay $0x2  }
0x1a3: {  	v26 =	vmov s10  }
0x1a4: {  	v6 =	vshll.u32 v26, $0x4  }
0x1a5: {  	v6 =	vor.u32 v3, v6  }
0x1a6: {  	v27 =	vor.u32 $0x1, v4  }
0x1a7: {  	v5 =	vor.u32 $0x1, v5;
	_ =	sdelay $0x1  }
0x1a8: {  	v4 =	vpop (erf)  }
0x1a9: {  	[tilespmem:v6+s24+$0x0] =	vst.idx.msk $0xffff, v4  }
0x1aa: {  	v7 =	vld.idx.msk [tilespmem:v27+s5+$0x0], $0xffff  }
0x1ab: {  	v5 =	vld.idx.msk [tilespmem:v5+s18+$0x0], $0xffff;
	_ =	sdelay $0x4  }
0x1ac: {  	v5 =	vadd.f32 v5, v7;
	_ =	sdelay $0x1  }
0x1ad: {  	v7 =	vmul.f32 $2.000000030e-01, v5  }
0x1ae: {  	vm15 =	vge.f32 v5, $0.0e+00  }
0x1af: {  	v5 =	vsel vm15, v5, v7  }
0x1b0: {  	v5 =	vmul.f32 $1.442695020e+00, v5;
	_ =	sdelay $0x1  }
0x1b1: {  	(erf) = vpow2.f32 v5;
	_ =	sdelay $0x4  }
0x1b2: {  	v6 =	vor.u32 $0x1, v6;
	_ =	sdelay $0x3  }
0x1b3: {  	v5 =	vpop (erf)  }
0x1b4: {  	[tilespmem:v6+s24+$0x0] =	vst.idx.msk $0xffff, v5  }
0x1b5: {  	v6 =	vld [tilespmem:s21+$0xFFFFFC10];
	_ =	sdelay $0x1  }
0x1b6: {  	v29 =	vld [tilespmem:s21+$0xFFFFFC20]  }
0x1b7: {  	v28 =	vbroadcast v4, $0x0  }
0x1b8: {  	v30 =	vld [tilespmem:s21+$0xFFFFFC30]  }
0x1b9: {  	v6 =	vmul.f32 v28, v6  }
0x1ba: {  	v32 =	vld [tilespmem:s21+$0xFFFFFC40]  }
0x1bb: {  	v31 =	vbroadcast v5, $0x0;
	[tilespmem:s21+$0xFFFFFC10] =	vst v6;
	v6 =	vmul.f32 v29, v28  }
0x1bc: {  	v33 =	vld [tilespmem:s21+$0xFFFFFC50]  }
0x1bd: {  	[tilespmem:s21+$0xFFFFFC20] =	vst v6;
	v6 =	vmul.f32 v31, v30  }
0x1be: {  	v35 =	vld [tilespmem:s21+$0xFFFFFC60]  }
0x1bf: {  	v34 =	vbroadcast v4, $0x1;
	[tilespmem:s21+$0xFFFFFC30] =	vst v6;
	v6 =	vmul.f32 v32, v31  }
0x1c0: {  	v36 =	vld [tilespmem:s21+$0xFFFFFC70]  }
0x1c1: {  	[tilespmem:s21+$0xFFFFFC40] =	vst v6;
	v6 =	vmul.f32 v33, v34  }
0x1c2: {  	v38 =	vld [tilespmem:s21+$0xFFFFFC80]  }
0x1c3: {  	v37 =	vbroadcast v5, $0x1;
	[tilespmem:s21+$0xFFFFFC50] =	vst v6;
	v6 =	vmul.f32 v35, v34  }
0x1c4: {  	v39 =	vld [tilespmem:s21+$0xFFFFFC90]  }
0x1c5: {  	[tilespmem:s21+$0xFFFFFC60] =	vst v6;
	v6 =	vmul.f32 v36, v37  }
0x1c6: {  	v41 =	vld [tilespmem:s21+$0xFFFFFCA0]  }
0x1c7: {  	v40 =	vbroadcast v4, $0x2;
	[tilespmem:s21+$0xFFFFFC70] =	vst v6;
	v6 =	vmul.f32 v38, v37  }
0x1c8: {  	v42 =	vld [tilespmem:s21+$0xFFFFFCB0]  }
0x1c9: {  	[tilespmem:s21+$0xFFFFFC80] =	vst v6;
	v6 =	vmul.f32 v39, v40  }
0x1ca: {  	v44 =	vld [tilespmem:s21+$0xFFFFFCC0]  }
0x1cb: {  	v43 =	vbroadcast v5, $0x2;
	[tilespmem:s21+$0xFFFFFC90] =	vst v6;
	v6 =	vmul.f32 v41, v40  }
0x1cc: {  	v45 =	vld [tilespmem:s21+$0xFFFFFCD0]  }
0x1cd: {  	[tilespmem:s21+$0xFFFFFCA0] =	vst v6;
	v6 =	vmul.f32 v42, v43  }
0x1ce: {  	v47 =	vld [tilespmem:s21+$0xFFFFFCE0]  }
0x1cf: {  	v46 =	vbroadcast v4, $0x3;
	[tilespmem:s21+$0xFFFFFCB0] =	vst v6;
	v6 =	vmul.f32 v44, v43  }
0x1d0: {  	v48 =	vld [tilespmem:s21+$0xFFFFFCF0]  }
0x1d1: {  	[tilespmem:s21+$0xFFFFFCC0] =	vst v6;
	v6 =	vmul.f32 v45, v46  }
0x1d2: {  	v50 =	vld [tilespmem:s21+$0xFFFFFD00]  }
0x1d3: {  	v49 =	vbroadcast v5, $0x3;
	[tilespmem:s21+$0xFFFFFCD0] =	vst v6;
	v6 =	vmul.f32 v47, v46  }
0x1d4: {  	v51 =	vld [tilespmem:s21+$0xFFFFFD10]  }
0x1d5: {  	[tilespmem:s21+$0xFFFFFCE0] =	vst v6;
	v6 =	vmul.f32 v48, v49  }
0x1d6: {  	v53 =	vld [tilespmem:s21+$0xFFFFFD20]  }
0x1d7: {  	v52 =	vbroadcast v4, $0x4;
	[tilespmem:s21+$0xFFFFFCF0] =	vst v6;
	v6 =	vmul.f32 v50, v49  }
0x1d8: {  	v54 =	vld [tilespmem:s21+$0xFFFFFD30]  }
0x1d9: {  	[tilespmem:s21+$0xFFFFFD00] =	vst v6;
	v6 =	vmul.f32 v51, v52  }
0x1da: {  	v56 =	vld [tilespmem:s21+$0xFFFFFD40]  }
0x1db: {  	v55 =	vbroadcast v5, $0x4;
	[tilespmem:s21+$0xFFFFFD10] =	vst v6;
	v6 =	vmul.f32 v53, v52  }
0x1dc: {  	v57 =	vld [tilespmem:s21+$0xFFFFFD50]  }
0x1dd: {  	[tilespmem:s21+$0xFFFFFD20] =	vst v6;
	v6 =	vmul.f32 v54, v55  }
0x1de: {  	v59 =	vld [tilespmem:s21+$0xFFFFFD60]  }
0x1df: {  	v58 =	vbroadcast v4, $0x5;
	[tilespmem:s21+$0xFFFFFD30] =	vst v6;
	v6 =	vmul.f32 v56, v55  }
0x1e0: {  	v60 =	vld [tilespmem:s21+$0xFFFFFD70]  }
0x1e1: {  	[tilespmem:s21+$0xFFFFFD40] =	vst v6;
	v6 =	vmul.f32 v57, v58  }
0x1e2: {  	v62 =	vld [tilespmem:s21+$0xFFFFFD80]  }
0x1e3: {  	v61 =	vbroadcast v5, $0x5;
	[tilespmem:s21+$0xFFFFFD50] =	vst v6;
	v6 =	vmul.f32 v59, v58  }
0x1e4: {  	v63 =	vld [tilespmem:s21+$0xFFFFFD90]  }
0x1e5: {  	[tilespmem:s21+$0xFFFFFD60] =	vst v6;
	v6 =	vmul.f32 v60, v61  }
0x1e6: {  	v10 =	vld [tilespmem:s21+$0xFFFFFDA0]  }
0x1e7: {  	v9 =	vbroadcast v4, $0x6;
	[tilespmem:s21+$0xFFFFFD70] =	vst v6;
	v6 =	vmul.f32 v62, v61  }
0x1e8: {  	v11 =	vld [tilespmem:s21+$0xFFFFFDB0]  }
0x1e9: {  	[tilespmem:s21+$0xFFFFFD80] =	vst v6;
	v6 =	vmul.f32 v63, v9  }
0x1ea: {  	v13 =	vld [tilespmem:s21+$0xFFFFFDC0]  }
0x1eb: {  	v12 =	vbroadcast v5, $0x6;
	[tilespmem:s21+$0xFFFFFD90] =	vst v6;
	v6 =	vmul.f32 v10, v9  }
0x1ec: {  	v14 =	vld [tilespmem:s21+$0xFFFFFDD0]  }
0x1ed: {  	[tilespmem:s21+$0xFFFFFDA0] =	vst v6;
	v6 =	vmul.f32 v11, v12  }
0x1ee: {  	v16 =	vld [tilespmem:s21+$0xFFFFFDE0]  }
0x1ef: {  	v15 =	vbroadcast v4, $0x7;
	[tilespmem:s21+$0xFFFFFDB0] =	vst v6;
	v6 =	vmul.f32 v13, v12  }
0x1f0: {  	v17 =	vld [tilespmem:s21+$0xFFFFFDF0]  }
0x1f1: {  	[tilespmem:s21+$0xFFFFFDC0] =	vst v6;
	v6 =	vmul.f32 v14, v15  }
0x1f2: {  	v19 =	vld [tilespmem:s21+$0xFFFFFE00]  }
0x1f3: {  	v18 =	vbroadcast v5, $0x7;
	[tilespmem:s21+$0xFFFFFDD0] =	vst v6;
	v6 =	vmul.f32 v16, v15  }
0x1f4: {  	v20 =	vld [tilespmem:s21+$0xFFFFFE10]  }
0x1f5: {  	[tilespmem:s21+$0xFFFFFDE0] =	vst v6;
	v6 =	vmul.f32 v17, v18  }
0x1f6: {  	v22 =	vld [tilespmem:s21+$0xFFFFFE20]  }
0x1f7: {  	v21 =	vbroadcast v4, $0x8;
	[tilespmem:s21+$0xFFFFFDF0] =	vst v6;
	v6 =	vmul.f32 v19, v18  }
0x1f8: {  	v23 =	vld [tilespmem:s21+$0xFFFFFE30]  }
0x1f9: {  	[tilespmem:s21+$0xFFFFFE00] =	vst v6;
	v6 =	vmul.f32 v20, v21  }
0x1fa: {  	v25 =	vld [tilespmem:s21+$0xFFFFFE40]  }
0x1fb: {  	v24 =	vbroadcast v5, $0x8;
	[tilespmem:s21+$0xFFFFFE10] =	vst v6;
	v6 =	vmul.f32 v22, v21  }
0x1fc: {  	v26 =	vld [tilespmem:s21+$0xFFFFFE50]  }
0x1fd: {  	[tilespmem:s21+$0xFFFFFE20] =	vst v6;
	v6 =	vmul.f32 v23, v24  }
0x1fe: {  	v28 =	vld [tilespmem:s21+$0xFFFFFE60]  }
0x1ff: {  	v27 =	vbroadcast v4, $0x9;
	[tilespmem:s21+$0xFFFFFE30] =	vst v6;
	v6 =	vmul.f32 v25, v24  }
0x200: {  	v29 =	vld [tilespmem:s21+$0xFFFFFE70]  }
0x201: {  	[tilespmem:s21+$0xFFFFFE40] =	vst v6;
	v6 =	vmul.f32 v26, v27  }
0x202: {  	v31 =	vld [tilespmem:s21+$0xFFFFFE80]  }
0x203: {  	v30 =	vbroadcast v5, $0x9;
	[tilespmem:s21+$0xFFFFFE50] =	vst v6;
	v6 =	vmul.f32 v28, v27  }
0x204: {  	v32 =	vld [tilespmem:s21+$0xFFFFFE90]  }
0x205: {  	[tilespmem:s21+$0xFFFFFE60] =	vst v6;
	v6 =	vmul.f32 v29, v30  }
0x206: {  	v34 =	vld [tilespmem:s21+$0xFFFFFEA0]  }
0x207: {  	v33 =	vbroadcast v4, $0xA;
	[tilespmem:s21+$0xFFFFFE70] =	vst v6;
	v6 =	vmul.f32 v31, v30  }
0x208: {  	v35 =	vld [tilespmem:s21+$0xFFFFFEB0]  }
0x209: {  	[tilespmem:s21+$0xFFFFFE80] =	vst v6;
	v6 =	vmul.f32 v32, v33  }
0x20a: {  	v37 =	vld [tilespmem:s21+$0xFFFFFEC0]  }
0x20b: {  	v36 =	vbroadcast v5, $0xA;
	[tilespmem:s21+$0xFFFFFE90] =	vst v6;
	v6 =	vmul.f32 v34, v33  }
0x20c: {  	v38 =	vld [tilespmem:s21+$0xFFFFFED0]  }
0x20d: {  	[tilespmem:s21+$0xFFFFFEA0] =	vst v6;
	v6 =	vmul.f32 v35, v36  }
0x20e: {  	v40 =	vld [tilespmem:s21+$0xFFFFFEE0]  }
0x20f: {  	v39 =	vbroadcast v4, $0xB;
	[tilespmem:s21+$0xFFFFFEB0] =	vst v6;
	v6 =	vmul.f32 v37, v36  }
0x210: {  	v41 =	vld [tilespmem:s21+$0xFFFFFEF0]  }
0x211: {  	[tilespmem:s21+$0xFFFFFEC0] =	vst v6;
	v6 =	vmul.f32 v38, v39  }
0x212: {  	v43 =	vld [tilespmem:s21+$0xFFFFFF00]  }
0x213: {  	v42 =	vbroadcast v5, $0xB;
	[tilespmem:s21+$0xFFFFFED0] =	vst v6;
	v6 =	vmul.f32 v40, v39  }
0x214: {  	v44 =	vld [tilespmem:s21+$0xFFFFFF10]  }
0x215: {  	[tilespmem:s21+$0xFFFFFEE0] =	vst v6;
	v6 =	vmul.f32 v41, v42  }
0x216: {  	v46 =	vld [tilespmem:s21+$0xFFFFFF20]  }
0x217: {  	v45 =	vbroadcast v4, $0xC;
	[tilespmem:s21+$0xFFFFFEF0] =	vst v6;
	v6 =	vmul.f32 v43, v42  }
0x218: {  	v47 =	vld [tilespmem:s21+$0xFFFFFF30]  }
0x219: {  	[tilespmem:s21+$0xFFFFFF00] =	vst v6;
	v6 =	vmul.f32 v44, v45  }
0x21a: {  	v49 =	vld [tilespmem:s21+$0xFFFFFF40]  }
0x21b: {  	v48 =	vbroadcast v5, $0xC;
	[tilespmem:s21+$0xFFFFFF10] =	vst v6;
	v6 =	vmul.f32 v46, v45  }
0x21c: {  	v50 =	vld [tilespmem:s21+$0xFFFFFF50]  }
0x21d: {  	[tilespmem:s21+$0xFFFFFF20] =	vst v6;
	v6 =	vmul.f32 v47, v48  }
0x21e: {  	v52 =	vld [tilespmem:s21+$0xFFFFFF60]  }
0x21f: {  	v51 =	vbroadcast v4, $0xD;
	[tilespmem:s21+$0xFFFFFF30] =	vst v6;
	v6 =	vmul.f32 v49, v48  }
0x220: {  	v53 =	vld [tilespmem:s21+$0xFFFFFF70]  }
0x221: {  	[tilespmem:s21+$0xFFFFFF40] =	vst v6;
	v6 =	vmul.f32 v50, v51  }
0x222: {  	v55 =	vld [tilespmem:s21+$0xFFFFFF80]  }
0x223: {  	v54 =	vbroadcast v5, $0xD;
	[tilespmem:s21+$0xFFFFFF50] =	vst v6;
	v6 =	vmul.f32 v52, v51  }
0x224: {  	v56 =	vld [tilespmem:s21+$0xFFFFFF90]  }
0x225: {  	[tilespmem:s21+$0xFFFFFF60] =	vst v6;
	v6 =	vmul.f32 v53, v54  }
0x226: {  	v58 =	vld [tilespmem:s21+$0xFFFFFFA0]  }
0x227: {  	v57 =	vbroadcast v4, $0xE;
	[tilespmem:s21+$0xFFFFFF70] =	vst v6;
	v6 =	vmul.f32 v55, v54  }
0x228: {  	v59 =	vld [tilespmem:s21+$0xFFFFFFB0]  }
0x229: {  	[tilespmem:s21+$0xFFFFFF80] =	vst v6;
	v6 =	vmul.f32 v56, v57  }
0x22a: {  	v61 =	vld [tilespmem:s21+$0xFFFFFFC0]  }
0x22b: {  	v60 =	vbroadcast v5, $0xE;
	v62 =	vld [tilespmem:s21+$0xFFFFFFD0];
	[tilespmem:s21+$0xFFFFFF90] =	vst v6;
	v6 =	vmul.f32 v58, v57  }
0x22c: {  	v63 =	vld [tilespmem:s21+$0xFFFFFFE0]  }
0x22d: {  	[tilespmem:s21+$0xFFFFFFA0] =	vst v6;
	v6 =	vmul.f32 v59, v60;
	_ =	sdelay $0x1  }
0x22e: {  	v4 =	vbroadcast v4, $0xF;
	[tilespmem:s21+$0xFFFFFFB0] =	vst v6;
	v6 =	vmul.f32 v61, v60;
	_ =	sdelay $0x1  }
0x22f: {  	[tilespmem:s21+$0xFFFFFFC0] =	vst v6;
	v6 =	vmul.f32 v62, v4;
	v4 =	vmul.f32 v63, v4;
	_ =	sdelay $0x1  }
0x230: {  	[tilespmem:s21+$0xFFFFFFE0] =	vst v4;
	v4 =	vld [tilespmem:s21+$0xFFFFFFF0];
	_ =	sdelay $0x2  }
0x231: {  	v5 =	vbroadcast v5, $0xF;
	_ =	sdelay $0x1  }
0x232: {  	v4 =	vmul.f32 v4, v5;
	_ =	sdelay $0x1  }
0x233: {  	[tilespmem:s21+$0xFFFFFFF0] =	vst v4;
	v4 =	vld [tilespmem:s21+$0x0];
	_ =	sdelay $0x1  }
0x234: {  	p2 =	sne.s32 s10, $0x90  }
.Ltmp8:
0x235: {  	_ = 	snop;
	(pc) =	sbr.rel @p2 .LBB2_14-.Ltmp8, $4  }
0x236: {  	_ = 	snop  }
0x237: {  	v4 =	vmul.f32 v4, v5  }
0x238: {  	s11 =	sadd.s32 $0x10, s11;
	[tilespmem:s21+$0xFFFFFFD0] =	vst v6  }
0x239: {  	s14 =	sadd.s32 $0x10, s14;
	s10 =	sadd.s32 $0x10, s10;
	[tilespmem:s21+$0x0] =	vst v4;
	s21 =	sadd.s32 $0x400, s21  }
0x23a: {  	[spmem:s3] =	stream.indirect.scatter.add.f32 [tilespmem:s1], [sflag:$0x3], $0x40, s31, s28, $0xb8;
	[tilespmem:$0x1BC10] =	vst v63  }
0x23b: {  	s9 =	sadd.s32 $0x1, s9  }
0x23c: {  	[spmem:s4] =	stream.indirect.scatter.add.f32 [tilespmem:s24], [sflag:$0x4], $0x10, s31, s28, $0xb8;
	[tilespmem:$0x1BC10] =	vst v63  }
0x23d: {  	p2 =	sne.s32 s9, $0x3E;
	_ =	swait.ge [sflag:s17], $0xA00  }
.Ltmp9:
0x23e: {  	[sflag:s17] =	ssyncset.done $0x0;
	(pc) =	sbr.rel @p2 .LBB2_11-.Ltmp9, $4  }
0x23f: {  	[sflag:s17] =	ssyncadd.s32 $0xFFFFF600  }
0x240: {  	_ =	swait.ge [sflag:s2], $0x2800  }
0x241: {  	[sflag:s2] =	ssyncset.done $0x0  }
0x242: {  	[sflag:s2] =	ssyncadd.s32 $0xFFFFD800  }
0x243: {  	_ =	swait.ge [sflag:s29], $0x2800  }
0x244: {  	s8 =	simm.s32 $0x0;
	s9 =	simm.s32 $0x9C40;
	[sflag:s29] =	ssyncset.done $0x0  }
0x245: {  	s10 =	simm.s32 $0x9D80;
	s11 =	simm.s32 $0xA0C0;
	[sflag:s29] =	ssyncadd.s32 $0xFFFFD800  }
.LBB2_17:
0x246: {  	v4 =	vld [tilespmem:s9+$0x0];
	_ =	sdelay $0x1  }
0x247: {  	v5 =	vld [tilespmem:s10+$0x0];
	_ =	sdelay $0x2  }
0x248: {  	v4 =	vshll.u32 v4, $0x1  }
0x249: {  	v6 =	vsub.s32 v4, v1  }
0x24a: {  	v5 =	vshll.u32 v5, $0x1;
	v4 =	vand.u32 $0x6, v4;
	v6 =	vand.u32 $0xFFFFFFF8, v6  }
0x24b: {  	v4 =	vor.u32 v4, v6;
	_ =	sdelay $0x3  }
0x24c: {  	v7 =	vld.idx.msk [tilespmem:v5+s18+$0x0], $0xffff  }
0x24d: {  	v6 =	vld.idx.msk [tilespmem:v4+s5+$0x0], $0xffff;
	_ =	sdelay $0x4  }
0x24e: {  	v6 =	vadd.f32 v7, v6;
	_ =	sdelay $0x1  }
0x24f: {  	v7 =	vmul.f32 $2.000000030e-01, v6  }
0x250: {  	vm0 =	vge.f32 v6, $0.0e+00  }
0x251: {  	v6 =	vsel vm0, v6, v7  }
0x252: {  	v6 =	vmul.f32 $1.442695020e+00, v6;
	_ =	sdelay $0x1  }
0x253: {  	(erf) = vpow2.f32 v6;
	_ =	sdelay $0x2  }
0x254: {  	v26 =	vmov s8  }
0x255: {  	v6 =	vshll.u32 v26, $0x4  }
0x256: {  	v6 =	vor.u32 v3, v6  }
0x257: {  	v27 =	vor.u32 $0x1, v4  }
0x258: {  	v5 =	vor.u32 $0x1, v5;
	_ =	sdelay $0x1  }
0x259: {  	v4 =	vpop (erf)  }
0x25a: {  	[tilespmem:v6+s24+$0x0] =	vst.idx.msk $0xffff, v4  }
0x25b: {  	v7 =	vld.idx.msk [tilespmem:v27+s5+$0x0], $0xffff  }
0x25c: {  	v5 =	vld.idx.msk [tilespmem:v5+s18+$0x0], $0xffff;
	_ =	sdelay $0x4  }
0x25d: {  	v5 =	vadd.f32 v5, v7;
	_ =	sdelay $0x1  }
0x25e: {  	v7 =	vmul.f32 $2.000000030e-01, v5  }
0x25f: {  	vm15 =	vge.f32 v5, $0.0e+00  }
0x260: {  	v5 =	vsel vm15, v5, v7  }
0x261: {  	v5 =	vmul.f32 $1.442695020e+00, v5;
	_ =	sdelay $0x1  }
0x262: {  	(erf) = vpow2.f32 v5;
	_ =	sdelay $0x4  }
0x263: {  	v6 =	vor.u32 $0x1, v6;
	_ =	sdelay $0x3  }
0x264: {  	v5 =	vpop (erf)  }
0x265: {  	[tilespmem:v6+s24+$0x0] =	vst.idx.msk $0xffff, v5  }
0x266: {  	v6 =	vld [tilespmem:s11+$0xFFFFFE00];
	_ =	sdelay $0x1  }
0x267: {  	v29 =	vld [tilespmem:s11+$0xFFFFFE10]  }
0x268: {  	v28 =	vbroadcast v4, $0x0  }
0x269: {  	v30 =	vld [tilespmem:s11+$0xFFFFFE20]  }
0x26a: {  	v6 =	vmul.f32 v28, v6  }
0x26b: {  	v32 =	vld [tilespmem:s11+$0xFFFFFE30]  }
0x26c: {  	v31 =	vbroadcast v5, $0x0;
	[tilespmem:s11+$0xFFFFFE00] =	vst v6;
	v6 =	vmul.f32 v29, v28  }
0x26d: {  	v33 =	vld [tilespmem:s11+$0xFFFFFE40]  }
0x26e: {  	[tilespmem:s11+$0xFFFFFE10] =	vst v6;
	v6 =	vmul.f32 v31, v30  }
0x26f: {  	v35 =	vld [tilespmem:s11+$0xFFFFFE50]  }
0x270: {  	v34 =	vbroadcast v4, $0x1;
	[tilespmem:s11+$0xFFFFFE20] =	vst v6;
	v6 =	vmul.f32 v32, v31  }
0x271: {  	v36 =	vld [tilespmem:s11+$0xFFFFFE60]  }
0x272: {  	[tilespmem:s11+$0xFFFFFE30] =	vst v6;
	v6 =	vmul.f32 v33, v34  }
0x273: {  	v38 =	vld [tilespmem:s11+$0xFFFFFE70]  }
0x274: {  	v37 =	vbroadcast v5, $0x1;
	[tilespmem:s11+$0xFFFFFE40] =	vst v6;
	v6 =	vmul.f32 v35, v34  }
0x275: {  	v39 =	vld [tilespmem:s11+$0xFFFFFE80]  }
0x276: {  	[tilespmem:s11+$0xFFFFFE50] =	vst v6;
	v6 =	vmul.f32 v36, v37  }
0x277: {  	v41 =	vld [tilespmem:s11+$0xFFFFFE90]  }
0x278: {  	v40 =	vbroadcast v4, $0x2;
	[tilespmem:s11+$0xFFFFFE60] =	vst v6;
	v6 =	vmul.f32 v38, v37  }
0x279: {  	v42 =	vld [tilespmem:s11+$0xFFFFFEA0]  }
0x27a: {  	[tilespmem:s11+$0xFFFFFE70] =	vst v6;
	v6 =	vmul.f32 v39, v40  }
0x27b: {  	v44 =	vld [tilespmem:s11+$0xFFFFFEB0]  }
0x27c: {  	v43 =	vbroadcast v5, $0x2;
	[tilespmem:s11+$0xFFFFFE80] =	vst v6;
	v6 =	vmul.f32 v41, v40  }
0x27d: {  	v45 =	vld [tilespmem:s11+$0xFFFFFEC0]  }
0x27e: {  	[tilespmem:s11+$0xFFFFFE90] =	vst v6;
	v6 =	vmul.f32 v42, v43  }
0x27f: {  	v47 =	vld [tilespmem:s11+$0xFFFFFED0]  }
0x280: {  	v46 =	vbroadcast v4, $0x3;
	[tilespmem:s11+$0xFFFFFEA0] =	vst v6;
	v6 =	vmul.f32 v44, v43  }
0x281: {  	v48 =	vld [tilespmem:s11+$0xFFFFFEE0]  }
0x282: {  	[tilespmem:s11+$0xFFFFFEB0] =	vst v6;
	v6 =	vmul.f32 v45, v46  }
0x283: {  	v50 =	vld [tilespmem:s11+$0xFFFFFEF0]  }
0x284: {  	v49 =	vbroadcast v5, $0x3;
	[tilespmem:s11+$0xFFFFFEC0] =	vst v6;
	v6 =	vmul.f32 v47, v46  }
0x285: {  	v51 =	vld [tilespmem:s11+$0xFFFFFF00]  }
0x286: {  	[tilespmem:s11+$0xFFFFFED0] =	vst v6;
	v6 =	vmul.f32 v48, v49  }
0x287: {  	v53 =	vld [tilespmem:s11+$0xFFFFFF10]  }
0x288: {  	v52 =	vbroadcast v4, $0x4;
	[tilespmem:s11+$0xFFFFFEE0] =	vst v6;
	v6 =	vmul.f32 v50, v49  }
0x289: {  	v54 =	vld [tilespmem:s11+$0xFFFFFF20]  }
0x28a: {  	[tilespmem:s11+$0xFFFFFEF0] =	vst v6;
	v6 =	vmul.f32 v51, v52  }
0x28b: {  	v56 =	vld [tilespmem:s11+$0xFFFFFF30]  }
0x28c: {  	v55 =	vbroadcast v5, $0x4;
	[tilespmem:s11+$0xFFFFFF00] =	vst v6;
	v6 =	vmul.f32 v53, v52  }
0x28d: {  	v57 =	vld [tilespmem:s11+$0xFFFFFF40]  }
0x28e: {  	[tilespmem:s11+$0xFFFFFF10] =	vst v6;
	v6 =	vmul.f32 v54, v55  }
0x28f: {  	v59 =	vld [tilespmem:s11+$0xFFFFFF50]  }
0x290: {  	v58 =	vbroadcast v4, $0x5;
	[tilespmem:s11+$0xFFFFFF20] =	vst v6;
	v6 =	vmul.f32 v56, v55  }
0x291: {  	v60 =	vld [tilespmem:s11+$0xFFFFFF60]  }
0x292: {  	[tilespmem:s11+$0xFFFFFF30] =	vst v6;
	v6 =	vmul.f32 v57, v58  }
0x293: {  	v62 =	vld [tilespmem:s11+$0xFFFFFF70]  }
0x294: {  	v61 =	vbroadcast v5, $0x5;
	[tilespmem:s11+$0xFFFFFF40] =	vst v6;
	v6 =	vmul.f32 v59, v58  }
0x295: {  	v63 =	vld [tilespmem:s11+$0xFFFFFF80]  }
0x296: {  	[tilespmem:s11+$0xFFFFFF50] =	vst v6;
	v6 =	vmul.f32 v60, v61  }
0x297: {  	v10 =	vld [tilespmem:s11+$0xFFFFFF90]  }
0x298: {  	v9 =	vbroadcast v4, $0x6;
	[tilespmem:s11+$0xFFFFFF60] =	vst v6;
	v6 =	vmul.f32 v62, v61  }
0x299: {  	v11 =	vld [tilespmem:s11+$0xFFFFFFA0]  }
0x29a: {  	[tilespmem:s11+$0xFFFFFF70] =	vst v6;
	v6 =	vmul.f32 v63, v9  }
0x29b: {  	v13 =	vld [tilespmem:s11+$0xFFFFFFB0]  }
0x29c: {  	v12 =	vbroadcast v5, $0x6;
	[tilespmem:s11+$0xFFFFFF80] =	vst v6;
	v6 =	vmul.f32 v10, v9  }
0x29d: {  	v14 =	vld [tilespmem:s11+$0xFFFFFFC0]  }
0x29e: {  	[tilespmem:s11+$0xFFFFFF90] =	vst v6;
	v6 =	vmul.f32 v11, v12  }
0x29f: {  	v16 =	vld [tilespmem:s11+$0xFFFFFFD0]  }
0x2a0: {  	v15 =	vbroadcast v4, $0x7;
	[tilespmem:s11+$0xFFFFFFA0] =	vst v6;
	v6 =	vmul.f32 v13, v12  }
0x2a1: {  	v17 =	vld [tilespmem:s11+$0xFFFFFFE0]  }
0x2a2: {  	[tilespmem:s11+$0xFFFFFFB0] =	vst v6;
	v6 =	vmul.f32 v14, v15  }
0x2a3: {  	v19 =	vld [tilespmem:s11+$0xFFFFFFF0]  }
0x2a4: {  	v18 =	vbroadcast v5, $0x7;
	[tilespmem:s11+$0xFFFFFFC0] =	vst v6;
	v6 =	vmul.f32 v16, v15  }
0x2a5: {  	v20 =	vld [tilespmem:s11+$0x0]  }
0x2a6: {  	[tilespmem:s11+$0xFFFFFFD0] =	vst v6;
	v6 =	vmul.f32 v17, v18  }
0x2a7: {  	v22 =	vld [tilespmem:s11+$0x10]  }
0x2a8: {  	v21 =	vbroadcast v4, $0x8;
	[tilespmem:s11+$0xFFFFFFE0] =	vst v6;
	v6 =	vmul.f32 v19, v18  }
0x2a9: {  	v23 =	vld [tilespmem:s11+$0x20]  }
0x2aa: {  	[tilespmem:s11+$0xFFFFFFF0] =	vst v6;
	v6 =	vmul.f32 v20, v21  }
0x2ab: {  	v25 =	vld [tilespmem:s11+$0x30]  }
0x2ac: {  	v24 =	vbroadcast v5, $0x8;
	[tilespmem:s11+$0x0] =	vst v6;
	v6 =	vmul.f32 v22, v21  }
0x2ad: {  	v26 =	vld [tilespmem:s11+$0x40]  }
0x2ae: {  	[tilespmem:s11+$0x10] =	vst v6;
	v6 =	vmul.f32 v23, v24  }
0x2af: {  	v28 =	vld [tilespmem:s11+$0x50]  }
0x2b0: {  	v27 =	vbroadcast v4, $0x9;
	[tilespmem:s11+$0x20] =	vst v6;
	v6 =	vmul.f32 v25, v24  }
0x2b1: {  	v29 =	vld [tilespmem:s11+$0x60]  }
0x2b2: {  	[tilespmem:s11+$0x30] =	vst v6;
	v6 =	vmul.f32 v26, v27  }
0x2b3: {  	v31 =	vld [tilespmem:s11+$0x70]  }
0x2b4: {  	v30 =	vbroadcast v5, $0x9;
	[tilespmem:s11+$0x40] =	vst v6;
	v6 =	vmul.f32 v28, v27  }
0x2b5: {  	v32 =	vld [tilespmem:s11+$0x80]  }
0x2b6: {  	[tilespmem:s11+$0x50] =	vst v6;
	v6 =	vmul.f32 v29, v30  }
0x2b7: {  	v34 =	vld [tilespmem:s11+$0x90]  }
0x2b8: {  	v33 =	vbroadcast v4, $0xA;
	[tilespmem:s11+$0x60] =	vst v6;
	v6 =	vmul.f32 v31, v30  }
0x2b9: {  	v35 =	vld [tilespmem:s11+$0xA0]  }
0x2ba: {  	[tilespmem:s11+$0x70] =	vst v6;
	v6 =	vmul.f32 v32, v33  }
0x2bb: {  	v37 =	vld [tilespmem:s11+$0xB0]  }
0x2bc: {  	v36 =	vbroadcast v5, $0xA;
	[tilespmem:s11+$0x80] =	vst v6;
	v6 =	vmul.f32 v34, v33  }
0x2bd: {  	v38 =	vld [tilespmem:s11+$0xC0]  }
0x2be: {  	[tilespmem:s11+$0x90] =	vst v6;
	v6 =	vmul.f32 v35, v36  }
0x2bf: {  	v40 =	vld [tilespmem:s11+$0xD0]  }
0x2c0: {  	v39 =	vbroadcast v4, $0xB;
	[tilespmem:s11+$0xA0] =	vst v6;
	v6 =	vmul.f32 v37, v36  }
0x2c1: {  	v41 =	vld [tilespmem:s11+$0xE0]  }
0x2c2: {  	[tilespmem:s11+$0xB0] =	vst v6;
	v6 =	vmul.f32 v38, v39  }
0x2c3: {  	v43 =	vld [tilespmem:s11+$0xF0]  }
0x2c4: {  	v42 =	vbroadcast v5, $0xB;
	[tilespmem:s11+$0xC0] =	vst v6;
	v6 =	vmul.f32 v40, v39  }
0x2c5: {  	v44 =	vld [tilespmem:s11+$0x100]  }
0x2c6: {  	[tilespmem:s11+$0xD0] =	vst v6;
	v6 =	vmul.f32 v41, v42  }
0x2c7: {  	v46 =	vld [tilespmem:s11+$0x110]  }
0x2c8: {  	v45 =	vbroadcast v4, $0xC;
	[tilespmem:s11+$0xE0] =	vst v6;
	v6 =	vmul.f32 v43, v42  }
0x2c9: {  	v47 =	vld [tilespmem:s11+$0x120]  }
0x2ca: {  	[tilespmem:s11+$0xF0] =	vst v6;
	v6 =	vmul.f32 v44, v45  }
0x2cb: {  	v49 =	vld [tilespmem:s11+$0x130]  }
0x2cc: {  	v48 =	vbroadcast v5, $0xC;
	[tilespmem:s11+$0x100] =	vst v6;
	v6 =	vmul.f32 v46, v45  }
0x2cd: {  	v50 =	vld [tilespmem:s11+$0x140]  }
0x2ce: {  	[tilespmem:s11+$0x110] =	vst v6;
	v6 =	vmul.f32 v47, v48  }
0x2cf: {  	v52 =	vld [tilespmem:s11+$0x150]  }
0x2d0: {  	v51 =	vbroadcast v4, $0xD;
	[tilespmem:s11+$0x120] =	vst v6;
	v6 =	vmul.f32 v49, v48  }
0x2d1: {  	v53 =	vld [tilespmem:s11+$0x160]  }
0x2d2: {  	[tilespmem:s11+$0x130] =	vst v6;
	v6 =	vmul.f32 v50, v51  }
0x2d3: {  	v55 =	vld [tilespmem:s11+$0x170]  }
0x2d4: {  	v54 =	vbroadcast v5, $0xD;
	[tilespmem:s11+$0x140] =	vst v6;
	v6 =	vmul.f32 v52, v51  }
0x2d5: {  	v56 =	vld [tilespmem:s11+$0x180]  }
0x2d6: {  	[tilespmem:s11+$0x150] =	vst v6;
	v6 =	vmul.f32 v53, v54  }
0x2d7: {  	v58 =	vld [tilespmem:s11+$0x190]  }
0x2d8: {  	v57 =	vbroadcast v4, $0xE;
	[tilespmem:s11+$0x160] =	vst v6;
	v6 =	vmul.f32 v55, v54  }
0x2d9: {  	v59 =	vld [tilespmem:s11+$0x1A0]  }
0x2da: {  	[tilespmem:s11+$0x170] =	vst v6;
	v6 =	vmul.f32 v56, v57  }
0x2db: {  	v61 =	vld [tilespmem:s11+$0x1B0]  }
0x2dc: {  	v60 =	vbroadcast v5, $0xE;
	v62 =	vld [tilespmem:s11+$0x1C0];
	[tilespmem:s11+$0x180] =	vst v6;
	v6 =	vmul.f32 v58, v57  }
0x2dd: {  	v63 =	vld [tilespmem:s11+$0x1D0]  }
0x2de: {  	[tilespmem:s11+$0x190] =	vst v6;
	v6 =	vmul.f32 v59, v60;
	_ =	sdelay $0x1  }
0x2df: {  	v4 =	vbroadcast v4, $0xF;
	[tilespmem:s11+$0x1A0] =	vst v6;
	v6 =	vmul.f32 v61, v60;
	_ =	sdelay $0x1  }
0x2e0: {  	[tilespmem:s11+$0x1B0] =	vst v6;
	v6 =	vmul.f32 v62, v4;
	v4 =	vmul.f32 v63, v4;
	_ =	sdelay $0x1  }
0x2e1: {  	[tilespmem:s11+$0x1D0] =	vst v4;
	v4 =	vld [tilespmem:s11+$0x1E0];
	_ =	sdelay $0x2  }
0x2e2: {  	v5 =	vbroadcast v5, $0xF;
	_ =	sdelay $0x1  }
0x2e3: {  	v4 =	vmul.f32 v4, v5;
	_ =	sdelay $0x1  }
0x2e4: {  	[tilespmem:s11+$0x1E0] =	vst v4;
	v4 =	vld [tilespmem:s11+$0x1F0];
	_ =	sdelay $0x1  }
0x2e5: {  	p2 =	sne.s32 s8, $0x90  }
.Ltmp10:
0x2e6: {  	_ = 	snop;
	(pc) =	sbr.rel @p2 .LBB2_17-.Ltmp10, $4  }
0x2e7: {  	_ = 	snop  }
0x2e8: {  	v4 =	vmul.f32 v4, v5  }
0x2e9: {  	s9 =	sadd.s32 $0x10, s9;
	[tilespmem:s11+$0x1C0] =	vst v6  }
0x2ea: {  	s10 =	sadd.s32 $0x10, s10;
	s8 =	sadd.s32 $0x10, s8;
	[tilespmem:s11+$0x1F0] =	vst v4;
	s11 =	sadd.s32 $0x400, s11  }
0x2eb: {  	[spmem:s3] =	stream.indirect.scatter.add.f32 [tilespmem:s19], [sflag:$0x3], $0x40, s26, s28, $0xb8;
	[tilespmem:$0x1BC10] =	vst v63  }
0x2ec: {  	_ = 	snop  }
0x2ed: {  	[spmem:s4] =	stream.indirect.scatter.add.f32 [tilespmem:s24], [sflag:$0x4], $0x10, s26, s28, $0xb8;
	[tilespmem:$0x1BC10] =	vst v63  }
0x2ee: {  	_ =	swait.ge [sflag:s17], $0xA00  }
0x2ef: {  	[sflag:s17] =	ssyncset.done $0x0  }
0x2f0: {  	[sflag:s17] =	ssyncadd.s32 $0xFFFFF600  }
.Ltmp11:
0x2f1: {  	_ =	swait.ge [sflag:s2], $0x2800;
	(pc) =	sbr.rel @!p1 .LBB2_19-.Ltmp11, $3  }
0x2f2: {  	[sflag:s2] =	ssyncset.done $0x0  }
0x2f3: {  	[sflag:s2] =	ssyncadd.s32 $0xFFFFD800  }
0x2f4: {  	[bflag:$0x0] =	sbarrier.arrive $0xFFFF;
	_ =	sdelay $0x1  }
0x2f5: {  	s11 =	rddreg [dreg:$0xf]  }
0x2f6: {  	[tilespmem:s19], [sflag:$0x4] =	stream.linear.gather [spmem:s11], $0x1400, $0x38;
	[tilespmem:$0x1BC10] =	vst v63  }
0x2f7: {  	_ =	swait.ge [sflag:s17], $0x1400  }
0x2f8: {  	[sflag:s17] =	ssyncset.done $0x0  }
0x2f9: {  	s9 =	rddreg [dreg:$0x10];
	[sflag:s17] =	ssyncadd.s32 $0xFFFFEC00  }
0x2fa: {  	[hbm4b:s9+s5] =	stream.linear.scatter [tilespmem:s19], [sflag:$0x4], $0x1400, $0x38;
	[tilespmem:$0x1BC10] =	vst v63  }
0x2fb: {  	_ =	swait.ge [sflag:s17], $0x1400  }
0x2fc: {  	[sflag:s17] =	ssyncset.done $0x0  }
0x2fd: {  	[sflag:s17] =	ssyncadd.s32 $0xFFFFEC00  }
0x2fe: {  	[tilespmem:s24], [sflag:$0x4] =	stream.linear.gather [spmem:s20], $0x500, $0x38;
	[tilespmem:$0x1BC10] =	vst v63  }
0x2ff: {  	_ =	swait.ge [sflag:s17], $0x500  }
0x300: {  	[sflag:s17] =	ssyncset.done $0x0  }
0x301: {  	s8 =	sadd.s32 $0x0, s22;
	[sflag:s17] =	ssyncadd.s32 $0xFFFFFB00  }
0x302: {  	[hbm4b:s8+s5] =	stream.linear.scatter [tilespmem:s24], [sflag:$0x4], $0x500, $0x38;
	[tilespmem:$0x1BC10] =	vst v63  }
0x303: {  	s10 =	smov.u32 s20;
	_ =	swait.ge [sflag:s17], $0x500  }
0x304: {  	s9 =	sadd.s32 $0x280, s9;
	s8 =	simm.s32 $0xA0;
	[sflag:s17] =	ssyncset.done $0x0  }
.LBB2_23:
0x305: {  	[sflag:s17] =	ssyncadd.s32 $0xFFFFFB00  }
0x306: {  	s10 =	sadd.s32 $0x500, s10;
	s11 =	sadd.s32 $0x1400, s11;
	s14 =	smov.u32 s8  }
0x307: {  	[tilespmem:s19], [sflag:$0x4] =	stream.linear.gather [spmem:s11], $0x1400, $0x38;
	[tilespmem:$0x1BC10] =	vst v63  }
0x308: {  	p2 =	sne.s32 s8, $0x460;
	s8 =	sadd.s32 $0xA0, s8;
	_ =	swait.ge [sflag:s17], $0x1400  }
0x309: {  	[sflag:s17] =	ssyncset.done $0x0  }
0x30a: {  	[sflag:s17] =	ssyncadd.s32 $0xFFFFEC00  }
0x30b: {  	[hbm4b:s9+s5] =	stream.linear.scatter [tilespmem:s19], [sflag:$0x4], $0x1400, $0x38;
	[tilespmem:$0x1BC10] =	vst v63  }
0x30c: {  	_ =	swait.ge [sflag:s17], $0x1400  }
0x30d: {  	[sflag:s17] =	ssyncset.done $0x0  }
0x30e: {  	[sflag:s17] =	ssyncadd.s32 $0xFFFFEC00  }
0x30f: {  	[tilespmem:s24], [sflag:$0x4] =	stream.linear.gather [spmem:s10], $0x500, $0x38;
	[tilespmem:$0x1BC10] =	vst v63  }
0x310: {  	_ =	swait.ge [sflag:s17], $0x500  }
.Ltmp12:
0x311: {  	[sflag:s17] =	ssyncset.done $0x0;
	(pc) =	sbr.rel @p2 .LBB2_23-.Ltmp12, $4  }
0x312: {  	s14 =	sadd.s32 s14, s22;
	[sflag:s17] =	ssyncadd.s32 $0xFFFFFB00  }
0x313: {  	[hbm4b:s14+s5] =	stream.linear.scatter [tilespmem:s24], [sflag:$0x4], $0x500, $0x38;
	[tilespmem:$0x1BC10] =	vst v63  }
0x314: {  	_ =	swait.ge [sflag:s17], $0x500  }
0x315: {  	s9 =	sadd.s32 $0x280, s9;
	[sflag:s17] =	ssyncset.done $0x0  }
.Ltmp13:
0x316: {  	_ = 	snop;
	(pc) =	sbr.rel .LBB2_24-.Ltmp13, $1  }
0x317: {  	_ =	sdelay $0x3  }
.LBB2_19:
0x318: {  	s11 =	rddreg [dreg:$0xf]  }
0x319: {  	[tilespmem:s19], [sflag:$0x4] =	stream.linear.gather [spmem:s11], $0xC00, $0x38;
	[tilespmem:$0x1BC10] =	vst v63  }
0x31a: {  	_ =	swait.ge [sflag:s17], $0xC00  }
0x31b: {  	[sflag:s17] =	ssyncset.done $0x0  }
0x31c: {  	s9 =	rddreg [dreg:$0x10];
	[sflag:s17] =	ssyncadd.s32 $0xFFFFF400  }
0x31d: {  	[hbm4b:s9+s5] =	stream.linear.scatter [tilespmem:s19], [sflag:$0x4], $0xC00, $0x38;
	[tilespmem:$0x1BC10] =	vst v63  }
0x31e: {  	_ =	swait.ge [sflag:s17], $0xC00  }
0x31f: {  	[sflag:s17] =	ssyncset.done $0x0  }
0x320: {  	[sflag:s17] =	ssyncadd.s32 $0xFFFFF400  }
0x321: {  	[tilespmem:s24], [sflag:$0x4] =	stream.linear.gather [spmem:s20], $0x300, $0x38;
	[tilespmem:$0x1BC10] =	vst v63  }
0x322: {  	_ =	swait.ge [sflag:s17], $0x300  }
0x323: {  	[sflag:s17] =	ssyncset.done $0x0  }
0x324: {  	s8 =	sadd.s32 $0x0, s22;
	[sflag:s17] =	ssyncadd.s32 $0xFFFFFD00  }
0x325: {  	[hbm4b:s8+s5] =	stream.linear.scatter [tilespmem:s24], [sflag:$0x4], $0x300, $0x38;
	[tilespmem:$0x1BC10] =	vst v63  }
0x326: {  	s10 =	smov.u32 s20;
	_ =	swait.ge [sflag:s17], $0x300  }
0x327: {  	s9 =	sadd.s32 $0x180, s9;
	s8 =	simm.s32 $0x60;
	[sflag:s17] =	ssyncset.done $0x0  }
.LBB2_20:
0x328: {  	[sflag:s17] =	ssyncadd.s32 $0xFFFFFD00  }
0x329: {  	s10 =	sadd.s32 $0x300, s10;
	s11 =	sadd.s32 $0xC00, s11;
	s14 =	smov.u32 s8  }
0x32a: {  	[tilespmem:s19], [sflag:$0x4] =	stream.linear.gather [spmem:s11], $0xC00, $0x38;
	[tilespmem:$0x1BC10] =	vst v63  }
0x32b: {  	p2 =	seq.s32 s8, $0x480;
	s8 =	sadd.s32 $0x60, s8;
	_ =	swait.ge [sflag:s17], $0xC00  }
0x32c: {  	[sflag:s17] =	ssyncset.done $0x0  }
0x32d: {  	[sflag:s17] =	ssyncadd.s32 $0xFFFFF400  }
0x32e: {  	[hbm4b:s9+s5] =	stream.linear.scatter [tilespmem:s19], [sflag:$0x4], $0xC00, $0x38;
	[tilespmem:$0x1BC10] =	vst v63  }
0x32f: {  	_ =	swait.ge [sflag:s17], $0xC00  }
0x330: {  	[sflag:s17] =	ssyncset.done $0x0  }
0x331: {  	[sflag:s17] =	ssyncadd.s32 $0xFFFFF400  }
0x332: {  	[tilespmem:s24], [sflag:$0x4] =	stream.linear.gather [spmem:s10], $0x300, $0x38;
	[tilespmem:$0x1BC10] =	vst v63  }
0x333: {  	_ =	swait.ge [sflag:s17], $0x300  }
.Ltmp14:
0x334: {  	[sflag:s17] =	ssyncset.done $0x0;
	(pc) =	sbr.rel @!p2 .LBB2_20-.Ltmp14, $4  }
0x335: {  	s14 =	sadd.s32 s14, s22;
	[sflag:s17] =	ssyncadd.s32 $0xFFFFFD00  }
0x336: {  	[hbm4b:s14+s5] =	stream.linear.scatter [tilespmem:s24], [sflag:$0x4], $0x300, $0x38;
	[tilespmem:$0x1BC10] =	vst v63  }
0x337: {  	_ =	swait.ge [sflag:s17], $0x300  }
0x338: {  	s9 =	sadd.s32 $0x180, s9;
	[sflag:s17] =	ssyncset.done $0x0  }
.Ltmp15:
0x339: {  	(pc) =	sbr.rel .LBB2_25-.Ltmp15, $2  }
0x33a: {  	_ =	sdelay $0x2  }
0x33b: {  	[sflag:s17] =	ssyncadd.s32 $0xFFFFFD00  }
.LBB2_26:
0x33c: {  	_ =	sfence.sel $0x180000  }
0x33d: {  	[bflag:$0x0] =	sbarrier.arrive $0xFFFF  }
0x33e: {  	_ =	strace $0x90000047  }
0x33f: {  	s0 =	stileid.u32;
	[bflag:$0x2] =	sbarrier.arrive $0xFFFF  }
0x340: {  	p0 =	sne.s32 s0, $0x0;
	s0 =	rddreg [dreg:$0x4]  }
0x341: {  	s0 =	sadd.s32 @!p0 $0x100000, s0  }
0x342: {  	[sflag:s0] =	ssyncadd.tile.s32 @!p0 $0x1;
	_ =	shalt  }
.Lfunc_end2:
_tile_overlayer_lowered:
.L_overlay_start_2:
0x343: {  	(tag) =	ssettag $0x2  }
0x344: {  	s0 =	rddreg [dreg:$0x0];
	s2 =	stileid.u32  }
0x345: {  	s1 =	rddreg [dreg:$0x1];
	p0 =	sne.s32 s2, $0x0  }
0x346: {  	s3 =	rddreg [dreg:$0x2];
	[bflag:$0x3] =	sbarrier.arrive $0xFFFF;
	s2 =	simm.s32 @!p0 $0x1C04  }
0x347: {  	[timem:s3], [sflag:s2] =	dma.local @!p0 [hbm:s0], s1  }
0x348: {  	s0 =	simm.s32 @!p0 $0x4  }
0x349: {  	_ =	swait.ge @!p0 [sflag:s0], s1  }
0x34a: {  	s1 =	ssub.s32 @!p0 $0x0, s1;
	[sflag:s0] =	ssyncset.done @!p0 $0x0  }
0x34b: {  	[sflag:s0] =	ssyncadd.s32 @!p0 s1  }
0x34c: {  	[bflag:$0x3] =	sbarrier.arrive $0xFFFF  }
0x34d: {  	_ =	shalt  }

</sc_bundles>
